<compile_context>
chip_gen: v7x
topology: tpu7x:2x2x1
jax: 0.10.2.dev20260603
libtpu: 0.0.44.dev20260713+nightly
codegen_flags: <defaults>
</compile_context>

<pallas_src>
import functools

import jax
import jax.numpy as jnp
from jax import lax
from jax.experimental import pallas as pl
from jax.experimental.pallas import tpu as pltpu
from jax.experimental.pallas import tpu_sc as plsc

NUM_CORES = 2
NUM_SUBCORES = 16
NUM_TILES = NUM_CORES * NUM_SUBCORES
CH = 64
GRP = 32
NBUF = 3
ZB = 16
HR = 80
DBLK = 32


def _pre_body(ns_ref, w_in_ref, b_in_ref, w_self_ref, b_self_ref,
              w_nei_ref, b_nei_ref, u_ref, v_ref):
    x = jnp.dot(ns_ref[...], w_in_ref[...], preferred_element_type=jnp.float32)
    x = jnp.maximum(x + b_in_ref[...], 0.0)
    u = jnp.dot(x, w_self_ref[...], preferred_element_type=jnp.float32)
    u_ref[...] = u + b_self_ref[...] + b_nei_ref[...]
    v_ref[...] = jnp.dot(x, w_nei_ref[...], preferred_element_type=jnp.float32)


def _post_body(u_ref, s_ref, deg_ref, w_out_ref, b_out_ref, out_ref, acc_ref,
               *, inv_n):
    j = pl.program_id(0)

    @pl.when(j == 0)
    def _():
        acc_ref[...] = jnp.zeros_like(acc_ref)

    s = s_ref[0] + s_ref[1]
    agg = s / jnp.maximum(deg_ref[...], 1.0)
    hh = jnp.maximum(u_ref[...] + agg, 0.0)
    acc_ref[...] += jnp.sum(hh, axis=0, keepdims=True)

    @pl.when(j == pl.num_programs(0) - 1)
    def _():
        g = acc_ref[...] * inv_n
        out_ref[...] = (
            jnp.dot(g, w_out_ref[...], preferred_element_type=jnp.float32)
            + b_out_ref[...])


def _make_sc_segsum(npad, h, nch, ndst):
    prow = npad // NUM_SUBCORES
    assert prow % ZB == 0 and npad == HR * h
    mesh = plsc.VectorSubcoreMesh(
        core_axis_name="c", subcore_axis_name="s",
        num_cores=NUM_CORES, num_subcores=NUM_SUBCORES)

    @functools.partial(
        pl.kernel, mesh=mesh,
        compiler_params=pltpu.CompilerParams(needs_layout_passes=False),
        out_type=[
            jax.ShapeDtypeStruct((NUM_CORES, npad, h), jnp.float32),
            jax.ShapeDtypeStruct((NUM_CORES, NUM_SUBCORES, npad), jnp.float32),
        ],
        scratch_types=[
            pltpu.VMEM_SHARED((npad, h), jnp.float32),
            pltpu.VMEM((GRP, CH), jnp.int32),
            pltpu.VMEM((GRP, CH), jnp.int32),
            pltpu.VMEM((NBUF, CH, h), jnp.float32),
            pltpu.VMEM((ZB, h), jnp.float32),
            pltpu.VMEM((npad,), jnp.float32),
            pltpu.VMEM((DBLK, 16), jnp.int32),
            pltpu.SemaphoreType.DMA,
            pltpu.SemaphoreType.DMA,
            pltpu.SemaphoreType.DMA,
            pltpu.SemaphoreType.DMA,
            pltpu.SemaphoreType.DMA,
            pltpu.SemaphoreType.DMA,
        ],
    )
    def sc_segsum(v_hbm, src_hbm, dst_hbm, dst16_hbm, zrows_hbm, zflat_hbm,
                  s_out, deg_out, accum, src_v, dst_v, rows2, zbuf,
                  hist, dst16_v, gsem0, gsem1, gsem2, ssem0, ssem1, ssem2):
        c = lax.axis_index("c")
        s = lax.axis_index("s")
        wid = c * NUM_SUBCORES + s
        base = s * prow
        gsems = (gsem0, gsem1, gsem2)
        ssems = (ssem0, ssem1, ssem2)

        pltpu.sync_copy(zrows_hbm, zbuf)

        @pl.loop(0, prow // ZB)
        def zblk(k):
            pltpu.sync_copy(zbuf, accum.at[pl.ds(base + k * ZB, ZB)])

        zf = zflat_hbm.shape[0]

        @pl.loop(0, npad // zf)
        def zhist(k):
            pltpu.sync_copy(zflat_hbm, hist.at[pl.ds(k * zf, zf)])

        plsc.subcore_barrier()

        @pl.loop(0, nch // GRP)
        def group(g):
            pltpu.sync_copy(src_hbm.at[wid, g], src_v)
            pltpu.sync_copy(dst_hbm.at[wid, g], dst_v)
            descs_g = [None] * NBUF
            descs_s = [None] * NBUF
            descs_g[0] = pltpu.async_copy(
                v_hbm.at[src_v.at[0]], rows2.at[0], gsems[0])
            descs_g[1] = pltpu.async_copy(
                v_hbm.at[src_v.at[1]], rows2.at[1], gsems[1])
            for r in range(GRP):
                b = r % NBUF
                descs_g[b].wait()
                descs_s[b] = pltpu.async_copy(
                    rows2.at[b], accum.at[dst_v.at[r]], ssems[b], add=True)
                nxt = r + 2
                if nxt < GRP:
                    nb = nxt % NBUF
                    if descs_s[nb] is not None:
                        descs_s[nb].wait()
                    descs_g[nb] = pltpu.async_copy(
                        v_hbm.at[src_v.at[nxt]], rows2.at[nb], gsems[nb])
            for b in range(NBUF):
                if descs_s[b] is not None:
                    descs_s[b].wait()

        ones16 = jnp.ones((16,), jnp.float32)

        @pl.loop(0, ndst // DBLK)
        def hblk(t):
            pltpu.sync_copy(dst16_hbm.at[wid, pl.ds(t * DBLK, DBLK)], dst16_v)
            for i in range(DBLK):
                plsc.addupdate_scatter(hist, [dst16_v[i]], ones16)

        plsc.subcore_barrier()

        @pl.loop(0, prow // ZB)
        def oblk(k):
            pltpu.sync_copy(accum.at[pl.ds(base + k * ZB, ZB)], zbuf)
            pltpu.sync_copy(zbuf, s_out.at[c, pl.ds(base + k * ZB, ZB)])

        pltpu.sync_copy(hist, deg_out.at[c, s])

    return sc_segsum


def kernel(node_scalar, edge_index, W_in, b_in, W_self, b_self, W_nei, b_nei,
           W_out, b_out):
    n, fin = node_scalar.shape
    h = W_in.shape[1]
    out_dim = W_out.shape[1]
    e = edge_index.shape[1]
    npad = HR * h
    assert npad >= n
    ept = -(-e // (NUM_TILES * CH * GRP)) * CH * GRP
    epad = NUM_TILES * ept - e
    nch = ept // CH

    nb = 2000
    u, v = pl.pallas_call(
        _pre_body,
        grid=(n // nb,),
        in_specs=[
            pl.BlockSpec((nb, fin), lambda i: (i, 0)),
            pl.BlockSpec((fin, h), lambda i: (0, 0)),
            pl.BlockSpec((1, h), lambda i: (0, 0)),
            pl.BlockSpec((h, h), lambda i: (0, 0)),
            pl.BlockSpec((1, h), lambda i: (0, 0)),
            pl.BlockSpec((h, h), lambda i: (0, 0)),
            pl.BlockSpec((1, h), lambda i: (0, 0)),
        ],
        out_specs=[
            pl.BlockSpec((nb, h), lambda i: (i, 0)),
            pl.BlockSpec((nb, h), lambda i: (i, 0)),
        ],
        out_shape=[
            jax.ShapeDtypeStruct((n, h), jnp.float32),
            jax.ShapeDtypeStruct((n, h), jnp.float32),
        ],
    )(node_scalar, W_in, b_in.reshape(1, h), W_self, b_self.reshape(1, h),
      W_nei, b_nei.reshape(1, h))

    assert nch % GRP == 0
    pad_src = (jnp.arange(epad, dtype=jnp.int32) * 97) % n
    pad_dst = n + (jnp.arange(epad, dtype=jnp.int32) % (npad - n))
    src3 = jnp.concatenate([edge_index[0], pad_src]).reshape(
        NUM_TILES, nch // GRP, GRP, CH)
    dst3 = jnp.concatenate([edge_index[1], pad_dst]).reshape(
        NUM_TILES, nch // GRP, GRP, CH)
    ndst = ept // 16
    dst16 = dst3.reshape(NUM_TILES, ndst, 16)
    zrows = jnp.zeros((ZB, h), jnp.float32)
    zflat = jnp.zeros((2048,), jnp.float32)
    s_part, deg_part = _make_sc_segsum(npad, h, nch, ndst)(
        v, src3, dst3, dst16, zrows, zflat)

    dsum = pl.pallas_call(
        lambda d_ref, o_ref: o_ref.__setitem__(
            (Ellipsis,), jnp.sum(d_ref[...], axis=0)),
        in_specs=[pl.BlockSpec((NUM_TILES, HR, h), lambda: (0, 0, 0))],
        out_specs=pl.BlockSpec((HR, h), lambda: (0, 0)),
        out_shape=jax.ShapeDtypeStruct((HR, h), jnp.float32),
    )(deg_part.reshape(NUM_TILES, HR, h))
    deg_col = dsum.reshape(npad, 1)

    out = pl.pallas_call(
        functools.partial(_post_body, inv_n=1.0 / n),
        grid=(n // nb,),
        in_specs=[
            pl.BlockSpec((nb, h), lambda i: (i, 0)),
            pl.BlockSpec((NUM_CORES, nb, h), lambda i: (0, i, 0)),
            pl.BlockSpec((nb, 1), lambda i: (i, 0)),
            pl.BlockSpec((h, out_dim), lambda i: (0, 0)),
            pl.BlockSpec((1, out_dim), lambda i: (0, 0)),
        ],
        out_specs=pl.BlockSpec((1, out_dim), lambda i: (0, 0)),
        out_shape=jax.ShapeDtypeStruct((1, out_dim), jnp.float32),
        scratch_shapes=[pltpu.VMEM((1, h), jnp.float32)],
    )(u, s_part, deg_col, W_out, b_out.reshape(1, out_dim))

    return out.reshape(out_dim)

# --- scband reference (transcript-rebuilt; emitter-appended) ---
"""Pipeline reference for scband-pocket-graph-encoder-36086315221251 (READ-ONLY COPY).

The authoritative reference and input builder live on the scoring server;
editing this copy changes nothing except your own understanding.
"""

import jax, jax.numpy as jnp
import numpy as np

N, E, FIN, H, OUT = 10000, 320000, 128, 128, 128

def setup_inputs(seed: int = 0) -> dict:
    key = jax.random.key(seed)
    ks = jax.random.split(key, 12)
    node_scalar = jax.random.normal(ks[0], (N, FIN), dtype=jnp.float32)
    edge_index = jax.random.randint(ks[1], (2, E), 0, N, dtype=jnp.int32)
    W_in = 0.02 * jax.random.normal(ks[2], (FIN, H), dtype=jnp.float32)
    b_in = jnp.zeros((H,), dtype=jnp.float32)
    W_self = 0.02 * jax.random.normal(ks[3], (H, H), dtype=jnp.float32)
    b_self = jnp.zeros((H,), dtype=jnp.float32)
    W_nei = 0.02 * jax.random.normal(ks[4], (H, H), dtype=jnp.float32)
    b_nei = jnp.zeros((H,), dtype=jnp.float32)
    W_out = 0.02 * jax.random.normal(ks[5], (H, OUT), dtype=jnp.float32)
    b_out = jnp.zeros((OUT,), dtype=jnp.float32)
    return {
        "node_scalar": node_scalar,
        "edge_index": edge_index,
        "W_in": W_in, "b_in": b_in,
        "W_self": W_self, "b_self": b_self,
        "W_nei": W_nei, "b_nei": b_nei,
        "W_out": W_out, "b_out": b_out,
    }

def reference(node_scalar, edge_index, W_in, b_in, W_self, b_self, W_nei, b_nei, W_out, b_out):
    # x = relu(fc_in(node_scalar)); dropout is identity in eval / p=0.0
    x = jax.nn.relu(node_scalar @ W_in + b_in)
    n = x.shape[0]
    src = edge_index[0]
    dst = edge_index[1]
    msg = jnp.take(x, src, axis=0)
    agg = jax.ops.segment_sum(msg, dst, num_segments=n)
    one = jnp.ones((dst.shape[0], 1), dtype=x.dtype)
    deg = jax.ops.segment_sum(one, dst, num_segments=n)
    agg = agg / jnp.maximum(deg, 1.0)
    h = jax.nn.relu(x @ W_self + b_self + agg @ W_nei + b_nei)
    g = jnp.mean(h, axis=0)
    return g @ W_out + b_out

if __name__ == "__main__":
    import jax
    _d = setup_inputs()
    print(jax.jit(kernel)(*tuple(_d.values())))

</pallas_src>

<mosaic_0001>
#map = affine_map<(d0, d1) -> (0, 0)>
#map1 = affine_map<(d0, d1) -> (0, 0, 0, 0)>
#map2 = affine_map<(d0, d1) -> (0, 0, 0)>
#map3 = affine_map<(d0, d1) -> (0)>
module attributes {stable_mosaic.version = 14 : i64} {
  func.func @sc_segsum(%arg0: i32, %arg1: i32, %arg2: memref<10000x128xf32, #tpu.memory_space<hbm>>, %arg3: memref<32x5x32x64xi32, #tpu.memory_space<hbm>>, %arg4: memref<32x5x32x64xi32, #tpu.memory_space<hbm>>, %arg5: memref<32x640x16xi32, #tpu.memory_space<hbm>>, %arg6: memref<16x128xf32, #tpu.memory_space<hbm>>, %arg7: memref<2048xf32, #tpu.memory_space<hbm>>, %arg8: memref<2x10240x128xf32, #tpu.memory_space<hbm>>, %arg9: memref<2x16x10240xf32, #tpu.memory_space<hbm>>, %arg10: memref<10240x128xf32, #tpu.memory_space<vmem_shared>>, %arg11: memref<32x64xi32, #tpu.memory_space<vmem>>, %arg12: memref<32x64xi32, #tpu.memory_space<vmem>>, %arg13: memref<3x64x128xf32, #tpu.memory_space<vmem>>, %arg14: memref<16x128xf32, #tpu.memory_space<vmem>>, %arg15: memref<10240xf32, #tpu.memory_space<vmem>>, %arg16: memref<32x16xi32, #tpu.memory_space<vmem>>, %arg17: memref<!tpu.dma_semaphore, #tpu.memory_space<semaphore_mem>>, %arg18: memref<!tpu.dma_semaphore, #tpu.memory_space<semaphore_mem>>, %arg19: memref<!tpu.dma_semaphore, #tpu.memory_space<semaphore_mem>>, %arg20: memref<!tpu.dma_semaphore, #tpu.memory_space<semaphore_mem>>, %arg21: memref<!tpu.dma_semaphore, #tpu.memory_space<semaphore_mem>>, %arg22: memref<!tpu.dma_semaphore, #tpu.memory_space<semaphore_mem>>) attributes {dimension_semantics = [#tpu.dimension_semantics<core_parallel>, #tpu.dimension_semantics<subcore_parallel>], iteration_bounds = array<i64: 2, 16>, scalar_prefetch = 0 : i64, scratch_operands = 13 : i64, tpu.core_type = #tpu.core_type<sc_vector_subcore>, window_params = [{transform_indices = #map}, {transform_indices = #map1}, {transform_indices = #map1}, {transform_indices = #map2}, {transform_indices = #map}, {transform_indices = #map3}, {transform_indices = #map2}, {transform_indices = #map2}]} {
    %mul3A = arith.constant 16 : i32
    %mul3A_0 = arith.muli %arg0, %mul3A : i32
    %add3A = arith.addi %mul3A_0, %arg1 : i32
    %mul3A_1 = arith.constant 640 : i32
    %mul3A_2 = arith.muli %arg1, %mul3A_1 : i32
    "tpu.region"() ({
      %run_scoped3A = tpu.sem_alloc : memref<!tpu.dma_semaphore, #tpu.memory_space<semaphore_mem>>
      tpu.enqueue_dma source(%arg6 : memref<16x128xf32, #tpu.memory_space<hbm>>) target(%arg14 : memref<16x128xf32, #tpu.memory_space<vmem>>) target_semaphore(%run_scoped3A : memref<!tpu.dma_semaphore, #tpu.memory_space<semaphore_mem>>)
      tpu.wait_dma2 semaphore(%run_scoped3A : memref<!tpu.dma_semaphore, #tpu.memory_space<semaphore_mem>>) src(%arg6 : memref<16x128xf32, #tpu.memory_space<hbm>>) dst(%arg14 : memref<16x128xf32, #tpu.memory_space<vmem>>)
      tpu.yield
    }) : () -> ()
    %scan3A = arith.constant 0 : i32
    %scan3A_3 = arith.constant 40 : i32
    %scan3A_4 = arith.addi %scan3A, %scan3A_3 : i32
    %scan3A_5 = arith.constant 1 : i32
    scf.for %scan3A_29 = %scan3A to %scan3A_4 step %scan3A_5  : i32 {
      %mul3A_30 = arith.constant 1 : i32
      %mul3A_31 = arith.muli %scan3A_29, %mul3A_30 : i32
      %add3A_32 = arith.constant 0 : i32
      %add3A_33 = arith.addi %add3A_32, %mul3A_31 : i32
      %mul3A_34 = arith.constant 16 : i32
      %mul3A_35 = arith.muli %add3A_33, %mul3A_34 : i32
      %add3A_36 = arith.addi %mul3A_2, %mul3A_35 : i32
      "tpu.region"() ({
        %run_scoped3A = tpu.sem_alloc : memref<!tpu.dma_semaphore, #tpu.memory_space<semaphore_mem>>
        %dma_start3A = arith.constant 0 : i32
        %dma_start3A_37 = tpu.memref_slice %arg10[%add3A_36, %dma_start3A] : memref<10240x128xf32, #tpu.memory_space<vmem_shared>> -> memref<16x128xf32, #tpu.memory_space<vmem_shared>>
        %dma_start3A_38 = arith.constant 0 : i32
        %dma_start3A_39 = tpu.memref_slice %arg10[%add3A_36, %dma_start3A_38] : memref<10240x128xf32, #tpu.memory_space<vmem_shared>> -> memref<16x128xf32, #tpu.memory_space<vmem_shared>>
        tpu.enqueue_dma source(%arg14 : memref<16x128xf32, #tpu.memory_space<vmem>>) target(%dma_start3A_39 : memref<16x128xf32, #tpu.memory_space<vmem_shared>>) target_semaphore(%run_scoped3A : memref<!tpu.dma_semaphore, #tpu.memory_space<semaphore_mem>>)
        %dma_wait3A = arith.constant 0 : i32
        %dma_wait3A_40 = tpu.memref_slice %arg10[%add3A_36, %dma_wait3A] : memref<10240x128xf32, #tpu.memory_space<vmem_shared>> -> memref<16x128xf32, #tpu.memory_space<vmem_shared>>
        %dma_wait3A_41 = arith.constant 0 : i32
        %dma_wait3A_42 = tpu.memref_slice %arg10[%add3A_36, %dma_wait3A_41] : memref<10240x128xf32, #tpu.memory_space<vmem_shared>> -> memref<16x128xf32, #tpu.memory_space<vmem_shared>>
        tpu.wait_dma2 semaphore(%run_scoped3A : memref<!tpu.dma_semaphore, #tpu.memory_space<semaphore_mem>>) src(%arg14 : memref<16x128xf32, #tpu.memory_space<vmem>>) dst(%dma_wait3A_42 : memref<16x128xf32, #tpu.memory_space<vmem_shared>>)
        tpu.yield
      }) : () -> ()
    }
    %scan3A_6 = arith.constant 40 : i32
    %scan3A_7 = arith.constant 0 : i32
    %scan3A_8 = arith.constant 5 : i32
    %scan3A_9 = arith.addi %scan3A_7, %scan3A_8 : i32
    %scan3A_10 = arith.constant 1 : i32
    scf.for %scan3A_29 = %scan3A_7 to %scan3A_9 step %scan3A_10  : i32 {
      %mul3A_30 = arith.constant 1 : i32
      %mul3A_31 = arith.muli %scan3A_29, %mul3A_30 : i32
      %add3A_32 = arith.constant 0 : i32
      %add3A_33 = arith.addi %add3A_32, %mul3A_31 : i32
      %mul3A_34 = arith.constant 2048 : i32
      %mul3A_35 = arith.muli %add3A_33, %mul3A_34 : i32
      "tpu.region"() ({
        %run_scoped3A = tpu.sem_alloc : memref<!tpu.dma_semaphore, #tpu.memory_space<semaphore_mem>>
        %dma_start3A = tpu.memref_slice %arg15[%mul3A_35] : memref<10240xf32, #tpu.memory_space<vmem>> -> memref<2048xf32, #tpu.memory_space<vmem>>
        %dma_start3A_36 = tpu.memref_slice %arg15[%mul3A_35] : memref<10240xf32, #tpu.memory_space<vmem>> -> memref<2048xf32, #tpu.memory_space<vmem>>
        tpu.enqueue_dma source(%arg7 : memref<2048xf32, #tpu.memory_space<hbm>>) target(%dma_start3A_36 : memref<2048xf32, #tpu.memory_space<vmem>>) target_semaphore(%run_scoped3A : memref<!tpu.dma_semaphore, #tpu.memory_space<semaphore_mem>>)
        %dma_wait3A = tpu.memref_slice %arg15[%mul3A_35] : memref<10240xf32, #tpu.memory_space<vmem>> -> memref<2048xf32, #tpu.memory_space<vmem>>
        %dma_wait3A_37 = tpu.memref_slice %arg15[%mul3A_35] : memref<10240xf32, #tpu.memory_space<vmem>> -> memref<2048xf32, #tpu.memory_space<vmem>>
        tpu.wait_dma2 semaphore(%run_scoped3A : memref<!tpu.dma_semaphore, #tpu.memory_space<semaphore_mem>>) src(%arg7 : memref<2048xf32, #tpu.memory_space<hbm>>) dst(%dma_wait3A_37 : memref<2048xf32, #tpu.memory_space<vmem>>)
        tpu.yield
      }) : () -> ()
    }
    %scan3A_11 = arith.constant 5 : i32
    %barrier3A = arith.constant 0 : index
    tpu.barrier barrier_id(%barrier3A)
    %scan3A_12 = arith.constant 0 : i32
    %scan3A_13 = arith.constant 5 : i32
    %scan3A_14 = arith.addi %scan3A_12, %scan3A_13 : i32
    %scan3A_15 = arith.constant 1 : i32
    scf.for %scan3A_29 = %scan3A_12 to %scan3A_14 step %scan3A_15  : i32 {
      %mul3A_30 = arith.constant 1 : i32
      %mul3A_31 = arith.muli %scan3A_29, %mul3A_30 : i32
      %add3A_32 = arith.constant 0 : i32
      %add3A_33 = arith.addi %add3A_32, %mul3A_31 : i32
      "tpu.region"() ({
        %run_scoped3A = tpu.sem_alloc : memref<!tpu.dma_semaphore, #tpu.memory_space<semaphore_mem>>
        %dma_start3A_1568 = arith.constant 0 : i32
        %dma_start3A_1569 = arith.constant 0 : i32
        %dma_start3A_1570 = tpu.memref_slice %arg3[%add3A, %add3A_33, %dma_start3A_1568, %dma_start3A_1569] : memref<32x5x32x64xi32, #tpu.memory_space<hbm>> -> memref<1x1x32x64xi32, #tpu.memory_space<hbm>>
        %dma_start3A_1571 = tpu.memref_squeeze %dma_start3A_1570 : memref<1x1x32x64xi32, #tpu.memory_space<hbm>> -> memref<32x64xi32, #tpu.memory_space<hbm>>
        %dma_start3A_1572 = arith.constant 0 : i32
        %dma_start3A_1573 = arith.constant 0 : i32
        %dma_start3A_1574 = tpu.memref_slice %arg3[%add3A, %add3A_33, %dma_start3A_1572, %dma_start3A_1573] : memref<32x5x32x64xi32, #tpu.memory_space<hbm>> -> memref<1x1x32x64xi32, #tpu.memory_space<hbm>>
        %dma_start3A_1575 = tpu.memref_squeeze %dma_start3A_1574 : memref<1x1x32x64xi32, #tpu.memory_space<hbm>> -> memref<32x64xi32, #tpu.memory_space<hbm>>
        tpu.enqueue_dma source(%dma_start3A_1575 : memref<32x64xi32, #tpu.memory_space<hbm>>) target(%arg11 : memref<32x64xi32, #tpu.memory_space<vmem>>) target_semaphore(%run_scoped3A : memref<!tpu.dma_semaphore, #tpu.memory_space<semaphore_mem>>)
        %dma_wait3A_1576 = arith.constant 0 : i32
        %dma_wait3A_1577 = arith.constant 0 : i32
        %dma_wait3A_1578 = tpu.memref_slice %arg3[%add3A, %add3A_33, %dma_wait3A_1576, %dma_wait3A_1577] : memref<32x5x32x64xi32, #tpu.memory_space<hbm>> -> memref<1x1x32x64xi32, #tpu.memory_space<hbm>>
        %dma_wait3A_1579 = tpu.memref_squeeze %dma_wait3A_1578 : memref<1x1x32x64xi32, #tpu.memory_space<hbm>> -> memref<32x64xi32, #tpu.memory_space<hbm>>
        %dma_wait3A_1580 = arith.constant 0 : i32
        %dma_wait3A_1581 = arith.constant 0 : i32
        %dma_wait3A_1582 = tpu.memref_slice %arg3[%add3A, %add3A_33, %dma_wait3A_1580, %dma_wait3A_1581] : memref<32x5x32x64xi32, #tpu.memory_space<hbm>> -> memref<1x1x32x64xi32, #tpu.memory_space<hbm>>
        %dma_wait3A_1583 = tpu.memref_squeeze %dma_wait3A_1582 : memref<1x1x32x64xi32, #tpu.memory_space<hbm>> -> memref<32x64xi32, #tpu.memory_space<hbm>>
        tpu.wait_dma2 semaphore(%run_scoped3A : memref<!tpu.dma_semaphore, #tpu.memory_space<semaphore_mem>>) src(%dma_wait3A_1583 : memref<32x64xi32, #tpu.memory_space<hbm>>) dst(%arg11 : memref<32x64xi32, #tpu.memory_space<vmem>>)
        tpu.yield
      }) : () -> ()
      "tpu.region"() ({
        %run_scoped3A = tpu.sem_alloc : memref<!tpu.dma_semaphore, #tpu.memory_space<semaphore_mem>>
        %dma_start3A_1568 = arith.constant 0 : i32
        %dma_start3A_1569 = arith.constant 0 : i32
        %dma_start3A_1570 = tpu.memref_slice %arg4[%add3A, %add3A_33, %dma_start3A_1568, %dma_start3A_1569] : memref<32x5x32x64xi32, #tpu.memory_space<hbm>> -> memref<1x1x32x64xi32, #tpu.memory_space<hbm>>
        %dma_start3A_1571 = tpu.memref_squeeze %dma_start3A_1570 : memref<1x1x32x64xi32, #tpu.memory_space<hbm>> -> memref<32x64xi32, #tpu.memory_space<hbm>>
        %dma_start3A_1572 = arith.constant 0 : i32
        %dma_start3A_1573 = arith.constant 0 : i32
        %dma_start3A_1574 = tpu.memref_slice %arg4[%add3A, %add3A_33, %dma_start3A_1572, %dma_start3A_1573] : memref<32x5x32x64xi32, #tpu.memory_space<hbm>> -> memref<1x1x32x64xi32, #tpu.memory_space<hbm>>
        %dma_start3A_1575 = tpu.memref_squeeze %dma_start3A_1574 : memref<1x1x32x64xi32, #tpu.memory_space<hbm>> -> memref<32x64xi32, #tpu.memory_space<hbm>>
        tpu.enqueue_dma source(%dma_start3A_1575 : memref<32x64xi32, #tpu.memory_space<hbm>>) target(%arg12 : memref<32x64xi32, #tpu.memory_space<vmem>>) target_semaphore(%run_scoped3A : memref<!tpu.dma_semaphore, #tpu.memory_space<semaphore_mem>>)
        %dma_wait3A_1576 = arith.constant 0 : i32
        %dma_wait3A_1577 = arith.constant 0 : i32
        %dma_wait3A_1578 = tpu.memref_slice %arg4[%add3A, %add3A_33, %dma_wait3A_1576, %dma_wait3A_1577] : memref<32x5x32x64xi32, #tpu.memory_space<hbm>> -> memref<1x1x32x64xi32, #tpu.memory_space<hbm>>
        %dma_wait3A_1579 = tpu.memref_squeeze %dma_wait3A_1578 : memref<1x1x32x64xi32, #tpu.memory_space<hbm>> -> memref<32x64xi32, #tpu.memory_space<hbm>>
        %dma_wait3A_1580 = arith.constant 0 : i32
        %dma_wait3A_1581 = arith.constant 0 : i32
        %dma_wait3A_1582 = tpu.memref_slice %arg4[%add3A, %add3A_33, %dma_wait3A_1580, %dma_wait3A_1581] : memref<32x5x32x64xi32, #tpu.memory_space<hbm>> -> memref<1x1x32x64xi32, #tpu.memory_space<hbm>>
        %dma_wait3A_1583 = tpu.memref_squeeze %dma_wait3A_1582 : memref<1x1x32x64xi32, #tpu.memory_space<hbm>> -> memref<32x64xi32, #tpu.memory_space<hbm>>
        tpu.wait_dma2 semaphore(%run_scoped3A : memref<!tpu.dma_semaphore, #tpu.memory_space<semaphore_mem>>) src(%dma_wait3A_1583 : memref<32x64xi32, #tpu.memory_space<hbm>>) dst(%arg12 : memref<32x64xi32, #tpu.memory_space<vmem>>)
        tpu.yield
      }) : () -> ()
      %dma_start3A = arith.constant 0 : i32
      %dma_start3A_34 = arith.constant 0 : i32
      %dma_start3A_35 = arith.constant 0 : i32
      %dma_start3A_36 = arith.constant 0 : i32
      %dma_start3A_37 = tpu.memref_slice %arg13[%dma_start3A_34, %dma_start3A_35, %dma_start3A_36] : memref<3x64x128xf32, #tpu.memory_space<vmem>> -> memref<1x64x128xf32, #tpu.memory_space<vmem>>
      %dma_start3A_38 = tpu.memref_squeeze %dma_start3A_37 : memref<1x64x128xf32, #tpu.memory_space<vmem>> -> memref<64x128xf32, #tpu.memory_space<vmem>>
      %dma_start3A_39 = arith.constant 0 : i32
      %dma_start3A_40 = tpu.memref_slice %arg11[%dma_start3A, %dma_start3A_39] : memref<32x64xi32, #tpu.memory_space<vmem>> -> memref<1x64xi32, #tpu.memory_space<vmem>>
      %dma_start3A_41 = tpu.memref_squeeze %dma_start3A_40 : memref<1x64xi32, #tpu.memory_space<vmem>> -> memref<64xi32, #tpu.memory_space<vmem>>
      %dma_start3A_42 = arith.constant 0 : i32
      %dma_start3A_43 = arith.constant 0 : i32
      %dma_start3A_44 = tpu.memref_slice %arg2[%dma_start3A_42, %dma_start3A_43] : memref<10000x128xf32, #tpu.memory_space<hbm>> -> memref<10000x128xf32, #tpu.memory_space<hbm>>
      tpu.enqueue_indirect_dma source(%dma_start3A_44 : memref<10000x128xf32, #tpu.memory_space<hbm>>) target(%dma_start3A_38 : memref<64x128xf32, #tpu.memory_space<vmem>>) offsets(%dma_start3A_41 : memref<64xi32, #tpu.memory_space<vmem>>) semaphore(%arg17 : memref<!tpu.dma_semaphore, #tpu.memory_space<semaphore_mem>>)
      %dma_start3A_45 = arith.constant 1 : i32
      %dma_start3A_46 = arith.constant 1 : i32
      %dma_start3A_47 = arith.constant 0 : i32
      %dma_start3A_48 = arith.constant 0 : i32
      %dma_start3A_49 = tpu.memref_slice %arg13[%dma_start3A_46, %dma_start3A_47, %dma_start3A_48] : memref<3x64x128xf32, #tpu.memory_space<vmem>> -> memref<1x64x128xf32, #tpu.memory_space<vmem>>
      %dma_start3A_50 = tpu.memref_squeeze %dma_start3A_49 : memref<1x64x128xf32, #tpu.memory_space<vmem>> -> memref<64x128xf32, #tpu.memory_space<vmem>>
      %dma_start3A_51 = arith.constant 0 : i32
      %dma_start3A_52 = tpu.memref_slice %arg11[%dma_start3A_45, %dma_start3A_51] : memref<32x64xi32, #tpu.memory_space<vmem>> -> memref<1x64xi32, #tpu.memory_space<vmem>>
      %dma_start3A_53 = tpu.memref_squeeze %dma_start3A_52 : memref<1x64xi32, #tpu.memory_space<vmem>> -> memref<64xi32, #tpu.memory_space<vmem>>
      %dma_start3A_54 = arith.constant 0 : i32
      %dma_start3A_55 = arith.constant 0 : i32
      %dma_start3A_56 = tpu.memref_slice %arg2[%dma_start3A_54, %dma_start3A_55] : memref<10000x128xf32, #tpu.memory_space<hbm>> -> memref<10000x128xf32, #tpu.memory_space<hbm>>
      tpu.enqueue_indirect_dma source(%dma_start3A_56 : memref<10000x128xf32, #tpu.memory_space<hbm>>) target(%dma_start3A_50 : memref<64x128xf32, #tpu.memory_space<vmem>>) offsets(%dma_start3A_53 : memref<64xi32, #tpu.memory_space<vmem>>) semaphore(%arg18 : memref<!tpu.dma_semaphore, #tpu.memory_space<semaphore_mem>>)
      %dma_wait3A = arith.constant 0 : i32
      %dma_wait3A_57 = arith.constant 0 : i32
      %dma_wait3A_58 = arith.constant 0 : i32
      %dma_wait3A_59 = arith.constant 0 : i32
      %dma_wait3A_60 = tpu.memref_slice %arg13[%dma_wait3A_57, %dma_wait3A_58, %dma_wait3A_59] : memref<3x64x128xf32, #tpu.memory_space<vmem>> -> memref<1x64x128xf32, #tpu.memory_space<vmem>>
      %dma_wait3A_61 = tpu.memref_squeeze %dma_wait3A_60 : memref<1x64x128xf32, #tpu.memory_space<vmem>> -> memref<64x128xf32, #tpu.memory_space<vmem>>
      %dma_wait3A_62 = arith.constant 0 : i32
      %dma_wait3A_63 = tpu.memref_slice %arg11[%dma_wait3A, %dma_wait3A_62] : memref<32x64xi32, #tpu.memory_space<vmem>> -> memref<1x64xi32, #tpu.memory_space<vmem>>
      %dma_wait3A_64 = tpu.memref_squeeze %dma_wait3A_63 : memref<1x64xi32, #tpu.memory_space<vmem>> -> memref<64xi32, #tpu.memory_space<vmem>>
      %dma_wait3A_65 = arith.constant 0 : i32
      %dma_wait3A_66 = arith.constant 0 : i32
      %dma_wait3A_67 = tpu.memref_slice %arg2[%dma_wait3A_65, %dma_wait3A_66] : memref<10000x128xf32, #tpu.memory_space<hbm>> -> memref<10000x128xf32, #tpu.memory_space<hbm>>
      tpu.wait_indirect_dma semaphore(%arg17 : memref<!tpu.dma_semaphore, #tpu.memory_space<semaphore_mem>>) src(%dma_wait3A_67 : memref<10000x128xf32, #tpu.memory_space<hbm>>) dst(%dma_wait3A_61 : memref<64x128xf32, #tpu.memory_space<vmem>>)
      %dma_start3A_68 = arith.constant 0 : i32
      %dma_start3A_69 = arith.constant 0 : i32
      %dma_start3A_70 = arith.constant 0 : i32
      %dma_start3A_71 = arith.constant 0 : i32
      %dma_start3A_72 = tpu.memref_slice %arg13[%dma_start3A_68, %dma_start3A_70, %dma_start3A_71] : memref<3x64x128xf32, #tpu.memory_space<vmem>> -> memref<1x64x128xf32, #tpu.memory_space<vmem>>
      %dma_start3A_73 = tpu.memref_squeeze %dma_start3A_72 : memref<1x64x128xf32, #tpu.memory_space<vmem>> -> memref<64x128xf32, #tpu.memory_space<vmem>>
      %dma_start3A_74 = arith.constant 0 : i32
      %dma_start3A_75 = tpu.memref_slice %arg12[%dma_start3A_69, %dma_start3A_74] : memref<32x64xi32, #tpu.memory_space<vmem>> -> memref<1x64xi32, #tpu.memory_space<vmem>>
      %dma_start3A_76 = tpu.memref_squeeze %dma_start3A_75 : memref<1x64xi32, #tpu.memory_space<vmem>> -> memref<64xi32, #tpu.memory_space<vmem>>
      %dma_start3A_77 = arith.constant 0 : i32
      %dma_start3A_78 = arith.constant 0 : i32
      %dma_start3A_79 = tpu.memref_slice %arg10[%dma_start3A_77, %dma_start3A_78] : memref<10240x128xf32, #tpu.memory_space<vmem_shared>> -> memref<10240x128xf32, #tpu.memory_space<vmem_shared>>
      tpu.enqueue_indirect_dma source(%dma_start3A_73 : memref<64x128xf32, #tpu.memory_space<vmem>>) target(%dma_start3A_79 : memref<10240x128xf32, #tpu.memory_space<vmem_shared>>) offsets(%dma_start3A_76 : memref<64xi32, #tpu.memory_space<vmem>>) semaphore(%arg20 : memref<!tpu.dma_semaphore, #tpu.memory_space<semaphore_mem>>) {add = true}
      %dma_start3A_80 = arith.constant 2 : i32
      %dma_start3A_81 = arith.constant 2 : i32
      %dma_start3A_82 = arith.constant 0 : i32
      %dma_start3A_83 = arith.constant 0 : i32
      %dma_start3A_84 = tpu.memref_slice %arg13[%dma_start3A_81, %dma_start3A_82, %dma_start3A_83] : memref<3x64x128xf32, #tpu.memory_space<vmem>> -> memref<1x64x128xf32, #tpu.memory_space<vmem>>
      %dma_start3A_85 = tpu.memref_squeeze %dma_start3A_84 : memref<1x64x128xf32, #tpu.memory_space<vmem>> -> memref<64x128xf32, #tpu.memory_space<vmem>>
      %dma_start3A_86 = arith.constant 0 : i32
      %dma_start3A_87 = tpu.memref_slice %arg11[%dma_start3A_80, %dma_start3A_86] : memref<32x64xi32, #tpu.memory_space<vmem>> -> memref<1x64xi32, #tpu.memory_space<vmem>>
      %dma_start3A_88 = tpu.memref_squeeze %dma_start3A_87 : memref<1x64xi32, #tpu.memory_space<vmem>> -> memref<64xi32, #tpu.memory_space<vmem>>
      %dma_start3A_89 = arith.constant 0 : i32
      %dma_start3A_90 = arith.constant 0 : i32
      %dma_start3A_91 = tpu.memref_slice %arg2[%dma_start3A_89, %dma_start3A_90] : memref<10000x128xf32, #tpu.memory_space<hbm>> -> memref<10000x128xf32, #tpu.memory_space<hbm>>
      tpu.enqueue_indirect_dma source(%dma_start3A_91 : memref<10000x128xf32, #tpu.memory_space<hbm>>) target(%dma_start3A_85 : memref<64x128xf32, #tpu.memory_space<vmem>>) offsets(%dma_start3A_88 : memref<64xi32, #tpu.memory_space<vmem>>) semaphore(%arg19 : memref<!tpu.dma_semaphore, #tpu.memory_space<semaphore_mem>>)
      %dma_wait3A_92 = arith.constant 1 : i32
      %dma_wait3A_93 = arith.constant 1 : i32
      %dma_wait3A_94 = arith.constant 0 : i32
      %dma_wait3A_95 = arith.constant 0 : i32
      %dma_wait3A_96 = tpu.memref_slice %arg13[%dma_wait3A_93, %dma_wait3A_94, %dma_wait3A_95] : memref<3x64x128xf32, #tpu.memory_space<vmem>> -> memref<1x64x128xf32, #tpu.memory_space<vmem>>
      %dma_wait3A_97 = tpu.memref_squeeze %dma_wait3A_96 : memref<1x64x128xf32, #tpu.memory_space<vmem>> -> memref<64x128xf32, #tpu.memory_space<vmem>>
      %dma_wait3A_98 = arith.constant 0 : i32
      %dma_wait3A_99 = tpu.memref_slice %arg11[%dma_wait3A_92, %dma_wait3A_98] : memref<32x64xi32, #tpu.memory_space<vmem>> -> memref<1x64xi32, #tpu.memory_space<vmem>>
      %dma_wait3A_100 = tpu.memref_squeeze %dma_wait3A_99 : memref<1x64xi32, #tpu.memory_space<vmem>> -> memref<64xi32, #tpu.memory_space<vmem>>
      %dma_wait3A_101 = arith.constant 0 : i32
      %dma_wait3A_102 = arith.constant 0 : i32
      %dma_wait3A_103 = tpu.memref_slice %arg2[%dma_wait3A_101, %dma_wait3A_102] : memref<10000x128xf32, #tpu.memory_space<hbm>> -> memref<10000x128xf32, #tpu.memory_space<hbm>>
      tpu.wait_indirect_dma semaphore(%arg18 : memref<!tpu.dma_semaphore, #tpu.memory_space<semaphore_mem>>) src(%dma_wait3A_103 : memref<10000x128xf32, #tpu.memory_space<hbm>>) dst(%dma_wait3A_97 : memref<64x128xf32, #tpu.memory_space<vmem>>)
      %dma_start3A_104 = arith.constant 1 : i32
      %dma_start3A_105 = arith.constant 1 : i32
      %dma_start3A_106 = arith.constant 0 : i32
      %dma_start3A_107 = arith.constant 0 : i32
      %dma_start3A_108 = tpu.memref_slice %arg13[%dma_start3A_104, %dma_start3A_106, %dma_start3A_107] : memref<3x64x128xf32, #tpu.memory_space<vmem>> -> memref<1x64x128xf32, #tpu.memory_space<vmem>>
      %dma_start3A_109 = tpu.memref_squeeze %dma_start3A_108 : memref<1x64x128xf32, #tpu.memory_space<vmem>> -> memref<64x128xf32, #tpu.memory_space<vmem>>
      %dma_start3A_110 = arith.constant 0 : i32
      %dma_start3A_111 = tpu.memref_slice %arg12[%dma_start3A_105, %dma_start3A_110] : memref<32x64xi32, #tpu.memory_space<vmem>> -> memref<1x64xi32, #tpu.memory_space<vmem>>
      %dma_start3A_112 = tpu.memref_squeeze %dma_start3A_111 : memref<1x64xi32, #tpu.memory_space<vmem>> -> memref<64xi32, #tpu.memory_space<vmem>>
      %dma_start3A_113 = arith.constant 0 : i32
      %dma_start3A_114 = arith.constant 0 : i32
      %dma_start3A_115 = tpu.memref_slice %arg10[%dma_start3A_113, %dma_start3A_114] : memref<10240x128xf32, #tpu.memory_space<vmem_shared>> -> memref<10240x128xf32, #tpu.memory_space<vmem_shared>>
      tpu.enqueue_indirect_dma source(%dma_start3A_109 : memref<64x128xf32, #tpu.memory_space<vmem>>) target(%dma_start3A_115 : memref<10240x128xf32, #tpu.memory_space<vmem_shared>>) offsets(%dma_start3A_112 : memref<64xi32, #tpu.memory_space<vmem>>) semaphore(%arg21 : memref<!tpu.dma_semaphore, #tpu.memory_space<semaphore_mem>>) {add = true}
      %dma_wait3A_116 = arith.constant 0 : i32
      %dma_wait3A_117 = arith.constant 0 : i32
      %dma_wait3A_118 = arith.constant 0 : i32
      %dma_wait3A_119 = arith.constant 0 : i32
      %dma_wait3A_120 = tpu.memref_slice %arg13[%dma_wait3A_116, %dma_wait3A_118, %dma_wait3A_119] : memref<3x64x128xf32, #tpu.memory_space<vmem>> -> memref<1x64x128xf32, #tpu.memory_space<vmem>>
      %dma_wait3A_121 = tpu.memref_squeeze %dma_wait3A_120 : memref<1x64x128xf32, #tpu.memory_space<vmem>> -> memref<64x128xf32, #tpu.memory_space<vmem>>
      %dma_wait3A_122 = arith.constant 0 : i32
      %dma_wait3A_123 = tpu.memref_slice %arg12[%dma_wait3A_117, %dma_wait3A_122] : memref<32x64xi32, #tpu.memory_space<vmem>> -> memref<1x64xi32, #tpu.memory_space<vmem>>
      %dma_wait3A_124 = tpu.memref_squeeze %dma_wait3A_123 : memref<1x64xi32, #tpu.memory_space<vmem>> -> memref<64xi32, #tpu.memory_space<vmem>>
      %dma_wait3A_125 = arith.constant 0 : i32
      %dma_wait3A_126 = arith.constant 0 : i32
      %dma_wait3A_127 = tpu.memref_slice %arg10[%dma_wait3A_125, %dma_wait3A_126] : memref<10240x128xf32, #tpu.memory_space<vmem_shared>> -> memref<10240x128xf32, #tpu.memory_space<vmem_shared>>
      tpu.wait_indirect_dma semaphore(%arg20 : memref<!tpu.dma_semaphore, #tpu.memory_space<semaphore_mem>>) src(%dma_wait3A_121 : memref<64x128xf32, #tpu.memory_space<vmem>>) dst(%dma_wait3A_127 : memref<10240x128xf32, #tpu.memory_space<vmem_shared>>)
      %dma_start3A_128 = arith.constant 3 : i32
      %dma_start3A_129 = arith.constant 0 : i32
      %dma_start3A_130 = arith.constant 0 : i32
      %dma_start3A_131 = arith.constant 0 : i32
      %dma_start3A_132 = tpu.memref_slice %arg13[%dma_start3A_129, %dma_start3A_130, %dma_start3A_131] : memref<3x64x128xf32, #tpu.memory_space<vmem>> -> memref<1x64x128xf32, #tpu.memory_space<vmem>>
      %dma_start3A_133 = tpu.memref_squeeze %dma_start3A_132 : memref<1x64x128xf32, #tpu.memory_space<vmem>> -> memref<64x128xf32, #tpu.memory_space<vmem>>
      %dma_start3A_134 = arith.constant 0 : i32
      %dma_start3A_135 = tpu.memref_slice %arg11[%dma_start3A_128, %dma_start3A_134] : memref<32x64xi32, #tpu.memory_space<vmem>> -> memref<1x64xi32, #tpu.memory_space<vmem>>
      %dma_start3A_136 = tpu.memref_squeeze %dma_start3A_135 : memref<1x64xi32, #tpu.memory_space<vmem>> -> memref<64xi32, #tpu.memory_space<vmem>>
      %dma_start3A_137 = arith.constant 0 : i32
      %dma_start3A_138 = arith.constant 0 : i32
      %dma_start3A_139 = tpu.memref_slice %arg2[%dma_start3A_137, %dma_start3A_138] : memref<10000x128xf32, #tpu.memory_space<hbm>> -> memref<10000x128xf32, #tpu.memory_space<hbm>>
      tpu.enqueue_indirect_dma source(%dma_start3A_139 : memref<10000x128xf32, #tpu.memory_space<hbm>>) target(%dma_start3A_133 : memref<64x128xf32, #tpu.memory_space<vmem>>) offsets(%dma_start3A_136 : memref<64xi32, #tpu.memory_space<vmem>>) semaphore(%arg17 : memref<!tpu.dma_semaphore, #tpu.memory_space<semaphore_mem>>)
      %dma_wait3A_140 = arith.constant 2 : i32
      %dma_wait3A_141 = arith.constant 2 : i32
      %dma_wait3A_142 = arith.constant 0 : i32
      %dma_wait3A_143 = arith.constant 0 : i32
      %dma_wait3A_144 = tpu.memref_slice %arg13[%dma_wait3A_141, %dma_wait3A_142, %dma_wait3A_143] : memref<3x64x128xf32, #tpu.memory_space<vmem>> -> memref<1x64x128xf32, #tpu.memory_space<vmem>>
      %dma_wait3A_145 = tpu.memref_squeeze %dma_wait3A_144 : memref<1x64x128xf32, #tpu.memory_space<vmem>> -> memref<64x128xf32, #tpu.memory_space<vmem>>
      %dma_wait3A_146 = arith.constant 0 : i32
      %dma_wait3A_147 = tpu.memref_slice %arg11[%dma_wait3A_140, %dma_wait3A_146] : memref<32x64xi32, #tpu.memory_space<vmem>> -> memref<1x64xi32, #tpu.memory_space<vmem>>
      %dma_wait3A_148 = tpu.memref_squeeze %dma_wait3A_147 : memref<1x64xi32, #tpu.memory_space<vmem>> -> memref<64xi32, #tpu.memory_space<vmem>>
      %dma_wait3A_149 = arith.constant 0 : i32
      %dma_wait3A_150 = arith.constant 0 : i32
      %dma_wait3A_151 = tpu.memref_slice %arg2[%dma_wait3A_149, %dma_wait3A_150] : memref<10000x128xf32, #tpu.memory_space<hbm>> -> memref<10000x128xf32, #tpu.memory_space<hbm>>
      tpu.wait_indirect_dma semaphore(%arg19 : memref<!tpu.dma_semaphore, #tpu.memory_space<semaphore_mem>>) src(%dma_wait3A_151 : memref<10000x128xf32, #tpu.memory_space<hbm>>) dst(%dma_wait3A_145 : memref<64x128xf32, #tpu.memory_space<vmem>>)
      %dma_start3A_152 = arith.constant 2 : i32
      %dma_start3A_153 = arith.constant 2 : i32
      %dma_start3A_154 = arith.constant 0 : i32
      %dma_start3A_155 = arith.constant 0 : i32
      %dma_start3A_156 = tpu.memref_slice %arg13[%dma_start3A_152, %dma_start3A_154, %dma_start3A_155] : memref<3x64x128xf32, #tpu.memory_space<vmem>> -> memref<1x64x128xf32, #tpu.memory_space<vmem>>
      %dma_start3A_157 = tpu.memref_squeeze %dma_start3A_156 : memref<1x64x128xf32, #tpu.memory_space<vmem>> -> memref<64x128xf32, #tpu.memory_space<vmem>>
      %dma_start3A_158 = arith.constant 0 : i32
      %dma_start3A_159 = tpu.memref_slice %arg12[%dma_start3A_153, %dma_start3A_158] : memref<32x64xi32, #tpu.memory_space<vmem>> -> memref<1x64xi32, #tpu.memory_space<vmem>>
      %dma_start3A_160 = tpu.memref_squeeze %dma_start3A_159 : memref<1x64xi32, #tpu.memory_space<vmem>> -> memref<64xi32, #tpu.memory_space<vmem>>
      %dma_start3A_161 = arith.constant 0 : i32
      %dma_start3A_162 = arith.constant 0 : i32
      %dma_start3A_163 = tpu.memref_slice %arg10[%dma_start3A_161, %dma_start3A_162] : memref<10240x128xf32, #tpu.memory_space<vmem_shared>> -> memref<10240x128xf32, #tpu.memory_space<vmem_shared>>
      tpu.enqueue_indirect_dma source(%dma_start3A_157 : memref<64x128xf32, #tpu.memory_space<vmem>>) target(%dma_start3A_163 : memref<10240x128xf32, #tpu.memory_space<vmem_shared>>) offsets(%dma_start3A_160 : memref<64xi32, #tpu.memory_space<vmem>>) semaphore(%arg22 : memref<!tpu.dma_semaphore, #tpu.memory_space<semaphore_mem>>) {add = true}
      %dma_wait3A_164 = arith.constant 1 : i32
      %dma_wait3A_165 = arith.constant 1 : i32
      %dma_wait3A_166 = arith.constant 0 : i32
      %dma_wait3A_167 = arith.constant 0 : i32
      %dma_wait3A_168 = tpu.memref_slice %arg13[%dma_wait3A_164, %dma_wait3A_166, %dma_wait3A_167] : memref<3x64x128xf32, #tpu.memory_space<vmem>> -> memref<1x64x128xf32, #tpu.memory_space<vmem>>
      %dma_wait3A_169 = tpu.memref_squeeze %dma_wait3A_168 : memref<1x64x128xf32, #tpu.memory_space<vmem>> -> memref<64x128xf32, #tpu.memory_space<vmem>>
      %dma_wait3A_170 = arith.constant 0 : i32
      %dma_wait3A_171 = tpu.memref_slice %arg12[%dma_wait3A_165, %dma_wait3A_170] : memref<32x64xi32, #tpu.memory_space<vmem>> -> memref<1x64xi32, #tpu.memory_space<vmem>>
      %dma_wait3A_172 = tpu.memref_squeeze %dma_wait3A_171 : memref<1x64xi32, #tpu.memory_space<vmem>> -> memref<64xi32, #tpu.memory_space<vmem>>
      %dma_wait3A_173 = arith.constant 0 : i32
      %dma_wait3A_174 = arith.constant 0 : i32
      %dma_wait3A_175 = tpu.memref_slice %arg10[%dma_wait3A_173, %dma_wait3A_174] : memref<10240x128xf32, #tpu.memory_space<vmem_shared>> -> memref<10240x128xf32, #tpu.memory_space<vmem_shared>>
      tpu.wait_indirect_dma semaphore(%arg21 : memref<!tpu.dma_semaphore, #tpu.memory_space<semaphore_mem>>) src(%dma_wait3A_169 : memref<64x128xf32, #tpu.memory_space<vmem>>) dst(%dma_wait3A_175 : memref<10240x128xf32, #tpu.memory_space<vmem_shared>>)
      %dma_start3A_176 = arith.constant 4 : i32
      %dma_start3A_177 = arith.constant 1 : i32
      %dma_start3A_178 = arith.constant 0 : i32
      %dma_start3A_179 = arith.constant 0 : i32
      %dma_start3A_180 = tpu.memref_slice %arg13[%dma_start3A_177, %dma_start3A_178, %dma_start3A_179] : memref<3x64x128xf32, #tpu.memory_space<vmem>> -> memref<1x64x128xf32, #tpu.memory_space<vmem>>
      %dma_start3A_181 = tpu.memref_squeeze %dma_start3A_180 : memref<1x64x128xf32, #tpu.memory_space<vmem>> -> memref<64x128xf32, #tpu.memory_space<vmem>>
      %dma_start3A_182 = arith.constant 0 : i32
      %dma_start3A_183 = tpu.memref_slice %arg11[%dma_start3A_176, %dma_start3A_182] : memref<32x64xi32, #tpu.memory_space<vmem>> -> memref<1x64xi32, #tpu.memory_space<vmem>>
      %dma_start3A_184 = tpu.memref_squeeze %dma_start3A_183 : memref<1x64xi32, #tpu.memory_space<vmem>> -> memref<64xi32, #tpu.memory_space<vmem>>
      %dma_start3A_185 = arith.constant 0 : i32
      %dma_start3A_186 = arith.constant 0 : i32
      %dma_start3A_187 = tpu.memref_slice %arg2[%dma_start3A_185, %dma_start3A_186] : memref<10000x128xf32, #tpu.memory_space<hbm>> -> memref<10000x128xf32, #tpu.memory_space<hbm>>
      tpu.enqueue_indirect_dma source(%dma_start3A_187 : memref<10000x128xf32, #tpu.memory_space<hbm>>) target(%dma_start3A_181 : memref<64x128xf32, #tpu.memory_space<vmem>>) offsets(%dma_start3A_184 : memref<64xi32, #tpu.memory_space<vmem>>) semaphore(%arg18 : memref<!tpu.dma_semaphore, #tpu.memory_space<semaphore_mem>>)
      %dma_wait3A_188 = arith.constant 3 : i32
      %dma_wait3A_189 = arith.constant 0 : i32
      %dma_wait3A_190 = arith.constant 0 : i32
      %dma_wait3A_191 = arith.constant 0 : i32
      %dma_wait3A_192 = tpu.memref_slice %arg13[%dma_wait3A_189, %dma_wait3A_190, %dma_wait3A_191] : memref<3x64x128xf32, #tpu.memory_space<vmem>> -> memref<1x64x128xf32, #tpu.memory_space<vmem>>
      %dma_wait3A_193 = tpu.memref_squeeze %dma_wait3A_192 : memref<1x64x128xf32, #tpu.memory_space<vmem>> -> memref<64x128xf32, #tpu.memory_space<vmem>>
      %dma_wait3A_194 = arith.constant 0 : i32
      %dma_wait3A_195 = tpu.memref_slice %arg11[%dma_wait3A_188, %dma_wait3A_194] : memref<32x64xi32, #tpu.memory_space<vmem>> -> memref<1x64xi32, #tpu.memory_space<vmem>>
      %dma_wait3A_196 = tpu.memref_squeeze %dma_wait3A_195 : memref<1x64xi32, #tpu.memory_space<vmem>> -> memref<64xi32, #tpu.memory_space<vmem>>
      %dma_wait3A_197 = arith.constant 0 : i32
      %dma_wait3A_198 = arith.constant 0 : i32
      %dma_wait3A_199 = tpu.memref_slice %arg2[%dma_wait3A_197, %dma_wait3A_198] : memref<10000x128xf32, #tpu.memory_space<hbm>> -> memref<10000x128xf32, #tpu.memory_space<hbm>>
      tpu.wait_indirect_dma semaphore(%arg17 : memref<!tpu.dma_semaphore, #tpu.memory_space<semaphore_mem>>) src(%dma_wait3A_199 : memref<10000x128xf32, #tpu.memory_space<hbm>>) dst(%dma_wait3A_193 : memref<64x128xf32, #tpu.memory_space<vmem>>)
      %dma_start3A_200 = arith.constant 0 : i32
      %dma_start3A_201 = arith.constant 3 : i32
      %dma_start3A_202 = arith.constant 0 : i32
      %dma_start3A_203 = arith.constant 0 : i32
      %dma_start3A_204 = tpu.memref_slice %arg13[%dma_start3A_200, %dma_start3A_202, %dma_start3A_203] : memref<3x64x128xf32, #tpu.memory_space<vmem>> -> memref<1x64x128xf32, #tpu.memory_space<vmem>>
      %dma_start3A_205 = tpu.memref_squeeze %dma_start3A_204 : memref<1x64x128xf32, #tpu.memory_space<vmem>> -> memref<64x128xf32, #tpu.memory_space<vmem>>
      %dma_start3A_206 = arith.constant 0 : i32
      %dma_start3A_207 = tpu.memref_slice %arg12[%dma_start3A_201, %dma_start3A_206] : memref<32x64xi32, #tpu.memory_space<vmem>> -> memref<1x64xi32, #tpu.memory_space<vmem>>
      %dma_start3A_208 = tpu.memref_squeeze %dma_start3A_207 : memref<1x64xi32, #tpu.memory_space<vmem>> -> memref<64xi32, #tpu.memory_space<vmem>>
      %dma_start3A_209 = arith.constant 0 : i32
      %dma_start3A_210 = arith.constant 0 : i32
      %dma_start3A_211 = tpu.memref_slice %arg10[%dma_start3A_209, %dma_start3A_210] : memref<10240x128xf32, #tpu.memory_space<vmem_shared>> -> memref<10240x128xf32, #tpu.memory_space<vmem_shared>>
      tpu.enqueue_indirect_dma source(%dma_start3A_205 : memref<64x128xf32, #tpu.memory_space<vmem>>) target(%dma_start3A_211 : memref<10240x128xf32, #tpu.memory_space<vmem_shared>>) offsets(%dma_start3A_208 : memref<64xi32, #tpu.memory_space<vmem>>) semaphore(%arg20 : memref<!tpu.dma_semaphore, #tpu.memory_space<semaphore_mem>>) {add = true}
      %dma_wait3A_212 = arith.constant 2 : i32
      %dma_wait3A_213 = arith.constant 2 : i32
      %dma_wait3A_214 = arith.constant 0 : i32
      %dma_wait3A_215 = arith.constant 0 : i32
      %dma_wait3A_216 = tpu.memref_slice %arg13[%dma_wait3A_212, %dma_wait3A_214, %dma_wait3A_215] : memref<3x64x128xf32, #tpu.memory_space<vmem>> -> memref<1x64x128xf32, #tpu.memory_space<vmem>>
      %dma_wait3A_217 = tpu.memref_squeeze %dma_wait3A_216 : memref<1x64x128xf32, #tpu.memory_space<vmem>> -> memref<64x128xf32, #tpu.memory_space<vmem>>
      %dma_wait3A_218 = arith.constant 0 : i32
      %dma_wait3A_219 = tpu.memref_slice %arg12[%dma_wait3A_213, %dma_wait3A_218] : memref<32x64xi32, #tpu.memory_space<vmem>> -> memref<1x64xi32, #tpu.memory_space<vmem>>
      %dma_wait3A_220 = tpu.memref_squeeze %dma_wait3A_219 : memref<1x64xi32, #tpu.memory_space<vmem>> -> memref<64xi32, #tpu.memory_space<vmem>>
      %dma_wait3A_221 = arith.constant 0 : i32
      %dma_wait3A_222 = arith.constant 0 : i32
      %dma_wait3A_223 = tpu.memref_slice %arg10[%dma_wait3A_221, %dma_wait3A_222] : memref<10240x128xf32, #tpu.memory_space<vmem_shared>> -> memref<10240x128xf32, #tpu.memory_space<vmem_shared>>
      tpu.wait_indirect_dma semaphore(%arg22 : memref<!tpu.dma_semaphore, #tpu.memory_space<semaphore_mem>>) src(%dma_wait3A_217 : memref<64x128xf32, #tpu.memory_space<vmem>>) dst(%dma_wait3A_223 : memref<10240x128xf32, #tpu.memory_space<vmem_shared>>)
      %dma_start3A_224 = arith.constant 5 : i32
      %dma_start3A_225 = arith.constant 2 : i32
      %dma_start3A_226 = arith.constant 0 : i32
      %dma_start3A_227 = arith.constant 0 : i32
      %dma_start3A_228 = tpu.memref_slice %arg13[%dma_start3A_225, %dma_start3A_226, %dma_start3A_227] : memref<3x64x128xf32, #tpu.memory_space<vmem>> -> memref<1x64x128xf32, #tpu.memory_space<vmem>>
      %dma_start3A_229 = tpu.memref_squeeze %dma_start3A_228 : memref<1x64x128xf32, #tpu.memory_space<vmem>> -> memref<64x128xf32, #tpu.memory_space<vmem>>
      %dma_start3A_230 = arith.constant 0 : i32
      %dma_start3A_231 = tpu.memref_slice %arg11[%dma_start3A_224, %dma_start3A_230] : memref<32x64xi32, #tpu.memory_space<vmem>> -> memref<1x64xi32, #tpu.memory_space<vmem>>
      %dma_start3A_232 = tpu.memref_squeeze %dma_start3A_231 : memref<1x64xi32, #tpu.memory_space<vmem>> -> memref<64xi32, #tpu.memory_space<vmem>>
      %dma_start3A_233 = arith.constant 0 : i32
      %dma_start3A_234 = arith.constant 0 : i32
      %dma_start3A_235 = tpu.memref_slice %arg2[%dma_start3A_233, %dma_start3A_234] : memref<10000x128xf32, #tpu.memory_space<hbm>> -> memref<10000x128xf32, #tpu.memory_space<hbm>>
      tpu.enqueue_indirect_dma source(%dma_start3A_235 : memref<10000x128xf32, #tpu.memory_space<hbm>>) target(%dma_start3A_229 : memref<64x128xf32, #tpu.memory_space<vmem>>) offsets(%dma_start3A_232 : memref<64xi32, #tpu.memory_space<vmem>>) semaphore(%arg19 : memref<!tpu.dma_semaphore, #tpu.memory_space<semaphore_mem>>)
      %dma_wait3A_236 = arith.constant 4 : i32
      %dma_wait3A_237 = arith.constant 1 : i32
      %dma_wait3A_238 = arith.constant 0 : i32
      %dma_wait3A_239 = arith.constant 0 : i32
      %dma_wait3A_240 = tpu.memref_slice %arg13[%dma_wait3A_237, %dma_wait3A_238, %dma_wait3A_239] : memref<3x64x128xf32, #tpu.memory_space<vmem>> -> memref<1x64x128xf32, #tpu.memory_space<vmem>>
      %dma_wait3A_241 = tpu.memref_squeeze %dma_wait3A_240 : memref<1x64x128xf32, #tpu.memory_space<vmem>> -> memref<64x128xf32, #tpu.memory_space<vmem>>
      %dma_wait3A_242 = arith.constant 0 : i32
      %dma_wait3A_243 = tpu.memref_slice %arg11[%dma_wait3A_236, %dma_wait3A_242] : memref<32x64xi32, #tpu.memory_space<vmem>> -> memref<1x64xi32, #tpu.memory_space<vmem>>
      %dma_wait3A_244 = tpu.memref_squeeze %dma_wait3A_243 : memref<1x64xi32, #tpu.memory_space<vmem>> -> memref<64xi32, #tpu.memory_space<vmem>>
      %dma_wait3A_245 = arith.constant 0 : i32
      %dma_wait3A_246 = arith.constant 0 : i32
      %dma_wait3A_247 = tpu.memref_slice %arg2[%dma_wait3A_245, %dma_wait3A_246] : memref<10000x128xf32, #tpu.memory_space<hbm>> -> memref<10000x128xf32, #tpu.memory_space<hbm>>
      tpu.wait_indirect_dma semaphore(%arg18 : memref<!tpu.dma_semaphore, #tpu.memory_space<semaphore_mem>>) src(%dma_wait3A_247 : memref<10000x128xf32, #tpu.memory_space<hbm>>) dst(%dma_wait3A_241 : memref<64x128xf32, #tpu.memory_space<vmem>>)
      %dma_start3A_248 = arith.constant 1 : i32
      %dma_start3A_249 = arith.constant 4 : i32
      %dma_start3A_250 = arith.constant 0 : i32
      %dma_start3A_251 = arith.constant 0 : i32
      %dma_start3A_252 = tpu.memref_slice %arg13[%dma_start3A_248, %dma_start3A_250, %dma_start3A_251] : memref<3x64x128xf32, #tpu.memory_space<vmem>> -> memref<1x64x128xf32, #tpu.memory_space<vmem>>
      %dma_start3A_253 = tpu.memref_squeeze %dma_start3A_252 : memref<1x64x128xf32, #tpu.memory_space<vmem>> -> memref<64x128xf32, #tpu.memory_space<vmem>>
      %dma_start3A_254 = arith.constant 0 : i32
      %dma_start3A_255 = tpu.memref_slice %arg12[%dma_start3A_249, %dma_start3A_254] : memref<32x64xi32, #tpu.memory_space<vmem>> -> memref<1x64xi32, #tpu.memory_space<vmem>>
      %dma_start3A_256 = tpu.memref_squeeze %dma_start3A_255 : memref<1x64xi32, #tpu.memory_space<vmem>> -> memref<64xi32, #tpu.memory_space<vmem>>
      %dma_start3A_257 = arith.constant 0 : i32
      %dma_start3A_258 = arith.constant 0 : i32
      %dma_start3A_259 = tpu.memref_slice %arg10[%dma_start3A_257, %dma_start3A_258] : memref<10240x128xf32, #tpu.memory_space<vmem_shared>> -> memref<10240x128xf32, #tpu.memory_space<vmem_shared>>
      tpu.enqueue_indirect_dma source(%dma_start3A_253 : memref<64x128xf32, #tpu.memory_space<vmem>>) target(%dma_start3A_259 : memref<10240x128xf32, #tpu.memory_space<vmem_shared>>) offsets(%dma_start3A_256 : memref<64xi32, #tpu.memory_space<vmem>>) semaphore(%arg21 : memref<!tpu.dma_semaphore, #tpu.memory_space<semaphore_mem>>) {add = true}
      %dma_wait3A_260 = arith.constant 0 : i32
      %dma_wait3A_261 = arith.constant 3 : i32
      %dma_wait3A_262 = arith.constant 0 : i32
      %dma_wait3A_263 = arith.constant 0 : i32
      %dma_wait3A_264 = tpu.memref_slice %arg13[%dma_wait3A_260, %dma_wait3A_262, %dma_wait3A_263] : memref<3x64x128xf32, #tpu.memory_space<vmem>> -> memref<1x64x128xf32, #tpu.memory_space<vmem>>
      %dma_wait3A_265 = tpu.memref_squeeze %dma_wait3A_264 : memref<1x64x128xf32, #tpu.memory_space<vmem>> -> memref<64x128xf32, #tpu.memory_space<vmem>>
      %dma_wait3A_266 = arith.constant 0 : i32
      %dma_wait3A_267 = tpu.memref_slice %arg12[%dma_wait3A_261, %dma_wait3A_266] : memref<32x64xi32, #tpu.memory_space<vmem>> -> memref<1x64xi32, #tpu.memory_space<vmem>>
      %dma_wait3A_268 = tpu.memref_squeeze %dma_wait3A_267 : memref<1x64xi32, #tpu.memory_space<vmem>> -> memref<64xi32, #tpu.memory_space<vmem>>
      %dma_wait3A_269 = arith.constant 0 : i32
      %dma_wait3A_270 = arith.constant 0 : i32
      %dma_wait3A_271 = tpu.memref_slice %arg10[%dma_wait3A_269, %dma_wait3A_270] : memref<10240x128xf32, #tpu.memory_space<vmem_shared>> -> memref<10240x128xf32, #tpu.memory_space<vmem_shared>>
      tpu.wait_indirect_dma semaphore(%arg20 : memref<!tpu.dma_semaphore, #tpu.memory_space<semaphore_mem>>) src(%dma_wait3A_265 : memref<64x128xf32, #tpu.memory_space<vmem>>) dst(%dma_wait3A_271 : memref<10240x128xf32, #tpu.memory_space<vmem_shared>>)
      %dma_start3A_272 = arith.constant 6 : i32
      %dma_start3A_273 = arith.constant 0 : i32
      %dma_start3A_274 = arith.constant 0 : i32
      %dma_start3A_275 = arith.constant 0 : i32
      %dma_start3A_276 = tpu.memref_slice %arg13[%dma_start3A_273, %dma_start3A_274, %dma_start3A_275] : memref<3x64x128xf32, #tpu.memory_space<vmem>> -> memref<1x64x128xf32, #tpu.memory_space<vmem>>
      %dma_start3A_277 = tpu.memref_squeeze %dma_start3A_276 : memref<1x64x128xf32, #tpu.memory_space<vmem>> -> memref<64x128xf32, #tpu.memory_space<vmem>>
      %dma_start3A_278 = arith.constant 0 : i32
      %dma_start3A_279 = tpu.memref_slice %arg11[%dma_start3A_272, %dma_start3A_278] : memref<32x64xi32, #tpu.memory_space<vmem>> -> memref<1x64xi32, #tpu.memory_space<vmem>>
      %dma_start3A_280 = tpu.memref_squeeze %dma_start3A_279 : memref<1x64xi32, #tpu.memory_space<vmem>> -> memref<64xi32, #tpu.memory_space<vmem>>
      %dma_start3A_281 = arith.constant 0 : i32
      %dma_start3A_282 = arith.constant 0 : i32
      %dma_start3A_283 = tpu.memref_slice %arg2[%dma_start3A_281, %dma_start3A_282] : memref<10000x128xf32, #tpu.memory_space<hbm>> -> memref<10000x128xf32, #tpu.memory_space<hbm>>
      tpu.enqueue_indirect_dma source(%dma_start3A_283 : memref<10000x128xf32, #tpu.memory_space<hbm>>) target(%dma_start3A_277 : memref<64x128xf32, #tpu.memory_space<vmem>>) offsets(%dma_start3A_280 : memref<64xi32, #tpu.memory_space<vmem>>) semaphore(%arg17 : memref<!tpu.dma_semaphore, #tpu.memory_space<semaphore_mem>>)
      %dma_wait3A_284 = arith.constant 5 : i32
      %dma_wait3A_285 = arith.constant 2 : i32
      %dma_wait3A_286 = arith.constant 0 : i32
      %dma_wait3A_287 = arith.constant 0 : i32
      %dma_wait3A_288 = tpu.memref_slice %arg13[%dma_wait3A_285, %dma_wait3A_286, %dma_wait3A_287] : memref<3x64x128xf32, #tpu.memory_space<vmem>> -> memref<1x64x128xf32, #tpu.memory_space<vmem>>
      %dma_wait3A_289 = tpu.memref_squeeze %dma_wait3A_288 : memref<1x64x128xf32, #tpu.memory_space<vmem>> -> memref<64x128xf32, #tpu.memory_space<vmem>>
      %dma_wait3A_290 = arith.constant 0 : i32
      %dma_wait3A_291 = tpu.memref_slice %arg11[%dma_wait3A_284, %dma_wait3A_290] : memref<32x64xi32, #tpu.memory_space<vmem>> -> memref<1x64xi32, #tpu.memory_space<vmem>>
      %dma_wait3A_292 = tpu.memref_squeeze %dma_wait3A_291 : memref<1x64xi32, #tpu.memory_space<vmem>> -> memref<64xi32, #tpu.memory_space<vmem>>
      %dma_wait3A_293 = arith.constant 0 : i32
      %dma_wait3A_294 = arith.constant 0 : i32
      %dma_wait3A_295 = tpu.memref_slice %arg2[%dma_wait3A_293, %dma_wait3A_294] : memref<10000x128xf32, #tpu.memory_space<hbm>> -> memref<10000x128xf32, #tpu.memory_space<hbm>>
      tpu.wait_indirect_dma semaphore(%arg19 : memref<!tpu.dma_semaphore, #tpu.memory_space<semaphore_mem>>) src(%dma_wait3A_295 : memref<10000x128xf32, #tpu.memory_space<hbm>>) dst(%dma_wait3A_289 : memref<64x128xf32, #tpu.memory_space<vmem>>)
      %dma_start3A_296 = arith.constant 2 : i32
      %dma_start3A_297 = arith.constant 5 : i32
      %dma_start3A_298 = arith.constant 0 : i32
      %dma_start3A_299 = arith.constant 0 : i32
      %dma_start3A_300 = tpu.memref_slice %arg13[%dma_start3A_296, %dma_start3A_298, %dma_start3A_299] : memref<3x64x128xf32, #tpu.memory_space<vmem>> -> memref<1x64x128xf32, #tpu.memory_space<vmem>>
      %dma_start3A_301 = tpu.memref_squeeze %dma_start3A_300 : memref<1x64x128xf32, #tpu.memory_space<vmem>> -> memref<64x128xf32, #tpu.memory_space<vmem>>
      %dma_start3A_302 = arith.constant 0 : i32
      %dma_start3A_303 = tpu.memref_slice %arg12[%dma_start3A_297, %dma_start3A_302] : memref<32x64xi32, #tpu.memory_space<vmem>> -> memref<1x64xi32, #tpu.memory_space<vmem>>
      %dma_start3A_304 = tpu.memref_squeeze %dma_start3A_303 : memref<1x64xi32, #tpu.memory_space<vmem>> -> memref<64xi32, #tpu.memory_space<vmem>>
      %dma_start3A_305 = arith.constant 0 : i32
      %dma_start3A_306 = arith.constant 0 : i32
      %dma_start3A_307 = tpu.memref_slice %arg10[%dma_start3A_305, %dma_start3A_306] : memref<10240x128xf32, #tpu.memory_space<vmem_shared>> -> memref<10240x128xf32, #tpu.memory_space<vmem_shared>>
      tpu.enqueue_indirect_dma source(%dma_start3A_301 : memref<64x128xf32, #tpu.memory_space<vmem>>) target(%dma_start3A_307 : memref<10240x128xf32, #tpu.memory_space<vmem_shared>>) offsets(%dma_start3A_304 : memref<64xi32, #tpu.memory_space<vmem>>) semaphore(%arg22 : memref<!tpu.dma_semaphore, #tpu.memory_space<semaphore_mem>>) {add = true}
      %dma_wait3A_308 = arith.constant 1 : i32
      %dma_wait3A_309 = arith.constant 4 : i32
      %dma_wait3A_310 = arith.constant 0 : i32
      %dma_wait3A_311 = arith.constant 0 : i32
      %dma_wait3A_312 = tpu.memref_slice %arg13[%dma_wait3A_308, %dma_wait3A_310, %dma_wait3A_311] : memref<3x64x128xf32, #tpu.memory_space<vmem>> -> memref<1x64x128xf32, #tpu.memory_space<vmem>>
      %dma_wait3A_313 = tpu.memref_squeeze %dma_wait3A_312 : memref<1x64x128xf32, #tpu.memory_space<vmem>> -> memref<64x128xf32, #tpu.memory_space<vmem>>
      %dma_wait3A_314 = arith.constant 0 : i32
      %dma_wait3A_315 = tpu.memref_slice %arg12[%dma_wait3A_309, %dma_wait3A_314] : memref<32x64xi32, #tpu.memory_space<vmem>> -> memref<1x64xi32, #tpu.memory_space<vmem>>
      %dma_wait3A_316 = tpu.memref_squeeze %dma_wait3A_315 : memref<1x64xi32, #tpu.memory_space<vmem>> -> memref<64xi32, #tpu.memory_space<vmem>>
      %dma_wait3A_317 = arith.constant 0 : i32
      %dma_wait3A_318 = arith.constant 0 : i32
      %dma_wait3A_319 = tpu.memref_slice %arg10[%dma_wait3A_317, %dma_wait3A_318] : memref<10240x128xf32, #tpu.memory_space<vmem_shared>> -> memref<10240x128xf32, #tpu.memory_space<vmem_shared>>
      tpu.wait_indirect_dma semaphore(%arg21 : memref<!tpu.dma_semaphore, #tpu.memory_space<semaphore_mem>>) src(%dma_wait3A_313 : memref<64x128xf32, #tpu.memory_space<vmem>>) dst(%dma_wait3A_319 : memref<10240x128xf32, #tpu.memory_space<vmem_shared>>)
      %dma_start3A_320 = arith.constant 7 : i32
      %dma_start3A_321 = arith.constant 1 : i32
      %dma_start3A_322 = arith.constant 0 : i32
      %dma_start3A_323 = arith.constant 0 : i32
      %dma_start3A_324 = tpu.memref_slice %arg13[%dma_start3A_321, %dma_start3A_322, %dma_start3A_323] : memref<3x64x128xf32, #tpu.memory_space<vmem>> -> memref<1x64x128xf32, #tpu.memory_space<vmem>>
      %dma_start3A_325 = tpu.memref_squeeze %dma_start3A_324 : memref<1x64x128xf32, #tpu.memory_space<vmem>> -> memref<64x128xf32, #tpu.memory_space<vmem>>
      %dma_start3A_326 = arith.constant 0 : i32
      %dma_start3A_327 = tpu.memref_slice %arg11[%dma_start3A_320, %dma_start3A_326] : memref<32x64xi32, #tpu.memory_space<vmem>> -> memref<1x64xi32, #tpu.memory_space<vmem>>
      %dma_start3A_328 = tpu.memref_squeeze %dma_start3A_327 : memref<1x64xi32, #tpu.memory_space<vmem>> -> memref<64xi32, #tpu.memory_space<vmem>>
      %dma_start3A_329 = arith.constant 0 : i32
      %dma_start3A_330 = arith.constant 0 : i32
      %dma_start3A_331 = tpu.memref_slice %arg2[%dma_start3A_329, %dma_start3A_330] : memref<10000x128xf32, #tpu.memory_space<hbm>> -> memref<10000x128xf32, #tpu.memory_space<hbm>>
      tpu.enqueue_indirect_dma source(%dma_start3A_331 : memref<10000x128xf32, #tpu.memory_space<hbm>>) target(%dma_start3A_325 : memref<64x128xf32, #tpu.memory_space<vmem>>) offsets(%dma_start3A_328 : memref<64xi32, #tpu.memory_space<vmem>>) semaphore(%arg18 : memref<!tpu.dma_semaphore, #tpu.memory_space<semaphore_mem>>)
      %dma_wait3A_332 = arith.constant 6 : i32
      %dma_wait3A_333 = arith.constant 0 : i32
      %dma_wait3A_334 = arith.constant 0 : i32
      %dma_wait3A_335 = arith.constant 0 : i32
      %dma_wait3A_336 = tpu.memref_slice %arg13[%dma_wait3A_333, %dma_wait3A_334, %dma_wait3A_335] : memref<3x64x128xf32, #tpu.memory_space<vmem>> -> memref<1x64x128xf32, #tpu.memory_space<vmem>>
      %dma_wait3A_337 = tpu.memref_squeeze %dma_wait3A_336 : memref<1x64x128xf32, #tpu.memory_space<vmem>> -> memref<64x128xf32, #tpu.memory_space<vmem>>
      %dma_wait3A_338 = arith.constant 0 : i32
      %dma_wait3A_339 = tpu.memref_slice %arg11[%dma_wait3A_332, %dma_wait3A_338] : memref<32x64xi32, #tpu.memory_space<vmem>> -> memref<1x64xi32, #tpu.memory_space<vmem>>
      %dma_wait3A_340 = tpu.memref_squeeze %dma_wait3A_339 : memref<1x64xi32, #tpu.memory_space<vmem>> -> memref<64xi32, #tpu.memory_space<vmem>>
      %dma_wait3A_341 = arith.constant 0 : i32
      %dma_wait3A_342 = arith.constant 0 : i32
      %dma_wait3A_343 = tpu.memref_slice %arg2[%dma_wait3A_341, %dma_wait3A_342] : memref<10000x128xf32, #tpu.memory_space<hbm>> -> memref<10000x128xf32, #tpu.memory_space<hbm>>
      tpu.wait_indirect_dma semaphore(%arg17 : memref<!tpu.dma_semaphore, #tpu.memory_space<semaphore_mem>>) src(%dma_wait3A_343 : memref<10000x128xf32, #tpu.memory_space<hbm>>) dst(%dma_wait3A_337 : memref<64x128xf32, #tpu.memory_space<vmem>>)
      %dma_start3A_344 = arith.constant 0 : i32
      %dma_start3A_345 = arith.constant 6 : i32
      %dma_start3A_346 = arith.constant 0 : i32
      %dma_start3A_347 = arith.constant 0 : i32
      %dma_start3A_348 = tpu.memref_slice %arg13[%dma_start3A_344, %dma_start3A_346, %dma_start3A_347] : memref<3x64x128xf32, #tpu.memory_space<vmem>> -> memref<1x64x128xf32, #tpu.memory_space<vmem>>
      %dma_start3A_349 = tpu.memref_squeeze %dma_start3A_348 : memref<1x64x128xf32, #tpu.memory_space<vmem>> -> memref<64x128xf32, #tpu.memory_space<vmem>>
      %dma_start3A_350 = arith.constant 0 : i32
      %dma_start3A_351 = tpu.memref_slice %arg12[%dma_start3A_345, %dma_start3A_350] : memref<32x64xi32, #tpu.memory_space<vmem>> -> memref<1x64xi32, #tpu.memory_space<vmem>>
      %dma_start3A_352 = tpu.memref_squeeze %dma_start3A_351 : memref<1x64xi32, #tpu.memory_space<vmem>> -> memref<64xi32, #tpu.memory_space<vmem>>
      %dma_start3A_353 = arith.constant 0 : i32
      %dma_start3A_354 = arith.constant 0 : i32
      %dma_start3A_355 = tpu.memref_slice %arg10[%dma_start3A_353, %dma_start3A_354] : memref<10240x128xf32, #tpu.memory_space<vmem_shared>> -> memref<10240x128xf32, #tpu.memory_space<vmem_shared>>
      tpu.enqueue_indirect_dma source(%dma_start3A_349 : memref<64x128xf32, #tpu.memory_space<vmem>>) target(%dma_start3A_355 : memref<10240x128xf32, #tpu.memory_space<vmem_shared>>) offsets(%dma_start3A_352 : memref<64xi32, #tpu.memory_space<vmem>>) semaphore(%arg20 : memref<!tpu.dma_semaphore, #tpu.memory_space<semaphore_mem>>) {add = true}
      %dma_wait3A_356 = arith.constant 2 : i32
      %dma_wait3A_357 = arith.constant 5 : i32
      %dma_wait3A_358 = arith.constant 0 : i32
      %dma_wait3A_359 = arith.constant 0 : i32
      %dma_wait3A_360 = tpu.memref_slice %arg13[%dma_wait3A_356, %dma_wait3A_358, %dma_wait3A_359] : memref<3x64x128xf32, #tpu.memory_space<vmem>> -> memref<1x64x128xf32, #tpu.memory_space<vmem>>
      %dma_wait3A_361 = tpu.memref_squeeze %dma_wait3A_360 : memref<1x64x128xf32, #tpu.memory_space<vmem>> -> memref<64x128xf32, #tpu.memory_space<vmem>>
      %dma_wait3A_362 = arith.constant 0 : i32
      %dma_wait3A_363 = tpu.memref_slice %arg12[%dma_wait3A_357, %dma_wait3A_362] : memref<32x64xi32, #tpu.memory_space<vmem>> -> memref<1x64xi32, #tpu.memory_space<vmem>>
      %dma_wait3A_364 = tpu.memref_squeeze %dma_wait3A_363 : memref<1x64xi32, #tpu.memory_space<vmem>> -> memref<64xi32, #tpu.memory_space<vmem>>
      %dma_wait3A_365 = arith.constant 0 : i32
      %dma_wait3A_366 = arith.constant 0 : i32
      %dma_wait3A_367 = tpu.memref_slice %arg10[%dma_wait3A_365, %dma_wait3A_366] : memref<10240x128xf32, #tpu.memory_space<vmem_shared>> -> memref<10240x128xf32, #tpu.memory_space<vmem_shared>>
      tpu.wait_indirect_dma semaphore(%arg22 : memref<!tpu.dma_semaphore, #tpu.memory_space<semaphore_mem>>) src(%dma_wait3A_361 : memref<64x128xf32, #tpu.memory_space<vmem>>) dst(%dma_wait3A_367 : memref<10240x128xf32, #tpu.memory_space<vmem_shared>>)
      %dma_start3A_368 = arith.constant 8 : i32
      %dma_start3A_369 = arith.constant 2 : i32
      %dma_start3A_370 = arith.constant 0 : i32
      %dma_start3A_371 = arith.constant 0 : i32
      %dma_start3A_372 = tpu.memref_slice %arg13[%dma_start3A_369, %dma_start3A_370, %dma_start3A_371] : memref<3x64x128xf32, #tpu.memory_space<vmem>> -> memref<1x64x128xf32, #tpu.memory_space<vmem>>
      %dma_start3A_373 = tpu.memref_squeeze %dma_start3A_372 : memref<1x64x128xf32, #tpu.memory_space<vmem>> -> memref<64x128xf32, #tpu.memory_space<vmem>>
      %dma_start3A_374 = arith.constant 0 : i32
      %dma_start3A_375 = tpu.memref_slice %arg11[%dma_start3A_368, %dma_start3A_374] : memref<32x64xi32, #tpu.memory_space<vmem>> -> memref<1x64xi32, #tpu.memory_space<vmem>>
      %dma_start3A_376 = tpu.memref_squeeze %dma_start3A_375 : memref<1x64xi32, #tpu.memory_space<vmem>> -> memref<64xi32, #tpu.memory_space<vmem>>
      %dma_start3A_377 = arith.constant 0 : i32
      %dma_start3A_378 = arith.constant 0 : i32
      %dma_start3A_379 = tpu.memref_slice %arg2[%dma_start3A_377, %dma_start3A_378] : memref<10000x128xf32, #tpu.memory_space<hbm>> -> memref<10000x128xf32, #tpu.memory_space<hbm>>
      tpu.enqueue_indirect_dma source(%dma_start3A_379 : memref<10000x128xf32, #tpu.memory_space<hbm>>) target(%dma_start3A_373 : memref<64x128xf32, #tpu.memory_space<vmem>>) offsets(%dma_start3A_376 : memref<64xi32, #tpu.memory_space<vmem>>) semaphore(%arg19 : memref<!tpu.dma_semaphore, #tpu.memory_space<semaphore_mem>>)
      %dma_wait3A_380 = arith.constant 7 : i32
      %dma_wait3A_381 = arith.constant 1 : i32
      %dma_wait3A_382 = arith.constant 0 : i32
      %dma_wait3A_383 = arith.constant 0 : i32
      %dma_wait3A_384 = tpu.memref_slice %arg13[%dma_wait3A_381, %dma_wait3A_382, %dma_wait3A_383] : memref<3x64x128xf32, #tpu.memory_space<vmem>> -> memref<1x64x128xf32, #tpu.memory_space<vmem>>
      %dma_wait3A_385 = tpu.memref_squeeze %dma_wait3A_384 : memref<1x64x128xf32, #tpu.memory_space<vmem>> -> memref<64x128xf32, #tpu.memory_space<vmem>>
      %dma_wait3A_386 = arith.constant 0 : i32
      %dma_wait3A_387 = tpu.memref_slice %arg11[%dma_wait3A_380, %dma_wait3A_386] : memref<32x64xi32, #tpu.memory_space<vmem>> -> memref<1x64xi32, #tpu.memory_space<vmem>>
      %dma_wait3A_388 = tpu.memref_squeeze %dma_wait3A_387 : memref<1x64xi32, #tpu.memory_space<vmem>> -> memref<64xi32, #tpu.memory_space<vmem>>
      %dma_wait3A_389 = arith.constant 0 : i32
      %dma_wait3A_390 = arith.constant 0 : i32
      %dma_wait3A_391 = tpu.memref_slice %arg2[%dma_wait3A_389, %dma_wait3A_390] : memref<10000x128xf32, #tpu.memory_space<hbm>> -> memref<10000x128xf32, #tpu.memory_space<hbm>>
      tpu.wait_indirect_dma semaphore(%arg18 : memref<!tpu.dma_semaphore, #tpu.memory_space<semaphore_mem>>) src(%dma_wait3A_391 : memref<10000x128xf32, #tpu.memory_space<hbm>>) dst(%dma_wait3A_385 : memref<64x128xf32, #tpu.memory_space<vmem>>)
      %dma_start3A_392 = arith.constant 1 : i32
      %dma_start3A_393 = arith.constant 7 : i32
      %dma_start3A_394 = arith.constant 0 : i32
      %dma_start3A_395 = arith.constant 0 : i32
      %dma_start3A_396 = tpu.memref_slice %arg13[%dma_start3A_392, %dma_start3A_394, %dma_start3A_395] : memref<3x64x128xf32, #tpu.memory_space<vmem>> -> memref<1x64x128xf32, #tpu.memory_space<vmem>>
      %dma_start3A_397 = tpu.memref_squeeze %dma_start3A_396 : memref<1x64x128xf32, #tpu.memory_space<vmem>> -> memref<64x128xf32, #tpu.memory_space<vmem>>
      %dma_start3A_398 = arith.constant 0 : i32
      %dma_start3A_399 = tpu.memref_slice %arg12[%dma_start3A_393, %dma_start3A_398] : memref<32x64xi32, #tpu.memory_space<vmem>> -> memref<1x64xi32, #tpu.memory_space<vmem>>
      %dma_start3A_400 = tpu.memref_squeeze %dma_start3A_399 : memref<1x64xi32, #tpu.memory_space<vmem>> -> memref<64xi32, #tpu.memory_space<vmem>>
      %dma_start3A_401 = arith.constant 0 : i32
      %dma_start3A_402 = arith.constant 0 : i32
      %dma_start3A_403 = tpu.memref_slice %arg10[%dma_start3A_401, %dma_start3A_402] : memref<10240x128xf32, #tpu.memory_space<vmem_shared>> -> memref<10240x128xf32, #tpu.memory_space<vmem_shared>>
      tpu.enqueue_indirect_dma source(%dma_start3A_397 : memref<64x128xf32, #tpu.memory_space<vmem>>) target(%dma_start3A_403 : memref<10240x128xf32, #tpu.memory_space<vmem_shared>>) offsets(%dma_start3A_400 : memref<64xi32, #tpu.memory_space<vmem>>) semaphore(%arg21 : memref<!tpu.dma_semaphore, #tpu.memory_space<semaphore_mem>>) {add = true}
      %dma_wait3A_404 = arith.constant 0 : i32
      %dma_wait3A_405 = arith.constant 6 : i32
      %dma_wait3A_406 = arith.constant 0 : i32
      %dma_wait3A_407 = arith.constant 0 : i32
      %dma_wait3A_408 = tpu.memref_slice %arg13[%dma_wait3A_404, %dma_wait3A_406, %dma_wait3A_407] : memref<3x64x128xf32, #tpu.memory_space<vmem>> -> memref<1x64x128xf32, #tpu.memory_space<vmem>>
      %dma_wait3A_409 = tpu.memref_squeeze %dma_wait3A_408 : memref<1x64x128xf32, #tpu.memory_space<vmem>> -> memref<64x128xf32, #tpu.memory_space<vmem>>
      %dma_wait3A_410 = arith.constant 0 : i32
      %dma_wait3A_411 = tpu.memref_slice %arg12[%dma_wait3A_405, %dma_wait3A_410] : memref<32x64xi32, #tpu.memory_space<vmem>> -> memref<1x64xi32, #tpu.memory_space<vmem>>
      %dma_wait3A_412 = tpu.memref_squeeze %dma_wait3A_411 : memref<1x64xi32, #tpu.memory_space<vmem>> -> memref<64xi32, #tpu.memory_space<vmem>>
      %dma_wait3A_413 = arith.constant 0 : i32
      %dma_wait3A_414 = arith.constant 0 : i32
      %dma_wait3A_415 = tpu.memref_slice %arg10[%dma_wait3A_413, %dma_wait3A_414] : memref<10240x128xf32, #tpu.memory_space<vmem_shared>> -> memref<10240x128xf32, #tpu.memory_space<vmem_shared>>
      tpu.wait_indirect_dma semaphore(%arg20 : memref<!tpu.dma_semaphore, #tpu.memory_space<semaphore_mem>>) src(%dma_wait3A_409 : memref<64x128xf32, #tpu.memory_space<vmem>>) dst(%dma_wait3A_415 : memref<10240x128xf32, #tpu.memory_space<vmem_shared>>)
      %dma_start3A_416 = arith.constant 9 : i32
      %dma_start3A_417 = arith.constant 0 : i32
      %dma_start3A_418 = arith.constant 0 : i32
      %dma_start3A_419 = arith.constant 0 : i32
      %dma_start3A_420 = tpu.memref_slice %arg13[%dma_start3A_417, %dma_start3A_418, %dma_start3A_419] : memref<3x64x128xf32, #tpu.memory_space<vmem>> -> memref<1x64x128xf32, #tpu.memory_space<vmem>>
      %dma_start3A_421 = tpu.memref_squeeze %dma_start3A_420 : memref<1x64x128xf32, #tpu.memory_space<vmem>> -> memref<64x128xf32, #tpu.memory_space<vmem>>
      %dma_start3A_422 = arith.constant 0 : i32
      %dma_start3A_423 = tpu.memref_slice %arg11[%dma_start3A_416, %dma_start3A_422] : memref<32x64xi32, #tpu.memory_space<vmem>> -> memref<1x64xi32, #tpu.memory_space<vmem>>
      %dma_start3A_424 = tpu.memref_squeeze %dma_start3A_423 : memref<1x64xi32, #tpu.memory_space<vmem>> -> memref<64xi32, #tpu.memory_space<vmem>>
      %dma_start3A_425 = arith.constant 0 : i32
      %dma_start3A_426 = arith.constant 0 : i32
      %dma_start3A_427 = tpu.memref_slice %arg2[%dma_start3A_425, %dma_start3A_426] : memref<10000x128xf32, #tpu.memory_space<hbm>> -> memref<10000x128xf32, #tpu.memory_space<hbm>>
      tpu.enqueue_indirect_dma source(%dma_start3A_427 : memref<10000x128xf32, #tpu.memory_space<hbm>>) target(%dma_start3A_421 : memref<64x128xf32, #tpu.memory_space<vmem>>) offsets(%dma_start3A_424 : memref<64xi32, #tpu.memory_space<vmem>>) semaphore(%arg17 : memref<!tpu.dma_semaphore, #tpu.memory_space<semaphore_mem>>)
      %dma_wait3A_428 = arith.constant 8 : i32
      %dma_wait3A_429 = arith.constant 2 : i32
      %dma_wait3A_430 = arith.constant 0 : i32
      %dma_wait3A_431 = arith.constant 0 : i32
      %dma_wait3A_432 = tpu.memref_slice %arg13[%dma_wait3A_429, %dma_wait3A_430, %dma_wait3A_431] : memref<3x64x128xf32, #tpu.memory_space<vmem>> -> memref<1x64x128xf32, #tpu.memory_space<vmem>>
      %dma_wait3A_433 = tpu.memref_squeeze %dma_wait3A_432 : memref<1x64x128xf32, #tpu.memory_space<vmem>> -> memref<64x128xf32, #tpu.memory_space<vmem>>
      %dma_wait3A_434 = arith.constant 0 : i32
      %dma_wait3A_435 = tpu.memref_slice %arg11[%dma_wait3A_428, %dma_wait3A_434] : memref<32x64xi32, #tpu.memory_space<vmem>> -> memref<1x64xi32, #tpu.memory_space<vmem>>
      %dma_wait3A_436 = tpu.memref_squeeze %dma_wait3A_435 : memref<1x64xi32, #tpu.memory_space<vmem>> -> memref<64xi32, #tpu.memory_space<vmem>>
      %dma_wait3A_437 = arith.constant 0 : i32
      %dma_wait3A_438 = arith.constant 0 : i32
      %dma_wait3A_439 = tpu.memref_slice %arg2[%dma_wait3A_437, %dma_wait3A_438] : memref<10000x128xf32, #tpu.memory_space<hbm>> -> memref<10000x128xf32, #tpu.memory_space<hbm>>
      tpu.wait_indirect_dma semaphore(%arg19 : memref<!tpu.dma_semaphore, #tpu.memory_space<semaphore_mem>>) src(%dma_wait3A_439 : memref<10000x128xf32, #tpu.memory_space<hbm>>) dst(%dma_wait3A_433 : memref<64x128xf32, #tpu.memory_space<vmem>>)
      %dma_start3A_440 = arith.constant 2 : i32
      %dma_start3A_441 = arith.constant 8 : i32
      %dma_start3A_442 = arith.constant 0 : i32
      %dma_start3A_443 = arith.constant 0 : i32
      %dma_start3A_444 = tpu.memref_slice %arg13[%dma_start3A_440, %dma_start3A_442, %dma_start3A_443] : memref<3x64x128xf32, #tpu.memory_space<vmem>> -> memref<1x64x128xf32, #tpu.memory_space<vmem>>
      %dma_start3A_445 = tpu.memref_squeeze %dma_start3A_444 : memref<1x64x128xf32, #tpu.memory_space<vmem>> -> memref<64x128xf32, #tpu.memory_space<vmem>>
      %dma_start3A_446 = arith.constant 0 : i32
      %dma_start3A_447 = tpu.memref_slice %arg12[%dma_start3A_441, %dma_start3A_446] : memref<32x64xi32, #tpu.memory_space<vmem>> -> memref<1x64xi32, #tpu.memory_space<vmem>>
      %dma_start3A_448 = tpu.memref_squeeze %dma_start3A_447 : memref<1x64xi32, #tpu.memory_space<vmem>> -> memref<64xi32, #tpu.memory_space<vmem>>
      %dma_start3A_449 = arith.constant 0 : i32
      %dma_start3A_450 = arith.constant 0 : i32
      %dma_start3A_451 = tpu.memref_slice %arg10[%dma_start3A_449, %dma_start3A_450] : memref<10240x128xf32, #tpu.memory_space<vmem_shared>> -> memref<10240x128xf32, #tpu.memory_space<vmem_shared>>
      tpu.enqueue_indirect_dma source(%dma_start3A_445 : memref<64x128xf32, #tpu.memory_space<vmem>>) target(%dma_start3A_451 : memref<10240x128xf32, #tpu.memory_space<vmem_shared>>) offsets(%dma_start3A_448 : memref<64xi32, #tpu.memory_space<vmem>>) semaphore(%arg22 : memref<!tpu.dma_semaphore, #tpu.memory_space<semaphore_mem>>) {add = true}
      %dma_wait3A_452 = arith.constant 1 : i32
      %dma_wait3A_453 = arith.constant 7 : i32
      %dma_wait3A_454 = arith.constant 0 : i32
      %dma_wait3A_455 = arith.constant 0 : i32
      %dma_wait3A_456 = tpu.memref_slice %arg13[%dma_wait3A_452, %dma_wait3A_454, %dma_wait3A_455] : memref<3x64x128xf32, #tpu.memory_space<vmem>> -> memref<1x64x128xf32, #tpu.memory_space<vmem>>
      %dma_wait3A_457 = tpu.memref_squeeze %dma_wait3A_456 : memref<1x64x128xf32, #tpu.memory_space<vmem>> -> memref<64x128xf32, #tpu.memory_space<vmem>>
      %dma_wait3A_458 = arith.constant 0 : i32
      %dma_wait3A_459 = tpu.memref_slice %arg12[%dma_wait3A_453, %dma_wait3A_458] : memref<32x64xi32, #tpu.memory_space<vmem>> -> memref<1x64xi32, #tpu.memory_space<vmem>>
      %dma_wait3A_460 = tpu.memref_squeeze %dma_wait3A_459 : memref<1x64xi32, #tpu.memory_space<vmem>> -> memref<64xi32, #tpu.memory_space<vmem>>
      %dma_wait3A_461 = arith.constant 0 : i32
      %dma_wait3A_462 = arith.constant 0 : i32
      %dma_wait3A_463 = tpu.memref_slice %arg10[%dma_wait3A_461, %dma_wait3A_462] : memref<10240x128xf32, #tpu.memory_space<vmem_shared>> -> memref<10240x128xf32, #tpu.memory_space<vmem_shared>>
      tpu.wait_indirect_dma semaphore(%arg21 : memref<!tpu.dma_semaphore, #tpu.memory_space<semaphore_mem>>) src(%dma_wait3A_457 : memref<64x128xf32, #tpu.memory_space<vmem>>) dst(%dma_wait3A_463 : memref<10240x128xf32, #tpu.memory_space<vmem_shared>>)
      %dma_start3A_464 = arith.constant 10 : i32
      %dma_start3A_465 = arith.constant 1 : i32
      %dma_start3A_466 = arith.constant 0 : i32
      %dma_start3A_467 = arith.constant 0 : i32
      %dma_start3A_468 = tpu.memref_slice %arg13[%dma_start3A_465, %dma_start3A_466, %dma_start3A_467] : memref<3x64x128xf32, #tpu.memory_space<vmem>> -> memref<1x64x128xf32, #tpu.memory_space<vmem>>
      %dma_start3A_469 = tpu.memref_squeeze %dma_start3A_468 : memref<1x64x128xf32, #tpu.memory_space<vmem>> -> memref<64x128xf32, #tpu.memory_space<vmem>>
      %dma_start3A_470 = arith.constant 0 : i32
      %dma_start3A_471 = tpu.memref_slice %arg11[%dma_start3A_464, %dma_start3A_470] : memref<32x64xi32, #tpu.memory_space<vmem>> -> memref<1x64xi32, #tpu.memory_space<vmem>>
      %dma_start3A_472 = tpu.memref_squeeze %dma_start3A_471 : memref<1x64xi32, #tpu.memory_space<vmem>> -> memref<64xi32, #tpu.memory_space<vmem>>
      %dma_start3A_473 = arith.constant 0 : i32
      %dma_start3A_474 = arith.constant 0 : i32
      %dma_start3A_475 = tpu.memref_slice %arg2[%dma_start3A_473, %dma_start3A_474] : memref<10000x128xf32, #tpu.memory_space<hbm>> -> memref<10000x128xf32, #tpu.memory_space<hbm>>
      tpu.enqueue_indirect_dma source(%dma_start3A_475 : memref<10000x128xf32, #tpu.memory_space<hbm>>) target(%dma_start3A_469 : memref<64x128xf32, #tpu.memory_space<vmem>>) offsets(%dma_start3A_472 : memref<64xi32, #tpu.memory_space<vmem>>) semaphore(%arg18 : memref<!tpu.dma_semaphore, #tpu.memory_space<semaphore_mem>>)
      %dma_wait3A_476 = arith.constant 9 : i32
      %dma_wait3A_477 = arith.constant 0 : i32
      %dma_wait3A_478 = arith.constant 0 : i32
      %dma_wait3A_479 = arith.constant 0 : i32
      %dma_wait3A_480 = tpu.memref_slice %arg13[%dma_wait3A_477, %dma_wait3A_478, %dma_wait3A_479] : memref<3x64x128xf32, #tpu.memory_space<vmem>> -> memref<1x64x128xf32, #tpu.memory_space<vmem>>
      %dma_wait3A_481 = tpu.memref_squeeze %dma_wait3A_480 : memref<1x64x128xf32, #tpu.memory_space<vmem>> -> memref<64x128xf32, #tpu.memory_space<vmem>>
      %dma_wait3A_482 = arith.constant 0 : i32
      %dma_wait3A_483 = tpu.memref_slice %arg11[%dma_wait3A_476, %dma_wait3A_482] : memref<32x64xi32, #tpu.memory_space<vmem>> -> memref<1x64xi32, #tpu.memory_space<vmem>>
      %dma_wait3A_484 = tpu.memref_squeeze %dma_wait3A_483 : memref<1x64xi32, #tpu.memory_space<vmem>> -> memref<64xi32, #tpu.memory_space<vmem>>
      %dma_wait3A_485 = arith.constant 0 : i32
      %dma_wait3A_486 = arith.constant 0 : i32
      %dma_wait3A_487 = tpu.memref_slice %arg2[%dma_wait3A_485, %dma_wait3A_486] : memref<10000x128xf32, #tpu.memory_space<hbm>> -> memref<10000x128xf32, #tpu.memory_space<hbm>>
      tpu.wait_indirect_dma semaphore(%arg17 : memref<!tpu.dma_semaphore, #tpu.memory_space<semaphore_mem>>) src(%dma_wait3A_487 : memref<10000x128xf32, #tpu.memory_space<hbm>>) dst(%dma_wait3A_481 : memref<64x128xf32, #tpu.memory_space<vmem>>)
      %dma_start3A_488 = arith.constant 0 : i32
      %dma_start3A_489 = arith.constant 9 : i32
      %dma_start3A_490 = arith.constant 0 : i32
      %dma_start3A_491 = arith.constant 0 : i32
      %dma_start3A_492 = tpu.memref_slice %arg13[%dma_start3A_488, %dma_start3A_490, %dma_start3A_491] : memref<3x64x128xf32, #tpu.memory_space<vmem>> -> memref<1x64x128xf32, #tpu.memory_space<vmem>>
      %dma_start3A_493 = tpu.memref_squeeze %dma_start3A_492 : memref<1x64x128xf32, #tpu.memory_space<vmem>> -> memref<64x128xf32, #tpu.memory_space<vmem>>
      %dma_start3A_494 = arith.constant 0 : i32
      %dma_start3A_495 = tpu.memref_slice %arg12[%dma_start3A_489, %dma_start3A_494] : memref<32x64xi32, #tpu.memory_space<vmem>> -> memref<1x64xi32, #tpu.memory_space<vmem>>
      %dma_start3A_496 = tpu.memref_squeeze %dma_start3A_495 : memref<1x64xi32, #tpu.memory_space<vmem>> -> memref<64xi32, #tpu.memory_space<vmem>>
      %dma_start3A_497 = arith.constant 0 : i32
      %dma_start3A_498 = arith.constant 0 : i32
      %dma_start3A_499 = tpu.memref_slice %arg10[%dma_start3A_497, %dma_start3A_498] : memref<10240x128xf32, #tpu.memory_space<vmem_shared>> -> memref<10240x128xf32, #tpu.memory_space<vmem_shared>>
      tpu.enqueue_indirect_dma source(%dma_start3A_493 : memref<64x128xf32, #tpu.memory_space<vmem>>) target(%dma_start3A_499 : memref<10240x128xf32, #tpu.memory_space<vmem_shared>>) offsets(%dma_start3A_496 : memref<64xi32, #tpu.memory_space<vmem>>) semaphore(%arg20 : memref<!tpu.dma_semaphore, #tpu.memory_space<semaphore_mem>>) {add = true}
      %dma_wait3A_500 = arith.constant 2 : i32
      %dma_wait3A_501 = arith.constant 8 : i32
      %dma_wait3A_502 = arith.constant 0 : i32
      %dma_wait3A_503 = arith.constant 0 : i32
      %dma_wait3A_504 = tpu.memref_slice %arg13[%dma_wait3A_500, %dma_wait3A_502, %dma_wait3A_503] : memref<3x64x128xf32, #tpu.memory_space<vmem>> -> memref<1x64x128xf32, #tpu.memory_space<vmem>>
      %dma_wait3A_505 = tpu.memref_squeeze %dma_wait3A_504 : memref<1x64x128xf32, #tpu.memory_space<vmem>> -> memref<64x128xf32, #tpu.memory_space<vmem>>
      %dma_wait3A_506 = arith.constant 0 : i32
      %dma_wait3A_507 = tpu.memref_slice %arg12[%dma_wait3A_501, %dma_wait3A_506] : memref<32x64xi32, #tpu.memory_space<vmem>> -> memref<1x64xi32, #tpu.memory_space<vmem>>
      %dma_wait3A_508 = tpu.memref_squeeze %dma_wait3A_507 : memref<1x64xi32, #tpu.memory_space<vmem>> -> memref<64xi32, #tpu.memory_space<vmem>>
      %dma_wait3A_509 = arith.constant 0 : i32
      %dma_wait3A_510 = arith.constant 0 : i32
      %dma_wait3A_511 = tpu.memref_slice %arg10[%dma_wait3A_509, %dma_wait3A_510] : memref<10240x128xf32, #tpu.memory_space<vmem_shared>> -> memref<10240x128xf32, #tpu.memory_space<vmem_shared>>
      tpu.wait_indirect_dma semaphore(%arg22 : memref<!tpu.dma_semaphore, #tpu.memory_space<semaphore_mem>>) src(%dma_wait3A_505 : memref<64x128xf32, #tpu.memory_space<vmem>>) dst(%dma_wait3A_511 : memref<10240x128xf32, #tpu.memory_space<vmem_shared>>)
      %dma_start3A_512 = arith.constant 11 : i32
      %dma_start3A_513 = arith.constant 2 : i32
      %dma_start3A_514 = arith.constant 0 : i32
      %dma_start3A_515 = arith.constant 0 : i32
      %dma_start3A_516 = tpu.memref_slice %arg13[%dma_start3A_513, %dma_start3A_514, %dma_start3A_515] : memref<3x64x128xf32, #tpu.memory_space<vmem>> -> memref<1x64x128xf32, #tpu.memory_space<vmem>>
      %dma_start3A_517 = tpu.memref_squeeze %dma_start3A_516 : memref<1x64x128xf32, #tpu.memory_space<vmem>> -> memref<64x128xf32, #tpu.memory_space<vmem>>
      %dma_start3A_518 = arith.constant 0 : i32
      %dma_start3A_519 = tpu.memref_slice %arg11[%dma_start3A_512, %dma_start3A_518] : memref<32x64xi32, #tpu.memory_space<vmem>> -> memref<1x64xi32, #tpu.memory_space<vmem>>
      %dma_start3A_520 = tpu.memref_squeeze %dma_start3A_519 : memref<1x64xi32, #tpu.memory_space<vmem>> -> memref<64xi32, #tpu.memory_space<vmem>>
      %dma_start3A_521 = arith.constant 0 : i32
      %dma_start3A_522 = arith.constant 0 : i32
      %dma_start3A_523 = tpu.memref_slice %arg2[%dma_start3A_521, %dma_start3A_522] : memref<10000x128xf32, #tpu.memory_space<hbm>> -> memref<10000x128xf32, #tpu.memory_space<hbm>>
      tpu.enqueue_indirect_dma source(%dma_start3A_523 : memref<10000x128xf32, #tpu.memory_space<hbm>>) target(%dma_start3A_517 : memref<64x128xf32, #tpu.memory_space<vmem>>) offsets(%dma_start3A_520 : memref<64xi32, #tpu.memory_space<vmem>>) semaphore(%arg19 : memref<!tpu.dma_semaphore, #tpu.memory_space<semaphore_mem>>)
      %dma_wait3A_524 = arith.constant 10 : i32
      %dma_wait3A_525 = arith.constant 1 : i32
      %dma_wait3A_526 = arith.constant 0 : i32
      %dma_wait3A_527 = arith.constant 0 : i32
      %dma_wait3A_528 = tpu.memref_slice %arg13[%dma_wait3A_525, %dma_wait3A_526, %dma_wait3A_527] : memref<3x64x128xf32, #tpu.memory_space<vmem>> -> memref<1x64x128xf32, #tpu.memory_space<vmem>>
      %dma_wait3A_529 = tpu.memref_squeeze %dma_wait3A_528 : memref<1x64x128xf32, #tpu.memory_space<vmem>> -> memref<64x128xf32, #tpu.memory_space<vmem>>
      %dma_wait3A_530 = arith.constant 0 : i32
      %dma_wait3A_531 = tpu.memref_slice %arg11[%dma_wait3A_524, %dma_wait3A_530] : memref<32x64xi32, #tpu.memory_space<vmem>> -> memref<1x64xi32, #tpu.memory_space<vmem>>
      %dma_wait3A_532 = tpu.memref_squeeze %dma_wait3A_531 : memref<1x64xi32, #tpu.memory_space<vmem>> -> memref<64xi32, #tpu.memory_space<vmem>>
      %dma_wait3A_533 = arith.constant 0 : i32
      %dma_wait3A_534 = arith.constant 0 : i32
      %dma_wait3A_535 = tpu.memref_slice %arg2[%dma_wait3A_533, %dma_wait3A_534] : memref<10000x128xf32, #tpu.memory_space<hbm>> -> memref<10000x128xf32, #tpu.memory_space<hbm>>
      tpu.wait_indirect_dma semaphore(%arg18 : memref<!tpu.dma_semaphore, #tpu.memory_space<semaphore_mem>>) src(%dma_wait3A_535 : memref<10000x128xf32, #tpu.memory_space<hbm>>) dst(%dma_wait3A_529 : memref<64x128xf32, #tpu.memory_space<vmem>>)
      %dma_start3A_536 = arith.constant 1 : i32
      %dma_start3A_537 = arith.constant 10 : i32
      %dma_start3A_538 = arith.constant 0 : i32
      %dma_start3A_539 = arith.constant 0 : i32
      %dma_start3A_540 = tpu.memref_slice %arg13[%dma_start3A_536, %dma_start3A_538, %dma_start3A_539] : memref<3x64x128xf32, #tpu.memory_space<vmem>> -> memref<1x64x128xf32, #tpu.memory_space<vmem>>
      %dma_start3A_541 = tpu.memref_squeeze %dma_start3A_540 : memref<1x64x128xf32, #tpu.memory_space<vmem>> -> memref<64x128xf32, #tpu.memory_space<vmem>>
      %dma_start3A_542 = arith.constant 0 : i32
      %dma_start3A_543 = tpu.memref_slice %arg12[%dma_start3A_537, %dma_start3A_542] : memref<32x64xi32, #tpu.memory_space<vmem>> -> memref<1x64xi32, #tpu.memory_space<vmem>>
      %dma_start3A_544 = tpu.memref_squeeze %dma_start3A_543 : memref<1x64xi32, #tpu.memory_space<vmem>> -> memref<64xi32, #tpu.memory_space<vmem>>
      %dma_start3A_545 = arith.constant 0 : i32
      %dma_start3A_546 = arith.constant 0 : i32
      %dma_start3A_547 = tpu.memref_slice %arg10[%dma_start3A_545, %dma_start3A_546] : memref<10240x128xf32, #tpu.memory_space<vmem_shared>> -> memref<10240x128xf32, #tpu.memory_space<vmem_shared>>
      tpu.enqueue_indirect_dma source(%dma_start3A_541 : memref<64x128xf32, #tpu.memory_space<vmem>>) target(%dma_start3A_547 : memref<10240x128xf32, #tpu.memory_space<vmem_shared>>) offsets(%dma_start3A_544 : memref<64xi32, #tpu.memory_space<vmem>>) semaphore(%arg21 : memref<!tpu.dma_semaphore, #tpu.memory_space<semaphore_mem>>) {add = true}
      %dma_wait3A_548 = arith.constant 0 : i32
      %dma_wait3A_549 = arith.constant 9 : i32
      %dma_wait3A_550 = arith.constant 0 : i32
      %dma_wait3A_551 = arith.constant 0 : i32
      %dma_wait3A_552 = tpu.memref_slice %arg13[%dma_wait3A_548, %dma_wait3A_550, %dma_wait3A_551] : memref<3x64x128xf32, #tpu.memory_space<vmem>> -> memref<1x64x128xf32, #tpu.memory_space<vmem>>
      %dma_wait3A_553 = tpu.memref_squeeze %dma_wait3A_552 : memref<1x64x128xf32, #tpu.memory_space<vmem>> -> memref<64x128xf32, #tpu.memory_space<vmem>>
      %dma_wait3A_554 = arith.constant 0 : i32
      %dma_wait3A_555 = tpu.memref_slice %arg12[%dma_wait3A_549, %dma_wait3A_554] : memref<32x64xi32, #tpu.memory_space<vmem>> -> memref<1x64xi32, #tpu.memory_space<vmem>>
      %dma_wait3A_556 = tpu.memref_squeeze %dma_wait3A_555 : memref<1x64xi32, #tpu.memory_space<vmem>> -> memref<64xi32, #tpu.memory_space<vmem>>
      %dma_wait3A_557 = arith.constant 0 : i32
      %dma_wait3A_558 = arith.constant 0 : i32
      %dma_wait3A_559 = tpu.memref_slice %arg10[%dma_wait3A_557, %dma_wait3A_558] : memref<10240x128xf32, #tpu.memory_space<vmem_shared>> -> memref<10240x128xf32, #tpu.memory_space<vmem_shared>>
      tpu.wait_indirect_dma semaphore(%arg20 : memref<!tpu.dma_semaphore, #tpu.memory_space<semaphore_mem>>) src(%dma_wait3A_553 : memref<64x128xf32, #tpu.memory_space<vmem>>) dst(%dma_wait3A_559 : memref<10240x128xf32, #tpu.memory_space<vmem_shared>>)
      %dma_start3A_560 = arith.constant 12 : i32
      %dma_start3A_561 = arith.constant 0 : i32
      %dma_start3A_562 = arith.constant 0 : i32
      %dma_start3A_563 = arith.constant 0 : i32
      %dma_start3A_564 = tpu.memref_slice %arg13[%dma_start3A_561, %dma_start3A_562, %dma_start3A_563] : memref<3x64x128xf32, #tpu.memory_space<vmem>> -> memref<1x64x128xf32, #tpu.memory_space<vmem>>
      %dma_start3A_565 = tpu.memref_squeeze %dma_start3A_564 : memref<1x64x128xf32, #tpu.memory_space<vmem>> -> memref<64x128xf32, #tpu.memory_space<vmem>>
      %dma_start3A_566 = arith.constant 0 : i32
      %dma_start3A_567 = tpu.memref_slice %arg11[%dma_start3A_560, %dma_start3A_566] : memref<32x64xi32, #tpu.memory_space<vmem>> -> memref<1x64xi32, #tpu.memory_space<vmem>>
      %dma_start3A_568 = tpu.memref_squeeze %dma_start3A_567 : memref<1x64xi32, #tpu.memory_space<vmem>> -> memref<64xi32, #tpu.memory_space<vmem>>
      %dma_start3A_569 = arith.constant 0 : i32
      %dma_start3A_570 = arith.constant 0 : i32
      %dma_start3A_571 = tpu.memref_slice %arg2[%dma_start3A_569, %dma_start3A_570] : memref<10000x128xf32, #tpu.memory_space<hbm>> -> memref<10000x128xf32, #tpu.memory_space<hbm>>
      tpu.enqueue_indirect_dma source(%dma_start3A_571 : memref<10000x128xf32, #tpu.memory_space<hbm>>) target(%dma_start3A_565 : memref<64x128xf32, #tpu.memory_space<vmem>>) offsets(%dma_start3A_568 : memref<64xi32, #tpu.memory_space<vmem>>) semaphore(%arg17 : memref<!tpu.dma_semaphore, #tpu.memory_space<semaphore_mem>>)
      %dma_wait3A_572 = arith.constant 11 : i32
      %dma_wait3A_573 = arith.constant 2 : i32
      %dma_wait3A_574 = arith.constant 0 : i32
      %dma_wait3A_575 = arith.constant 0 : i32
      %dma_wait3A_576 = tpu.memref_slice %arg13[%dma_wait3A_573, %dma_wait3A_574, %dma_wait3A_575] : memref<3x64x128xf32, #tpu.memory_space<vmem>> -> memref<1x64x128xf32, #tpu.memory_space<vmem>>
      %dma_wait3A_577 = tpu.memref_squeeze %dma_wait3A_576 : memref<1x64x128xf32, #tpu.memory_space<vmem>> -> memref<64x128xf32, #tpu.memory_space<vmem>>
      %dma_wait3A_578 = arith.constant 0 : i32
      %dma_wait3A_579 = tpu.memref_slice %arg11[%dma_wait3A_572, %dma_wait3A_578] : memref<32x64xi32, #tpu.memory_space<vmem>> -> memref<1x64xi32, #tpu.memory_space<vmem>>
      %dma_wait3A_580 = tpu.memref_squeeze %dma_wait3A_579 : memref<1x64xi32, #tpu.memory_space<vmem>> -> memref<64xi32, #tpu.memory_space<vmem>>
      %dma_wait3A_581 = arith.constant 0 : i32
      %dma_wait3A_582 = arith.constant 0 : i32
      %dma_wait3A_583 = tpu.memref_slice %arg2[%dma_wait3A_581, %dma_wait3A_582] : memref<10000x128xf32, #tpu.memory_space<hbm>> -> memref<10000x128xf32, #tpu.memory_space<hbm>>
      tpu.wait_indirect_dma semaphore(%arg19 : memref<!tpu.dma_semaphore, #tpu.memory_space<semaphore_mem>>) src(%dma_wait3A_583 : memref<10000x128xf32, #tpu.memory_space<hbm>>) dst(%dma_wait3A_577 : memref<64x128xf32, #tpu.memory_space<vmem>>)
      %dma_start3A_584 = arith.constant 2 : i32
      %dma_start3A_585 = arith.constant 11 : i32
      %dma_start3A_586 = arith.constant 0 : i32
      %dma_start3A_587 = arith.constant 0 : i32
      %dma_start3A_588 = tpu.memref_slice %arg13[%dma_start3A_584, %dma_start3A_586, %dma_start3A_587] : memref<3x64x128xf32, #tpu.memory_space<vmem>> -> memref<1x64x128xf32, #tpu.memory_space<vmem>>
      %dma_start3A_589 = tpu.memref_squeeze %dma_start3A_588 : memref<1x64x128xf32, #tpu.memory_space<vmem>> -> memref<64x128xf32, #tpu.memory_space<vmem>>
      %dma_start3A_590 = arith.constant 0 : i32
      %dma_start3A_591 = tpu.memref_slice %arg12[%dma_start3A_585, %dma_start3A_590] : memref<32x64xi32, #tpu.memory_space<vmem>> -> memref<1x64xi32, #tpu.memory_space<vmem>>
      %dma_start3A_592 = tpu.memref_squeeze %dma_start3A_591 : memref<1x64xi32, #tpu.memory_space<vmem>> -> memref<64xi32, #tpu.memory_space<vmem>>
      %dma_start3A_593 = arith.constant 0 : i32
      %dma_start3A_594 = arith.constant 0 : i32
      %dma_start3A_595 = tpu.memref_slice %arg10[%dma_start3A_593, %dma_start3A_594] : memref<10240x128xf32, #tpu.memory_space<vmem_shared>> -> memref<10240x128xf32, #tpu.memory_space<vmem_shared>>
      tpu.enqueue_indirect_dma source(%dma_start3A_589 : memref<64x128xf32, #tpu.memory_space<vmem>>) target(%dma_start3A_595 : memref<10240x128xf32, #tpu.memory_space<vmem_shared>>) offsets(%dma_start3A_592 : memref<64xi32, #tpu.memory_space<vmem>>) semaphore(%arg22 : memref<!tpu.dma_semaphore, #tpu.memory_space<semaphore_mem>>) {add = true}
      %dma_wait3A_596 = arith.constant 1 : i32
      %dma_wait3A_597 = arith.constant 10 : i32
      %dma_wait3A_598 = arith.constant 0 : i32
      %dma_wait3A_599 = arith.constant 0 : i32
      %dma_wait3A_600 = tpu.memref_slice %arg13[%dma_wait3A_596, %dma_wait3A_598, %dma_wait3A_599] : memref<3x64x128xf32, #tpu.memory_space<vmem>> -> memref<1x64x128xf32, #tpu.memory_space<vmem>>
      %dma_wait3A_601 = tpu.memref_squeeze %dma_wait3A_600 : memref<1x64x128xf32, #tpu.memory_space<vmem>> -> memref<64x128xf32, #tpu.memory_space<vmem>>
      %dma_wait3A_602 = arith.constant 0 : i32
      %dma_wait3A_603 = tpu.memref_slice %arg12[%dma_wait3A_597, %dma_wait3A_602] : memref<32x64xi32, #tpu.memory_space<vmem>> -> memref<1x64xi32, #tpu.memory_space<vmem>>
      %dma_wait3A_604 = tpu.memref_squeeze %dma_wait3A_603 : memref<1x64xi32, #tpu.memory_space<vmem>> -> memref<64xi32, #tpu.memory_space<vmem>>
      %dma_wait3A_605 = arith.constant 0 : i32
      %dma_wait3A_606 = arith.constant 0 : i32
      %dma_wait3A_607 = tpu.memref_slice %arg10[%dma_wait3A_605, %dma_wait3A_606] : memref<10240x128xf32, #tpu.memory_space<vmem_shared>> -> memref<10240x128xf32, #tpu.memory_space<vmem_shared>>
      tpu.wait_indirect_dma semaphore(%arg21 : memref<!tpu.dma_semaphore, #tpu.memory_space<semaphore_mem>>) src(%dma_wait3A_601 : memref<64x128xf32, #tpu.memory_space<vmem>>) dst(%dma_wait3A_607 : memref<10240x128xf32, #tpu.memory_space<vmem_shared>>)
      %dma_start3A_608 = arith.constant 13 : i32
      %dma_start3A_609 = arith.constant 1 : i32
      %dma_start3A_610 = arith.constant 0 : i32
      %dma_start3A_611 = arith.constant 0 : i32
      %dma_start3A_612 = tpu.memref_slice %arg13[%dma_start3A_609, %dma_start3A_610, %dma_start3A_611] : memref<3x64x128xf32, #tpu.memory_space<vmem>> -> memref<1x64x128xf32, #tpu.memory_space<vmem>>
      %dma_start3A_613 = tpu.memref_squeeze %dma_start3A_612 : memref<1x64x128xf32, #tpu.memory_space<vmem>> -> memref<64x128xf32, #tpu.memory_space<vmem>>
      %dma_start3A_614 = arith.constant 0 : i32
      %dma_start3A_615 = tpu.memref_slice %arg11[%dma_start3A_608, %dma_start3A_614] : memref<32x64xi32, #tpu.memory_space<vmem>> -> memref<1x64xi32, #tpu.memory_space<vmem>>
      %dma_start3A_616 = tpu.memref_squeeze %dma_start3A_615 : memref<1x64xi32, #tpu.memory_space<vmem>> -> memref<64xi32, #tpu.memory_space<vmem>>
      %dma_start3A_617 = arith.constant 0 : i32
      %dma_start3A_618 = arith.constant 0 : i32
      %dma_start3A_619 = tpu.memref_slice %arg2[%dma_start3A_617, %dma_start3A_618] : memref<10000x128xf32, #tpu.memory_space<hbm>> -> memref<10000x128xf32, #tpu.memory_space<hbm>>
      tpu.enqueue_indirect_dma source(%dma_start3A_619 : memref<10000x128xf32, #tpu.memory_space<hbm>>) target(%dma_start3A_613 : memref<64x128xf32, #tpu.memory_space<vmem>>) offsets(%dma_start3A_616 : memref<64xi32, #tpu.memory_space<vmem>>) semaphore(%arg18 : memref<!tpu.dma_semaphore, #tpu.memory_space<semaphore_mem>>)
      %dma_wait3A_620 = arith.constant 12 : i32
      %dma_wait3A_621 = arith.constant 0 : i32
      %dma_wait3A_622 = arith.constant 0 : i32
      %dma_wait3A_623 = arith.constant 0 : i32
      %dma_wait3A_624 = tpu.memref_slice %arg13[%dma_wait3A_621, %dma_wait3A_622, %dma_wait3A_623] : memref<3x64x128xf32, #tpu.memory_space<vmem>> -> memref<1x64x128xf32, #tpu.memory_space<vmem>>
      %dma_wait3A_625 = tpu.memref_squeeze %dma_wait3A_624 : memref<1x64x128xf32, #tpu.memory_space<vmem>> -> memref<64x128xf32, #tpu.memory_space<vmem>>
      %dma_wait3A_626 = arith.constant 0 : i32
      %dma_wait3A_627 = tpu.memref_slice %arg11[%dma_wait3A_620, %dma_wait3A_626] : memref<32x64xi32, #tpu.memory_space<vmem>> -> memref<1x64xi32, #tpu.memory_space<vmem>>
      %dma_wait3A_628 = tpu.memref_squeeze %dma_wait3A_627 : memref<1x64xi32, #tpu.memory_space<vmem>> -> memref<64xi32, #tpu.memory_space<vmem>>
      %dma_wait3A_629 = arith.constant 0 : i32
      %dma_wait3A_630 = arith.constant 0 : i32
      %dma_wait3A_631 = tpu.memref_slice %arg2[%dma_wait3A_629, %dma_wait3A_630] : memref<10000x128xf32, #tpu.memory_space<hbm>> -> memref<10000x128xf32, #tpu.memory_space<hbm>>
      tpu.wait_indirect_dma semaphore(%arg17 : memref<!tpu.dma_semaphore, #tpu.memory_space<semaphore_mem>>) src(%dma_wait3A_631 : memref<10000x128xf32, #tpu.memory_space<hbm>>) dst(%dma_wait3A_625 : memref<64x128xf32, #tpu.memory_space<vmem>>)
      %dma_start3A_632 = arith.constant 0 : i32
      %dma_start3A_633 = arith.constant 12 : i32
      %dma_start3A_634 = arith.constant 0 : i32
      %dma_start3A_635 = arith.constant 0 : i32
      %dma_start3A_636 = tpu.memref_slice %arg13[%dma_start3A_632, %dma_start3A_634, %dma_start3A_635] : memref<3x64x128xf32, #tpu.memory_space<vmem>> -> memref<1x64x128xf32, #tpu.memory_space<vmem>>
      %dma_start3A_637 = tpu.memref_squeeze %dma_start3A_636 : memref<1x64x128xf32, #tpu.memory_space<vmem>> -> memref<64x128xf32, #tpu.memory_space<vmem>>
      %dma_start3A_638 = arith.constant 0 : i32
      %dma_start3A_639 = tpu.memref_slice %arg12[%dma_start3A_633, %dma_start3A_638] : memref<32x64xi32, #tpu.memory_space<vmem>> -> memref<1x64xi32, #tpu.memory_space<vmem>>
      %dma_start3A_640 = tpu.memref_squeeze %dma_start3A_639 : memref<1x64xi32, #tpu.memory_space<vmem>> -> memref<64xi32, #tpu.memory_space<vmem>>
      %dma_start3A_641 = arith.constant 0 : i32
      %dma_start3A_642 = arith.constant 0 : i32
      %dma_start3A_643 = tpu.memref_slice %arg10[%dma_start3A_641, %dma_start3A_642] : memref<10240x128xf32, #tpu.memory_space<vmem_shared>> -> memref<10240x128xf32, #tpu.memory_space<vmem_shared>>
      tpu.enqueue_indirect_dma source(%dma_start3A_637 : memref<64x128xf32, #tpu.memory_space<vmem>>) target(%dma_start3A_643 : memref<10240x128xf32, #tpu.memory_space<vmem_shared>>) offsets(%dma_start3A_640 : memref<64xi32, #tpu.memory_space<vmem>>) semaphore(%arg20 : memref<!tpu.dma_semaphore, #tpu.memory_space<semaphore_mem>>) {add = true}
      %dma_wait3A_644 = arith.constant 2 : i32
      %dma_wait3A_645 = arith.constant 11 : i32
      %dma_wait3A_646 = arith.constant 0 : i32
      %dma_wait3A_647 = arith.constant 0 : i32
      %dma_wait3A_648 = tpu.memref_slice %arg13[%dma_wait3A_644, %dma_wait3A_646, %dma_wait3A_647] : memref<3x64x128xf32, #tpu.memory_space<vmem>> -> memref<1x64x128xf32, #tpu.memory_space<vmem>>
      %dma_wait3A_649 = tpu.memref_squeeze %dma_wait3A_648 : memref<1x64x128xf32, #tpu.memory_space<vmem>> -> memref<64x128xf32, #tpu.memory_space<vmem>>
      %dma_wait3A_650 = arith.constant 0 : i32
      %dma_wait3A_651 = tpu.memref_slice %arg12[%dma_wait3A_645, %dma_wait3A_650] : memref<32x64xi32, #tpu.memory_space<vmem>> -> memref<1x64xi32, #tpu.memory_space<vmem>>
      %dma_wait3A_652 = tpu.memref_squeeze %dma_wait3A_651 : memref<1x64xi32, #tpu.memory_space<vmem>> -> memref<64xi32, #tpu.memory_space<vmem>>
      %dma_wait3A_653 = arith.constant 0 : i32
      %dma_wait3A_654 = arith.constant 0 : i32
      %dma_wait3A_655 = tpu.memref_slice %arg10[%dma_wait3A_653, %dma_wait3A_654] : memref<10240x128xf32, #tpu.memory_space<vmem_shared>> -> memref<10240x128xf32, #tpu.memory_space<vmem_shared>>
      tpu.wait_indirect_dma semaphore(%arg22 : memref<!tpu.dma_semaphore, #tpu.memory_space<semaphore_mem>>) src(%dma_wait3A_649 : memref<64x128xf32, #tpu.memory_space<vmem>>) dst(%dma_wait3A_655 : memref<10240x128xf32, #tpu.memory_space<vmem_shared>>)
      %dma_start3A_656 = arith.constant 14 : i32
      %dma_start3A_657 = arith.constant 2 : i32
      %dma_start3A_658 = arith.constant 0 : i32
      %dma_start3A_659 = arith.constant 0 : i32
      %dma_start3A_660 = tpu.memref_slice %arg13[%dma_start3A_657, %dma_start3A_658, %dma_start3A_659] : memref<3x64x128xf32, #tpu.memory_space<vmem>> -> memref<1x64x128xf32, #tpu.memory_space<vmem>>
      %dma_start3A_661 = tpu.memref_squeeze %dma_start3A_660 : memref<1x64x128xf32, #tpu.memory_space<vmem>> -> memref<64x128xf32, #tpu.memory_space<vmem>>
      %dma_start3A_662 = arith.constant 0 : i32
      %dma_start3A_663 = tpu.memref_slice %arg11[%dma_start3A_656, %dma_start3A_662] : memref<32x64xi32, #tpu.memory_space<vmem>> -> memref<1x64xi32, #tpu.memory_space<vmem>>
      %dma_start3A_664 = tpu.memref_squeeze %dma_start3A_663 : memref<1x64xi32, #tpu.memory_space<vmem>> -> memref<64xi32, #tpu.memory_space<vmem>>
      %dma_start3A_665 = arith.constant 0 : i32
      %dma_start3A_666 = arith.constant 0 : i32
      %dma_start3A_667 = tpu.memref_slice %arg2[%dma_start3A_665, %dma_start3A_666] : memref<10000x128xf32, #tpu.memory_space<hbm>> -> memref<10000x128xf32, #tpu.memory_space<hbm>>
      tpu.enqueue_indirect_dma source(%dma_start3A_667 : memref<10000x128xf32, #tpu.memory_space<hbm>>) target(%dma_start3A_661 : memref<64x128xf32, #tpu.memory_space<vmem>>) offsets(%dma_start3A_664 : memref<64xi32, #tpu.memory_space<vmem>>) semaphore(%arg19 : memref<!tpu.dma_semaphore, #tpu.memory_space<semaphore_mem>>)
      %dma_wait3A_668 = arith.constant 13 : i32
      %dma_wait3A_669 = arith.constant 1 : i32
      %dma_wait3A_670 = arith.constant 0 : i32
      %dma_wait3A_671 = arith.constant 0 : i32
      %dma_wait3A_672 = tpu.memref_slice %arg13[%dma_wait3A_669, %dma_wait3A_670, %dma_wait3A_671] : memref<3x64x128xf32, #tpu.memory_space<vmem>> -> memref<1x64x128xf32, #tpu.memory_space<vmem>>
      %dma_wait3A_673 = tpu.memref_squeeze %dma_wait3A_672 : memref<1x64x128xf32, #tpu.memory_space<vmem>> -> memref<64x128xf32, #tpu.memory_space<vmem>>
      %dma_wait3A_674 = arith.constant 0 : i32
      %dma_wait3A_675 = tpu.memref_slice %arg11[%dma_wait3A_668, %dma_wait3A_674] : memref<32x64xi32, #tpu.memory_space<vmem>> -> memref<1x64xi32, #tpu.memory_space<vmem>>
      %dma_wait3A_676 = tpu.memref_squeeze %dma_wait3A_675 : memref<1x64xi32, #tpu.memory_space<vmem>> -> memref<64xi32, #tpu.memory_space<vmem>>
      %dma_wait3A_677 = arith.constant 0 : i32
      %dma_wait3A_678 = arith.constant 0 : i32
      %dma_wait3A_679 = tpu.memref_slice %arg2[%dma_wait3A_677, %dma_wait3A_678] : memref<10000x128xf32, #tpu.memory_space<hbm>> -> memref<10000x128xf32, #tpu.memory_space<hbm>>
      tpu.wait_indirect_dma semaphore(%arg18 : memref<!tpu.dma_semaphore, #tpu.memory_space<semaphore_mem>>) src(%dma_wait3A_679 : memref<10000x128xf32, #tpu.memory_space<hbm>>) dst(%dma_wait3A_673 : memref<64x128xf32, #tpu.memory_space<vmem>>)
      %dma_start3A_680 = arith.constant 1 : i32
      %dma_start3A_681 = arith.constant 13 : i32
      %dma_start3A_682 = arith.constant 0 : i32
      %dma_start3A_683 = arith.constant 0 : i32
      %dma_start3A_684 = tpu.memref_slice %arg13[%dma_start3A_680, %dma_start3A_682, %dma_start3A_683] : memref<3x64x128xf32, #tpu.memory_space<vmem>> -> memref<1x64x128xf32, #tpu.memory_space<vmem>>
      %dma_start3A_685 = tpu.memref_squeeze %dma_start3A_684 : memref<1x64x128xf32, #tpu.memory_space<vmem>> -> memref<64x128xf32, #tpu.memory_space<vmem>>
      %dma_start3A_686 = arith.constant 0 : i32
      %dma_start3A_687 = tpu.memref_slice %arg12[%dma_start3A_681, %dma_start3A_686] : memref<32x64xi32, #tpu.memory_space<vmem>> -> memref<1x64xi32, #tpu.memory_space<vmem>>
      %dma_start3A_688 = tpu.memref_squeeze %dma_start3A_687 : memref<1x64xi32, #tpu.memory_space<vmem>> -> memref<64xi32, #tpu.memory_space<vmem>>
      %dma_start3A_689 = arith.constant 0 : i32
      %dma_start3A_690 = arith.constant 0 : i32
      %dma_start3A_691 = tpu.memref_slice %arg10[%dma_start3A_689, %dma_start3A_690] : memref<10240x128xf32, #tpu.memory_space<vmem_shared>> -> memref<10240x128xf32, #tpu.memory_space<vmem_shared>>
      tpu.enqueue_indirect_dma source(%dma_start3A_685 : memref<64x128xf32, #tpu.memory_space<vmem>>) target(%dma_start3A_691 : memref<10240x128xf32, #tpu.memory_space<vmem_shared>>) offsets(%dma_start3A_688 : memref<64xi32, #tpu.memory_space<vmem>>) semaphore(%arg21 : memref<!tpu.dma_semaphore, #tpu.memory_space<semaphore_mem>>) {add = true}
      %dma_wait3A_692 = arith.constant 0 : i32
      %dma_wait3A_693 = arith.constant 12 : i32
      %dma_wait3A_694 = arith.constant 0 : i32
      %dma_wait3A_695 = arith.constant 0 : i32
      %dma_wait3A_696 = tpu.memref_slice %arg13[%dma_wait3A_692, %dma_wait3A_694, %dma_wait3A_695] : memref<3x64x128xf32, #tpu.memory_space<vmem>> -> memref<1x64x128xf32, #tpu.memory_space<vmem>>
      %dma_wait3A_697 = tpu.memref_squeeze %dma_wait3A_696 : memref<1x64x128xf32, #tpu.memory_space<vmem>> -> memref<64x128xf32, #tpu.memory_space<vmem>>
      %dma_wait3A_698 = arith.constant 0 : i32
      %dma_wait3A_699 = tpu.memref_slice %arg12[%dma_wait3A_693, %dma_wait3A_698] : memref<32x64xi32, #tpu.memory_space<vmem>> -> memref<1x64xi32, #tpu.memory_space<vmem>>
      %dma_wait3A_700 = tpu.memref_squeeze %dma_wait3A_699 : memref<1x64xi32, #tpu.memory_space<vmem>> -> memref<64xi32, #tpu.memory_space<vmem>>
      %dma_wait3A_701 = arith.constant 0 : i32
      %dma_wait3A_702 = arith.constant 0 : i32
      %dma_wait3A_703 = tpu.memref_slice %arg10[%dma_wait3A_701, %dma_wait3A_702] : memref<10240x128xf32, #tpu.memory_space<vmem_shared>> -> memref<10240x128xf32, #tpu.memory_space<vmem_shared>>
      tpu.wait_indirect_dma semaphore(%arg20 : memref<!tpu.dma_semaphore, #tpu.memory_space<semaphore_mem>>) src(%dma_wait3A_697 : memref<64x128xf32, #tpu.memory_space<vmem>>) dst(%dma_wait3A_703 : memref<10240x128xf32, #tpu.memory_space<vmem_shared>>)
      %dma_start3A_704 = arith.constant 15 : i32
      %dma_start3A_705 = arith.constant 0 : i32
      %dma_start3A_706 = arith.constant 0 : i32
      %dma_start3A_707 = arith.constant 0 : i32
      %dma_start3A_708 = tpu.memref_slice %arg13[%dma_start3A_705, %dma_start3A_706, %dma_start3A_707] : memref<3x64x128xf32, #tpu.memory_space<vmem>> -> memref<1x64x128xf32, #tpu.memory_space<vmem>>
      %dma_start3A_709 = tpu.memref_squeeze %dma_start3A_708 : memref<1x64x128xf32, #tpu.memory_space<vmem>> -> memref<64x128xf32, #tpu.memory_space<vmem>>
      %dma_start3A_710 = arith.constant 0 : i32
      %dma_start3A_711 = tpu.memref_slice %arg11[%dma_start3A_704, %dma_start3A_710] : memref<32x64xi32, #tpu.memory_space<vmem>> -> memref<1x64xi32, #tpu.memory_space<vmem>>
      %dma_start3A_712 = tpu.memref_squeeze %dma_start3A_711 : memref<1x64xi32, #tpu.memory_space<vmem>> -> memref<64xi32, #tpu.memory_space<vmem>>
      %dma_start3A_713 = arith.constant 0 : i32
      %dma_start3A_714 = arith.constant 0 : i32
      %dma_start3A_715 = tpu.memref_slice %arg2[%dma_start3A_713, %dma_start3A_714] : memref<10000x128xf32, #tpu.memory_space<hbm>> -> memref<10000x128xf32, #tpu.memory_space<hbm>>
      tpu.enqueue_indirect_dma source(%dma_start3A_715 : memref<10000x128xf32, #tpu.memory_space<hbm>>) target(%dma_start3A_709 : memref<64x128xf32, #tpu.memory_space<vmem>>) offsets(%dma_start3A_712 : memref<64xi32, #tpu.memory_space<vmem>>) semaphore(%arg17 : memref<!tpu.dma_semaphore, #tpu.memory_space<semaphore_mem>>)
      %dma_wait3A_716 = arith.constant 14 : i32
      %dma_wait3A_717 = arith.constant 2 : i32
      %dma_wait3A_718 = arith.constant 0 : i32
      %dma_wait3A_719 = arith.constant 0 : i32
      %dma_wait3A_720 = tpu.memref_slice %arg13[%dma_wait3A_717, %dma_wait3A_718, %dma_wait3A_719] : memref<3x64x128xf32, #tpu.memory_space<vmem>> -> memref<1x64x128xf32, #tpu.memory_space<vmem>>
      %dma_wait3A_721 = tpu.memref_squeeze %dma_wait3A_720 : memref<1x64x128xf32, #tpu.memory_space<vmem>> -> memref<64x128xf32, #tpu.memory_space<vmem>>
      %dma_wait3A_722 = arith.constant 0 : i32
      %dma_wait3A_723 = tpu.memref_slice %arg11[%dma_wait3A_716, %dma_wait3A_722] : memref<32x64xi32, #tpu.memory_space<vmem>> -> memref<1x64xi32, #tpu.memory_space<vmem>>
      %dma_wait3A_724 = tpu.memref_squeeze %dma_wait3A_723 : memref<1x64xi32, #tpu.memory_space<vmem>> -> memref<64xi32, #tpu.memory_space<vmem>>
      %dma_wait3A_725 = arith.constant 0 : i32
      %dma_wait3A_726 = arith.constant 0 : i32
      %dma_wait3A_727 = tpu.memref_slice %arg2[%dma_wait3A_725, %dma_wait3A_726] : memref<10000x128xf32, #tpu.memory_space<hbm>> -> memref<10000x128xf32, #tpu.memory_space<hbm>>
      tpu.wait_indirect_dma semaphore(%arg19 : memref<!tpu.dma_semaphore, #tpu.memory_space<semaphore_mem>>) src(%dma_wait3A_727 : memref<10000x128xf32, #tpu.memory_space<hbm>>) dst(%dma_wait3A_721 : memref<64x128xf32, #tpu.memory_space<vmem>>)
      %dma_start3A_728 = arith.constant 2 : i32
      %dma_start3A_729 = arith.constant 14 : i32
      %dma_start3A_730 = arith.constant 0 : i32
      %dma_start3A_731 = arith.constant 0 : i32
      %dma_start3A_732 = tpu.memref_slice %arg13[%dma_start3A_728, %dma_start3A_730, %dma_start3A_731] : memref<3x64x128xf32, #tpu.memory_space<vmem>> -> memref<1x64x128xf32, #tpu.memory_space<vmem>>
      %dma_start3A_733 = tpu.memref_squeeze %dma_start3A_732 : memref<1x64x128xf32, #tpu.memory_space<vmem>> -> memref<64x128xf32, #tpu.memory_space<vmem>>
      %dma_start3A_734 = arith.constant 0 : i32
      %dma_start3A_735 = tpu.memref_slice %arg12[%dma_start3A_729, %dma_start3A_734] : memref<32x64xi32, #tpu.memory_space<vmem>> -> memref<1x64xi32, #tpu.memory_space<vmem>>
      %dma_start3A_736 = tpu.memref_squeeze %dma_start3A_735 : memref<1x64xi32, #tpu.memory_space<vmem>> -> memref<64xi32, #tpu.memory_space<vmem>>
      %dma_start3A_737 = arith.constant 0 : i32
      %dma_start3A_738 = arith.constant 0 : i32
      %dma_start3A_739 = tpu.memref_slice %arg10[%dma_start3A_737, %dma_start3A_738] : memref<10240x128xf32, #tpu.memory_space<vmem_shared>> -> memref<10240x128xf32, #tpu.memory_space<vmem_shared>>
      tpu.enqueue_indirect_dma source(%dma_start3A_733 : memref<64x128xf32, #tpu.memory_space<vmem>>) target(%dma_start3A_739 : memref<10240x128xf32, #tpu.memory_space<vmem_shared>>) offsets(%dma_start3A_736 : memref<64xi32, #tpu.memory_space<vmem>>) semaphore(%arg22 : memref<!tpu.dma_semaphore, #tpu.memory_space<semaphore_mem>>) {add = true}
      %dma_wait3A_740 = arith.constant 1 : i32
      %dma_wait3A_741 = arith.constant 13 : i32
      %dma_wait3A_742 = arith.constant 0 : i32
      %dma_wait3A_743 = arith.constant 0 : i32
      %dma_wait3A_744 = tpu.memref_slice %arg13[%dma_wait3A_740, %dma_wait3A_742, %dma_wait3A_743] : memref<3x64x128xf32, #tpu.memory_space<vmem>> -> memref<1x64x128xf32, #tpu.memory_space<vmem>>
      %dma_wait3A_745 = tpu.memref_squeeze %dma_wait3A_744 : memref<1x64x128xf32, #tpu.memory_space<vmem>> -> memref<64x128xf32, #tpu.memory_space<vmem>>
      %dma_wait3A_746 = arith.constant 0 : i32
      %dma_wait3A_747 = tpu.memref_slice %arg12[%dma_wait3A_741, %dma_wait3A_746] : memref<32x64xi32, #tpu.memory_space<vmem>> -> memref<1x64xi32, #tpu.memory_space<vmem>>
      %dma_wait3A_748 = tpu.memref_squeeze %dma_wait3A_747 : memref<1x64xi32, #tpu.memory_space<vmem>> -> memref<64xi32, #tpu.memory_space<vmem>>
      %dma_wait3A_749 = arith.constant 0 : i32
      %dma_wait3A_750 = arith.constant 0 : i32
      %dma_wait3A_751 = tpu.memref_slice %arg10[%dma_wait3A_749, %dma_wait3A_750] : memref<10240x128xf32, #tpu.memory_space<vmem_shared>> -> memref<10240x128xf32, #tpu.memory_space<vmem_shared>>
      tpu.wait_indirect_dma semaphore(%arg21 : memref<!tpu.dma_semaphore, #tpu.memory_space<semaphore_mem>>) src(%dma_wait3A_745 : memref<64x128xf32, #tpu.memory_space<vmem>>) dst(%dma_wait3A_751 : memref<10240x128xf32, #tpu.memory_space<vmem_shared>>)
      %dma_start3A_752 = arith.constant 16 : i32
      %dma_start3A_753 = arith.constant 1 : i32
      %dma_start3A_754 = arith.constant 0 : i32
      %dma_start3A_755 = arith.constant 0 : i32
      %dma_start3A_756 = tpu.memref_slice %arg13[%dma_start3A_753, %dma_start3A_754, %dma_start3A_755] : memref<3x64x128xf32, #tpu.memory_space<vmem>> -> memref<1x64x128xf32, #tpu.memory_space<vmem>>
      %dma_start3A_757 = tpu.memref_squeeze %dma_start3A_756 : memref<1x64x128xf32, #tpu.memory_space<vmem>> -> memref<64x128xf32, #tpu.memory_space<vmem>>
      %dma_start3A_758 = arith.constant 0 : i32
      %dma_start3A_759 = tpu.memref_slice %arg11[%dma_start3A_752, %dma_start3A_758] : memref<32x64xi32, #tpu.memory_space<vmem>> -> memref<1x64xi32, #tpu.memory_space<vmem>>
      %dma_start3A_760 = tpu.memref_squeeze %dma_start3A_759 : memref<1x64xi32, #tpu.memory_space<vmem>> -> memref<64xi32, #tpu.memory_space<vmem>>
      %dma_start3A_761 = arith.constant 0 : i32
      %dma_start3A_762 = arith.constant 0 : i32
      %dma_start3A_763 = tpu.memref_slice %arg2[%dma_start3A_761, %dma_start3A_762] : memref<10000x128xf32, #tpu.memory_space<hbm>> -> memref<10000x128xf32, #tpu.memory_space<hbm>>
      tpu.enqueue_indirect_dma source(%dma_start3A_763 : memref<10000x128xf32, #tpu.memory_space<hbm>>) target(%dma_start3A_757 : memref<64x128xf32, #tpu.memory_space<vmem>>) offsets(%dma_start3A_760 : memref<64xi32, #tpu.memory_space<vmem>>) semaphore(%arg18 : memref<!tpu.dma_semaphore, #tpu.memory_space<semaphore_mem>>)
      %dma_wait3A_764 = arith.constant 15 : i32
      %dma_wait3A_765 = arith.constant 0 : i32
      %dma_wait3A_766 = arith.constant 0 : i32
      %dma_wait3A_767 = arith.constant 0 : i32
      %dma_wait3A_768 = tpu.memref_slice %arg13[%dma_wait3A_765, %dma_wait3A_766, %dma_wait3A_767] : memref<3x64x128xf32, #tpu.memory_space<vmem>> -> memref<1x64x128xf32, #tpu.memory_space<vmem>>
      %dma_wait3A_769 = tpu.memref_squeeze %dma_wait3A_768 : memref<1x64x128xf32, #tpu.memory_space<vmem>> -> memref<64x128xf32, #tpu.memory_space<vmem>>
      %dma_wait3A_770 = arith.constant 0 : i32
      %dma_wait3A_771 = tpu.memref_slice %arg11[%dma_wait3A_764, %dma_wait3A_770] : memref<32x64xi32, #tpu.memory_space<vmem>> -> memref<1x64xi32, #tpu.memory_space<vmem>>
      %dma_wait3A_772 = tpu.memref_squeeze %dma_wait3A_771 : memref<1x64xi32, #tpu.memory_space<vmem>> -> memref<64xi32, #tpu.memory_space<vmem>>
      %dma_wait3A_773 = arith.constant 0 : i32
      %dma_wait3A_774 = arith.constant 0 : i32
      %dma_wait3A_775 = tpu.memref_slice %arg2[%dma_wait3A_773, %dma_wait3A_774] : memref<10000x128xf32, #tpu.memory_space<hbm>> -> memref<10000x128xf32, #tpu.memory_space<hbm>>
      tpu.wait_indirect_dma semaphore(%arg17 : memref<!tpu.dma_semaphore, #tpu.memory_space<semaphore_mem>>) src(%dma_wait3A_775 : memref<10000x128xf32, #tpu.memory_space<hbm>>) dst(%dma_wait3A_769 : memref<64x128xf32, #tpu.memory_space<vmem>>)
      %dma_start3A_776 = arith.constant 0 : i32
      %dma_start3A_777 = arith.constant 15 : i32
      %dma_start3A_778 = arith.constant 0 : i32
      %dma_start3A_779 = arith.constant 0 : i32
      %dma_start3A_780 = tpu.memref_slice %arg13[%dma_start3A_776, %dma_start3A_778, %dma_start3A_779] : memref<3x64x128xf32, #tpu.memory_space<vmem>> -> memref<1x64x128xf32, #tpu.memory_space<vmem>>
      %dma_start3A_781 = tpu.memref_squeeze %dma_start3A_780 : memref<1x64x128xf32, #tpu.memory_space<vmem>> -> memref<64x128xf32, #tpu.memory_space<vmem>>
      %dma_start3A_782 = arith.constant 0 : i32
      %dma_start3A_783 = tpu.memref_slice %arg12[%dma_start3A_777, %dma_start3A_782] : memref<32x64xi32, #tpu.memory_space<vmem>> -> memref<1x64xi32, #tpu.memory_space<vmem>>
      %dma_start3A_784 = tpu.memref_squeeze %dma_start3A_783 : memref<1x64xi32, #tpu.memory_space<vmem>> -> memref<64xi32, #tpu.memory_space<vmem>>
      %dma_start3A_785 = arith.constant 0 : i32
      %dma_start3A_786 = arith.constant 0 : i32
      %dma_start3A_787 = tpu.memref_slice %arg10[%dma_start3A_785, %dma_start3A_786] : memref<10240x128xf32, #tpu.memory_space<vmem_shared>> -> memref<10240x128xf32, #tpu.memory_space<vmem_shared>>
      tpu.enqueue_indirect_dma source(%dma_start3A_781 : memref<64x128xf32, #tpu.memory_space<vmem>>) target(%dma_start3A_787 : memref<10240x128xf32, #tpu.memory_space<vmem_shared>>) offsets(%dma_start3A_784 : memref<64xi32, #tpu.memory_space<vmem>>) semaphore(%arg20 : memref<!tpu.dma_semaphore, #tpu.memory_space<semaphore_mem>>) {add = true}
      %dma_wait3A_788 = arith.constant 2 : i32
      %dma_wait3A_789 = arith.constant 14 : i32
      %dma_wait3A_790 = arith.constant 0 : i32
      %dma_wait3A_791 = arith.constant 0 : i32
      %dma_wait3A_792 = tpu.memref_slice %arg13[%dma_wait3A_788, %dma_wait3A_790, %dma_wait3A_791] : memref<3x64x128xf32, #tpu.memory_space<vmem>> -> memref<1x64x128xf32, #tpu.memory_space<vmem>>
      %dma_wait3A_793 = tpu.memref_squeeze %dma_wait3A_792 : memref<1x64x128xf32, #tpu.memory_space<vmem>> -> memref<64x128xf32, #tpu.memory_space<vmem>>
      %dma_wait3A_794 = arith.constant 0 : i32
      %dma_wait3A_795 = tpu.memref_slice %arg12[%dma_wait3A_789, %dma_wait3A_794] : memref<32x64xi32, #tpu.memory_space<vmem>> -> memref<1x64xi32, #tpu.memory_space<vmem>>
      %dma_wait3A_796 = tpu.memref_squeeze %dma_wait3A_795 : memref<1x64xi32, #tpu.memory_space<vmem>> -> memref<64xi32, #tpu.memory_space<vmem>>
      %dma_wait3A_797 = arith.constant 0 : i32
      %dma_wait3A_798 = arith.constant 0 : i32
      %dma_wait3A_799 = tpu.memref_slice %arg10[%dma_wait3A_797, %dma_wait3A_798] : memref<10240x128xf32, #tpu.memory_space<vmem_shared>> -> memref<10240x128xf32, #tpu.memory_space<vmem_shared>>
      tpu.wait_indirect_dma semaphore(%arg22 : memref<!tpu.dma_semaphore, #tpu.memory_space<semaphore_mem>>) src(%dma_wait3A_793 : memref<64x128xf32, #tpu.memory_space<vmem>>) dst(%dma_wait3A_799 : memref<10240x128xf32, #tpu.memory_space<vmem_shared>>)
      %dma_start3A_800 = arith.constant 17 : i32
      %dma_start3A_801 = arith.constant 2 : i32
      %dma_start3A_802 = arith.constant 0 : i32
      %dma_start3A_803 = arith.constant 0 : i32
      %dma_start3A_804 = tpu.memref_slice %arg13[%dma_start3A_801, %dma_start3A_802, %dma_start3A_803] : memref<3x64x128xf32, #tpu.memory_space<vmem>> -> memref<1x64x128xf32, #tpu.memory_space<vmem>>
      %dma_start3A_805 = tpu.memref_squeeze %dma_start3A_804 : memref<1x64x128xf32, #tpu.memory_space<vmem>> -> memref<64x128xf32, #tpu.memory_space<vmem>>
      %dma_start3A_806 = arith.constant 0 : i32
      %dma_start3A_807 = tpu.memref_slice %arg11[%dma_start3A_800, %dma_start3A_806] : memref<32x64xi32, #tpu.memory_space<vmem>> -> memref<1x64xi32, #tpu.memory_space<vmem>>
      %dma_start3A_808 = tpu.memref_squeeze %dma_start3A_807 : memref<1x64xi32, #tpu.memory_space<vmem>> -> memref<64xi32, #tpu.memory_space<vmem>>
      %dma_start3A_809 = arith.constant 0 : i32
      %dma_start3A_810 = arith.constant 0 : i32
      %dma_start3A_811 = tpu.memref_slice %arg2[%dma_start3A_809, %dma_start3A_810] : memref<10000x128xf32, #tpu.memory_space<hbm>> -> memref<10000x128xf32, #tpu.memory_space<hbm>>
      tpu.enqueue_indirect_dma source(%dma_start3A_811 : memref<10000x128xf32, #tpu.memory_space<hbm>>) target(%dma_start3A_805 : memref<64x128xf32, #tpu.memory_space<vmem>>) offsets(%dma_start3A_808 : memref<64xi32, #tpu.memory_space<vmem>>) semaphore(%arg19 : memref<!tpu.dma_semaphore, #tpu.memory_space<semaphore_mem>>)
      %dma_wait3A_812 = arith.constant 16 : i32
      %dma_wait3A_813 = arith.constant 1 : i32
      %dma_wait3A_814 = arith.constant 0 : i32
      %dma_wait3A_815 = arith.constant 0 : i32
      %dma_wait3A_816 = tpu.memref_slice %arg13[%dma_wait3A_813, %dma_wait3A_814, %dma_wait3A_815] : memref<3x64x128xf32, #tpu.memory_space<vmem>> -> memref<1x64x128xf32, #tpu.memory_space<vmem>>
      %dma_wait3A_817 = tpu.memref_squeeze %dma_wait3A_816 : memref<1x64x128xf32, #tpu.memory_space<vmem>> -> memref<64x128xf32, #tpu.memory_space<vmem>>
      %dma_wait3A_818 = arith.constant 0 : i32
      %dma_wait3A_819 = tpu.memref_slice %arg11[%dma_wait3A_812, %dma_wait3A_818] : memref<32x64xi32, #tpu.memory_space<vmem>> -> memref<1x64xi32, #tpu.memory_space<vmem>>
      %dma_wait3A_820 = tpu.memref_squeeze %dma_wait3A_819 : memref<1x64xi32, #tpu.memory_space<vmem>> -> memref<64xi32, #tpu.memory_space<vmem>>
      %dma_wait3A_821 = arith.constant 0 : i32
      %dma_wait3A_822 = arith.constant 0 : i32
      %dma_wait3A_823 = tpu.memref_slice %arg2[%dma_wait3A_821, %dma_wait3A_822] : memref<10000x128xf32, #tpu.memory_space<hbm>> -> memref<10000x128xf32, #tpu.memory_space<hbm>>
      tpu.wait_indirect_dma semaphore(%arg18 : memref<!tpu.dma_semaphore, #tpu.memory_space<semaphore_mem>>) src(%dma_wait3A_823 : memref<10000x128xf32, #tpu.memory_space<hbm>>) dst(%dma_wait3A_817 : memref<64x128xf32, #tpu.memory_space<vmem>>)
      %dma_start3A_824 = arith.constant 1 : i32
      %dma_start3A_825 = arith.constant 16 : i32
      %dma_start3A_826 = arith.constant 0 : i32
      %dma_start3A_827 = arith.constant 0 : i32
      %dma_start3A_828 = tpu.memref_slice %arg13[%dma_start3A_824, %dma_start3A_826, %dma_start3A_827] : memref<3x64x128xf32, #tpu.memory_space<vmem>> -> memref<1x64x128xf32, #tpu.memory_space<vmem>>
      %dma_start3A_829 = tpu.memref_squeeze %dma_start3A_828 : memref<1x64x128xf32, #tpu.memory_space<vmem>> -> memref<64x128xf32, #tpu.memory_space<vmem>>
      %dma_start3A_830 = arith.constant 0 : i32
      %dma_start3A_831 = tpu.memref_slice %arg12[%dma_start3A_825, %dma_start3A_830] : memref<32x64xi32, #tpu.memory_space<vmem>> -> memref<1x64xi32, #tpu.memory_space<vmem>>
      %dma_start3A_832 = tpu.memref_squeeze %dma_start3A_831 : memref<1x64xi32, #tpu.memory_space<vmem>> -> memref<64xi32, #tpu.memory_space<vmem>>
      %dma_start3A_833 = arith.constant 0 : i32
      %dma_start3A_834 = arith.constant 0 : i32
      %dma_start3A_835 = tpu.memref_slice %arg10[%dma_start3A_833, %dma_start3A_834] : memref<10240x128xf32, #tpu.memory_space<vmem_shared>> -> memref<10240x128xf32, #tpu.memory_space<vmem_shared>>
      tpu.enqueue_indirect_dma source(%dma_start3A_829 : memref<64x128xf32, #tpu.memory_space<vmem>>) target(%dma_start3A_835 : memref<10240x128xf32, #tpu.memory_space<vmem_shared>>) offsets(%dma_start3A_832 : memref<64xi32, #tpu.memory_space<vmem>>) semaphore(%arg21 : memref<!tpu.dma_semaphore, #tpu.memory_space<semaphore_mem>>) {add = true}
      %dma_wait3A_836 = arith.constant 0 : i32
      %dma_wait3A_837 = arith.constant 15 : i32
      %dma_wait3A_838 = arith.constant 0 : i32
      %dma_wait3A_839 = arith.constant 0 : i32
      %dma_wait3A_840 = tpu.memref_slice %arg13[%dma_wait3A_836, %dma_wait3A_838, %dma_wait3A_839] : memref<3x64x128xf32, #tpu.memory_space<vmem>> -> memref<1x64x128xf32, #tpu.memory_space<vmem>>
      %dma_wait3A_841 = tpu.memref_squeeze %dma_wait3A_840 : memref<1x64x128xf32, #tpu.memory_space<vmem>> -> memref<64x128xf32, #tpu.memory_space<vmem>>
      %dma_wait3A_842 = arith.constant 0 : i32
      %dma_wait3A_843 = tpu.memref_slice %arg12[%dma_wait3A_837, %dma_wait3A_842] : memref<32x64xi32, #tpu.memory_space<vmem>> -> memref<1x64xi32, #tpu.memory_space<vmem>>
      %dma_wait3A_844 = tpu.memref_squeeze %dma_wait3A_843 : memref<1x64xi32, #tpu.memory_space<vmem>> -> memref<64xi32, #tpu.memory_space<vmem>>
      %dma_wait3A_845 = arith.constant 0 : i32
      %dma_wait3A_846 = arith.constant 0 : i32
      %dma_wait3A_847 = tpu.memref_slice %arg10[%dma_wait3A_845, %dma_wait3A_846] : memref<10240x128xf32, #tpu.memory_space<vmem_shared>> -> memref<10240x128xf32, #tpu.memory_space<vmem_shared>>
      tpu.wait_indirect_dma semaphore(%arg20 : memref<!tpu.dma_semaphore, #tpu.memory_space<semaphore_mem>>) src(%dma_wait3A_841 : memref<64x128xf32, #tpu.memory_space<vmem>>) dst(%dma_wait3A_847 : memref<10240x128xf32, #tpu.memory_space<vmem_shared>>)
      %dma_start3A_848 = arith.constant 18 : i32
      %dma_start3A_849 = arith.constant 0 : i32
      %dma_start3A_850 = arith.constant 0 : i32
      %dma_start3A_851 = arith.constant 0 : i32
      %dma_start3A_852 = tpu.memref_slice %arg13[%dma_start3A_849, %dma_start3A_850, %dma_start3A_851] : memref<3x64x128xf32, #tpu.memory_space<vmem>> -> memref<1x64x128xf32, #tpu.memory_space<vmem>>
      %dma_start3A_853 = tpu.memref_squeeze %dma_start3A_852 : memref<1x64x128xf32, #tpu.memory_space<vmem>> -> memref<64x128xf32, #tpu.memory_space<vmem>>
      %dma_start3A_854 = arith.constant 0 : i32
      %dma_start3A_855 = tpu.memref_slice %arg11[%dma_start3A_848, %dma_start3A_854] : memref<32x64xi32, #tpu.memory_space<vmem>> -> memref<1x64xi32, #tpu.memory_space<vmem>>
      %dma_start3A_856 = tpu.memref_squeeze %dma_start3A_855 : memref<1x64xi32, #tpu.memory_space<vmem>> -> memref<64xi32, #tpu.memory_space<vmem>>
      %dma_start3A_857 = arith.constant 0 : i32
      %dma_start3A_858 = arith.constant 0 : i32
      %dma_start3A_859 = tpu.memref_slice %arg2[%dma_start3A_857, %dma_start3A_858] : memref<10000x128xf32, #tpu.memory_space<hbm>> -> memref<10000x128xf32, #tpu.memory_space<hbm>>
      tpu.enqueue_indirect_dma source(%dma_start3A_859 : memref<10000x128xf32, #tpu.memory_space<hbm>>) target(%dma_start3A_853 : memref<64x128xf32, #tpu.memory_space<vmem>>) offsets(%dma_start3A_856 : memref<64xi32, #tpu.memory_space<vmem>>) semaphore(%arg17 : memref<!tpu.dma_semaphore, #tpu.memory_space<semaphore_mem>>)
      %dma_wait3A_860 = arith.constant 17 : i32
      %dma_wait3A_861 = arith.constant 2 : i32
      %dma_wait3A_862 = arith.constant 0 : i32
      %dma_wait3A_863 = arith.constant 0 : i32
      %dma_wait3A_864 = tpu.memref_slice %arg13[%dma_wait3A_861, %dma_wait3A_862, %dma_wait3A_863] : memref<3x64x128xf32, #tpu.memory_space<vmem>> -> memref<1x64x128xf32, #tpu.memory_space<vmem>>
      %dma_wait3A_865 = tpu.memref_squeeze %dma_wait3A_864 : memref<1x64x128xf32, #tpu.memory_space<vmem>> -> memref<64x128xf32, #tpu.memory_space<vmem>>
      %dma_wait3A_866 = arith.constant 0 : i32
      %dma_wait3A_867 = tpu.memref_slice %arg11[%dma_wait3A_860, %dma_wait3A_866] : memref<32x64xi32, #tpu.memory_space<vmem>> -> memref<1x64xi32, #tpu.memory_space<vmem>>
      %dma_wait3A_868 = tpu.memref_squeeze %dma_wait3A_867 : memref<1x64xi32, #tpu.memory_space<vmem>> -> memref<64xi32, #tpu.memory_space<vmem>>
      %dma_wait3A_869 = arith.constant 0 : i32
      %dma_wait3A_870 = arith.constant 0 : i32
      %dma_wait3A_871 = tpu.memref_slice %arg2[%dma_wait3A_869, %dma_wait3A_870] : memref<10000x128xf32, #tpu.memory_space<hbm>> -> memref<10000x128xf32, #tpu.memory_space<hbm>>
      tpu.wait_indirect_dma semaphore(%arg19 : memref<!tpu.dma_semaphore, #tpu.memory_space<semaphore_mem>>) src(%dma_wait3A_871 : memref<10000x128xf32, #tpu.memory_space<hbm>>) dst(%dma_wait3A_865 : memref<64x128xf32, #tpu.memory_space<vmem>>)
      %dma_start3A_872 = arith.constant 2 : i32
      %dma_start3A_873 = arith.constant 17 : i32
      %dma_start3A_874 = arith.constant 0 : i32
      %dma_start3A_875 = arith.constant 0 : i32
      %dma_start3A_876 = tpu.memref_slice %arg13[%dma_start3A_872, %dma_start3A_874, %dma_start3A_875] : memref<3x64x128xf32, #tpu.memory_space<vmem>> -> memref<1x64x128xf32, #tpu.memory_space<vmem>>
      %dma_start3A_877 = tpu.memref_squeeze %dma_start3A_876 : memref<1x64x128xf32, #tpu.memory_space<vmem>> -> memref<64x128xf32, #tpu.memory_space<vmem>>
      %dma_start3A_878 = arith.constant 0 : i32
      %dma_start3A_879 = tpu.memref_slice %arg12[%dma_start3A_873, %dma_start3A_878] : memref<32x64xi32, #tpu.memory_space<vmem>> -> memref<1x64xi32, #tpu.memory_space<vmem>>
      %dma_start3A_880 = tpu.memref_squeeze %dma_start3A_879 : memref<1x64xi32, #tpu.memory_space<vmem>> -> memref<64xi32, #tpu.memory_space<vmem>>
      %dma_start3A_881 = arith.constant 0 : i32
      %dma_start3A_882 = arith.constant 0 : i32
      %dma_start3A_883 = tpu.memref_slice %arg10[%dma_start3A_881, %dma_start3A_882] : memref<10240x128xf32, #tpu.memory_space<vmem_shared>> -> memref<10240x128xf32, #tpu.memory_space<vmem_shared>>
      tpu.enqueue_indirect_dma source(%dma_start3A_877 : memref<64x128xf32, #tpu.memory_space<vmem>>) target(%dma_start3A_883 : memref<10240x128xf32, #tpu.memory_space<vmem_shared>>) offsets(%dma_start3A_880 : memref<64xi32, #tpu.memory_space<vmem>>) semaphore(%arg22 : memref<!tpu.dma_semaphore, #tpu.memory_space<semaphore_mem>>) {add = true}
      %dma_wait3A_884 = arith.constant 1 : i32
      %dma_wait3A_885 = arith.constant 16 : i32
      %dma_wait3A_886 = arith.constant 0 : i32
      %dma_wait3A_887 = arith.constant 0 : i32
      %dma_wait3A_888 = tpu.memref_slice %arg13[%dma_wait3A_884, %dma_wait3A_886, %dma_wait3A_887] : memref<3x64x128xf32, #tpu.memory_space<vmem>> -> memref<1x64x128xf32, #tpu.memory_space<vmem>>
      %dma_wait3A_889 = tpu.memref_squeeze %dma_wait3A_888 : memref<1x64x128xf32, #tpu.memory_space<vmem>> -> memref<64x128xf32, #tpu.memory_space<vmem>>
      %dma_wait3A_890 = arith.constant 0 : i32
      %dma_wait3A_891 = tpu.memref_slice %arg12[%dma_wait3A_885, %dma_wait3A_890] : memref<32x64xi32, #tpu.memory_space<vmem>> -> memref<1x64xi32, #tpu.memory_space<vmem>>
      %dma_wait3A_892 = tpu.memref_squeeze %dma_wait3A_891 : memref<1x64xi32, #tpu.memory_space<vmem>> -> memref<64xi32, #tpu.memory_space<vmem>>
      %dma_wait3A_893 = arith.constant 0 : i32
      %dma_wait3A_894 = arith.constant 0 : i32
      %dma_wait3A_895 = tpu.memref_slice %arg10[%dma_wait3A_893, %dma_wait3A_894] : memref<10240x128xf32, #tpu.memory_space<vmem_shared>> -> memref<10240x128xf32, #tpu.memory_space<vmem_shared>>
      tpu.wait_indirect_dma semaphore(%arg21 : memref<!tpu.dma_semaphore, #tpu.memory_space<semaphore_mem>>) src(%dma_wait3A_889 : memref<64x128xf32, #tpu.memory_space<vmem>>) dst(%dma_wait3A_895 : memref<10240x128xf32, #tpu.memory_space<vmem_shared>>)
      %dma_start3A_896 = arith.constant 19 : i32
      %dma_start3A_897 = arith.constant 1 : i32
      %dma_start3A_898 = arith.constant 0 : i32
      %dma_start3A_899 = arith.constant 0 : i32
      %dma_start3A_900 = tpu.memref_slice %arg13[%dma_start3A_897, %dma_start3A_898, %dma_start3A_899] : memref<3x64x128xf32, #tpu.memory_space<vmem>> -> memref<1x64x128xf32, #tpu.memory_space<vmem>>
      %dma_start3A_901 = tpu.memref_squeeze %dma_start3A_900 : memref<1x64x128xf32, #tpu.memory_space<vmem>> -> memref<64x128xf32, #tpu.memory_space<vmem>>
      %dma_start3A_902 = arith.constant 0 : i32
      %dma_start3A_903 = tpu.memref_slice %arg11[%dma_start3A_896, %dma_start3A_902] : memref<32x64xi32, #tpu.memory_space<vmem>> -> memref<1x64xi32, #tpu.memory_space<vmem>>
      %dma_start3A_904 = tpu.memref_squeeze %dma_start3A_903 : memref<1x64xi32, #tpu.memory_space<vmem>> -> memref<64xi32, #tpu.memory_space<vmem>>
      %dma_start3A_905 = arith.constant 0 : i32
      %dma_start3A_906 = arith.constant 0 : i32
      %dma_start3A_907 = tpu.memref_slice %arg2[%dma_start3A_905, %dma_start3A_906] : memref<10000x128xf32, #tpu.memory_space<hbm>> -> memref<10000x128xf32, #tpu.memory_space<hbm>>
      tpu.enqueue_indirect_dma source(%dma_start3A_907 : memref<10000x128xf32, #tpu.memory_space<hbm>>) target(%dma_start3A_901 : memref<64x128xf32, #tpu.memory_space<vmem>>) offsets(%dma_start3A_904 : memref<64xi32, #tpu.memory_space<vmem>>) semaphore(%arg18 : memref<!tpu.dma_semaphore, #tpu.memory_space<semaphore_mem>>)
      %dma_wait3A_908 = arith.constant 18 : i32
      %dma_wait3A_909 = arith.constant 0 : i32
      %dma_wait3A_910 = arith.constant 0 : i32
      %dma_wait3A_911 = arith.constant 0 : i32
      %dma_wait3A_912 = tpu.memref_slice %arg13[%dma_wait3A_909, %dma_wait3A_910, %dma_wait3A_911] : memref<3x64x128xf32, #tpu.memory_space<vmem>> -> memref<1x64x128xf32, #tpu.memory_space<vmem>>
      %dma_wait3A_913 = tpu.memref_squeeze %dma_wait3A_912 : memref<1x64x128xf32, #tpu.memory_space<vmem>> -> memref<64x128xf32, #tpu.memory_space<vmem>>
      %dma_wait3A_914 = arith.constant 0 : i32
      %dma_wait3A_915 = tpu.memref_slice %arg11[%dma_wait3A_908, %dma_wait3A_914] : memref<32x64xi32, #tpu.memory_space<vmem>> -> memref<1x64xi32, #tpu.memory_space<vmem>>
      %dma_wait3A_916 = tpu.memref_squeeze %dma_wait3A_915 : memref<1x64xi32, #tpu.memory_space<vmem>> -> memref<64xi32, #tpu.memory_space<vmem>>
      %dma_wait3A_917 = arith.constant 0 : i32
      %dma_wait3A_918 = arith.constant 0 : i32
      %dma_wait3A_919 = tpu.memref_slice %arg2[%dma_wait3A_917, %dma_wait3A_918] : memref<10000x128xf32, #tpu.memory_space<hbm>> -> memref<10000x128xf32, #tpu.memory_space<hbm>>
      tpu.wait_indirect_dma semaphore(%arg17 : memref<!tpu.dma_semaphore, #tpu.memory_space<semaphore_mem>>) src(%dma_wait3A_919 : memref<10000x128xf32, #tpu.memory_space<hbm>>) dst(%dma_wait3A_913 : memref<64x128xf32, #tpu.memory_space<vmem>>)
      %dma_start3A_920 = arith.constant 0 : i32
      %dma_start3A_921 = arith.constant 18 : i32
      %dma_start3A_922 = arith.constant 0 : i32
      %dma_start3A_923 = arith.constant 0 : i32
      %dma_start3A_924 = tpu.memref_slice %arg13[%dma_start3A_920, %dma_start3A_922, %dma_start3A_923] : memref<3x64x128xf32, #tpu.memory_space<vmem>> -> memref<1x64x128xf32, #tpu.memory_space<vmem>>
      %dma_start3A_925 = tpu.memref_squeeze %dma_start3A_924 : memref<1x64x128xf32, #tpu.memory_space<vmem>> -> memref<64x128xf32, #tpu.memory_space<vmem>>
      %dma_start3A_926 = arith.constant 0 : i32
      %dma_start3A_927 = tpu.memref_slice %arg12[%dma_start3A_921, %dma_start3A_926] : memref<32x64xi32, #tpu.memory_space<vmem>> -> memref<1x64xi32, #tpu.memory_space<vmem>>
      %dma_start3A_928 = tpu.memref_squeeze %dma_start3A_927 : memref<1x64xi32, #tpu.memory_space<vmem>> -> memref<64xi32, #tpu.memory_space<vmem>>
      %dma_start3A_929 = arith.constant 0 : i32
      %dma_start3A_930 = arith.constant 0 : i32
      %dma_start3A_931 = tpu.memref_slice %arg10[%dma_start3A_929, %dma_start3A_930] : memref<10240x128xf32, #tpu.memory_space<vmem_shared>> -> memref<10240x128xf32, #tpu.memory_space<vmem_shared>>
      tpu.enqueue_indirect_dma source(%dma_start3A_925 : memref<64x128xf32, #tpu.memory_space<vmem>>) target(%dma_start3A_931 : memref<10240x128xf32, #tpu.memory_space<vmem_shared>>) offsets(%dma_start3A_928 : memref<64xi32, #tpu.memory_space<vmem>>) semaphore(%arg20 : memref<!tpu.dma_semaphore, #tpu.memory_space<semaphore_mem>>) {add = true}
      %dma_wait3A_932 = arith.constant 2 : i32
      %dma_wait3A_933 = arith.constant 17 : i32
      %dma_wait3A_934 = arith.constant 0 : i32
      %dma_wait3A_935 = arith.constant 0 : i32
      %dma_wait3A_936 = tpu.memref_slice %arg13[%dma_wait3A_932, %dma_wait3A_934, %dma_wait3A_935] : memref<3x64x128xf32, #tpu.memory_space<vmem>> -> memref<1x64x128xf32, #tpu.memory_space<vmem>>
      %dma_wait3A_937 = tpu.memref_squeeze %dma_wait3A_936 : memref<1x64x128xf32, #tpu.memory_space<vmem>> -> memref<64x128xf32, #tpu.memory_space<vmem>>
      %dma_wait3A_938 = arith.constant 0 : i32
      %dma_wait3A_939 = tpu.memref_slice %arg12[%dma_wait3A_933, %dma_wait3A_938] : memref<32x64xi32, #tpu.memory_space<vmem>> -> memref<1x64xi32, #tpu.memory_space<vmem>>
      %dma_wait3A_940 = tpu.memref_squeeze %dma_wait3A_939 : memref<1x64xi32, #tpu.memory_space<vmem>> -> memref<64xi32, #tpu.memory_space<vmem>>
      %dma_wait3A_941 = arith.constant 0 : i32
      %dma_wait3A_942 = arith.constant 0 : i32
      %dma_wait3A_943 = tpu.memref_slice %arg10[%dma_wait3A_941, %dma_wait3A_942] : memref<10240x128xf32, #tpu.memory_space<vmem_shared>> -> memref<10240x128xf32, #tpu.memory_space<vmem_shared>>
      tpu.wait_indirect_dma semaphore(%arg22 : memref<!tpu.dma_semaphore, #tpu.memory_space<semaphore_mem>>) src(%dma_wait3A_937 : memref<64x128xf32, #tpu.memory_space<vmem>>) dst(%dma_wait3A_943 : memref<10240x128xf32, #tpu.memory_space<vmem_shared>>)
      %dma_start3A_944 = arith.constant 20 : i32
      %dma_start3A_945 = arith.constant 2 : i32
      %dma_start3A_946 = arith.constant 0 : i32
      %dma_start3A_947 = arith.constant 0 : i32
      %dma_start3A_948 = tpu.memref_slice %arg13[%dma_start3A_945, %dma_start3A_946, %dma_start3A_947] : memref<3x64x128xf32, #tpu.memory_space<vmem>> -> memref<1x64x128xf32, #tpu.memory_space<vmem>>
      %dma_start3A_949 = tpu.memref_squeeze %dma_start3A_948 : memref<1x64x128xf32, #tpu.memory_space<vmem>> -> memref<64x128xf32, #tpu.memory_space<vmem>>
      %dma_start3A_950 = arith.constant 0 : i32
      %dma_start3A_951 = tpu.memref_slice %arg11[%dma_start3A_944, %dma_start3A_950] : memref<32x64xi32, #tpu.memory_space<vmem>> -> memref<1x64xi32, #tpu.memory_space<vmem>>
      %dma_start3A_952 = tpu.memref_squeeze %dma_start3A_951 : memref<1x64xi32, #tpu.memory_space<vmem>> -> memref<64xi32, #tpu.memory_space<vmem>>
      %dma_start3A_953 = arith.constant 0 : i32
      %dma_start3A_954 = arith.constant 0 : i32
      %dma_start3A_955 = tpu.memref_slice %arg2[%dma_start3A_953, %dma_start3A_954] : memref<10000x128xf32, #tpu.memory_space<hbm>> -> memref<10000x128xf32, #tpu.memory_space<hbm>>
      tpu.enqueue_indirect_dma source(%dma_start3A_955 : memref<10000x128xf32, #tpu.memory_space<hbm>>) target(%dma_start3A_949 : memref<64x128xf32, #tpu.memory_space<vmem>>) offsets(%dma_start3A_952 : memref<64xi32, #tpu.memory_space<vmem>>) semaphore(%arg19 : memref<!tpu.dma_semaphore, #tpu.memory_space<semaphore_mem>>)
      %dma_wait3A_956 = arith.constant 19 : i32
      %dma_wait3A_957 = arith.constant 1 : i32
      %dma_wait3A_958 = arith.constant 0 : i32
      %dma_wait3A_959 = arith.constant 0 : i32
      %dma_wait3A_960 = tpu.memref_slice %arg13[%dma_wait3A_957, %dma_wait3A_958, %dma_wait3A_959] : memref<3x64x128xf32, #tpu.memory_space<vmem>> -> memref<1x64x128xf32, #tpu.memory_space<vmem>>
      %dma_wait3A_961 = tpu.memref_squeeze %dma_wait3A_960 : memref<1x64x128xf32, #tpu.memory_space<vmem>> -> memref<64x128xf32, #tpu.memory_space<vmem>>
      %dma_wait3A_962 = arith.constant 0 : i32
      %dma_wait3A_963 = tpu.memref_slice %arg11[%dma_wait3A_956, %dma_wait3A_962] : memref<32x64xi32, #tpu.memory_space<vmem>> -> memref<1x64xi32, #tpu.memory_space<vmem>>
      %dma_wait3A_964 = tpu.memref_squeeze %dma_wait3A_963 : memref<1x64xi32, #tpu.memory_space<vmem>> -> memref<64xi32, #tpu.memory_space<vmem>>
      %dma_wait3A_965 = arith.constant 0 : i32
      %dma_wait3A_966 = arith.constant 0 : i32
      %dma_wait3A_967 = tpu.memref_slice %arg2[%dma_wait3A_965, %dma_wait3A_966] : memref<10000x128xf32, #tpu.memory_space<hbm>> -> memref<10000x128xf32, #tpu.memory_space<hbm>>
      tpu.wait_indirect_dma semaphore(%arg18 : memref<!tpu.dma_semaphore, #tpu.memory_space<semaphore_mem>>) src(%dma_wait3A_967 : memref<10000x128xf32, #tpu.memory_space<hbm>>) dst(%dma_wait3A_961 : memref<64x128xf32, #tpu.memory_space<vmem>>)
      %dma_start3A_968 = arith.constant 1 : i32
      %dma_start3A_969 = arith.constant 19 : i32
      %dma_start3A_970 = arith.constant 0 : i32
      %dma_start3A_971 = arith.constant 0 : i32
      %dma_start3A_972 = tpu.memref_slice %arg13[%dma_start3A_968, %dma_start3A_970, %dma_start3A_971] : memref<3x64x128xf32, #tpu.memory_space<vmem>> -> memref<1x64x128xf32, #tpu.memory_space<vmem>>
      %dma_start3A_973 = tpu.memref_squeeze %dma_start3A_972 : memref<1x64x128xf32, #tpu.memory_space<vmem>> -> memref<64x128xf32, #tpu.memory_space<vmem>>
      %dma_start3A_974 = arith.constant 0 : i32
      %dma_start3A_975 = tpu.memref_slice %arg12[%dma_start3A_969, %dma_start3A_974] : memref<32x64xi32, #tpu.memory_space<vmem>> -> memref<1x64xi32, #tpu.memory_space<vmem>>
      %dma_start3A_976 = tpu.memref_squeeze %dma_start3A_975 : memref<1x64xi32, #tpu.memory_space<vmem>> -> memref<64xi32, #tpu.memory_space<vmem>>
      %dma_start3A_977 = arith.constant 0 : i32
      %dma_start3A_978 = arith.constant 0 : i32
      %dma_start3A_979 = tpu.memref_slice %arg10[%dma_start3A_977, %dma_start3A_978] : memref<10240x128xf32, #tpu.memory_space<vmem_shared>> -> memref<10240x128xf32, #tpu.memory_space<vmem_shared>>
      tpu.enqueue_indirect_dma source(%dma_start3A_973 : memref<64x128xf32, #tpu.memory_space<vmem>>) target(%dma_start3A_979 : memref<10240x128xf32, #tpu.memory_space<vmem_shared>>) offsets(%dma_start3A_976 : memref<64xi32, #tpu.memory_space<vmem>>) semaphore(%arg21 : memref<!tpu.dma_semaphore, #tpu.memory_space<semaphore_mem>>) {add = true}
      %dma_wait3A_980 = arith.constant 0 : i32
      %dma_wait3A_981 = arith.constant 18 : i32
      %dma_wait3A_982 = arith.constant 0 : i32
      %dma_wait3A_983 = arith.constant 0 : i32
      %dma_wait3A_984 = tpu.memref_slice %arg13[%dma_wait3A_980, %dma_wait3A_982, %dma_wait3A_983] : memref<3x64x128xf32, #tpu.memory_space<vmem>> -> memref<1x64x128xf32, #tpu.memory_space<vmem>>
      %dma_wait3A_985 = tpu.memref_squeeze %dma_wait3A_984 : memref<1x64x128xf32, #tpu.memory_space<vmem>> -> memref<64x128xf32, #tpu.memory_space<vmem>>
      %dma_wait3A_986 = arith.constant 0 : i32
      %dma_wait3A_987 = tpu.memref_slice %arg12[%dma_wait3A_981, %dma_wait3A_986] : memref<32x64xi32, #tpu.memory_space<vmem>> -> memref<1x64xi32, #tpu.memory_space<vmem>>
      %dma_wait3A_988 = tpu.memref_squeeze %dma_wait3A_987 : memref<1x64xi32, #tpu.memory_space<vmem>> -> memref<64xi32, #tpu.memory_space<vmem>>
      %dma_wait3A_989 = arith.constant 0 : i32
      %dma_wait3A_990 = arith.constant 0 : i32
      %dma_wait3A_991 = tpu.memref_slice %arg10[%dma_wait3A_989, %dma_wait3A_990] : memref<10240x128xf32, #tpu.memory_space<vmem_shared>> -> memref<10240x128xf32, #tpu.memory_space<vmem_shared>>
      tpu.wait_indirect_dma semaphore(%arg20 : memref<!tpu.dma_semaphore, #tpu.memory_space<semaphore_mem>>) src(%dma_wait3A_985 : memref<64x128xf32, #tpu.memory_space<vmem>>) dst(%dma_wait3A_991 : memref<10240x128xf32, #tpu.memory_space<vmem_shared>>)
      %dma_start3A_992 = arith.constant 21 : i32
      %dma_start3A_993 = arith.constant 0 : i32
      %dma_start3A_994 = arith.constant 0 : i32
      %dma_start3A_995 = arith.constant 0 : i32
      %dma_start3A_996 = tpu.memref_slice %arg13[%dma_start3A_993, %dma_start3A_994, %dma_start3A_995] : memref<3x64x128xf32, #tpu.memory_space<vmem>> -> memref<1x64x128xf32, #tpu.memory_space<vmem>>
      %dma_start3A_997 = tpu.memref_squeeze %dma_start3A_996 : memref<1x64x128xf32, #tpu.memory_space<vmem>> -> memref<64x128xf32, #tpu.memory_space<vmem>>
      %dma_start3A_998 = arith.constant 0 : i32
      %dma_start3A_999 = tpu.memref_slice %arg11[%dma_start3A_992, %dma_start3A_998] : memref<32x64xi32, #tpu.memory_space<vmem>> -> memref<1x64xi32, #tpu.memory_space<vmem>>
      %dma_start3A_1000 = tpu.memref_squeeze %dma_start3A_999 : memref<1x64xi32, #tpu.memory_space<vmem>> -> memref<64xi32, #tpu.memory_space<vmem>>
      %dma_start3A_1001 = arith.constant 0 : i32
      %dma_start3A_1002 = arith.constant 0 : i32
      %dma_start3A_1003 = tpu.memref_slice %arg2[%dma_start3A_1001, %dma_start3A_1002] : memref<10000x128xf32, #tpu.memory_space<hbm>> -> memref<10000x128xf32, #tpu.memory_space<hbm>>
      tpu.enqueue_indirect_dma source(%dma_start3A_1003 : memref<10000x128xf32, #tpu.memory_space<hbm>>) target(%dma_start3A_997 : memref<64x128xf32, #tpu.memory_space<vmem>>) offsets(%dma_start3A_1000 : memref<64xi32, #tpu.memory_space<vmem>>) semaphore(%arg17 : memref<!tpu.dma_semaphore, #tpu.memory_space<semaphore_mem>>)
      %dma_wait3A_1004 = arith.constant 20 : i32
      %dma_wait3A_1005 = arith.constant 2 : i32
      %dma_wait3A_1006 = arith.constant 0 : i32
      %dma_wait3A_1007 = arith.constant 0 : i32
      %dma_wait3A_1008 = tpu.memref_slice %arg13[%dma_wait3A_1005, %dma_wait3A_1006, %dma_wait3A_1007] : memref<3x64x128xf32, #tpu.memory_space<vmem>> -> memref<1x64x128xf32, #tpu.memory_space<vmem>>
      %dma_wait3A_1009 = tpu.memref_squeeze %dma_wait3A_1008 : memref<1x64x128xf32, #tpu.memory_space<vmem>> -> memref<64x128xf32, #tpu.memory_space<vmem>>
      %dma_wait3A_1010 = arith.constant 0 : i32
      %dma_wait3A_1011 = tpu.memref_slice %arg11[%dma_wait3A_1004, %dma_wait3A_1010] : memref<32x64xi32, #tpu.memory_space<vmem>> -> memref<1x64xi32, #tpu.memory_space<vmem>>
      %dma_wait3A_1012 = tpu.memref_squeeze %dma_wait3A_1011 : memref<1x64xi32, #tpu.memory_space<vmem>> -> memref<64xi32, #tpu.memory_space<vmem>>
      %dma_wait3A_1013 = arith.constant 0 : i32
      %dma_wait3A_1014 = arith.constant 0 : i32
      %dma_wait3A_1015 = tpu.memref_slice %arg2[%dma_wait3A_1013, %dma_wait3A_1014] : memref<10000x128xf32, #tpu.memory_space<hbm>> -> memref<10000x128xf32, #tpu.memory_space<hbm>>
      tpu.wait_indirect_dma semaphore(%arg19 : memref<!tpu.dma_semaphore, #tpu.memory_space<semaphore_mem>>) src(%dma_wait3A_1015 : memref<10000x128xf32, #tpu.memory_space<hbm>>) dst(%dma_wait3A_1009 : memref<64x128xf32, #tpu.memory_space<vmem>>)
      %dma_start3A_1016 = arith.constant 2 : i32
      %dma_start3A_1017 = arith.constant 20 : i32
      %dma_start3A_1018 = arith.constant 0 : i32
      %dma_start3A_1019 = arith.constant 0 : i32
      %dma_start3A_1020 = tpu.memref_slice %arg13[%dma_start3A_1016, %dma_start3A_1018, %dma_start3A_1019] : memref<3x64x128xf32, #tpu.memory_space<vmem>> -> memref<1x64x128xf32, #tpu.memory_space<vmem>>
      %dma_start3A_1021 = tpu.memref_squeeze %dma_start3A_1020 : memref<1x64x128xf32, #tpu.memory_space<vmem>> -> memref<64x128xf32, #tpu.memory_space<vmem>>
      %dma_start3A_1022 = arith.constant 0 : i32
      %dma_start3A_1023 = tpu.memref_slice %arg12[%dma_start3A_1017, %dma_start3A_1022] : memref<32x64xi32, #tpu.memory_space<vmem>> -> memref<1x64xi32, #tpu.memory_space<vmem>>
      %dma_start3A_1024 = tpu.memref_squeeze %dma_start3A_1023 : memref<1x64xi32, #tpu.memory_space<vmem>> -> memref<64xi32, #tpu.memory_space<vmem>>
      %dma_start3A_1025 = arith.constant 0 : i32
      %dma_start3A_1026 = arith.constant 0 : i32
      %dma_start3A_1027 = tpu.memref_slice %arg10[%dma_start3A_1025, %dma_start3A_1026] : memref<10240x128xf32, #tpu.memory_space<vmem_shared>> -> memref<10240x128xf32, #tpu.memory_space<vmem_shared>>
      tpu.enqueue_indirect_dma source(%dma_start3A_1021 : memref<64x128xf32, #tpu.memory_space<vmem>>) target(%dma_start3A_1027 : memref<10240x128xf32, #tpu.memory_space<vmem_shared>>) offsets(%dma_start3A_1024 : memref<64xi32, #tpu.memory_space<vmem>>) semaphore(%arg22 : memref<!tpu.dma_semaphore, #tpu.memory_space<semaphore_mem>>) {add = true}
      %dma_wait3A_1028 = arith.constant 1 : i32
      %dma_wait3A_1029 = arith.constant 19 : i32
      %dma_wait3A_1030 = arith.constant 0 : i32
      %dma_wait3A_1031 = arith.constant 0 : i32
      %dma_wait3A_1032 = tpu.memref_slice %arg13[%dma_wait3A_1028, %dma_wait3A_1030, %dma_wait3A_1031] : memref<3x64x128xf32, #tpu.memory_space<vmem>> -> memref<1x64x128xf32, #tpu.memory_space<vmem>>
      %dma_wait3A_1033 = tpu.memref_squeeze %dma_wait3A_1032 : memref<1x64x128xf32, #tpu.memory_space<vmem>> -> memref<64x128xf32, #tpu.memory_space<vmem>>
      %dma_wait3A_1034 = arith.constant 0 : i32
      %dma_wait3A_1035 = tpu.memref_slice %arg12[%dma_wait3A_1029, %dma_wait3A_1034] : memref<32x64xi32, #tpu.memory_space<vmem>> -> memref<1x64xi32, #tpu.memory_space<vmem>>
      %dma_wait3A_1036 = tpu.memref_squeeze %dma_wait3A_1035 : memref<1x64xi32, #tpu.memory_space<vmem>> -> memref<64xi32, #tpu.memory_space<vmem>>
      %dma_wait3A_1037 = arith.constant 0 : i32
      %dma_wait3A_1038 = arith.constant 0 : i32
      %dma_wait3A_1039 = tpu.memref_slice %arg10[%dma_wait3A_1037, %dma_wait3A_1038] : memref<10240x128xf32, #tpu.memory_space<vmem_shared>> -> memref<10240x128xf32, #tpu.memory_space<vmem_shared>>
      tpu.wait_indirect_dma semaphore(%arg21 : memref<!tpu.dma_semaphore, #tpu.memory_space<semaphore_mem>>) src(%dma_wait3A_1033 : memref<64x128xf32, #tpu.memory_space<vmem>>) dst(%dma_wait3A_1039 : memref<10240x128xf32, #tpu.memory_space<vmem_shared>>)
      %dma_start3A_1040 = arith.constant 22 : i32
      %dma_start3A_1041 = arith.constant 1 : i32
      %dma_start3A_1042 = arith.constant 0 : i32
      %dma_start3A_1043 = arith.constant 0 : i32
      %dma_start3A_1044 = tpu.memref_slice %arg13[%dma_start3A_1041, %dma_start3A_1042, %dma_start3A_1043] : memref<3x64x128xf32, #tpu.memory_space<vmem>> -> memref<1x64x128xf32, #tpu.memory_space<vmem>>
      %dma_start3A_1045 = tpu.memref_squeeze %dma_start3A_1044 : memref<1x64x128xf32, #tpu.memory_space<vmem>> -> memref<64x128xf32, #tpu.memory_space<vmem>>
      %dma_start3A_1046 = arith.constant 0 : i32
      %dma_start3A_1047 = tpu.memref_slice %arg11[%dma_start3A_1040, %dma_start3A_1046] : memref<32x64xi32, #tpu.memory_space<vmem>> -> memref<1x64xi32, #tpu.memory_space<vmem>>
      %dma_start3A_1048 = tpu.memref_squeeze %dma_start3A_1047 : memref<1x64xi32, #tpu.memory_space<vmem>> -> memref<64xi32, #tpu.memory_space<vmem>>
      %dma_start3A_1049 = arith.constant 0 : i32
      %dma_start3A_1050 = arith.constant 0 : i32
      %dma_start3A_1051 = tpu.memref_slice %arg2[%dma_start3A_1049, %dma_start3A_1050] : memref<10000x128xf32, #tpu.memory_space<hbm>> -> memref<10000x128xf32, #tpu.memory_space<hbm>>
      tpu.enqueue_indirect_dma source(%dma_start3A_1051 : memref<10000x128xf32, #tpu.memory_space<hbm>>) target(%dma_start3A_1045 : memref<64x128xf32, #tpu.memory_space<vmem>>) offsets(%dma_start3A_1048 : memref<64xi32, #tpu.memory_space<vmem>>) semaphore(%arg18 : memref<!tpu.dma_semaphore, #tpu.memory_space<semaphore_mem>>)
      %dma_wait3A_1052 = arith.constant 21 : i32
      %dma_wait3A_1053 = arith.constant 0 : i32
      %dma_wait3A_1054 = arith.constant 0 : i32
      %dma_wait3A_1055 = arith.constant 0 : i32
      %dma_wait3A_1056 = tpu.memref_slice %arg13[%dma_wait3A_1053, %dma_wait3A_1054, %dma_wait3A_1055] : memref<3x64x128xf32, #tpu.memory_space<vmem>> -> memref<1x64x128xf32, #tpu.memory_space<vmem>>
      %dma_wait3A_1057 = tpu.memref_squeeze %dma_wait3A_1056 : memref<1x64x128xf32, #tpu.memory_space<vmem>> -> memref<64x128xf32, #tpu.memory_space<vmem>>
      %dma_wait3A_1058 = arith.constant 0 : i32
      %dma_wait3A_1059 = tpu.memref_slice %arg11[%dma_wait3A_1052, %dma_wait3A_1058] : memref<32x64xi32, #tpu.memory_space<vmem>> -> memref<1x64xi32, #tpu.memory_space<vmem>>
      %dma_wait3A_1060 = tpu.memref_squeeze %dma_wait3A_1059 : memref<1x64xi32, #tpu.memory_space<vmem>> -> memref<64xi32, #tpu.memory_space<vmem>>
      %dma_wait3A_1061 = arith.constant 0 : i32
      %dma_wait3A_1062 = arith.constant 0 : i32
      %dma_wait3A_1063 = tpu.memref_slice %arg2[%dma_wait3A_1061, %dma_wait3A_1062] : memref<10000x128xf32, #tpu.memory_space<hbm>> -> memref<10000x128xf32, #tpu.memory_space<hbm>>
      tpu.wait_indirect_dma semaphore(%arg17 : memref<!tpu.dma_semaphore, #tpu.memory_space<semaphore_mem>>) src(%dma_wait3A_1063 : memref<10000x128xf32, #tpu.memory_space<hbm>>) dst(%dma_wait3A_1057 : memref<64x128xf32, #tpu.memory_space<vmem>>)
      %dma_start3A_1064 = arith.constant 0 : i32
      %dma_start3A_1065 = arith.constant 21 : i32
      %dma_start3A_1066 = arith.constant 0 : i32
      %dma_start3A_1067 = arith.constant 0 : i32
      %dma_start3A_1068 = tpu.memref_slice %arg13[%dma_start3A_1064, %dma_start3A_1066, %dma_start3A_1067] : memref<3x64x128xf32, #tpu.memory_space<vmem>> -> memref<1x64x128xf32, #tpu.memory_space<vmem>>
      %dma_start3A_1069 = tpu.memref_squeeze %dma_start3A_1068 : memref<1x64x128xf32, #tpu.memory_space<vmem>> -> memref<64x128xf32, #tpu.memory_space<vmem>>
      %dma_start3A_1070 = arith.constant 0 : i32
      %dma_start3A_1071 = tpu.memref_slice %arg12[%dma_start3A_1065, %dma_start3A_1070] : memref<32x64xi32, #tpu.memory_space<vmem>> -> memref<1x64xi32, #tpu.memory_space<vmem>>
      %dma_start3A_1072 = tpu.memref_squeeze %dma_start3A_1071 : memref<1x64xi32, #tpu.memory_space<vmem>> -> memref<64xi32, #tpu.memory_space<vmem>>
      %dma_start3A_1073 = arith.constant 0 : i32
      %dma_start3A_1074 = arith.constant 0 : i32
      %dma_start3A_1075 = tpu.memref_slice %arg10[%dma_start3A_1073, %dma_start3A_1074] : memref<10240x128xf32, #tpu.memory_space<vmem_shared>> -> memref<10240x128xf32, #tpu.memory_space<vmem_shared>>
      tpu.enqueue_indirect_dma source(%dma_start3A_1069 : memref<64x128xf32, #tpu.memory_space<vmem>>) target(%dma_start3A_1075 : memref<10240x128xf32, #tpu.memory_space<vmem_shared>>) offsets(%dma_start3A_1072 : memref<64xi32, #tpu.memory_space<vmem>>) semaphore(%arg20 : memref<!tpu.dma_semaphore, #tpu.memory_space<semaphore_mem>>) {add = true}
      %dma_wait3A_1076 = arith.constant 2 : i32
      %dma_wait3A_1077 = arith.constant 20 : i32
      %dma_wait3A_1078 = arith.constant 0 : i32
      %dma_wait3A_1079 = arith.constant 0 : i32
      %dma_wait3A_1080 = tpu.memref_slice %arg13[%dma_wait3A_1076, %dma_wait3A_1078, %dma_wait3A_1079] : memref<3x64x128xf32, #tpu.memory_space<vmem>> -> memref<1x64x128xf32, #tpu.memory_space<vmem>>
      %dma_wait3A_1081 = tpu.memref_squeeze %dma_wait3A_1080 : memref<1x64x128xf32, #tpu.memory_space<vmem>> -> memref<64x128xf32, #tpu.memory_space<vmem>>
      %dma_wait3A_1082 = arith.constant 0 : i32
      %dma_wait3A_1083 = tpu.memref_slice %arg12[%dma_wait3A_1077, %dma_wait3A_1082] : memref<32x64xi32, #tpu.memory_space<vmem>> -> memref<1x64xi32, #tpu.memory_space<vmem>>
      %dma_wait3A_1084 = tpu.memref_squeeze %dma_wait3A_1083 : memref<1x64xi32, #tpu.memory_space<vmem>> -> memref<64xi32, #tpu.memory_space<vmem>>
      %dma_wait3A_1085 = arith.constant 0 : i32
      %dma_wait3A_1086 = arith.constant 0 : i32
      %dma_wait3A_1087 = tpu.memref_slice %arg10[%dma_wait3A_1085, %dma_wait3A_1086] : memref<10240x128xf32, #tpu.memory_space<vmem_shared>> -> memref<10240x128xf32, #tpu.memory_space<vmem_shared>>
      tpu.wait_indirect_dma semaphore(%arg22 : memref<!tpu.dma_semaphore, #tpu.memory_space<semaphore_mem>>) src(%dma_wait3A_1081 : memref<64x128xf32, #tpu.memory_space<vmem>>) dst(%dma_wait3A_1087 : memref<10240x128xf32, #tpu.memory_space<vmem_shared>>)
      %dma_start3A_1088 = arith.constant 23 : i32
      %dma_start3A_1089 = arith.constant 2 : i32
      %dma_start3A_1090 = arith.constant 0 : i32
      %dma_start3A_1091 = arith.constant 0 : i32
      %dma_start3A_1092 = tpu.memref_slice %arg13[%dma_start3A_1089, %dma_start3A_1090, %dma_start3A_1091] : memref<3x64x128xf32, #tpu.memory_space<vmem>> -> memref<1x64x128xf32, #tpu.memory_space<vmem>>
      %dma_start3A_1093 = tpu.memref_squeeze %dma_start3A_1092 : memref<1x64x128xf32, #tpu.memory_space<vmem>> -> memref<64x128xf32, #tpu.memory_space<vmem>>
      %dma_start3A_1094 = arith.constant 0 : i32
      %dma_start3A_1095 = tpu.memref_slice %arg11[%dma_start3A_1088, %dma_start3A_1094] : memref<32x64xi32, #tpu.memory_space<vmem>> -> memref<1x64xi32, #tpu.memory_space<vmem>>
      %dma_start3A_1096 = tpu.memref_squeeze %dma_start3A_1095 : memref<1x64xi32, #tpu.memory_space<vmem>> -> memref<64xi32, #tpu.memory_space<vmem>>
      %dma_start3A_1097 = arith.constant 0 : i32
      %dma_start3A_1098 = arith.constant 0 : i32
      %dma_start3A_1099 = tpu.memref_slice %arg2[%dma_start3A_1097, %dma_start3A_1098] : memref<10000x128xf32, #tpu.memory_space<hbm>> -> memref<10000x128xf32, #tpu.memory_space<hbm>>
      tpu.enqueue_indirect_dma source(%dma_start3A_1099 : memref<10000x128xf32, #tpu.memory_space<hbm>>) target(%dma_start3A_1093 : memref<64x128xf32, #tpu.memory_space<vmem>>) offsets(%dma_start3A_1096 : memref<64xi32, #tpu.memory_space<vmem>>) semaphore(%arg19 : memref<!tpu.dma_semaphore, #tpu.memory_space<semaphore_mem>>)
      %dma_wait3A_1100 = arith.constant 22 : i32
      %dma_wait3A_1101 = arith.constant 1 : i32
      %dma_wait3A_1102 = arith.constant 0 : i32
      %dma_wait3A_1103 = arith.constant 0 : i32
      %dma_wait3A_1104 = tpu.memref_slice %arg13[%dma_wait3A_1101, %dma_wait3A_1102, %dma_wait3A_1103] : memref<3x64x128xf32, #tpu.memory_space<vmem>> -> memref<1x64x128xf32, #tpu.memory_space<vmem>>
      %dma_wait3A_1105 = tpu.memref_squeeze %dma_wait3A_1104 : memref<1x64x128xf32, #tpu.memory_space<vmem>> -> memref<64x128xf32, #tpu.memory_space<vmem>>
      %dma_wait3A_1106 = arith.constant 0 : i32
      %dma_wait3A_1107 = tpu.memref_slice %arg11[%dma_wait3A_1100, %dma_wait3A_1106] : memref<32x64xi32, #tpu.memory_space<vmem>> -> memref<1x64xi32, #tpu.memory_space<vmem>>
      %dma_wait3A_1108 = tpu.memref_squeeze %dma_wait3A_1107 : memref<1x64xi32, #tpu.memory_space<vmem>> -> memref<64xi32, #tpu.memory_space<vmem>>
      %dma_wait3A_1109 = arith.constant 0 : i32
      %dma_wait3A_1110 = arith.constant 0 : i32
      %dma_wait3A_1111 = tpu.memref_slice %arg2[%dma_wait3A_1109, %dma_wait3A_1110] : memref<10000x128xf32, #tpu.memory_space<hbm>> -> memref<10000x128xf32, #tpu.memory_space<hbm>>
      tpu.wait_indirect_dma semaphore(%arg18 : memref<!tpu.dma_semaphore, #tpu.memory_space<semaphore_mem>>) src(%dma_wait3A_1111 : memref<10000x128xf32, #tpu.memory_space<hbm>>) dst(%dma_wait3A_1105 : memref<64x128xf32, #tpu.memory_space<vmem>>)
      %dma_start3A_1112 = arith.constant 1 : i32
      %dma_start3A_1113 = arith.constant 22 : i32
      %dma_start3A_1114 = arith.constant 0 : i32
      %dma_start3A_1115 = arith.constant 0 : i32
      %dma_start3A_1116 = tpu.memref_slice %arg13[%dma_start3A_1112, %dma_start3A_1114, %dma_start3A_1115] : memref<3x64x128xf32, #tpu.memory_space<vmem>> -> memref<1x64x128xf32, #tpu.memory_space<vmem>>
      %dma_start3A_1117 = tpu.memref_squeeze %dma_start3A_1116 : memref<1x64x128xf32, #tpu.memory_space<vmem>> -> memref<64x128xf32, #tpu.memory_space<vmem>>
      %dma_start3A_1118 = arith.constant 0 : i32
      %dma_start3A_1119 = tpu.memref_slice %arg12[%dma_start3A_1113, %dma_start3A_1118] : memref<32x64xi32, #tpu.memory_space<vmem>> -> memref<1x64xi32, #tpu.memory_space<vmem>>
      %dma_start3A_1120 = tpu.memref_squeeze %dma_start3A_1119 : memref<1x64xi32, #tpu.memory_space<vmem>> -> memref<64xi32, #tpu.memory_space<vmem>>
      %dma_start3A_1121 = arith.constant 0 : i32
      %dma_start3A_1122 = arith.constant 0 : i32
      %dma_start3A_1123 = tpu.memref_slice %arg10[%dma_start3A_1121, %dma_start3A_1122] : memref<10240x128xf32, #tpu.memory_space<vmem_shared>> -> memref<10240x128xf32, #tpu.memory_space<vmem_shared>>
      tpu.enqueue_indirect_dma source(%dma_start3A_1117 : memref<64x128xf32, #tpu.memory_space<vmem>>) target(%dma_start3A_1123 : memref<10240x128xf32, #tpu.memory_space<vmem_shared>>) offsets(%dma_start3A_1120 : memref<64xi32, #tpu.memory_space<vmem>>) semaphore(%arg21 : memref<!tpu.dma_semaphore, #tpu.memory_space<semaphore_mem>>) {add = true}
      %dma_wait3A_1124 = arith.constant 0 : i32
      %dma_wait3A_1125 = arith.constant 21 : i32
      %dma_wait3A_1126 = arith.constant 0 : i32
      %dma_wait3A_1127 = arith.constant 0 : i32
      %dma_wait3A_1128 = tpu.memref_slice %arg13[%dma_wait3A_1124, %dma_wait3A_1126, %dma_wait3A_1127] : memref<3x64x128xf32, #tpu.memory_space<vmem>> -> memref<1x64x128xf32, #tpu.memory_space<vmem>>
      %dma_wait3A_1129 = tpu.memref_squeeze %dma_wait3A_1128 : memref<1x64x128xf32, #tpu.memory_space<vmem>> -> memref<64x128xf32, #tpu.memory_space<vmem>>
      %dma_wait3A_1130 = arith.constant 0 : i32
      %dma_wait3A_1131 = tpu.memref_slice %arg12[%dma_wait3A_1125, %dma_wait3A_1130] : memref<32x64xi32, #tpu.memory_space<vmem>> -> memref<1x64xi32, #tpu.memory_space<vmem>>
      %dma_wait3A_1132 = tpu.memref_squeeze %dma_wait3A_1131 : memref<1x64xi32, #tpu.memory_space<vmem>> -> memref<64xi32, #tpu.memory_space<vmem>>
      %dma_wait3A_1133 = arith.constant 0 : i32
      %dma_wait3A_1134 = arith.constant 0 : i32
      %dma_wait3A_1135 = tpu.memref_slice %arg10[%dma_wait3A_1133, %dma_wait3A_1134] : memref<10240x128xf32, #tpu.memory_space<vmem_shared>> -> memref<10240x128xf32, #tpu.memory_space<vmem_shared>>
      tpu.wait_indirect_dma semaphore(%arg20 : memref<!tpu.dma_semaphore, #tpu.memory_space<semaphore_mem>>) src(%dma_wait3A_1129 : memref<64x128xf32, #tpu.memory_space<vmem>>) dst(%dma_wait3A_1135 : memref<10240x128xf32, #tpu.memory_space<vmem_shared>>)
      %dma_start3A_1136 = arith.constant 24 : i32
      %dma_start3A_1137 = arith.constant 0 : i32
      %dma_start3A_1138 = arith.constant 0 : i32
      %dma_start3A_1139 = arith.constant 0 : i32
      %dma_start3A_1140 = tpu.memref_slice %arg13[%dma_start3A_1137, %dma_start3A_1138, %dma_start3A_1139] : memref<3x64x128xf32, #tpu.memory_space<vmem>> -> memref<1x64x128xf32, #tpu.memory_space<vmem>>
      %dma_start3A_1141 = tpu.memref_squeeze %dma_start3A_1140 : memref<1x64x128xf32, #tpu.memory_space<vmem>> -> memref<64x128xf32, #tpu.memory_space<vmem>>
      %dma_start3A_1142 = arith.constant 0 : i32
      %dma_start3A_1143 = tpu.memref_slice %arg11[%dma_start3A_1136, %dma_start3A_1142] : memref<32x64xi32, #tpu.memory_space<vmem>> -> memref<1x64xi32, #tpu.memory_space<vmem>>
      %dma_start3A_1144 = tpu.memref_squeeze %dma_start3A_1143 : memref<1x64xi32, #tpu.memory_space<vmem>> -> memref<64xi32, #tpu.memory_space<vmem>>
      %dma_start3A_1145 = arith.constant 0 : i32
      %dma_start3A_1146 = arith.constant 0 : i32
      %dma_start3A_1147 = tpu.memref_slice %arg2[%dma_start3A_1145, %dma_start3A_1146] : memref<10000x128xf32, #tpu.memory_space<hbm>> -> memref<10000x128xf32, #tpu.memory_space<hbm>>
      tpu.enqueue_indirect_dma source(%dma_start3A_1147 : memref<10000x128xf32, #tpu.memory_space<hbm>>) target(%dma_start3A_1141 : memref<64x128xf32, #tpu.memory_space<vmem>>) offsets(%dma_start3A_1144 : memref<64xi32, #tpu.memory_space<vmem>>) semaphore(%arg17 : memref<!tpu.dma_semaphore, #tpu.memory_space<semaphore_mem>>)
      %dma_wait3A_1148 = arith.constant 23 : i32
      %dma_wait3A_1149 = arith.constant 2 : i32
      %dma_wait3A_1150 = arith.constant 0 : i32
      %dma_wait3A_1151 = arith.constant 0 : i32
      %dma_wait3A_1152 = tpu.memref_slice %arg13[%dma_wait3A_1149, %dma_wait3A_1150, %dma_wait3A_1151] : memref<3x64x128xf32, #tpu.memory_space<vmem>> -> memref<1x64x128xf32, #tpu.memory_space<vmem>>
      %dma_wait3A_1153 = tpu.memref_squeeze %dma_wait3A_1152 : memref<1x64x128xf32, #tpu.memory_space<vmem>> -> memref<64x128xf32, #tpu.memory_space<vmem>>
      %dma_wait3A_1154 = arith.constant 0 : i32
      %dma_wait3A_1155 = tpu.memref_slice %arg11[%dma_wait3A_1148, %dma_wait3A_1154] : memref<32x64xi32, #tpu.memory_space<vmem>> -> memref<1x64xi32, #tpu.memory_space<vmem>>
      %dma_wait3A_1156 = tpu.memref_squeeze %dma_wait3A_1155 : memref<1x64xi32, #tpu.memory_space<vmem>> -> memref<64xi32, #tpu.memory_space<vmem>>
      %dma_wait3A_1157 = arith.constant 0 : i32
      %dma_wait3A_1158 = arith.constant 0 : i32
      %dma_wait3A_1159 = tpu.memref_slice %arg2[%dma_wait3A_1157, %dma_wait3A_1158] : memref<10000x128xf32, #tpu.memory_space<hbm>> -> memref<10000x128xf32, #tpu.memory_space<hbm>>
      tpu.wait_indirect_dma semaphore(%arg19 : memref<!tpu.dma_semaphore, #tpu.memory_space<semaphore_mem>>) src(%dma_wait3A_1159 : memref<10000x128xf32, #tpu.memory_space<hbm>>) dst(%dma_wait3A_1153 : memref<64x128xf32, #tpu.memory_space<vmem>>)
      %dma_start3A_1160 = arith.constant 2 : i32
      %dma_start3A_1161 = arith.constant 23 : i32
      %dma_start3A_1162 = arith.constant 0 : i32
      %dma_start3A_1163 = arith.constant 0 : i32
      %dma_start3A_1164 = tpu.memref_slice %arg13[%dma_start3A_1160, %dma_start3A_1162, %dma_start3A_1163] : memref<3x64x128xf32, #tpu.memory_space<vmem>> -> memref<1x64x128xf32, #tpu.memory_space<vmem>>
      %dma_start3A_1165 = tpu.memref_squeeze %dma_start3A_1164 : memref<1x64x128xf32, #tpu.memory_space<vmem>> -> memref<64x128xf32, #tpu.memory_space<vmem>>
      %dma_start3A_1166 = arith.constant 0 : i32
      %dma_start3A_1167 = tpu.memref_slice %arg12[%dma_start3A_1161, %dma_start3A_1166] : memref<32x64xi32, #tpu.memory_space<vmem>> -> memref<1x64xi32, #tpu.memory_space<vmem>>
      %dma_start3A_1168 = tpu.memref_squeeze %dma_start3A_1167 : memref<1x64xi32, #tpu.memory_space<vmem>> -> memref<64xi32, #tpu.memory_space<vmem>>
      %dma_start3A_1169 = arith.constant 0 : i32
      %dma_start3A_1170 = arith.constant 0 : i32
      %dma_start3A_1171 = tpu.memref_slice %arg10[%dma_start3A_1169, %dma_start3A_1170] : memref<10240x128xf32, #tpu.memory_space<vmem_shared>> -> memref<10240x128xf32, #tpu.memory_space<vmem_shared>>
      tpu.enqueue_indirect_dma source(%dma_start3A_1165 : memref<64x128xf32, #tpu.memory_space<vmem>>) target(%dma_start3A_1171 : memref<10240x128xf32, #tpu.memory_space<vmem_shared>>) offsets(%dma_start3A_1168 : memref<64xi32, #tpu.memory_space<vmem>>) semaphore(%arg22 : memref<!tpu.dma_semaphore, #tpu.memory_space<semaphore_mem>>) {add = true}
      %dma_wait3A_1172 = arith.constant 1 : i32
      %dma_wait3A_1173 = arith.constant 22 : i32
      %dma_wait3A_1174 = arith.constant 0 : i32
      %dma_wait3A_1175 = arith.constant 0 : i32
      %dma_wait3A_1176 = tpu.memref_slice %arg13[%dma_wait3A_1172, %dma_wait3A_1174, %dma_wait3A_1175] : memref<3x64x128xf32, #tpu.memory_space<vmem>> -> memref<1x64x128xf32, #tpu.memory_space<vmem>>
      %dma_wait3A_1177 = tpu.memref_squeeze %dma_wait3A_1176 : memref<1x64x128xf32, #tpu.memory_space<vmem>> -> memref<64x128xf32, #tpu.memory_space<vmem>>
      %dma_wait3A_1178 = arith.constant 0 : i32
      %dma_wait3A_1179 = tpu.memref_slice %arg12[%dma_wait3A_1173, %dma_wait3A_1178] : memref<32x64xi32, #tpu.memory_space<vmem>> -> memref<1x64xi32, #tpu.memory_space<vmem>>
      %dma_wait3A_1180 = tpu.memref_squeeze %dma_wait3A_1179 : memref<1x64xi32, #tpu.memory_space<vmem>> -> memref<64xi32, #tpu.memory_space<vmem>>
      %dma_wait3A_1181 = arith.constant 0 : i32
      %dma_wait3A_1182 = arith.constant 0 : i32
      %dma_wait3A_1183 = tpu.memref_slice %arg10[%dma_wait3A_1181, %dma_wait3A_1182] : memref<10240x128xf32, #tpu.memory_space<vmem_shared>> -> memref<10240x128xf32, #tpu.memory_space<vmem_shared>>
      tpu.wait_indirect_dma semaphore(%arg21 : memref<!tpu.dma_semaphore, #tpu.memory_space<semaphore_mem>>) src(%dma_wait3A_1177 : memref<64x128xf32, #tpu.memory_space<vmem>>) dst(%dma_wait3A_1183 : memref<10240x128xf32, #tpu.memory_space<vmem_shared>>)
      %dma_start3A_1184 = arith.constant 25 : i32
      %dma_start3A_1185 = arith.constant 1 : i32
      %dma_start3A_1186 = arith.constant 0 : i32
      %dma_start3A_1187 = arith.constant 0 : i32
      %dma_start3A_1188 = tpu.memref_slice %arg13[%dma_start3A_1185, %dma_start3A_1186, %dma_start3A_1187] : memref<3x64x128xf32, #tpu.memory_space<vmem>> -> memref<1x64x128xf32, #tpu.memory_space<vmem>>
      %dma_start3A_1189 = tpu.memref_squeeze %dma_start3A_1188 : memref<1x64x128xf32, #tpu.memory_space<vmem>> -> memref<64x128xf32, #tpu.memory_space<vmem>>
      %dma_start3A_1190 = arith.constant 0 : i32
      %dma_start3A_1191 = tpu.memref_slice %arg11[%dma_start3A_1184, %dma_start3A_1190] : memref<32x64xi32, #tpu.memory_space<vmem>> -> memref<1x64xi32, #tpu.memory_space<vmem>>
      %dma_start3A_1192 = tpu.memref_squeeze %dma_start3A_1191 : memref<1x64xi32, #tpu.memory_space<vmem>> -> memref<64xi32, #tpu.memory_space<vmem>>
      %dma_start3A_1193 = arith.constant 0 : i32
      %dma_start3A_1194 = arith.constant 0 : i32
      %dma_start3A_1195 = tpu.memref_slice %arg2[%dma_start3A_1193, %dma_start3A_1194] : memref<10000x128xf32, #tpu.memory_space<hbm>> -> memref<10000x128xf32, #tpu.memory_space<hbm>>
      tpu.enqueue_indirect_dma source(%dma_start3A_1195 : memref<10000x128xf32, #tpu.memory_space<hbm>>) target(%dma_start3A_1189 : memref<64x128xf32, #tpu.memory_space<vmem>>) offsets(%dma_start3A_1192 : memref<64xi32, #tpu.memory_space<vmem>>) semaphore(%arg18 : memref<!tpu.dma_semaphore, #tpu.memory_space<semaphore_mem>>)
      %dma_wait3A_1196 = arith.constant 24 : i32
      %dma_wait3A_1197 = arith.constant 0 : i32
      %dma_wait3A_1198 = arith.constant 0 : i32
      %dma_wait3A_1199 = arith.constant 0 : i32
      %dma_wait3A_1200 = tpu.memref_slice %arg13[%dma_wait3A_1197, %dma_wait3A_1198, %dma_wait3A_1199] : memref<3x64x128xf32, #tpu.memory_space<vmem>> -> memref<1x64x128xf32, #tpu.memory_space<vmem>>
      %dma_wait3A_1201 = tpu.memref_squeeze %dma_wait3A_1200 : memref<1x64x128xf32, #tpu.memory_space<vmem>> -> memref<64x128xf32, #tpu.memory_space<vmem>>
      %dma_wait3A_1202 = arith.constant 0 : i32
      %dma_wait3A_1203 = tpu.memref_slice %arg11[%dma_wait3A_1196, %dma_wait3A_1202] : memref<32x64xi32, #tpu.memory_space<vmem>> -> memref<1x64xi32, #tpu.memory_space<vmem>>
      %dma_wait3A_1204 = tpu.memref_squeeze %dma_wait3A_1203 : memref<1x64xi32, #tpu.memory_space<vmem>> -> memref<64xi32, #tpu.memory_space<vmem>>
      %dma_wait3A_1205 = arith.constant 0 : i32
      %dma_wait3A_1206 = arith.constant 0 : i32
      %dma_wait3A_1207 = tpu.memref_slice %arg2[%dma_wait3A_1205, %dma_wait3A_1206] : memref<10000x128xf32, #tpu.memory_space<hbm>> -> memref<10000x128xf32, #tpu.memory_space<hbm>>
      tpu.wait_indirect_dma semaphore(%arg17 : memref<!tpu.dma_semaphore, #tpu.memory_space<semaphore_mem>>) src(%dma_wait3A_1207 : memref<10000x128xf32, #tpu.memory_space<hbm>>) dst(%dma_wait3A_1201 : memref<64x128xf32, #tpu.memory_space<vmem>>)
      %dma_start3A_1208 = arith.constant 0 : i32
      %dma_start3A_1209 = arith.constant 24 : i32
      %dma_start3A_1210 = arith.constant 0 : i32
      %dma_start3A_1211 = arith.constant 0 : i32
      %dma_start3A_1212 = tpu.memref_slice %arg13[%dma_start3A_1208, %dma_start3A_1210, %dma_start3A_1211] : memref<3x64x128xf32, #tpu.memory_space<vmem>> -> memref<1x64x128xf32, #tpu.memory_space<vmem>>
      %dma_start3A_1213 = tpu.memref_squeeze %dma_start3A_1212 : memref<1x64x128xf32, #tpu.memory_space<vmem>> -> memref<64x128xf32, #tpu.memory_space<vmem>>
      %dma_start3A_1214 = arith.constant 0 : i32
      %dma_start3A_1215 = tpu.memref_slice %arg12[%dma_start3A_1209, %dma_start3A_1214] : memref<32x64xi32, #tpu.memory_space<vmem>> -> memref<1x64xi32, #tpu.memory_space<vmem>>
      %dma_start3A_1216 = tpu.memref_squeeze %dma_start3A_1215 : memref<1x64xi32, #tpu.memory_space<vmem>> -> memref<64xi32, #tpu.memory_space<vmem>>
      %dma_start3A_1217 = arith.constant 0 : i32
      %dma_start3A_1218 = arith.constant 0 : i32
      %dma_start3A_1219 = tpu.memref_slice %arg10[%dma_start3A_1217, %dma_start3A_1218] : memref<10240x128xf32, #tpu.memory_space<vmem_shared>> -> memref<10240x128xf32, #tpu.memory_space<vmem_shared>>
      tpu.enqueue_indirect_dma source(%dma_start3A_1213 : memref<64x128xf32, #tpu.memory_space<vmem>>) target(%dma_start3A_1219 : memref<10240x128xf32, #tpu.memory_space<vmem_shared>>) offsets(%dma_start3A_1216 : memref<64xi32, #tpu.memory_space<vmem>>) semaphore(%arg20 : memref<!tpu.dma_semaphore, #tpu.memory_space<semaphore_mem>>) {add = true}
      %dma_wait3A_1220 = arith.constant 2 : i32
      %dma_wait3A_1221 = arith.constant 23 : i32
      %dma_wait3A_1222 = arith.constant 0 : i32
      %dma_wait3A_1223 = arith.constant 0 : i32
      %dma_wait3A_1224 = tpu.memref_slice %arg13[%dma_wait3A_1220, %dma_wait3A_1222, %dma_wait3A_1223] : memref<3x64x128xf32, #tpu.memory_space<vmem>> -> memref<1x64x128xf32, #tpu.memory_space<vmem>>
      %dma_wait3A_1225 = tpu.memref_squeeze %dma_wait3A_1224 : memref<1x64x128xf32, #tpu.memory_space<vmem>> -> memref<64x128xf32, #tpu.memory_space<vmem>>
      %dma_wait3A_1226 = arith.constant 0 : i32
      %dma_wait3A_1227 = tpu.memref_slice %arg12[%dma_wait3A_1221, %dma_wait3A_1226] : memref<32x64xi32, #tpu.memory_space<vmem>> -> memref<1x64xi32, #tpu.memory_space<vmem>>
      %dma_wait3A_1228 = tpu.memref_squeeze %dma_wait3A_1227 : memref<1x64xi32, #tpu.memory_space<vmem>> -> memref<64xi32, #tpu.memory_space<vmem>>
      %dma_wait3A_1229 = arith.constant 0 : i32
      %dma_wait3A_1230 = arith.constant 0 : i32
      %dma_wait3A_1231 = tpu.memref_slice %arg10[%dma_wait3A_1229, %dma_wait3A_1230] : memref<10240x128xf32, #tpu.memory_space<vmem_shared>> -> memref<10240x128xf32, #tpu.memory_space<vmem_shared>>
      tpu.wait_indirect_dma semaphore(%arg22 : memref<!tpu.dma_semaphore, #tpu.memory_space<semaphore_mem>>) src(%dma_wait3A_1225 : memref<64x128xf32, #tpu.memory_space<vmem>>) dst(%dma_wait3A_1231 : memref<10240x128xf32, #tpu.memory_space<vmem_shared>>)
      %dma_start3A_1232 = arith.constant 26 : i32
      %dma_start3A_1233 = arith.constant 2 : i32
      %dma_start3A_1234 = arith.constant 0 : i32
      %dma_start3A_1235 = arith.constant 0 : i32
      %dma_start3A_1236 = tpu.memref_slice %arg13[%dma_start3A_1233, %dma_start3A_1234, %dma_start3A_1235] : memref<3x64x128xf32, #tpu.memory_space<vmem>> -> memref<1x64x128xf32, #tpu.memory_space<vmem>>
      %dma_start3A_1237 = tpu.memref_squeeze %dma_start3A_1236 : memref<1x64x128xf32, #tpu.memory_space<vmem>> -> memref<64x128xf32, #tpu.memory_space<vmem>>
      %dma_start3A_1238 = arith.constant 0 : i32
      %dma_start3A_1239 = tpu.memref_slice %arg11[%dma_start3A_1232, %dma_start3A_1238] : memref<32x64xi32, #tpu.memory_space<vmem>> -> memref<1x64xi32, #tpu.memory_space<vmem>>
      %dma_start3A_1240 = tpu.memref_squeeze %dma_start3A_1239 : memref<1x64xi32, #tpu.memory_space<vmem>> -> memref<64xi32, #tpu.memory_space<vmem>>
      %dma_start3A_1241 = arith.constant 0 : i32
      %dma_start3A_1242 = arith.constant 0 : i32
      %dma_start3A_1243 = tpu.memref_slice %arg2[%dma_start3A_1241, %dma_start3A_1242] : memref<10000x128xf32, #tpu.memory_space<hbm>> -> memref<10000x128xf32, #tpu.memory_space<hbm>>
      tpu.enqueue_indirect_dma source(%dma_start3A_1243 : memref<10000x128xf32, #tpu.memory_space<hbm>>) target(%dma_start3A_1237 : memref<64x128xf32, #tpu.memory_space<vmem>>) offsets(%dma_start3A_1240 : memref<64xi32, #tpu.memory_space<vmem>>) semaphore(%arg19 : memref<!tpu.dma_semaphore, #tpu.memory_space<semaphore_mem>>)
      %dma_wait3A_1244 = arith.constant 25 : i32
      %dma_wait3A_1245 = arith.constant 1 : i32
      %dma_wait3A_1246 = arith.constant 0 : i32
      %dma_wait3A_1247 = arith.constant 0 : i32
      %dma_wait3A_1248 = tpu.memref_slice %arg13[%dma_wait3A_1245, %dma_wait3A_1246, %dma_wait3A_1247] : memref<3x64x128xf32, #tpu.memory_space<vmem>> -> memref<1x64x128xf32, #tpu.memory_space<vmem>>
      %dma_wait3A_1249 = tpu.memref_squeeze %dma_wait3A_1248 : memref<1x64x128xf32, #tpu.memory_space<vmem>> -> memref<64x128xf32, #tpu.memory_space<vmem>>
      %dma_wait3A_1250 = arith.constant 0 : i32
      %dma_wait3A_1251 = tpu.memref_slice %arg11[%dma_wait3A_1244, %dma_wait3A_1250] : memref<32x64xi32, #tpu.memory_space<vmem>> -> memref<1x64xi32, #tpu.memory_space<vmem>>
      %dma_wait3A_1252 = tpu.memref_squeeze %dma_wait3A_1251 : memref<1x64xi32, #tpu.memory_space<vmem>> -> memref<64xi32, #tpu.memory_space<vmem>>
      %dma_wait3A_1253 = arith.constant 0 : i32
      %dma_wait3A_1254 = arith.constant 0 : i32
      %dma_wait3A_1255 = tpu.memref_slice %arg2[%dma_wait3A_1253, %dma_wait3A_1254] : memref<10000x128xf32, #tpu.memory_space<hbm>> -> memref<10000x128xf32, #tpu.memory_space<hbm>>
      tpu.wait_indirect_dma semaphore(%arg18 : memref<!tpu.dma_semaphore, #tpu.memory_space<semaphore_mem>>) src(%dma_wait3A_1255 : memref<10000x128xf32, #tpu.memory_space<hbm>>) dst(%dma_wait3A_1249 : memref<64x128xf32, #tpu.memory_space<vmem>>)
      %dma_start3A_1256 = arith.constant 1 : i32
      %dma_start3A_1257 = arith.constant 25 : i32
      %dma_start3A_1258 = arith.constant 0 : i32
      %dma_start3A_1259 = arith.constant 0 : i32
      %dma_start3A_1260 = tpu.memref_slice %arg13[%dma_start3A_1256, %dma_start3A_1258, %dma_start3A_1259] : memref<3x64x128xf32, #tpu.memory_space<vmem>> -> memref<1x64x128xf32, #tpu.memory_space<vmem>>
      %dma_start3A_1261 = tpu.memref_squeeze %dma_start3A_1260 : memref<1x64x128xf32, #tpu.memory_space<vmem>> -> memref<64x128xf32, #tpu.memory_space<vmem>>
      %dma_start3A_1262 = arith.constant 0 : i32
      %dma_start3A_1263 = tpu.memref_slice %arg12[%dma_start3A_1257, %dma_start3A_1262] : memref<32x64xi32, #tpu.memory_space<vmem>> -> memref<1x64xi32, #tpu.memory_space<vmem>>
      %dma_start3A_1264 = tpu.memref_squeeze %dma_start3A_1263 : memref<1x64xi32, #tpu.memory_space<vmem>> -> memref<64xi32, #tpu.memory_space<vmem>>
      %dma_start3A_1265 = arith.constant 0 : i32
      %dma_start3A_1266 = arith.constant 0 : i32
      %dma_start3A_1267 = tpu.memref_slice %arg10[%dma_start3A_1265, %dma_start3A_1266] : memref<10240x128xf32, #tpu.memory_space<vmem_shared>> -> memref<10240x128xf32, #tpu.memory_space<vmem_shared>>
      tpu.enqueue_indirect_dma source(%dma_start3A_1261 : memref<64x128xf32, #tpu.memory_space<vmem>>) target(%dma_start3A_1267 : memref<10240x128xf32, #tpu.memory_space<vmem_shared>>) offsets(%dma_start3A_1264 : memref<64xi32, #tpu.memory_space<vmem>>) semaphore(%arg21 : memref<!tpu.dma_semaphore, #tpu.memory_space<semaphore_mem>>) {add = true}
      %dma_wait3A_1268 = arith.constant 0 : i32
      %dma_wait3A_1269 = arith.constant 24 : i32
      %dma_wait3A_1270 = arith.constant 0 : i32
      %dma_wait3A_1271 = arith.constant 0 : i32
      %dma_wait3A_1272 = tpu.memref_slice %arg13[%dma_wait3A_1268, %dma_wait3A_1270, %dma_wait3A_1271] : memref<3x64x128xf32, #tpu.memory_space<vmem>> -> memref<1x64x128xf32, #tpu.memory_space<vmem>>
      %dma_wait3A_1273 = tpu.memref_squeeze %dma_wait3A_1272 : memref<1x64x128xf32, #tpu.memory_space<vmem>> -> memref<64x128xf32, #tpu.memory_space<vmem>>
      %dma_wait3A_1274 = arith.constant 0 : i32
      %dma_wait3A_1275 = tpu.memref_slice %arg12[%dma_wait3A_1269, %dma_wait3A_1274] : memref<32x64xi32, #tpu.memory_space<vmem>> -> memref<1x64xi32, #tpu.memory_space<vmem>>
      %dma_wait3A_1276 = tpu.memref_squeeze %dma_wait3A_1275 : memref<1x64xi32, #tpu.memory_space<vmem>> -> memref<64xi32, #tpu.memory_space<vmem>>
      %dma_wait3A_1277 = arith.constant 0 : i32
      %dma_wait3A_1278 = arith.constant 0 : i32
      %dma_wait3A_1279 = tpu.memref_slice %arg10[%dma_wait3A_1277, %dma_wait3A_1278] : memref<10240x128xf32, #tpu.memory_space<vmem_shared>> -> memref<10240x128xf32, #tpu.memory_space<vmem_shared>>
      tpu.wait_indirect_dma semaphore(%arg20 : memref<!tpu.dma_semaphore, #tpu.memory_space<semaphore_mem>>) src(%dma_wait3A_1273 : memref<64x128xf32, #tpu.memory_space<vmem>>) dst(%dma_wait3A_1279 : memref<10240x128xf32, #tpu.memory_space<vmem_shared>>)
      %dma_start3A_1280 = arith.constant 27 : i32
      %dma_start3A_1281 = arith.constant 0 : i32
      %dma_start3A_1282 = arith.constant 0 : i32
      %dma_start3A_1283 = arith.constant 0 : i32
      %dma_start3A_1284 = tpu.memref_slice %arg13[%dma_start3A_1281, %dma_start3A_1282, %dma_start3A_1283] : memref<3x64x128xf32, #tpu.memory_space<vmem>> -> memref<1x64x128xf32, #tpu.memory_space<vmem>>
      %dma_start3A_1285 = tpu.memref_squeeze %dma_start3A_1284 : memref<1x64x128xf32, #tpu.memory_space<vmem>> -> memref<64x128xf32, #tpu.memory_space<vmem>>
      %dma_start3A_1286 = arith.constant 0 : i32
      %dma_start3A_1287 = tpu.memref_slice %arg11[%dma_start3A_1280, %dma_start3A_1286] : memref<32x64xi32, #tpu.memory_space<vmem>> -> memref<1x64xi32, #tpu.memory_space<vmem>>
      %dma_start3A_1288 = tpu.memref_squeeze %dma_start3A_1287 : memref<1x64xi32, #tpu.memory_space<vmem>> -> memref<64xi32, #tpu.memory_space<vmem>>
      %dma_start3A_1289 = arith.constant 0 : i32
      %dma_start3A_1290 = arith.constant 0 : i32
      %dma_start3A_1291 = tpu.memref_slice %arg2[%dma_start3A_1289, %dma_start3A_1290] : memref<10000x128xf32, #tpu.memory_space<hbm>> -> memref<10000x128xf32, #tpu.memory_space<hbm>>
      tpu.enqueue_indirect_dma source(%dma_start3A_1291 : memref<10000x128xf32, #tpu.memory_space<hbm>>) target(%dma_start3A_1285 : memref<64x128xf32, #tpu.memory_space<vmem>>) offsets(%dma_start3A_1288 : memref<64xi32, #tpu.memory_space<vmem>>) semaphore(%arg17 : memref<!tpu.dma_semaphore, #tpu.memory_space<semaphore_mem>>)
      %dma_wait3A_1292 = arith.constant 26 : i32
      %dma_wait3A_1293 = arith.constant 2 : i32
      %dma_wait3A_1294 = arith.constant 0 : i32
      %dma_wait3A_1295 = arith.constant 0 : i32
      %dma_wait3A_1296 = tpu.memref_slice %arg13[%dma_wait3A_1293, %dma_wait3A_1294, %dma_wait3A_1295] : memref<3x64x128xf32, #tpu.memory_space<vmem>> -> memref<1x64x128xf32, #tpu.memory_space<vmem>>
      %dma_wait3A_1297 = tpu.memref_squeeze %dma_wait3A_1296 : memref<1x64x128xf32, #tpu.memory_space<vmem>> -> memref<64x128xf32, #tpu.memory_space<vmem>>
      %dma_wait3A_1298 = arith.constant 0 : i32
      %dma_wait3A_1299 = tpu.memref_slice %arg11[%dma_wait3A_1292, %dma_wait3A_1298] : memref<32x64xi32, #tpu.memory_space<vmem>> -> memref<1x64xi32, #tpu.memory_space<vmem>>
      %dma_wait3A_1300 = tpu.memref_squeeze %dma_wait3A_1299 : memref<1x64xi32, #tpu.memory_space<vmem>> -> memref<64xi32, #tpu.memory_space<vmem>>
      %dma_wait3A_1301 = arith.constant 0 : i32
      %dma_wait3A_1302 = arith.constant 0 : i32
      %dma_wait3A_1303 = tpu.memref_slice %arg2[%dma_wait3A_1301, %dma_wait3A_1302] : memref<10000x128xf32, #tpu.memory_space<hbm>> -> memref<10000x128xf32, #tpu.memory_space<hbm>>
      tpu.wait_indirect_dma semaphore(%arg19 : memref<!tpu.dma_semaphore, #tpu.memory_space<semaphore_mem>>) src(%dma_wait3A_1303 : memref<10000x128xf32, #tpu.memory_space<hbm>>) dst(%dma_wait3A_1297 : memref<64x128xf32, #tpu.memory_space<vmem>>)
      %dma_start3A_1304 = arith.constant 2 : i32
      %dma_start3A_1305 = arith.constant 26 : i32
      %dma_start3A_1306 = arith.constant 0 : i32
      %dma_start3A_1307 = arith.constant 0 : i32
      %dma_start3A_1308 = tpu.memref_slice %arg13[%dma_start3A_1304, %dma_start3A_1306, %dma_start3A_1307] : memref<3x64x128xf32, #tpu.memory_space<vmem>> -> memref<1x64x128xf32, #tpu.memory_space<vmem>>
      %dma_start3A_1309 = tpu.memref_squeeze %dma_start3A_1308 : memref<1x64x128xf32, #tpu.memory_space<vmem>> -> memref<64x128xf32, #tpu.memory_space<vmem>>
      %dma_start3A_1310 = arith.constant 0 : i32
      %dma_start3A_1311 = tpu.memref_slice %arg12[%dma_start3A_1305, %dma_start3A_1310] : memref<32x64xi32, #tpu.memory_space<vmem>> -> memref<1x64xi32, #tpu.memory_space<vmem>>
      %dma_start3A_1312 = tpu.memref_squeeze %dma_start3A_1311 : memref<1x64xi32, #tpu.memory_space<vmem>> -> memref<64xi32, #tpu.memory_space<vmem>>
      %dma_start3A_1313 = arith.constant 0 : i32
      %dma_start3A_1314 = arith.constant 0 : i32
      %dma_start3A_1315 = tpu.memref_slice %arg10[%dma_start3A_1313, %dma_start3A_1314] : memref<10240x128xf32, #tpu.memory_space<vmem_shared>> -> memref<10240x128xf32, #tpu.memory_space<vmem_shared>>
      tpu.enqueue_indirect_dma source(%dma_start3A_1309 : memref<64x128xf32, #tpu.memory_space<vmem>>) target(%dma_start3A_1315 : memref<10240x128xf32, #tpu.memory_space<vmem_shared>>) offsets(%dma_start3A_1312 : memref<64xi32, #tpu.memory_space<vmem>>) semaphore(%arg22 : memref<!tpu.dma_semaphore, #tpu.memory_space<semaphore_mem>>) {add = true}
      %dma_wait3A_1316 = arith.constant 1 : i32
      %dma_wait3A_1317 = arith.constant 25 : i32
      %dma_wait3A_1318 = arith.constant 0 : i32
      %dma_wait3A_1319 = arith.constant 0 : i32
      %dma_wait3A_1320 = tpu.memref_slice %arg13[%dma_wait3A_1316, %dma_wait3A_1318, %dma_wait3A_1319] : memref<3x64x128xf32, #tpu.memory_space<vmem>> -> memref<1x64x128xf32, #tpu.memory_space<vmem>>
      %dma_wait3A_1321 = tpu.memref_squeeze %dma_wait3A_1320 : memref<1x64x128xf32, #tpu.memory_space<vmem>> -> memref<64x128xf32, #tpu.memory_space<vmem>>
      %dma_wait3A_1322 = arith.constant 0 : i32
      %dma_wait3A_1323 = tpu.memref_slice %arg12[%dma_wait3A_1317, %dma_wait3A_1322] : memref<32x64xi32, #tpu.memory_space<vmem>> -> memref<1x64xi32, #tpu.memory_space<vmem>>
      %dma_wait3A_1324 = tpu.memref_squeeze %dma_wait3A_1323 : memref<1x64xi32, #tpu.memory_space<vmem>> -> memref<64xi32, #tpu.memory_space<vmem>>
      %dma_wait3A_1325 = arith.constant 0 : i32
      %dma_wait3A_1326 = arith.constant 0 : i32
      %dma_wait3A_1327 = tpu.memref_slice %arg10[%dma_wait3A_1325, %dma_wait3A_1326] : memref<10240x128xf32, #tpu.memory_space<vmem_shared>> -> memref<10240x128xf32, #tpu.memory_space<vmem_shared>>
      tpu.wait_indirect_dma semaphore(%arg21 : memref<!tpu.dma_semaphore, #tpu.memory_space<semaphore_mem>>) src(%dma_wait3A_1321 : memref<64x128xf32, #tpu.memory_space<vmem>>) dst(%dma_wait3A_1327 : memref<10240x128xf32, #tpu.memory_space<vmem_shared>>)
      %dma_start3A_1328 = arith.constant 28 : i32
      %dma_start3A_1329 = arith.constant 1 : i32
      %dma_start3A_1330 = arith.constant 0 : i32
      %dma_start3A_1331 = arith.constant 0 : i32
      %dma_start3A_1332 = tpu.memref_slice %arg13[%dma_start3A_1329, %dma_start3A_1330, %dma_start3A_1331] : memref<3x64x128xf32, #tpu.memory_space<vmem>> -> memref<1x64x128xf32, #tpu.memory_space<vmem>>
      %dma_start3A_1333 = tpu.memref_squeeze %dma_start3A_1332 : memref<1x64x128xf32, #tpu.memory_space<vmem>> -> memref<64x128xf32, #tpu.memory_space<vmem>>
      %dma_start3A_1334 = arith.constant 0 : i32
      %dma_start3A_1335 = tpu.memref_slice %arg11[%dma_start3A_1328, %dma_start3A_1334] : memref<32x64xi32, #tpu.memory_space<vmem>> -> memref<1x64xi32, #tpu.memory_space<vmem>>
      %dma_start3A_1336 = tpu.memref_squeeze %dma_start3A_1335 : memref<1x64xi32, #tpu.memory_space<vmem>> -> memref<64xi32, #tpu.memory_space<vmem>>
      %dma_start3A_1337 = arith.constant 0 : i32
      %dma_start3A_1338 = arith.constant 0 : i32
      %dma_start3A_1339 = tpu.memref_slice %arg2[%dma_start3A_1337, %dma_start3A_1338] : memref<10000x128xf32, #tpu.memory_space<hbm>> -> memref<10000x128xf32, #tpu.memory_space<hbm>>
      tpu.enqueue_indirect_dma source(%dma_start3A_1339 : memref<10000x128xf32, #tpu.memory_space<hbm>>) target(%dma_start3A_1333 : memref<64x128xf32, #tpu.memory_space<vmem>>) offsets(%dma_start3A_1336 : memref<64xi32, #tpu.memory_space<vmem>>) semaphore(%arg18 : memref<!tpu.dma_semaphore, #tpu.memory_space<semaphore_mem>>)
      %dma_wait3A_1340 = arith.constant 27 : i32
      %dma_wait3A_1341 = arith.constant 0 : i32
      %dma_wait3A_1342 = arith.constant 0 : i32
      %dma_wait3A_1343 = arith.constant 0 : i32
      %dma_wait3A_1344 = tpu.memref_slice %arg13[%dma_wait3A_1341, %dma_wait3A_1342, %dma_wait3A_1343] : memref<3x64x128xf32, #tpu.memory_space<vmem>> -> memref<1x64x128xf32, #tpu.memory_space<vmem>>
      %dma_wait3A_1345 = tpu.memref_squeeze %dma_wait3A_1344 : memref<1x64x128xf32, #tpu.memory_space<vmem>> -> memref<64x128xf32, #tpu.memory_space<vmem>>
      %dma_wait3A_1346 = arith.constant 0 : i32
      %dma_wait3A_1347 = tpu.memref_slice %arg11[%dma_wait3A_1340, %dma_wait3A_1346] : memref<32x64xi32, #tpu.memory_space<vmem>> -> memref<1x64xi32, #tpu.memory_space<vmem>>
      %dma_wait3A_1348 = tpu.memref_squeeze %dma_wait3A_1347 : memref<1x64xi32, #tpu.memory_space<vmem>> -> memref<64xi32, #tpu.memory_space<vmem>>
      %dma_wait3A_1349 = arith.constant 0 : i32
      %dma_wait3A_1350 = arith.constant 0 : i32
      %dma_wait3A_1351 = tpu.memref_slice %arg2[%dma_wait3A_1349, %dma_wait3A_1350] : memref<10000x128xf32, #tpu.memory_space<hbm>> -> memref<10000x128xf32, #tpu.memory_space<hbm>>
      tpu.wait_indirect_dma semaphore(%arg17 : memref<!tpu.dma_semaphore, #tpu.memory_space<semaphore_mem>>) src(%dma_wait3A_1351 : memref<10000x128xf32, #tpu.memory_space<hbm>>) dst(%dma_wait3A_1345 : memref<64x128xf32, #tpu.memory_space<vmem>>)
      %dma_start3A_1352 = arith.constant 0 : i32
      %dma_start3A_1353 = arith.constant 27 : i32
      %dma_start3A_1354 = arith.constant 0 : i32
      %dma_start3A_1355 = arith.constant 0 : i32
      %dma_start3A_1356 = tpu.memref_slice %arg13[%dma_start3A_1352, %dma_start3A_1354, %dma_start3A_1355] : memref<3x64x128xf32, #tpu.memory_space<vmem>> -> memref<1x64x128xf32, #tpu.memory_space<vmem>>
      %dma_start3A_1357 = tpu.memref_squeeze %dma_start3A_1356 : memref<1x64x128xf32, #tpu.memory_space<vmem>> -> memref<64x128xf32, #tpu.memory_space<vmem>>
      %dma_start3A_1358 = arith.constant 0 : i32
      %dma_start3A_1359 = tpu.memref_slice %arg12[%dma_start3A_1353, %dma_start3A_1358] : memref<32x64xi32, #tpu.memory_space<vmem>> -> memref<1x64xi32, #tpu.memory_space<vmem>>
      %dma_start3A_1360 = tpu.memref_squeeze %dma_start3A_1359 : memref<1x64xi32, #tpu.memory_space<vmem>> -> memref<64xi32, #tpu.memory_space<vmem>>
      %dma_start3A_1361 = arith.constant 0 : i32
      %dma_start3A_1362 = arith.constant 0 : i32
      %dma_start3A_1363 = tpu.memref_slice %arg10[%dma_start3A_1361, %dma_start3A_1362] : memref<10240x128xf32, #tpu.memory_space<vmem_shared>> -> memref<10240x128xf32, #tpu.memory_space<vmem_shared>>
      tpu.enqueue_indirect_dma source(%dma_start3A_1357 : memref<64x128xf32, #tpu.memory_space<vmem>>) target(%dma_start3A_1363 : memref<10240x128xf32, #tpu.memory_space<vmem_shared>>) offsets(%dma_start3A_1360 : memref<64xi32, #tpu.memory_space<vmem>>) semaphore(%arg20 : memref<!tpu.dma_semaphore, #tpu.memory_space<semaphore_mem>>) {add = true}
      %dma_wait3A_1364 = arith.constant 2 : i32
      %dma_wait3A_1365 = arith.constant 26 : i32
      %dma_wait3A_1366 = arith.constant 0 : i32
      %dma_wait3A_1367 = arith.constant 0 : i32
      %dma_wait3A_1368 = tpu.memref_slice %arg13[%dma_wait3A_1364, %dma_wait3A_1366, %dma_wait3A_1367] : memref<3x64x128xf32, #tpu.memory_space<vmem>> -> memref<1x64x128xf32, #tpu.memory_space<vmem>>
      %dma_wait3A_1369 = tpu.memref_squeeze %dma_wait3A_1368 : memref<1x64x128xf32, #tpu.memory_space<vmem>> -> memref<64x128xf32, #tpu.memory_space<vmem>>
      %dma_wait3A_1370 = arith.constant 0 : i32
      %dma_wait3A_1371 = tpu.memref_slice %arg12[%dma_wait3A_1365, %dma_wait3A_1370] : memref<32x64xi32, #tpu.memory_space<vmem>> -> memref<1x64xi32, #tpu.memory_space<vmem>>
      %dma_wait3A_1372 = tpu.memref_squeeze %dma_wait3A_1371 : memref<1x64xi32, #tpu.memory_space<vmem>> -> memref<64xi32, #tpu.memory_space<vmem>>
      %dma_wait3A_1373 = arith.constant 0 : i32
      %dma_wait3A_1374 = arith.constant 0 : i32
      %dma_wait3A_1375 = tpu.memref_slice %arg10[%dma_wait3A_1373, %dma_wait3A_1374] : memref<10240x128xf32, #tpu.memory_space<vmem_shared>> -> memref<10240x128xf32, #tpu.memory_space<vmem_shared>>
      tpu.wait_indirect_dma semaphore(%arg22 : memref<!tpu.dma_semaphore, #tpu.memory_space<semaphore_mem>>) src(%dma_wait3A_1369 : memref<64x128xf32, #tpu.memory_space<vmem>>) dst(%dma_wait3A_1375 : memref<10240x128xf32, #tpu.memory_space<vmem_shared>>)
      %dma_start3A_1376 = arith.constant 29 : i32
      %dma_start3A_1377 = arith.constant 2 : i32
      %dma_start3A_1378 = arith.constant 0 : i32
      %dma_start3A_1379 = arith.constant 0 : i32
      %dma_start3A_1380 = tpu.memref_slice %arg13[%dma_start3A_1377, %dma_start3A_1378, %dma_start3A_1379] : memref<3x64x128xf32, #tpu.memory_space<vmem>> -> memref<1x64x128xf32, #tpu.memory_space<vmem>>
      %dma_start3A_1381 = tpu.memref_squeeze %dma_start3A_1380 : memref<1x64x128xf32, #tpu.memory_space<vmem>> -> memref<64x128xf32, #tpu.memory_space<vmem>>
      %dma_start3A_1382 = arith.constant 0 : i32
      %dma_start3A_1383 = tpu.memref_slice %arg11[%dma_start3A_1376, %dma_start3A_1382] : memref<32x64xi32, #tpu.memory_space<vmem>> -> memref<1x64xi32, #tpu.memory_space<vmem>>
      %dma_start3A_1384 = tpu.memref_squeeze %dma_start3A_1383 : memref<1x64xi32, #tpu.memory_space<vmem>> -> memref<64xi32, #tpu.memory_space<vmem>>
      %dma_start3A_1385 = arith.constant 0 : i32
      %dma_start3A_1386 = arith.constant 0 : i32
      %dma_start3A_1387 = tpu.memref_slice %arg2[%dma_start3A_1385, %dma_start3A_1386] : memref<10000x128xf32, #tpu.memory_space<hbm>> -> memref<10000x128xf32, #tpu.memory_space<hbm>>
      tpu.enqueue_indirect_dma source(%dma_start3A_1387 : memref<10000x128xf32, #tpu.memory_space<hbm>>) target(%dma_start3A_1381 : memref<64x128xf32, #tpu.memory_space<vmem>>) offsets(%dma_start3A_1384 : memref<64xi32, #tpu.memory_space<vmem>>) semaphore(%arg19 : memref<!tpu.dma_semaphore, #tpu.memory_space<semaphore_mem>>)
      %dma_wait3A_1388 = arith.constant 28 : i32
      %dma_wait3A_1389 = arith.constant 1 : i32
      %dma_wait3A_1390 = arith.constant 0 : i32
      %dma_wait3A_1391 = arith.constant 0 : i32
      %dma_wait3A_1392 = tpu.memref_slice %arg13[%dma_wait3A_1389, %dma_wait3A_1390, %dma_wait3A_1391] : memref<3x64x128xf32, #tpu.memory_space<vmem>> -> memref<1x64x128xf32, #tpu.memory_space<vmem>>
      %dma_wait3A_1393 = tpu.memref_squeeze %dma_wait3A_1392 : memref<1x64x128xf32, #tpu.memory_space<vmem>> -> memref<64x128xf32, #tpu.memory_space<vmem>>
      %dma_wait3A_1394 = arith.constant 0 : i32
      %dma_wait3A_1395 = tpu.memref_slice %arg11[%dma_wait3A_1388, %dma_wait3A_1394] : memref<32x64xi32, #tpu.memory_space<vmem>> -> memref<1x64xi32, #tpu.memory_space<vmem>>
      %dma_wait3A_1396 = tpu.memref_squeeze %dma_wait3A_1395 : memref<1x64xi32, #tpu.memory_space<vmem>> -> memref<64xi32, #tpu.memory_space<vmem>>
      %dma_wait3A_1397 = arith.constant 0 : i32
      %dma_wait3A_1398 = arith.constant 0 : i32
      %dma_wait3A_1399 = tpu.memref_slice %arg2[%dma_wait3A_1397, %dma_wait3A_1398] : memref<10000x128xf32, #tpu.memory_space<hbm>> -> memref<10000x128xf32, #tpu.memory_space<hbm>>
      tpu.wait_indirect_dma semaphore(%arg18 : memref<!tpu.dma_semaphore, #tpu.memory_space<semaphore_mem>>) src(%dma_wait3A_1399 : memref<10000x128xf32, #tpu.memory_space<hbm>>) dst(%dma_wait3A_1393 : memref<64x128xf32, #tpu.memory_space<vmem>>)
      %dma_start3A_1400 = arith.constant 1 : i32
      %dma_start3A_1401 = arith.constant 28 : i32
      %dma_start3A_1402 = arith.constant 0 : i32
      %dma_start3A_1403 = arith.constant 0 : i32
      %dma_start3A_1404 = tpu.memref_slice %arg13[%dma_start3A_1400, %dma_start3A_1402, %dma_start3A_1403] : memref<3x64x128xf32, #tpu.memory_space<vmem>> -> memref<1x64x128xf32, #tpu.memory_space<vmem>>
      %dma_start3A_1405 = tpu.memref_squeeze %dma_start3A_1404 : memref<1x64x128xf32, #tpu.memory_space<vmem>> -> memref<64x128xf32, #tpu.memory_space<vmem>>
      %dma_start3A_1406 = arith.constant 0 : i32
      %dma_start3A_1407 = tpu.memref_slice %arg12[%dma_start3A_1401, %dma_start3A_1406] : memref<32x64xi32, #tpu.memory_space<vmem>> -> memref<1x64xi32, #tpu.memory_space<vmem>>
      %dma_start3A_1408 = tpu.memref_squeeze %dma_start3A_1407 : memref<1x64xi32, #tpu.memory_space<vmem>> -> memref<64xi32, #tpu.memory_space<vmem>>
      %dma_start3A_1409 = arith.constant 0 : i32
      %dma_start3A_1410 = arith.constant 0 : i32
      %dma_start3A_1411 = tpu.memref_slice %arg10[%dma_start3A_1409, %dma_start3A_1410] : memref<10240x128xf32, #tpu.memory_space<vmem_shared>> -> memref<10240x128xf32, #tpu.memory_space<vmem_shared>>
      tpu.enqueue_indirect_dma source(%dma_start3A_1405 : memref<64x128xf32, #tpu.memory_space<vmem>>) target(%dma_start3A_1411 : memref<10240x128xf32, #tpu.memory_space<vmem_shared>>) offsets(%dma_start3A_1408 : memref<64xi32, #tpu.memory_space<vmem>>) semaphore(%arg21 : memref<!tpu.dma_semaphore, #tpu.memory_space<semaphore_mem>>) {add = true}
      %dma_wait3A_1412 = arith.constant 0 : i32
      %dma_wait3A_1413 = arith.constant 27 : i32
      %dma_wait3A_1414 = arith.constant 0 : i32
      %dma_wait3A_1415 = arith.constant 0 : i32
      %dma_wait3A_1416 = tpu.memref_slice %arg13[%dma_wait3A_1412, %dma_wait3A_1414, %dma_wait3A_1415] : memref<3x64x128xf32, #tpu.memory_space<vmem>> -> memref<1x64x128xf32, #tpu.memory_space<vmem>>
      %dma_wait3A_1417 = tpu.memref_squeeze %dma_wait3A_1416 : memref<1x64x128xf32, #tpu.memory_space<vmem>> -> memref<64x128xf32, #tpu.memory_space<vmem>>
      %dma_wait3A_1418 = arith.constant 0 : i32
      %dma_wait3A_1419 = tpu.memref_slice %arg12[%dma_wait3A_1413, %dma_wait3A_1418] : memref<32x64xi32, #tpu.memory_space<vmem>> -> memref<1x64xi32, #tpu.memory_space<vmem>>
      %dma_wait3A_1420 = tpu.memref_squeeze %dma_wait3A_1419 : memref<1x64xi32, #tpu.memory_space<vmem>> -> memref<64xi32, #tpu.memory_space<vmem>>
      %dma_wait3A_1421 = arith.constant 0 : i32
      %dma_wait3A_1422 = arith.constant 0 : i32
      %dma_wait3A_1423 = tpu.memref_slice %arg10[%dma_wait3A_1421, %dma_wait3A_1422] : memref<10240x128xf32, #tpu.memory_space<vmem_shared>> -> memref<10240x128xf32, #tpu.memory_space<vmem_shared>>
      tpu.wait_indirect_dma semaphore(%arg20 : memref<!tpu.dma_semaphore, #tpu.memory_space<semaphore_mem>>) src(%dma_wait3A_1417 : memref<64x128xf32, #tpu.memory_space<vmem>>) dst(%dma_wait3A_1423 : memref<10240x128xf32, #tpu.memory_space<vmem_shared>>)
      %dma_start3A_1424 = arith.constant 30 : i32
      %dma_start3A_1425 = arith.constant 0 : i32
      %dma_start3A_1426 = arith.constant 0 : i32
      %dma_start3A_1427 = arith.constant 0 : i32
      %dma_start3A_1428 = tpu.memref_slice %arg13[%dma_start3A_1425, %dma_start3A_1426, %dma_start3A_1427] : memref<3x64x128xf32, #tpu.memory_space<vmem>> -> memref<1x64x128xf32, #tpu.memory_space<vmem>>
      %dma_start3A_1429 = tpu.memref_squeeze %dma_start3A_1428 : memref<1x64x128xf32, #tpu.memory_space<vmem>> -> memref<64x128xf32, #tpu.memory_space<vmem>>
      %dma_start3A_1430 = arith.constant 0 : i32
      %dma_start3A_1431 = tpu.memref_slice %arg11[%dma_start3A_1424, %dma_start3A_1430] : memref<32x64xi32, #tpu.memory_space<vmem>> -> memref<1x64xi32, #tpu.memory_space<vmem>>
      %dma_start3A_1432 = tpu.memref_squeeze %dma_start3A_1431 : memref<1x64xi32, #tpu.memory_space<vmem>> -> memref<64xi32, #tpu.memory_space<vmem>>
      %dma_start3A_1433 = arith.constant 0 : i32
      %dma_start3A_1434 = arith.constant 0 : i32
      %dma_start3A_1435 = tpu.memref_slice %arg2[%dma_start3A_1433, %dma_start3A_1434] : memref<10000x128xf32, #tpu.memory_space<hbm>> -> memref<10000x128xf32, #tpu.memory_space<hbm>>
      tpu.enqueue_indirect_dma source(%dma_start3A_1435 : memref<10000x128xf32, #tpu.memory_space<hbm>>) target(%dma_start3A_1429 : memref<64x128xf32, #tpu.memory_space<vmem>>) offsets(%dma_start3A_1432 : memref<64xi32, #tpu.memory_space<vmem>>) semaphore(%arg17 : memref<!tpu.dma_semaphore, #tpu.memory_space<semaphore_mem>>)
      %dma_wait3A_1436 = arith.constant 29 : i32
      %dma_wait3A_1437 = arith.constant 2 : i32
      %dma_wait3A_1438 = arith.constant 0 : i32
      %dma_wait3A_1439 = arith.constant 0 : i32
      %dma_wait3A_1440 = tpu.memref_slice %arg13[%dma_wait3A_1437, %dma_wait3A_1438, %dma_wait3A_1439] : memref<3x64x128xf32, #tpu.memory_space<vmem>> -> memref<1x64x128xf32, #tpu.memory_space<vmem>>
      %dma_wait3A_1441 = tpu.memref_squeeze %dma_wait3A_1440 : memref<1x64x128xf32, #tpu.memory_space<vmem>> -> memref<64x128xf32, #tpu.memory_space<vmem>>
      %dma_wait3A_1442 = arith.constant 0 : i32
      %dma_wait3A_1443 = tpu.memref_slice %arg11[%dma_wait3A_1436, %dma_wait3A_1442] : memref<32x64xi32, #tpu.memory_space<vmem>> -> memref<1x64xi32, #tpu.memory_space<vmem>>
      %dma_wait3A_1444 = tpu.memref_squeeze %dma_wait3A_1443 : memref<1x64xi32, #tpu.memory_space<vmem>> -> memref<64xi32, #tpu.memory_space<vmem>>
      %dma_wait3A_1445 = arith.constant 0 : i32
      %dma_wait3A_1446 = arith.constant 0 : i32
      %dma_wait3A_1447 = tpu.memref_slice %arg2[%dma_wait3A_1445, %dma_wait3A_1446] : memref<10000x128xf32, #tpu.memory_space<hbm>> -> memref<10000x128xf32, #tpu.memory_space<hbm>>
      tpu.wait_indirect_dma semaphore(%arg19 : memref<!tpu.dma_semaphore, #tpu.memory_space<semaphore_mem>>) src(%dma_wait3A_1447 : memref<10000x128xf32, #tpu.memory_space<hbm>>) dst(%dma_wait3A_1441 : memref<64x128xf32, #tpu.memory_space<vmem>>)
      %dma_start3A_1448 = arith.constant 2 : i32
      %dma_start3A_1449 = arith.constant 29 : i32
      %dma_start3A_1450 = arith.constant 0 : i32
      %dma_start3A_1451 = arith.constant 0 : i32
      %dma_start3A_1452 = tpu.memref_slice %arg13[%dma_start3A_1448, %dma_start3A_1450, %dma_start3A_1451] : memref<3x64x128xf32, #tpu.memory_space<vmem>> -> memref<1x64x128xf32, #tpu.memory_space<vmem>>
      %dma_start3A_1453 = tpu.memref_squeeze %dma_start3A_1452 : memref<1x64x128xf32, #tpu.memory_space<vmem>> -> memref<64x128xf32, #tpu.memory_space<vmem>>
      %dma_start3A_1454 = arith.constant 0 : i32
      %dma_start3A_1455 = tpu.memref_slice %arg12[%dma_start3A_1449, %dma_start3A_1454] : memref<32x64xi32, #tpu.memory_space<vmem>> -> memref<1x64xi32, #tpu.memory_space<vmem>>
      %dma_start3A_1456 = tpu.memref_squeeze %dma_start3A_1455 : memref<1x64xi32, #tpu.memory_space<vmem>> -> memref<64xi32, #tpu.memory_space<vmem>>
      %dma_start3A_1457 = arith.constant 0 : i32
      %dma_start3A_1458 = arith.constant 0 : i32
      %dma_start3A_1459 = tpu.memref_slice %arg10[%dma_start3A_1457, %dma_start3A_1458] : memref<10240x128xf32, #tpu.memory_space<vmem_shared>> -> memref<10240x128xf32, #tpu.memory_space<vmem_shared>>
      tpu.enqueue_indirect_dma source(%dma_start3A_1453 : memref<64x128xf32, #tpu.memory_space<vmem>>) target(%dma_start3A_1459 : memref<10240x128xf32, #tpu.memory_space<vmem_shared>>) offsets(%dma_start3A_1456 : memref<64xi32, #tpu.memory_space<vmem>>) semaphore(%arg22 : memref<!tpu.dma_semaphore, #tpu.memory_space<semaphore_mem>>) {add = true}
      %dma_wait3A_1460 = arith.constant 1 : i32
      %dma_wait3A_1461 = arith.constant 28 : i32
      %dma_wait3A_1462 = arith.constant 0 : i32
      %dma_wait3A_1463 = arith.constant 0 : i32
      %dma_wait3A_1464 = tpu.memref_slice %arg13[%dma_wait3A_1460, %dma_wait3A_1462, %dma_wait3A_1463] : memref<3x64x128xf32, #tpu.memory_space<vmem>> -> memref<1x64x128xf32, #tpu.memory_space<vmem>>
      %dma_wait3A_1465 = tpu.memref_squeeze %dma_wait3A_1464 : memref<1x64x128xf32, #tpu.memory_space<vmem>> -> memref<64x128xf32, #tpu.memory_space<vmem>>
      %dma_wait3A_1466 = arith.constant 0 : i32
      %dma_wait3A_1467 = tpu.memref_slice %arg12[%dma_wait3A_1461, %dma_wait3A_1466] : memref<32x64xi32, #tpu.memory_space<vmem>> -> memref<1x64xi32, #tpu.memory_space<vmem>>
      %dma_wait3A_1468 = tpu.memref_squeeze %dma_wait3A_1467 : memref<1x64xi32, #tpu.memory_space<vmem>> -> memref<64xi32, #tpu.memory_space<vmem>>
      %dma_wait3A_1469 = arith.constant 0 : i32
      %dma_wait3A_1470 = arith.constant 0 : i32
      %dma_wait3A_1471 = tpu.memref_slice %arg10[%dma_wait3A_1469, %dma_wait3A_1470] : memref<10240x128xf32, #tpu.memory_space<vmem_shared>> -> memref<10240x128xf32, #tpu.memory_space<vmem_shared>>
      tpu.wait_indirect_dma semaphore(%arg21 : memref<!tpu.dma_semaphore, #tpu.memory_space<semaphore_mem>>) src(%dma_wait3A_1465 : memref<64x128xf32, #tpu.memory_space<vmem>>) dst(%dma_wait3A_1471 : memref<10240x128xf32, #tpu.memory_space<vmem_shared>>)
      %dma_start3A_1472 = arith.constant 31 : i32
      %dma_start3A_1473 = arith.constant 1 : i32
      %dma_start3A_1474 = arith.constant 0 : i32
      %dma_start3A_1475 = arith.constant 0 : i32
      %dma_start3A_1476 = tpu.memref_slice %arg13[%dma_start3A_1473, %dma_start3A_1474, %dma_start3A_1475] : memref<3x64x128xf32, #tpu.memory_space<vmem>> -> memref<1x64x128xf32, #tpu.memory_space<vmem>>
      %dma_start3A_1477 = tpu.memref_squeeze %dma_start3A_1476 : memref<1x64x128xf32, #tpu.memory_space<vmem>> -> memref<64x128xf32, #tpu.memory_space<vmem>>
      %dma_start3A_1478 = arith.constant 0 : i32
      %dma_start3A_1479 = tpu.memref_slice %arg11[%dma_start3A_1472, %dma_start3A_1478] : memref<32x64xi32, #tpu.memory_space<vmem>> -> memref<1x64xi32, #tpu.memory_space<vmem>>
      %dma_start3A_1480 = tpu.memref_squeeze %dma_start3A_1479 : memref<1x64xi32, #tpu.memory_space<vmem>> -> memref<64xi32, #tpu.memory_space<vmem>>
      %dma_start3A_1481 = arith.constant 0 : i32
      %dma_start3A_1482 = arith.constant 0 : i32
      %dma_start3A_1483 = tpu.memref_slice %arg2[%dma_start3A_1481, %dma_start3A_1482] : memref<10000x128xf32, #tpu.memory_space<hbm>> -> memref<10000x128xf32, #tpu.memory_space<hbm>>
      tpu.enqueue_indirect_dma source(%dma_start3A_1483 : memref<10000x128xf32, #tpu.memory_space<hbm>>) target(%dma_start3A_1477 : memref<64x128xf32, #tpu.memory_space<vmem>>) offsets(%dma_start3A_1480 : memref<64xi32, #tpu.memory_space<vmem>>) semaphore(%arg18 : memref<!tpu.dma_semaphore, #tpu.memory_space<semaphore_mem>>)
      %dma_wait3A_1484 = arith.constant 30 : i32
      %dma_wait3A_1485 = arith.constant 0 : i32
      %dma_wait3A_1486 = arith.constant 0 : i32
      %dma_wait3A_1487 = arith.constant 0 : i32
      %dma_wait3A_1488 = tpu.memref_slice %arg13[%dma_wait3A_1485, %dma_wait3A_1486, %dma_wait3A_1487] : memref<3x64x128xf32, #tpu.memory_space<vmem>> -> memref<1x64x128xf32, #tpu.memory_space<vmem>>
      %dma_wait3A_1489 = tpu.memref_squeeze %dma_wait3A_1488 : memref<1x64x128xf32, #tpu.memory_space<vmem>> -> memref<64x128xf32, #tpu.memory_space<vmem>>
      %dma_wait3A_1490 = arith.constant 0 : i32
      %dma_wait3A_1491 = tpu.memref_slice %arg11[%dma_wait3A_1484, %dma_wait3A_1490] : memref<32x64xi32, #tpu.memory_space<vmem>> -> memref<1x64xi32, #tpu.memory_space<vmem>>
      %dma_wait3A_1492 = tpu.memref_squeeze %dma_wait3A_1491 : memref<1x64xi32, #tpu.memory_space<vmem>> -> memref<64xi32, #tpu.memory_space<vmem>>
      %dma_wait3A_1493 = arith.constant 0 : i32
      %dma_wait3A_1494 = arith.constant 0 : i32
      %dma_wait3A_1495 = tpu.memref_slice %arg2[%dma_wait3A_1493, %dma_wait3A_1494] : memref<10000x128xf32, #tpu.memory_space<hbm>> -> memref<10000x128xf32, #tpu.memory_space<hbm>>
      tpu.wait_indirect_dma semaphore(%arg17 : memref<!tpu.dma_semaphore, #tpu.memory_space<semaphore_mem>>) src(%dma_wait3A_1495 : memref<10000x128xf32, #tpu.memory_space<hbm>>) dst(%dma_wait3A_1489 : memref<64x128xf32, #tpu.memory_space<vmem>>)
      %dma_start3A_1496 = arith.constant 0 : i32
      %dma_start3A_1497 = arith.constant 30 : i32
      %dma_start3A_1498 = arith.constant 0 : i32
      %dma_start3A_1499 = arith.constant 0 : i32
      %dma_start3A_1500 = tpu.memref_slice %arg13[%dma_start3A_1496, %dma_start3A_1498, %dma_start3A_1499] : memref<3x64x128xf32, #tpu.memory_space<vmem>> -> memref<1x64x128xf32, #tpu.memory_space<vmem>>
      %dma_start3A_1501 = tpu.memref_squeeze %dma_start3A_1500 : memref<1x64x128xf32, #tpu.memory_space<vmem>> -> memref<64x128xf32, #tpu.memory_space<vmem>>
      %dma_start3A_1502 = arith.constant 0 : i32
      %dma_start3A_1503 = tpu.memref_slice %arg12[%dma_start3A_1497, %dma_start3A_1502] : memref<32x64xi32, #tpu.memory_space<vmem>> -> memref<1x64xi32, #tpu.memory_space<vmem>>
      %dma_start3A_1504 = tpu.memref_squeeze %dma_start3A_1503 : memref<1x64xi32, #tpu.memory_space<vmem>> -> memref<64xi32, #tpu.memory_space<vmem>>
      %dma_start3A_1505 = arith.constant 0 : i32
      %dma_start3A_1506 = arith.constant 0 : i32
      %dma_start3A_1507 = tpu.memref_slice %arg10[%dma_start3A_1505, %dma_start3A_1506] : memref<10240x128xf32, #tpu.memory_space<vmem_shared>> -> memref<10240x128xf32, #tpu.memory_space<vmem_shared>>
      tpu.enqueue_indirect_dma source(%dma_start3A_1501 : memref<64x128xf32, #tpu.memory_space<vmem>>) target(%dma_start3A_1507 : memref<10240x128xf32, #tpu.memory_space<vmem_shared>>) offsets(%dma_start3A_1504 : memref<64xi32, #tpu.memory_space<vmem>>) semaphore(%arg20 : memref<!tpu.dma_semaphore, #tpu.memory_space<semaphore_mem>>) {add = true}
      %dma_wait3A_1508 = arith.constant 31 : i32
      %dma_wait3A_1509 = arith.constant 1 : i32
      %dma_wait3A_1510 = arith.constant 0 : i32
      %dma_wait3A_1511 = arith.constant 0 : i32
      %dma_wait3A_1512 = tpu.memref_slice %arg13[%dma_wait3A_1509, %dma_wait3A_1510, %dma_wait3A_1511] : memref<3x64x128xf32, #tpu.memory_space<vmem>> -> memref<1x64x128xf32, #tpu.memory_space<vmem>>
      %dma_wait3A_1513 = tpu.memref_squeeze %dma_wait3A_1512 : memref<1x64x128xf32, #tpu.memory_space<vmem>> -> memref<64x128xf32, #tpu.memory_space<vmem>>
      %dma_wait3A_1514 = arith.constant 0 : i32
      %dma_wait3A_1515 = tpu.memref_slice %arg11[%dma_wait3A_1508, %dma_wait3A_1514] : memref<32x64xi32, #tpu.memory_space<vmem>> -> memref<1x64xi32, #tpu.memory_space<vmem>>
      %dma_wait3A_1516 = tpu.memref_squeeze %dma_wait3A_1515 : memref<1x64xi32, #tpu.memory_space<vmem>> -> memref<64xi32, #tpu.memory_space<vmem>>
      %dma_wait3A_1517 = arith.constant 0 : i32
      %dma_wait3A_1518 = arith.constant 0 : i32
      %dma_wait3A_1519 = tpu.memref_slice %arg2[%dma_wait3A_1517, %dma_wait3A_1518] : memref<10000x128xf32, #tpu.memory_space<hbm>> -> memref<10000x128xf32, #tpu.memory_space<hbm>>
      tpu.wait_indirect_dma semaphore(%arg18 : memref<!tpu.dma_semaphore, #tpu.memory_space<semaphore_mem>>) src(%dma_wait3A_1519 : memref<10000x128xf32, #tpu.memory_space<hbm>>) dst(%dma_wait3A_1513 : memref<64x128xf32, #tpu.memory_space<vmem>>)
      %dma_start3A_1520 = arith.constant 1 : i32
      %dma_start3A_1521 = arith.constant 31 : i32
      %dma_start3A_1522 = arith.constant 0 : i32
      %dma_start3A_1523 = arith.constant 0 : i32
      %dma_start3A_1524 = tpu.memref_slice %arg13[%dma_start3A_1520, %dma_start3A_1522, %dma_start3A_1523] : memref<3x64x128xf32, #tpu.memory_space<vmem>> -> memref<1x64x128xf32, #tpu.memory_space<vmem>>
      %dma_start3A_1525 = tpu.memref_squeeze %dma_start3A_1524 : memref<1x64x128xf32, #tpu.memory_space<vmem>> -> memref<64x128xf32, #tpu.memory_space<vmem>>
      %dma_start3A_1526 = arith.constant 0 : i32
      %dma_start3A_1527 = tpu.memref_slice %arg12[%dma_start3A_1521, %dma_start3A_1526] : memref<32x64xi32, #tpu.memory_space<vmem>> -> memref<1x64xi32, #tpu.memory_space<vmem>>
      %dma_start3A_1528 = tpu.memref_squeeze %dma_start3A_1527 : memref<1x64xi32, #tpu.memory_space<vmem>> -> memref<64xi32, #tpu.memory_space<vmem>>
      %dma_start3A_1529 = arith.constant 0 : i32
      %dma_start3A_1530 = arith.constant 0 : i32
      %dma_start3A_1531 = tpu.memref_slice %arg10[%dma_start3A_1529, %dma_start3A_1530] : memref<10240x128xf32, #tpu.memory_space<vmem_shared>> -> memref<10240x128xf32, #tpu.memory_space<vmem_shared>>
      tpu.enqueue_indirect_dma source(%dma_start3A_1525 : memref<64x128xf32, #tpu.memory_space<vmem>>) target(%dma_start3A_1531 : memref<10240x128xf32, #tpu.memory_space<vmem_shared>>) offsets(%dma_start3A_1528 : memref<64xi32, #tpu.memory_space<vmem>>) semaphore(%arg21 : memref<!tpu.dma_semaphore, #tpu.memory_space<semaphore_mem>>) {add = true}
      %dma_wait3A_1532 = arith.constant 0 : i32
      %dma_wait3A_1533 = arith.constant 30 : i32
      %dma_wait3A_1534 = arith.constant 0 : i32
      %dma_wait3A_1535 = arith.constant 0 : i32
      %dma_wait3A_1536 = tpu.memref_slice %arg13[%dma_wait3A_1532, %dma_wait3A_1534, %dma_wait3A_1535] : memref<3x64x128xf32, #tpu.memory_space<vmem>> -> memref<1x64x128xf32, #tpu.memory_space<vmem>>
      %dma_wait3A_1537 = tpu.memref_squeeze %dma_wait3A_1536 : memref<1x64x128xf32, #tpu.memory_space<vmem>> -> memref<64x128xf32, #tpu.memory_space<vmem>>
      %dma_wait3A_1538 = arith.constant 0 : i32
      %dma_wait3A_1539 = tpu.memref_slice %arg12[%dma_wait3A_1533, %dma_wait3A_1538] : memref<32x64xi32, #tpu.memory_space<vmem>> -> memref<1x64xi32, #tpu.memory_space<vmem>>
      %dma_wait3A_1540 = tpu.memref_squeeze %dma_wait3A_1539 : memref<1x64xi32, #tpu.memory_space<vmem>> -> memref<64xi32, #tpu.memory_space<vmem>>
      %dma_wait3A_1541 = arith.constant 0 : i32
      %dma_wait3A_1542 = arith.constant 0 : i32
      %dma_wait3A_1543 = tpu.memref_slice %arg10[%dma_wait3A_1541, %dma_wait3A_1542] : memref<10240x128xf32, #tpu.memory_space<vmem_shared>> -> memref<10240x128xf32, #tpu.memory_space<vmem_shared>>
      tpu.wait_indirect_dma semaphore(%arg20 : memref<!tpu.dma_semaphore, #tpu.memory_space<semaphore_mem>>) src(%dma_wait3A_1537 : memref<64x128xf32, #tpu.memory_space<vmem>>) dst(%dma_wait3A_1543 : memref<10240x128xf32, #tpu.memory_space<vmem_shared>>)
      %dma_wait3A_1544 = arith.constant 1 : i32
      %dma_wait3A_1545 = arith.constant 31 : i32
      %dma_wait3A_1546 = arith.constant 0 : i32
      %dma_wait3A_1547 = arith.constant 0 : i32
      %dma_wait3A_1548 = tpu.memref_slice %arg13[%dma_wait3A_1544, %dma_wait3A_1546, %dma_wait3A_1547] : memref<3x64x128xf32, #tpu.memory_space<vmem>> -> memref<1x64x128xf32, #tpu.memory_space<vmem>>
      %dma_wait3A_1549 = tpu.memref_squeeze %dma_wait3A_1548 : memref<1x64x128xf32, #tpu.memory_space<vmem>> -> memref<64x128xf32, #tpu.memory_space<vmem>>
      %dma_wait3A_1550 = arith.constant 0 : i32
      %dma_wait3A_1551 = tpu.memref_slice %arg12[%dma_wait3A_1545, %dma_wait3A_1550] : memref<32x64xi32, #tpu.memory_space<vmem>> -> memref<1x64xi32, #tpu.memory_space<vmem>>
      %dma_wait3A_1552 = tpu.memref_squeeze %dma_wait3A_1551 : memref<1x64xi32, #tpu.memory_space<vmem>> -> memref<64xi32, #tpu.memory_space<vmem>>
      %dma_wait3A_1553 = arith.constant 0 : i32
      %dma_wait3A_1554 = arith.constant 0 : i32
      %dma_wait3A_1555 = tpu.memref_slice %arg10[%dma_wait3A_1553, %dma_wait3A_1554] : memref<10240x128xf32, #tpu.memory_space<vmem_shared>> -> memref<10240x128xf32, #tpu.memory_space<vmem_shared>>
      tpu.wait_indirect_dma semaphore(%arg21 : memref<!tpu.dma_semaphore, #tpu.memory_space<semaphore_mem>>) src(%dma_wait3A_1549 : memref<64x128xf32, #tpu.memory_space<vmem>>) dst(%dma_wait3A_1555 : memref<10240x128xf32, #tpu.memory_space<vmem_shared>>)
      %dma_wait3A_1556 = arith.constant 2 : i32
      %dma_wait3A_1557 = arith.constant 29 : i32
      %dma_wait3A_1558 = arith.constant 0 : i32
      %dma_wait3A_1559 = arith.constant 0 : i32
      %dma_wait3A_1560 = tpu.memref_slice %arg13[%dma_wait3A_1556, %dma_wait3A_1558, %dma_wait3A_1559] : memref<3x64x128xf32, #tpu.memory_space<vmem>> -> memref<1x64x128xf32, #tpu.memory_space<vmem>>
      %dma_wait3A_1561 = tpu.memref_squeeze %dma_wait3A_1560 : memref<1x64x128xf32, #tpu.memory_space<vmem>> -> memref<64x128xf32, #tpu.memory_space<vmem>>
      %dma_wait3A_1562 = arith.constant 0 : i32
      %dma_wait3A_1563 = tpu.memref_slice %arg12[%dma_wait3A_1557, %dma_wait3A_1562] : memref<32x64xi32, #tpu.memory_space<vmem>> -> memref<1x64xi32, #tpu.memory_space<vmem>>
      %dma_wait3A_1564 = tpu.memref_squeeze %dma_wait3A_1563 : memref<1x64xi32, #tpu.memory_space<vmem>> -> memref<64xi32, #tpu.memory_space<vmem>>
      %dma_wait3A_1565 = arith.constant 0 : i32
      %dma_wait3A_1566 = arith.constant 0 : i32
      %dma_wait3A_1567 = tpu.memref_slice %arg10[%dma_wait3A_1565, %dma_wait3A_1566] : memref<10240x128xf32, #tpu.memory_space<vmem_shared>> -> memref<10240x128xf32, #tpu.memory_space<vmem_shared>>
      tpu.wait_indirect_dma semaphore(%arg22 : memref<!tpu.dma_semaphore, #tpu.memory_space<semaphore_mem>>) src(%dma_wait3A_1561 : memref<64x128xf32, #tpu.memory_space<vmem>>) dst(%dma_wait3A_1567 : memref<10240x128xf32, #tpu.memory_space<vmem_shared>>)
    }
    %scan3A_16 = arith.constant 5 : i32
    %broadcast_in_dim3A = arith.constant 1.000000e+00 : f32
    %broadcast_in_dim3A_17 = vector.broadcast %broadcast_in_dim3A : f32 to vector<16xf32>
    %scan3A_18 = arith.constant 0 : i32
    %scan3A_19 = arith.constant 20 : i32
    %scan3A_20 = arith.addi %scan3A_18, %scan3A_19 : i32
    %scan3A_21 = arith.constant 1 : i32
    scf.for %scan3A_29 = %scan3A_18 to %scan3A_20 step %scan3A_21  : i32 {
      %mul3A_30 = arith.constant 1 : i32
      %mul3A_31 = arith.muli %scan3A_29, %mul3A_30 : i32
      %add3A_32 = arith.constant 0 : i32
      %add3A_33 = arith.addi %add3A_32, %mul3A_31 : i32
      %mul3A_34 = arith.constant 32 : i32
      %mul3A_35 = arith.muli %add3A_33, %mul3A_34 : i32
      "tpu.region"() ({
        %run_scoped3A = tpu.sem_alloc : memref<!tpu.dma_semaphore, #tpu.memory_space<semaphore_mem>>
        %dma_start3A = arith.constant 0 : i32
        %dma_start3A_163 = tpu.memref_slice %arg5[%add3A, %mul3A_35, %dma_start3A] : memref<32x640x16xi32, #tpu.memory_space<hbm>> -> memref<1x32x16xi32, #tpu.memory_space<hbm>>
        %dma_start3A_164 = tpu.memref_squeeze %dma_start3A_163 : memref<1x32x16xi32, #tpu.memory_space<hbm>> -> memref<32x16xi32, #tpu.memory_space<hbm>>
        %dma_start3A_165 = arith.constant 0 : i32
        %dma_start3A_166 = tpu.memref_slice %arg5[%add3A, %mul3A_35, %dma_start3A_165] : memref<32x640x16xi32, #tpu.memory_space<hbm>> -> memref<1x32x16xi32, #tpu.memory_space<hbm>>
        %dma_start3A_167 = tpu.memref_squeeze %dma_start3A_166 : memref<1x32x16xi32, #tpu.memory_space<hbm>> -> memref<32x16xi32, #tpu.memory_space<hbm>>
        tpu.enqueue_dma source(%dma_start3A_167 : memref<32x16xi32, #tpu.memory_space<hbm>>) target(%arg16 : memref<32x16xi32, #tpu.memory_space<vmem>>) target_semaphore(%run_scoped3A : memref<!tpu.dma_semaphore, #tpu.memory_space<semaphore_mem>>)
        %dma_wait3A = arith.constant 0 : i32
        %dma_wait3A_168 = tpu.memref_slice %arg5[%add3A, %mul3A_35, %dma_wait3A] : memref<32x640x16xi32, #tpu.memory_space<hbm>> -> memref<1x32x16xi32, #tpu.memory_space<hbm>>
        %dma_wait3A_169 = tpu.memref_squeeze %dma_wait3A_168 : memref<1x32x16xi32, #tpu.memory_space<hbm>> -> memref<32x16xi32, #tpu.memory_space<hbm>>
        %dma_wait3A_170 = arith.constant 0 : i32
        %dma_wait3A_171 = tpu.memref_slice %arg5[%add3A, %mul3A_35, %dma_wait3A_170] : memref<32x640x16xi32, #tpu.memory_space<hbm>> -> memref<1x32x16xi32, #tpu.memory_space<hbm>>
        %dma_wait3A_172 = tpu.memref_squeeze %dma_wait3A_171 : memref<1x32x16xi32, #tpu.memory_space<hbm>> -> memref<32x16xi32, #tpu.memory_space<hbm>>
        tpu.wait_dma2 semaphore(%run_scoped3A : memref<!tpu.dma_semaphore, #tpu.memory_space<semaphore_mem>>) src(%dma_wait3A_172 : memref<32x16xi32, #tpu.memory_space<hbm>>) dst(%arg16 : memref<32x16xi32, #tpu.memory_space<vmem>>)
        tpu.yield
      }) : () -> ()
      %get3A = arith.constant 0 : i32
      %get3A_36 = arith.index_cast %get3A : i32 to index
      %get3A_37 = arith.constant 0 : index
      %get3A_38 = tpu.vector_load %arg16[%get3A_36, %get3A_37] {strides = array<i32>} : memref<32x16xi32, #tpu.memory_space<vmem>>, vector<16xi32>,
      tpu.vector_store_idx %arg15[%get3A_38], %broadcast_in_dim3A_17 {add = true} : memref<10240xf32, #tpu.memory_space<vmem>>[vector<16xi32>], vector<16xf32>,
      %get3A_39 = arith.constant 1 : i32
      %get3A_40 = arith.index_cast %get3A_39 : i32 to index
      %get3A_41 = arith.constant 0 : index
      %get3A_42 = tpu.vector_load %arg16[%get3A_40, %get3A_41] {strides = array<i32>} : memref<32x16xi32, #tpu.memory_space<vmem>>, vector<16xi32>,
      tpu.vector_store_idx %arg15[%get3A_42], %broadcast_in_dim3A_17 {add = true} : memref<10240xf32, #tpu.memory_space<vmem>>[vector<16xi32>], vector<16xf32>,
      %get3A_43 = arith.constant 2 : i32
      %get3A_44 = arith.index_cast %get3A_43 : i32 to index
      %get3A_45 = arith.constant 0 : index
      %get3A_46 = tpu.vector_load %arg16[%get3A_44, %get3A_45] {strides = array<i32>} : memref<32x16xi32, #tpu.memory_space<vmem>>, vector<16xi32>,
      tpu.vector_store_idx %arg15[%get3A_46], %broadcast_in_dim3A_17 {add = true} : memref<10240xf32, #tpu.memory_space<vmem>>[vector<16xi32>], vector<16xf32>,
      %get3A_47 = arith.constant 3 : i32
      %get3A_48 = arith.index_cast %get3A_47 : i32 to index
      %get3A_49 = arith.constant 0 : index
      %get3A_50 = tpu.vector_load %arg16[%get3A_48, %get3A_49] {strides = array<i32>} : memref<32x16xi32, #tpu.memory_space<vmem>>, vector<16xi32>,
      tpu.vector_store_idx %arg15[%get3A_50], %broadcast_in_dim3A_17 {add = true} : memref<10240xf32, #tpu.memory_space<vmem>>[vector<16xi32>], vector<16xf32>,
      %get3A_51 = arith.constant 4 : i32
      %get3A_52 = arith.index_cast %get3A_51 : i32 to index
      %get3A_53 = arith.constant 0 : index
      %get3A_54 = tpu.vector_load %arg16[%get3A_52, %get3A_53] {strides = array<i32>} : memref<32x16xi32, #tpu.memory_space<vmem>>, vector<16xi32>,
      tpu.vector_store_idx %arg15[%get3A_54], %broadcast_in_dim3A_17 {add = true} : memref<10240xf32, #tpu.memory_space<vmem>>[vector<16xi32>], vector<16xf32>,
      %get3A_55 = arith.constant 5 : i32
      %get3A_56 = arith.index_cast %get3A_55 : i32 to index
      %get3A_57 = arith.constant 0 : index
      %get3A_58 = tpu.vector_load %arg16[%get3A_56, %get3A_57] {strides = array<i32>} : memref<32x16xi32, #tpu.memory_space<vmem>>, vector<16xi32>,
      tpu.vector_store_idx %arg15[%get3A_58], %broadcast_in_dim3A_17 {add = true} : memref<10240xf32, #tpu.memory_space<vmem>>[vector<16xi32>], vector<16xf32>,
      %get3A_59 = arith.constant 6 : i32
      %get3A_60 = arith.index_cast %get3A_59 : i32 to index
      %get3A_61 = arith.constant 0 : index
      %get3A_62 = tpu.vector_load %arg16[%get3A_60, %get3A_61] {strides = array<i32>} : memref<32x16xi32, #tpu.memory_space<vmem>>, vector<16xi32>,
      tpu.vector_store_idx %arg15[%get3A_62], %broadcast_in_dim3A_17 {add = true} : memref<10240xf32, #tpu.memory_space<vmem>>[vector<16xi32>], vector<16xf32>,
      %get3A_63 = arith.constant 7 : i32
      %get3A_64 = arith.index_cast %get3A_63 : i32 to index
      %get3A_65 = arith.constant 0 : index
      %get3A_66 = tpu.vector_load %arg16[%get3A_64, %get3A_65] {strides = array<i32>} : memref<32x16xi32, #tpu.memory_space<vmem>>, vector<16xi32>,
      tpu.vector_store_idx %arg15[%get3A_66], %broadcast_in_dim3A_17 {add = true} : memref<10240xf32, #tpu.memory_space<vmem>>[vector<16xi32>], vector<16xf32>,
      %get3A_67 = arith.constant 8 : i32
      %get3A_68 = arith.index_cast %get3A_67 : i32 to index
      %get3A_69 = arith.constant 0 : index
      %get3A_70 = tpu.vector_load %arg16[%get3A_68, %get3A_69] {strides = array<i32>} : memref<32x16xi32, #tpu.memory_space<vmem>>, vector<16xi32>,
      tpu.vector_store_idx %arg15[%get3A_70], %broadcast_in_dim3A_17 {add = true} : memref<10240xf32, #tpu.memory_space<vmem>>[vector<16xi32>], vector<16xf32>,
      %get3A_71 = arith.constant 9 : i32
      %get3A_72 = arith.index_cast %get3A_71 : i32 to index
      %get3A_73 = arith.constant 0 : index
      %get3A_74 = tpu.vector_load %arg16[%get3A_72, %get3A_73] {strides = array<i32>} : memref<32x16xi32, #tpu.memory_space<vmem>>, vector<16xi32>,
      tpu.vector_store_idx %arg15[%get3A_74], %broadcast_in_dim3A_17 {add = true} : memref<10240xf32, #tpu.memory_space<vmem>>[vector<16xi32>], vector<16xf32>,
      %get3A_75 = arith.constant 10 : i32
      %get3A_76 = arith.index_cast %get3A_75 : i32 to index
      %get3A_77 = arith.constant 0 : index
      %get3A_78 = tpu.vector_load %arg16[%get3A_76, %get3A_77] {strides = array<i32>} : memref<32x16xi32, #tpu.memory_space<vmem>>, vector<16xi32>,
      tpu.vector_store_idx %arg15[%get3A_78], %broadcast_in_dim3A_17 {add = true} : memref<10240xf32, #tpu.memory_space<vmem>>[vector<16xi32>], vector<16xf32>,
      %get3A_79 = arith.constant 11 : i32
      %get3A_80 = arith.index_cast %get3A_79 : i32 to index
      %get3A_81 = arith.constant 0 : index
      %get3A_82 = tpu.vector_load %arg16[%get3A_80, %get3A_81] {strides = array<i32>} : memref<32x16xi32, #tpu.memory_space<vmem>>, vector<16xi32>,
      tpu.vector_store_idx %arg15[%get3A_82], %broadcast_in_dim3A_17 {add = true} : memref<10240xf32, #tpu.memory_space<vmem>>[vector<16xi32>], vector<16xf32>,
      %get3A_83 = arith.constant 12 : i32
      %get3A_84 = arith.index_cast %get3A_83 : i32 to index
      %get3A_85 = arith.constant 0 : index
      %get3A_86 = tpu.vector_load %arg16[%get3A_84, %get3A_85] {strides = array<i32>} : memref<32x16xi32, #tpu.memory_space<vmem>>, vector<16xi32>,
      tpu.vector_store_idx %arg15[%get3A_86], %broadcast_in_dim3A_17 {add = true} : memref<10240xf32, #tpu.memory_space<vmem>>[vector<16xi32>], vector<16xf32>,
      %get3A_87 = arith.constant 13 : i32
      %get3A_88 = arith.index_cast %get3A_87 : i32 to index
      %get3A_89 = arith.constant 0 : index
      %get3A_90 = tpu.vector_load %arg16[%get3A_88, %get3A_89] {strides = array<i32>} : memref<32x16xi32, #tpu.memory_space<vmem>>, vector<16xi32>,
      tpu.vector_store_idx %arg15[%get3A_90], %broadcast_in_dim3A_17 {add = true} : memref<10240xf32, #tpu.memory_space<vmem>>[vector<16xi32>], vector<16xf32>,
      %get3A_91 = arith.constant 14 : i32
      %get3A_92 = arith.index_cast %get3A_91 : i32 to index
      %get3A_93 = arith.constant 0 : index
      %get3A_94 = tpu.vector_load %arg16[%get3A_92, %get3A_93] {strides = array<i32>} : memref<32x16xi32, #tpu.memory_space<vmem>>, vector<16xi32>,
      tpu.vector_store_idx %arg15[%get3A_94], %broadcast_in_dim3A_17 {add = true} : memref<10240xf32, #tpu.memory_space<vmem>>[vector<16xi32>], vector<16xf32>,
      %get3A_95 = arith.constant 15 : i32
      %get3A_96 = arith.index_cast %get3A_95 : i32 to index
      %get3A_97 = arith.constant 0 : index
      %get3A_98 = tpu.vector_load %arg16[%get3A_96, %get3A_97] {strides = array<i32>} : memref<32x16xi32, #tpu.memory_space<vmem>>, vector<16xi32>,
      tpu.vector_store_idx %arg15[%get3A_98], %broadcast_in_dim3A_17 {add = true} : memref<10240xf32, #tpu.memory_space<vmem>>[vector<16xi32>], vector<16xf32>,
      %get3A_99 = arith.constant 16 : i32
      %get3A_100 = arith.index_cast %get3A_99 : i32 to index
      %get3A_101 = arith.constant 0 : index
      %get3A_102 = tpu.vector_load %arg16[%get3A_100, %get3A_101] {strides = array<i32>} : memref<32x16xi32, #tpu.memory_space<vmem>>, vector<16xi32>,
      tpu.vector_store_idx %arg15[%get3A_102], %broadcast_in_dim3A_17 {add = true} : memref<10240xf32, #tpu.memory_space<vmem>>[vector<16xi32>], vector<16xf32>,
      %get3A_103 = arith.constant 17 : i32
      %get3A_104 = arith.index_cast %get3A_103 : i32 to index
      %get3A_105 = arith.constant 0 : index
      %get3A_106 = tpu.vector_load %arg16[%get3A_104, %get3A_105] {strides = array<i32>} : memref<32x16xi32, #tpu.memory_space<vmem>>, vector<16xi32>,
      tpu.vector_store_idx %arg15[%get3A_106], %broadcast_in_dim3A_17 {add = true} : memref<10240xf32, #tpu.memory_space<vmem>>[vector<16xi32>], vector<16xf32>,
      %get3A_107 = arith.constant 18 : i32
      %get3A_108 = arith.index_cast %get3A_107 : i32 to index
      %get3A_109 = arith.constant 0 : index
      %get3A_110 = tpu.vector_load %arg16[%get3A_108, %get3A_109] {strides = array<i32>} : memref<32x16xi32, #tpu.memory_space<vmem>>, vector<16xi32>,
      tpu.vector_store_idx %arg15[%get3A_110], %broadcast_in_dim3A_17 {add = true} : memref<10240xf32, #tpu.memory_space<vmem>>[vector<16xi32>], vector<16xf32>,
      %get3A_111 = arith.constant 19 : i32
      %get3A_112 = arith.index_cast %get3A_111 : i32 to index
      %get3A_113 = arith.constant 0 : index
      %get3A_114 = tpu.vector_load %arg16[%get3A_112, %get3A_113] {strides = array<i32>} : memref<32x16xi32, #tpu.memory_space<vmem>>, vector<16xi32>,
      tpu.vector_store_idx %arg15[%get3A_114], %broadcast_in_dim3A_17 {add = true} : memref<10240xf32, #tpu.memory_space<vmem>>[vector<16xi32>], vector<16xf32>,
      %get3A_115 = arith.constant 20 : i32
      %get3A_116 = arith.index_cast %get3A_115 : i32 to index
      %get3A_117 = arith.constant 0 : index
      %get3A_118 = tpu.vector_load %arg16[%get3A_116, %get3A_117] {strides = array<i32>} : memref<32x16xi32, #tpu.memory_space<vmem>>, vector<16xi32>,
      tpu.vector_store_idx %arg15[%get3A_118], %broadcast_in_dim3A_17 {add = true} : memref<10240xf32, #tpu.memory_space<vmem>>[vector<16xi32>], vector<16xf32>,
      %get3A_119 = arith.constant 21 : i32
      %get3A_120 = arith.index_cast %get3A_119 : i32 to index
      %get3A_121 = arith.constant 0 : index
      %get3A_122 = tpu.vector_load %arg16[%get3A_120, %get3A_121] {strides = array<i32>} : memref<32x16xi32, #tpu.memory_space<vmem>>, vector<16xi32>,
      tpu.vector_store_idx %arg15[%get3A_122], %broadcast_in_dim3A_17 {add = true} : memref<10240xf32, #tpu.memory_space<vmem>>[vector<16xi32>], vector<16xf32>,
      %get3A_123 = arith.constant 22 : i32
      %get3A_124 = arith.index_cast %get3A_123 : i32 to index
      %get3A_125 = arith.constant 0 : index
      %get3A_126 = tpu.vector_load %arg16[%get3A_124, %get3A_125] {strides = array<i32>} : memref<32x16xi32, #tpu.memory_space<vmem>>, vector<16xi32>,
      tpu.vector_store_idx %arg15[%get3A_126], %broadcast_in_dim3A_17 {add = true} : memref<10240xf32, #tpu.memory_space<vmem>>[vector<16xi32>], vector<16xf32>,
      %get3A_127 = arith.constant 23 : i32
      %get3A_128 = arith.index_cast %get3A_127 : i32 to index
      %get3A_129 = arith.constant 0 : index
      %get3A_130 = tpu.vector_load %arg16[%get3A_128, %get3A_129] {strides = array<i32>} : memref<32x16xi32, #tpu.memory_space<vmem>>, vector<16xi32>,
      tpu.vector_store_idx %arg15[%get3A_130], %broadcast_in_dim3A_17 {add = true} : memref<10240xf32, #tpu.memory_space<vmem>>[vector<16xi32>], vector<16xf32>,
      %get3A_131 = arith.constant 24 : i32
      %get3A_132 = arith.index_cast %get3A_131 : i32 to index
      %get3A_133 = arith.constant 0 : index
      %get3A_134 = tpu.vector_load %arg16[%get3A_132, %get3A_133] {strides = array<i32>} : memref<32x16xi32, #tpu.memory_space<vmem>>, vector<16xi32>,
      tpu.vector_store_idx %arg15[%get3A_134], %broadcast_in_dim3A_17 {add = true} : memref<10240xf32, #tpu.memory_space<vmem>>[vector<16xi32>], vector<16xf32>,
      %get3A_135 = arith.constant 25 : i32
      %get3A_136 = arith.index_cast %get3A_135 : i32 to index
      %get3A_137 = arith.constant 0 : index
      %get3A_138 = tpu.vector_load %arg16[%get3A_136, %get3A_137] {strides = array<i32>} : memref<32x16xi32, #tpu.memory_space<vmem>>, vector<16xi32>,
      tpu.vector_store_idx %arg15[%get3A_138], %broadcast_in_dim3A_17 {add = true} : memref<10240xf32, #tpu.memory_space<vmem>>[vector<16xi32>], vector<16xf32>,
      %get3A_139 = arith.constant 26 : i32
      %get3A_140 = arith.index_cast %get3A_139 : i32 to index
      %get3A_141 = arith.constant 0 : index
      %get3A_142 = tpu.vector_load %arg16[%get3A_140, %get3A_141] {strides = array<i32>} : memref<32x16xi32, #tpu.memory_space<vmem>>, vector<16xi32>,
      tpu.vector_store_idx %arg15[%get3A_142], %broadcast_in_dim3A_17 {add = true} : memref<10240xf32, #tpu.memory_space<vmem>>[vector<16xi32>], vector<16xf32>,
      %get3A_143 = arith.constant 27 : i32
      %get3A_144 = arith.index_cast %get3A_143 : i32 to index
      %get3A_145 = arith.constant 0 : index
      %get3A_146 = tpu.vector_load %arg16[%get3A_144, %get3A_145] {strides = array<i32>} : memref<32x16xi32, #tpu.memory_space<vmem>>, vector<16xi32>,
      tpu.vector_store_idx %arg15[%get3A_146], %broadcast_in_dim3A_17 {add = true} : memref<10240xf32, #tpu.memory_space<vmem>>[vector<16xi32>], vector<16xf32>,
      %get3A_147 = arith.constant 28 : i32
      %get3A_148 = arith.index_cast %get3A_147 : i32 to index
      %get3A_149 = arith.constant 0 : index
      %get3A_150 = tpu.vector_load %arg16[%get3A_148, %get3A_149] {strides = array<i32>} : memref<32x16xi32, #tpu.memory_space<vmem>>, vector<16xi32>,
      tpu.vector_store_idx %arg15[%get3A_150], %broadcast_in_dim3A_17 {add = true} : memref<10240xf32, #tpu.memory_space<vmem>>[vector<16xi32>], vector<16xf32>,
      %get3A_151 = arith.constant 29 : i32
      %get3A_152 = arith.index_cast %get3A_151 : i32 to index
      %get3A_153 = arith.constant 0 : index
      %get3A_154 = tpu.vector_load %arg16[%get3A_152, %get3A_153] {strides = array<i32>} : memref<32x16xi32, #tpu.memory_space<vmem>>, vector<16xi32>,
      tpu.vector_store_idx %arg15[%get3A_154], %broadcast_in_dim3A_17 {add = true} : memref<10240xf32, #tpu.memory_space<vmem>>[vector<16xi32>], vector<16xf32>,
      %get3A_155 = arith.constant 30 : i32
      %get3A_156 = arith.index_cast %get3A_155 : i32 to index
      %get3A_157 = arith.constant 0 : index
      %get3A_158 = tpu.vector_load %arg16[%get3A_156, %get3A_157] {strides = array<i32>} : memref<32x16xi32, #tpu.memory_space<vmem>>, vector<16xi32>,
      tpu.vector_store_idx %arg15[%get3A_158], %broadcast_in_dim3A_17 {add = true} : memref<10240xf32, #tpu.memory_space<vmem>>[vector<16xi32>], vector<16xf32>,
      %get3A_159 = arith.constant 31 : i32
      %get3A_160 = arith.index_cast %get3A_159 : i32 to index
      %get3A_161 = arith.constant 0 : index
      %get3A_162 = tpu.vector_load %arg16[%get3A_160, %get3A_161] {strides = array<i32>} : memref<32x16xi32, #tpu.memory_space<vmem>>, vector<16xi32>,
      tpu.vector_store_idx %arg15[%get3A_162], %broadcast_in_dim3A_17 {add = true} : memref<10240xf32, #tpu.memory_space<vmem>>[vector<16xi32>], vector<16xf32>,
    }
    %scan3A_22 = arith.constant 20 : i32
    %barrier3A_23 = arith.constant 0 : index
    tpu.barrier barrier_id(%barrier3A_23)
    %scan3A_24 = arith.constant 0 : i32
    %scan3A_25 = arith.constant 40 : i32
    %scan3A_26 = arith.addi %scan3A_24, %scan3A_25 : i32
    %scan3A_27 = arith.constant 1 : i32
    scf.for %scan3A_29 = %scan3A_24 to %scan3A_26 step %scan3A_27  : i32 {
      %mul3A_30 = arith.constant 1 : i32
      %mul3A_31 = arith.muli %scan3A_29, %mul3A_30 : i32
      %add3A_32 = arith.constant 0 : i32
      %add3A_33 = arith.addi %add3A_32, %mul3A_31 : i32
      %mul3A_34 = arith.constant 16 : i32
      %mul3A_35 = arith.muli %add3A_33, %mul3A_34 : i32
      %add3A_36 = arith.addi %mul3A_2, %mul3A_35 : i32
      "tpu.region"() ({
        %run_scoped3A = tpu.sem_alloc : memref<!tpu.dma_semaphore, #tpu.memory_space<semaphore_mem>>
        %dma_start3A = arith.constant 0 : i32
        %dma_start3A_40 = tpu.memref_slice %arg10[%add3A_36, %dma_start3A] : memref<10240x128xf32, #tpu.memory_space<vmem_shared>> -> memref<16x128xf32, #tpu.memory_space<vmem_shared>>
        %dma_start3A_41 = arith.constant 0 : i32
        %dma_start3A_42 = tpu.memref_slice %arg10[%add3A_36, %dma_start3A_41] : memref<10240x128xf32, #tpu.memory_space<vmem_shared>> -> memref<16x128xf32, #tpu.memory_space<vmem_shared>>
        tpu.enqueue_dma source(%dma_start3A_42 : memref<16x128xf32, #tpu.memory_space<vmem_shared>>) target(%arg14 : memref<16x128xf32, #tpu.memory_space<vmem>>) target_semaphore(%run_scoped3A : memref<!tpu.dma_semaphore, #tpu.memory_space<semaphore_mem>>)
        %dma_wait3A = arith.constant 0 : i32
        %dma_wait3A_43 = tpu.memref_slice %arg10[%add3A_36, %dma_wait3A] : memref<10240x128xf32, #tpu.memory_space<vmem_shared>> -> memref<16x128xf32, #tpu.memory_space<vmem_shared>>
        %dma_wait3A_44 = arith.constant 0 : i32
        %dma_wait3A_45 = tpu.memref_slice %arg10[%add3A_36, %dma_wait3A_44] : memref<10240x128xf32, #tpu.memory_space<vmem_shared>> -> memref<16x128xf32, #tpu.memory_space<vmem_shared>>
        tpu.wait_dma2 semaphore(%run_scoped3A : memref<!tpu.dma_semaphore, #tpu.memory_space<semaphore_mem>>) src(%dma_wait3A_45 : memref<16x128xf32, #tpu.memory_space<vmem_shared>>) dst(%arg14 : memref<16x128xf32, #tpu.memory_space<vmem>>)
        tpu.yield
      }) : () -> ()
      %mul3A_37 = arith.constant 16 : i32
      %mul3A_38 = arith.muli %add3A_33, %mul3A_37 : i32
      %add3A_39 = arith.addi %mul3A_2, %mul3A_38 : i32
      "tpu.region"() ({
        %run_scoped3A = tpu.sem_alloc : memref<!tpu.dma_semaphore, #tpu.memory_space<semaphore_mem>>
        %dma_start3A = arith.constant 0 : i32
        %dma_start3A_40 = tpu.memref_slice %arg8[%arg0, %add3A_39, %dma_start3A] : memref<2x10240x128xf32, #tpu.memory_space<hbm>> -> memref<1x16x128xf32, #tpu.memory_space<hbm>>
        %dma_start3A_41 = tpu.memref_squeeze %dma_start3A_40 : memref<1x16x128xf32, #tpu.memory_space<hbm>> -> memref<16x128xf32, #tpu.memory_space<hbm>>
        %dma_start3A_42 = arith.constant 0 : i32
        %dma_start3A_43 = tpu.memref_slice %arg8[%arg0, %add3A_39, %dma_start3A_42] : memref<2x10240x128xf32, #tpu.memory_space<hbm>> -> memref<1x16x128xf32, #tpu.memory_space<hbm>>
        %dma_start3A_44 = tpu.memref_squeeze %dma_start3A_43 : memref<1x16x128xf32, #tpu.memory_space<hbm>> -> memref<16x128xf32, #tpu.memory_space<hbm>>
        tpu.enqueue_dma source(%arg14 : memref<16x128xf32, #tpu.memory_space<vmem>>) target(%dma_start3A_44 : memref<16x128xf32, #tpu.memory_space<hbm>>) target_semaphore(%run_scoped3A : memref<!tpu.dma_semaphore, #tpu.memory_space<semaphore_mem>>)
        %dma_wait3A = arith.constant 0 : i32
        %dma_wait3A_45 = tpu.memref_slice %arg8[%arg0, %add3A_39, %dma_wait3A] : memref<2x10240x128xf32, #tpu.memory_space<hbm>> -> memref<1x16x128xf32, #tpu.memory_space<hbm>>
        %dma_wait3A_46 = tpu.memref_squeeze %dma_wait3A_45 : memref<1x16x128xf32, #tpu.memory_space<hbm>> -> memref<16x128xf32, #tpu.memory_space<hbm>>
        %dma_wait3A_47 = arith.constant 0 : i32
        %dma_wait3A_48 = tpu.memref_slice %arg8[%arg0, %add3A_39, %dma_wait3A_47] : memref<2x10240x128xf32, #tpu.memory_space<hbm>> -> memref<1x16x128xf32, #tpu.memory_space<hbm>>
        %dma_wait3A_49 = tpu.memref_squeeze %dma_wait3A_48 : memref<1x16x128xf32, #tpu.memory_space<hbm>> -> memref<16x128xf32, #tpu.memory_space<hbm>>
        tpu.wait_dma2 semaphore(%run_scoped3A : memref<!tpu.dma_semaphore, #tpu.memory_space<semaphore_mem>>) src(%arg14 : memref<16x128xf32, #tpu.memory_space<vmem>>) dst(%dma_wait3A_49 : memref<16x128xf32, #tpu.memory_space<hbm>>)
        tpu.yield
      }) : () -> ()
    }
    %scan3A_28 = arith.constant 40 : i32
    "tpu.region"() ({
      %run_scoped3A = tpu.sem_alloc : memref<!tpu.dma_semaphore, #tpu.memory_space<semaphore_mem>>
      %dma_start3A = arith.constant 0 : i32
      %dma_start3A_29 = tpu.memref_slice %arg9[%arg0, %arg1, %dma_start3A] : memref<2x16x10240xf32, #tpu.memory_space<hbm>> -> memref<1x1x10240xf32, #tpu.memory_space<hbm>>
      %dma_start3A_30 = tpu.memref_squeeze %dma_start3A_29 : memref<1x1x10240xf32, #tpu.memory_space<hbm>> -> memref<10240xf32, #tpu.memory_space<hbm>>
      %dma_start3A_31 = arith.constant 0 : i32
      %dma_start3A_32 = tpu.memref_slice %arg9[%arg0, %arg1, %dma_start3A_31] : memref<2x16x10240xf32, #tpu.memory_space<hbm>> -> memref<1x1x10240xf32, #tpu.memory_space<hbm>>
      %dma_start3A_33 = tpu.memref_squeeze %dma_start3A_32 : memref<1x1x10240xf32, #tpu.memory_space<hbm>> -> memref<10240xf32, #tpu.memory_space<hbm>>
      tpu.enqueue_dma source(%arg15 : memref<10240xf32, #tpu.memory_space<vmem>>) target(%dma_start3A_33 : memref<10240xf32, #tpu.memory_space<hbm>>) target_semaphore(%run_scoped3A : memref<!tpu.dma_semaphore, #tpu.memory_space<semaphore_mem>>)
      %dma_wait3A = arith.constant 0 : i32
      %dma_wait3A_34 = tpu.memref_slice %arg9[%arg0, %arg1, %dma_wait3A] : memref<2x16x10240xf32, #tpu.memory_space<hbm>> -> memref<1x1x10240xf32, #tpu.memory_space<hbm>>
      %dma_wait3A_35 = tpu.memref_squeeze %dma_wait3A_34 : memref<1x1x10240xf32, #tpu.memory_space<hbm>> -> memref<10240xf32, #tpu.memory_space<hbm>>
      %dma_wait3A_36 = arith.constant 0 : i32
      %dma_wait3A_37 = tpu.memref_slice %arg9[%arg0, %arg1, %dma_wait3A_36] : memref<2x16x10240xf32, #tpu.memory_space<hbm>> -> memref<1x1x10240xf32, #tpu.memory_space<hbm>>
      %dma_wait3A_38 = tpu.memref_squeeze %dma_wait3A_37 : memref<1x1x10240xf32, #tpu.memory_space<hbm>> -> memref<10240xf32, #tpu.memory_space<hbm>>
      tpu.wait_dma2 semaphore(%run_scoped3A : memref<!tpu.dma_semaphore, #tpu.memory_space<semaphore_mem>>) src(%arg15 : memref<10240xf32, #tpu.memory_space<vmem>>) dst(%dma_wait3A_38 : memref<10240xf32, #tpu.memory_space<hbm>>)
      tpu.yield
    }) : () -> ()
    return
  }
}

module attributes {stable_mosaic.version = 14 : i64} {
  func.func @_pre_body(%arg0: i32, %arg1: memref<2000x128xf32, #tpu.memory_space<vmem>>, %arg2: memref<128x128xf32, #tpu.memory_space<vmem>>, %arg3: memref<1x128xf32, #tpu.memory_space<vmem>>, %arg4: memref<128x128xf32, #tpu.memory_space<vmem>>, %arg5: memref<1x128xf32, #tpu.memory_space<vmem>>, %arg6: memref<128x128xf32, #tpu.memory_space<vmem>>, %arg7: memref<1x128xf32, #tpu.memory_space<vmem>>, %arg8: memref<2000x128xf32, #tpu.memory_space<vmem>>, %arg9: memref<2000x128xf32, #tpu.memory_space<vmem>>) attributes {dimension_semantics = [#tpu.dimension_semantics<arbitrary>], iteration_bounds = array<i64: 5>, scalar_prefetch = 0 : i64, scratch_operands = 0 : i64, tpu.core_type = #tpu.core_type<tc>, window_params = [{transform_indices = @transform_0, window_bounds = array<i64: 2000, 128>}, {pipeline_mode = #tpu.pipeline_mode<synchronous>, transform_indices = @transform_1, window_bounds = array<i64: 128, 128>}, {pipeline_mode = #tpu.pipeline_mode<synchronous>, transform_indices = @transform_2, window_bounds = array<i64: 1, 128>}, {pipeline_mode = #tpu.pipeline_mode<synchronous>, transform_indices = @transform_3, window_bounds = array<i64: 128, 128>}, {pipeline_mode = #tpu.pipeline_mode<synchronous>, transform_indices = @transform_4, window_bounds = array<i64: 1, 128>}, {pipeline_mode = #tpu.pipeline_mode<synchronous>, transform_indices = @transform_5, window_bounds = array<i64: 128, 128>}, {pipeline_mode = #tpu.pipeline_mode<synchronous>, transform_indices = @transform_6, window_bounds = array<i64: 1, 128>}, {transform_indices = @transform_7, window_bounds = array<i64: 2000, 128>}, {transform_indices = @transform_8, window_bounds = array<i64: 2000, 128>}]} {
    %get3A = arith.constant 0 : index
    %get3A_0 = arith.constant 0 : index
    %get3A_1 = vector.load %arg1[%get3A, %get3A_0] : memref<2000x128xf32, #tpu.memory_space<vmem>>, vector<2000x128xf32>
    %get3A_2 = arith.constant 0 : index
    %get3A_3 = arith.constant 0 : index
    %get3A_4 = vector.load %arg2[%get3A_2, %get3A_3] : memref<128x128xf32, #tpu.memory_space<vmem>>, vector<128x128xf32>
    %dot_general3A = arith.constant dense<0.000000e+00> : vector<2000x128xf32>
    %dot_general3A_5 = tpu.matmul %get3A_1, %get3A_4, %dot_general3A {dimension_numbers = #tpu.dot_dimension_numbers<[1], [0], [0], [1], [0, 0, 1, 1], [], []>, transpose_lhs_hint = false} : vector<2000x128xf32>, vector<128x128xf32>, vector<2000x128xf32> -> vector<2000x128xf32>
    %get3A_6 = arith.constant 0 : index
    %get3A_7 = arith.constant 0 : index
    %get3A_8 = vector.load %arg3[%get3A_6, %get3A_7] : memref<1x128xf32, #tpu.memory_space<vmem>>, vector<1x128xf32>
    %add3A = vector.broadcast %get3A_8 : vector<1x128xf32> to vector<2000x128xf32>
    %add3A_9 = arith.addf %dot_general3A_5, %add3A : vector<2000x128xf32>
    %max3A = arith.constant 0.000000e+00 : f32
    %max3A_10 = vector.broadcast %max3A : f32 to vector<2000x128xf32>
    %max3A_11 = arith.maximumf %add3A_9, %max3A_10 : vector<2000x128xf32>
    %get3A_12 = arith.constant 0 : index
    %get3A_13 = arith.constant 0 : index
    %get3A_14 = vector.load %arg4[%get3A_12, %get3A_13] : memref<128x128xf32, #tpu.memory_space<vmem>>, vector<128x128xf32>
    %dot_general3A_15 = arith.constant dense<0.000000e+00> : vector<2000x128xf32>
    %dot_general3A_16 = tpu.matmul %max3A_11, %get3A_14, %dot_general3A_15 {dimension_numbers = #tpu.dot_dimension_numbers<[1], [0], [0], [1], [0, 0, 1, 1], [], []>, transpose_lhs_hint = false} : vector<2000x128xf32>, vector<128x128xf32>, vector<2000x128xf32> -> vector<2000x128xf32>
    %get3A_17 = arith.constant 0 : index
    %get3A_18 = arith.constant 0 : index
    %get3A_19 = vector.load %arg5[%get3A_17, %get3A_18] : memref<1x128xf32, #tpu.memory_space<vmem>>, vector<1x128xf32>
    %add3A_20 = vector.broadcast %get3A_19 : vector<1x128xf32> to vector<2000x128xf32>
    %add3A_21 = arith.addf %dot_general3A_16, %add3A_20 : vector<2000x128xf32>
    %get3A_22 = arith.constant 0 : index
    %get3A_23 = arith.constant 0 : index
    %get3A_24 = vector.load %arg7[%get3A_22, %get3A_23] : memref<1x128xf32, #tpu.memory_space<vmem>>, vector<1x128xf32>
    %add3A_25 = vector.broadcast %get3A_24 : vector<1x128xf32> to vector<2000x128xf32>
    %add3A_26 = arith.addf %add3A_21, %add3A_25 : vector<2000x128xf32>
    %swap3A = arith.constant 0 : index
    %swap3A_27 = arith.constant 0 : index
    %swap3A_28 = vector.load %arg8[%swap3A, %swap3A_27] : memref<2000x128xf32, #tpu.memory_space<vmem>>, vector<2000x128xf32>
    tpu.vector_store %arg8[%swap3A, %swap3A_27], %add3A_26 {strides = array<i32>} : memref<2000x128xf32, #tpu.memory_space<vmem>>, vector<2000x128xf32>,
    %get3A_29 = arith.constant 0 : index
    %get3A_30 = arith.constant 0 : index
    %get3A_31 = vector.load %arg6[%get3A_29, %get3A_30] : memref<128x128xf32, #tpu.memory_space<vmem>>, vector<128x128xf32>
    %dot_general3A_32 = arith.constant dense<0.000000e+00> : vector<2000x128xf32>
    %dot_general3A_33 = tpu.matmul %max3A_11, %get3A_31, %dot_general3A_32 {dimension_numbers = #tpu.dot_dimension_numbers<[1], [0], [0], [1], [0, 0, 1, 1], [], []>, transpose_lhs_hint = false} : vector<2000x128xf32>, vector<128x128xf32>, vector<2000x128xf32> -> vector<2000x128xf32>
    %swap3A_34 = arith.constant 0 : index
    %swap3A_35 = arith.constant 0 : index
    %swap3A_36 = vector.load %arg9[%swap3A_34, %swap3A_35] : memref<2000x128xf32, #tpu.memory_space<vmem>>, vector<2000x128xf32>
    tpu.vector_store %arg9[%swap3A_34, %swap3A_35], %dot_general3A_33 {strides = array<i32>} : memref<2000x128xf32, #tpu.memory_space<vmem>>, vector<2000x128xf32>,
    return
  }
  func.func @transform_0(%arg0: i32) -> (i32, i32) {
    %c0_i32 = arith.constant 0 : i32
    %c0_i32_0 = arith.constant 0 : i32
    return %arg0, %c0_i32 : i32, i32
  }
  func.func @transform_1(%arg0: i32) -> (i32, i32) {
    %c0_i32 = arith.constant 0 : i32
    %c0_i32_0 = arith.constant 0 : i32
    %c0_i32_1 = arith.constant 0 : i32
    return %c0_i32, %c0_i32_0 : i32, i32
  }
  func.func @transform_2(%arg0: i32) -> (i32, i32) {
    %c0_i32 = arith.constant 0 : i32
    %c0_i32_0 = arith.constant 0 : i32
    %c0_i32_1 = arith.constant 0 : i32
    return %c0_i32, %c0_i32_0 : i32, i32
  }
  func.func @transform_3(%arg0: i32) -> (i32, i32) {
    %c0_i32 = arith.constant 0 : i32
    %c0_i32_0 = arith.constant 0 : i32
    %c0_i32_1 = arith.constant 0 : i32
    return %c0_i32, %c0_i32_0 : i32, i32
  }
  func.func @transform_4(%arg0: i32) -> (i32, i32) {
    %c0_i32 = arith.constant 0 : i32
    %c0_i32_0 = arith.constant 0 : i32
    %c0_i32_1 = arith.constant 0 : i32
    return %c0_i32, %c0_i32_0 : i32, i32
  }
  func.func @transform_5(%arg0: i32) -> (i32, i32) {
    %c0_i32 = arith.constant 0 : i32
    %c0_i32_0 = arith.constant 0 : i32
    %c0_i32_1 = arith.constant 0 : i32
    return %c0_i32, %c0_i32_0 : i32, i32
  }
  func.func @transform_6(%arg0: i32) -> (i32, i32) {
    %c0_i32 = arith.constant 0 : i32
    %c0_i32_0 = arith.constant 0 : i32
    %c0_i32_1 = arith.constant 0 : i32
    return %c0_i32, %c0_i32_0 : i32, i32
  }
  func.func @transform_7(%arg0: i32) -> (i32, i32) {
    %c0_i32 = arith.constant 0 : i32
    %c0_i32_0 = arith.constant 0 : i32
    return %arg0, %c0_i32 : i32, i32
  }
  func.func @transform_8(%arg0: i32) -> (i32, i32) {
    %c0_i32 = arith.constant 0 : i32
    %c0_i32_0 = arith.constant 0 : i32
    return %arg0, %c0_i32 : i32, i32
  }
}

module attributes {stable_mosaic.version = 14 : i64} {
  func.func @_lambda_(%arg0: memref<32x80x128xf32, #tpu.memory_space<vmem>>, %arg1: memref<80x128xf32, #tpu.memory_space<vmem>>) attributes {dimension_semantics = [], scalar_prefetch = 0 : i64, scratch_operands = 0 : i64, tpu.core_type = #tpu.core_type<tc>} {
    %get3A = arith.constant 0 : index
    %get3A_0 = arith.constant 0 : index
    %get3A_1 = arith.constant 0 : index
    %get3A_2 = vector.load %arg0[%get3A, %get3A_0, %get3A_1] : memref<32x80x128xf32, #tpu.memory_space<vmem>>, vector<32x80x128xf32>
    %reduce_sum3A = arith.constant dense<0.000000e+00> : vector<80x128xf32>
    %reduce_sum3A_3 = vector.multi_reduction <add>, %get3A_2, %reduce_sum3A [0] : vector<32x80x128xf32> to vector<80x128xf32>
    %swap3A = arith.constant 0 : index
    %swap3A_4 = arith.constant 0 : index
    %swap3A_5 = vector.load %arg1[%swap3A, %swap3A_4] : memref<80x128xf32, #tpu.memory_space<vmem>>, vector<80x128xf32>
    tpu.vector_store %arg1[%swap3A, %swap3A_4], %reduce_sum3A_3 {strides = array<i32>} : memref<80x128xf32, #tpu.memory_space<vmem>>, vector<80x128xf32>,
    return
  }
}

module attributes {stable_mosaic.version = 14 : i64} {
  func.func @_post_body(%arg0: i32, %arg1: memref<2000x128xf32, #tpu.memory_space<vmem>>, %arg2: memref<2x2000x128xf32, #tpu.memory_space<vmem>>, %arg3: memref<2000x1xf32, #tpu.memory_space<vmem>>, %arg4: memref<128x128xf32, #tpu.memory_space<vmem>>, %arg5: memref<1x128xf32, #tpu.memory_space<vmem>>, %arg6: memref<1x128xf32, #tpu.memory_space<vmem>>, %arg7: memref<1x128xf32, #tpu.memory_space<vmem>>) attributes {dimension_semantics = [#tpu.dimension_semantics<arbitrary>], iteration_bounds = array<i64: 5>, scalar_prefetch = 0 : i64, scratch_operands = 1 : i64, tpu.core_type = #tpu.core_type<tc>, window_params = [{transform_indices = @transform_0, window_bounds = array<i64: 2000, 128>}, {transform_indices = @transform_1, window_bounds = array<i64: 2, 2000, 128>}, {transform_indices = @transform_2, window_bounds = array<i64: 2000, 1>}, {pipeline_mode = #tpu.pipeline_mode<synchronous>, transform_indices = @transform_3, window_bounds = array<i64: 128, 128>}, {pipeline_mode = #tpu.pipeline_mode<synchronous>, transform_indices = @transform_4, window_bounds = array<i64: 1, 128>}, {pipeline_mode = #tpu.pipeline_mode<synchronous>, transform_indices = @transform_5, window_bounds = array<i64: 1, 128>}]} {
    %eq3A = arith.constant 0 : i32
    %eq3A_0 = arith.cmpi eq, %arg0, %eq3A : i32
    %convert_element_type3A = arith.extui %eq3A_0 : i1 to i32
    %cond3A = arith.constant 0 : i32
    %cond3A_1 = arith.cmpi ne, %convert_element_type3A, %cond3A : i32
    scf.if %cond3A_1 {
      %broadcast_in_dim3A_36 = arith.constant 0.000000e+00 : f32
      %broadcast_in_dim3A_37 = vector.broadcast %broadcast_in_dim3A_36 : f32 to vector<1x128xf32>
      %swap3A_38 = arith.constant 0 : index
      %swap3A_39 = arith.constant 0 : index
      %swap3A_40 = vector.load %arg7[%swap3A_38, %swap3A_39] : memref<1x128xf32, #tpu.memory_space<vmem>>, vector<1x128xf32>
      tpu.vector_store %arg7[%swap3A_38, %swap3A_39], %broadcast_in_dim3A_37 {strides = array<i32>} : memref<1x128xf32, #tpu.memory_space<vmem>>, vector<1x128xf32>,
    } else {
    }
    %get3A = arith.constant 0 : index
    %get3A_2 = arith.constant 0 : index
    %get3A_3 = arith.constant 0 : index
    %get3A_4 = vector.load %arg2[%get3A, %get3A_2, %get3A_3] : memref<2x2000x128xf32, #tpu.memory_space<vmem>>, vector<1x2000x128xf32>
    %get3A_5 = vector.shape_cast %get3A_4 : vector<1x2000x128xf32> to vector<2000x128xf32>
    %get3A_6 = arith.constant 1 : index
    %get3A_7 = arith.constant 0 : index
    %get3A_8 = arith.constant 0 : index
    %get3A_9 = vector.load %arg2[%get3A_6, %get3A_7, %get3A_8] : memref<2x2000x128xf32, #tpu.memory_space<vmem>>, vector<1x2000x128xf32>
    %get3A_10 = vector.shape_cast %get3A_9 : vector<1x2000x128xf32> to vector<2000x128xf32>
    %add3A = arith.addf %get3A_5, %get3A_10 : vector<2000x128xf32>
    %get3A_11 = arith.constant 0 : index
    %get3A_12 = arith.constant 0 : index
    %get3A_13 = vector.load %arg3[%get3A_11, %get3A_12] : memref<2000x1xf32, #tpu.memory_space<vmem>>, vector<2000x1xf32>
    %max3A = arith.constant 1.000000e+00 : f32
    %max3A_14 = vector.broadcast %max3A : f32 to vector<2000x1xf32>
    %max3A_15 = arith.maximumf %get3A_13, %max3A_14 : vector<2000x1xf32>
    %div3A = vector.broadcast %max3A_15 : vector<2000x1xf32> to vector<2000x128xf32>
    %div3A_16 = arith.divf %add3A, %div3A : vector<2000x128xf32>
    %get3A_17 = arith.constant 0 : index
    %get3A_18 = arith.constant 0 : index
    %get3A_19 = vector.load %arg1[%get3A_17, %get3A_18] : memref<2000x128xf32, #tpu.memory_space<vmem>>, vector<2000x128xf32>
    %add3A_20 = arith.addf %get3A_19, %div3A_16 : vector<2000x128xf32>
    %max3A_21 = arith.constant 0.000000e+00 : f32
    %max3A_22 = vector.broadcast %max3A_21 : f32 to vector<2000x128xf32>
    %max3A_23 = arith.maximumf %add3A_20, %max3A_22 : vector<2000x128xf32>
    %get3A_24 = arith.constant 0 : index
    %get3A_25 = arith.constant 0 : index
    %get3A_26 = vector.load %arg7[%get3A_24, %get3A_25] : memref<1x128xf32, #tpu.memory_space<vmem>>, vector<1x128xf32>
    %reduce_sum3A = arith.constant dense<0.000000e+00> : vector<128xf32>
    %reduce_sum3A_27 = vector.multi_reduction <add>, %max3A_23, %reduce_sum3A [0] : vector<2000x128xf32> to vector<128xf32>
    %broadcast_in_dim3A = vector.shape_cast %reduce_sum3A_27 : vector<128xf32> to vector<1x128xf32>
    %add3A_28 = arith.addf %get3A_26, %broadcast_in_dim3A : vector<1x128xf32>
    %swap3A = arith.constant 0 : index
    %swap3A_29 = arith.constant 0 : index
    %swap3A_30 = vector.load %arg7[%swap3A, %swap3A_29] : memref<1x128xf32, #tpu.memory_space<vmem>>, vector<1x128xf32>
    tpu.vector_store %arg7[%swap3A, %swap3A_29], %add3A_28 {strides = array<i32>} : memref<1x128xf32, #tpu.memory_space<vmem>>, vector<1x128xf32>,
    %eq3A_31 = arith.constant 4 : i32
    %eq3A_32 = arith.cmpi eq, %arg0, %eq3A_31 : i32
    %convert_element_type3A_33 = arith.extui %eq3A_32 : i1 to i32
    %cond3A_34 = arith.constant 0 : i32
    %cond3A_35 = arith.cmpi ne, %convert_element_type3A_33, %cond3A_34 : i32
    scf.if %cond3A_35 {
      %get3A_36 = arith.constant 0 : index
      %get3A_37 = arith.constant 0 : index
      %get3A_38 = vector.load %arg7[%get3A_36, %get3A_37] : memref<1x128xf32, #tpu.memory_space<vmem>>, vector<1x128xf32>
      %mul3A = arith.constant 9.99999974E-5 : f32
      %mul3A_39 = vector.broadcast %mul3A : f32 to vector<1x128xf32>
      %mul3A_40 = arith.mulf %get3A_38, %mul3A_39 : vector<1x128xf32>
      %get3A_41 = arith.constant 0 : index
      %get3A_42 = arith.constant 0 : index
      %get3A_43 = vector.load %arg4[%get3A_41, %get3A_42] : memref<128x128xf32, #tpu.memory_space<vmem>>, vector<128x128xf32>
      %dot_general3A = arith.constant dense<0.000000e+00> : vector<1x128xf32>
      %dot_general3A_44 = tpu.matmul %mul3A_40, %get3A_43, %dot_general3A {dimension_numbers = #tpu.dot_dimension_numbers<[1], [0], [0], [1], [0, 0, 1, 1], [], []>, transpose_lhs_hint = false} : vector<1x128xf32>, vector<128x128xf32>, vector<1x128xf32> -> vector<1x128xf32>
      %get3A_45 = arith.constant 0 : index
      %get3A_46 = arith.constant 0 : index
      %get3A_47 = vector.load %arg5[%get3A_45, %get3A_46] : memref<1x128xf32, #tpu.memory_space<vmem>>, vector<1x128xf32>
      %add3A_48 = arith.addf %dot_general3A_44, %get3A_47 : vector<1x128xf32>
      %swap3A_49 = arith.constant 0 : index
      %swap3A_50 = arith.constant 0 : index
      %swap3A_51 = vector.load %arg6[%swap3A_49, %swap3A_50] : memref<1x128xf32, #tpu.memory_space<vmem>>, vector<1x128xf32>
      tpu.vector_store %arg6[%swap3A_49, %swap3A_50], %add3A_48 {strides = array<i32>} : memref<1x128xf32, #tpu.memory_space<vmem>>, vector<1x128xf32>,
    } else {
    }
    return
  }
  func.func @transform_0(%arg0: i32) -> (i32, i32) {
    %c0_i32 = arith.constant 0 : i32
    %c0_i32_0 = arith.constant 0 : i32
    return %arg0, %c0_i32 : i32, i32
  }
  func.func @transform_1(%arg0: i32) -> (i32, i32, i32) {
    %c0_i32 = arith.constant 0 : i32
    %c0_i32_0 = arith.constant 0 : i32
    %c0_i32_1 = arith.constant 0 : i32
    return %c0_i32, %arg0, %c0_i32_0 : i32, i32, i32
  }
  func.func @transform_2(%arg0: i32) -> (i32, i32) {
    %c0_i32 = arith.constant 0 : i32
    %c0_i32_0 = arith.constant 0 : i32
    return %arg0, %c0_i32 : i32, i32
  }
  func.func @transform_3(%arg0: i32) -> (i32, i32) {
    %c0_i32 = arith.constant 0 : i32
    %c0_i32_0 = arith.constant 0 : i32
    %c0_i32_1 = arith.constant 0 : i32
    return %c0_i32, %c0_i32_0 : i32, i32
  }
  func.func @transform_4(%arg0: i32) -> (i32, i32) {
    %c0_i32 = arith.constant 0 : i32
    %c0_i32_0 = arith.constant 0 : i32
    %c0_i32_1 = arith.constant 0 : i32
    return %c0_i32, %c0_i32_0 : i32, i32
  }
  func.func @transform_5(%arg0: i32) -> (i32, i32) {
    %c0_i32 = arith.constant 0 : i32
    %c0_i32_0 = arith.constant 0 : i32
    %c0_i32_1 = arith.constant 0 : i32
    return %c0_i32, %c0_i32_0 : i32, i32
  }
}

</mosaic_0001>

<sc_bundles>
// kernel: kernel.6.cloned.1.call-start
scs
__scs_entry_jumppad:
0x0: {  	(pc) =	sbr.rel $0x88, $3  }
0x1: {  	(tag) =	ssettag $0x0;
	lr =	simm.s32 $0x1  }
0x2: {  	[smem:$0x3F97] =	sst lr;
	_ =	strace $0xD0000000  }
0x3: {  	_ = 	snop  }
0x4: {  	_ = 	snop  }
0x5: {  	_ = 	snop  }
0x6: {  	_ = 	snop  }
0x7: {  	_ = 	snop  }
__scs_overlays_trampoline_lowered:
0x8: {  	[smem:$0x3FA6] =	sst s0  }
0x9: {  	[smem:$0x3FA7] =	sst s1  }
0xa: {  	[smem:$0x3FA8] =	sst s2  }
0xb: {  	[smem:$0x3FA9] =	sst s3  }
0xc: {  	[smem:$0x3FAA] =	sst s4  }
0xd: {  	[smem:$0x3FAB] =	sst s5  }
0xe: {  	[smem:$0x3FAC] =	sst s6  }
0xf: {  	[smem:$0x3FAD] =	sst s7  }
0x10: {  	[smem:$0x3FAE] =	sst s8  }
0x11: {  	[smem:$0x3FAF] =	sst s9;
	s0 =	simm.s32 @!p0 $0x0  }
0x12: {  	s1 =	sld [smem:$0x3F95];
	s0 =	simm.s32 @p0 $0x1  }
0x13: {  	[smem:$0x3FB0] =	sst s0;
	s0 =	simm.s32 @!p1 $0x0  }
0x14: {  	s2 =	sld [smem:$0x3F94];
	s0 =	simm.s32 @p1 $0x1  }
0x15: {  	[smem:$0x3FB1] =	sst s0;
	s0 =	simm.s32 @!p2 $0x0  }
0x16: {  	s3 =	sld [smem:$0x3FDB];
	s0 =	simm.s32 @p2 $0x1  }
0x17: {  	s4 =	simm.s32 $0x1BF5;
	[smem:$0x3FB3] =	sst s0  }
0x18: {  	s0 =	sld [smem:$0x3F96];
	_ =	swait.ge [sflag:s4], $0x0  }
0x19: {  	s7 =	sld [smem:$0x3F97]  }
0x1a: {  	s8 =	sadd.s32 $0xFFFFE003, lr  }
0x1b: {  	s9 =	sadd.s32 $0xFFFFFEF7, lr;
	s5 =	simm.s32 $0xFFFFFFFF;
	p2 =	slt.u32 s8, $0xFFFFF086  }
0x1c: {  	p1 =	slt.u32 s9, $0xF7A;
	s5 =	simm.s32 @!p2 $0x0  }
0x1d: {  	s5 =	simm.s32 @p1 $0x1;
	p0 =	seq.s32 s7, s2  }
0x1e: {  	s7 =	smul.u32 @!p0 $0xF7A, s2;
	p2 =	seq.s32 @!p0 s5, $0x0  }
0x1f: {  	s9 =	smul.u32 $0xF7A, s1;
	s8 =	simm.s32 @!p0 $0x1BF5;
	p2 =	por !p2, p0  }
0x20: {  	[sflag:s8] =	ssyncset.s32 @!p0 $0xFFFFF086;
	s6 =	sadd.s32 @!p0 s3, s7;
	s7 =	simm.s32 @!p0 $0x108  }
0x21: {  	s3 =	sadd.s32 s3, s9;
	s6 =	sadd.s32 @!p0 $0x88, s6;
	s7 =	simm.s32 @p2 $0x1082  }
0x22: {  	[simem:s7], [sflag:s8] =	dma.local @!p0 [hbm:s6], $0xF7A  }
0x23: {  	s9 =	sor.u32 $0xD0000000, s2;
	s6 =	simm.s32 $0x108;
	_ =	swait.ge @!p0 [sflag:s8], $0x0  }
0x24: {  	s3 =	sadd.s32 $0x88, s3;
	s6 =	simm.s32 @!p1 $0x1082;
	[sflag:s4] =	ssyncset.s32 $0xFFFFF086  }
0x25: {  	[simem:s6], [sflag:s4] =	dma.local [hbm:s3], $0xF7A  }
0x26: {  	[smem:$0x3F97] =	sst s1;
	(tag) =	ssettag s2;
	_ =	strace s9  }
0x27: {  	s1 =	sld [smem:$0x3FA7]  }
0x28: {  	s2 =	sld [smem:$0x3FA8]  }
0x29: {  	s4 =	sld [smem:$0x3FAA]  }
0x2a: {  	p0 =	seq.s32 s5, $0x0;
	s5 =	sld [smem:$0x3FAB]  }
0x2b: {  	s6 =	sld [smem:$0x3FAC]  }
0x2c: {  	s7 =	sld [smem:$0x3FAD]  }
0x2d: {  	s3 =	simm.s32 $0x108;
	s8 =	sld [smem:$0x3FAE]  }
0x2e: {  	s3 =	simm.s32 @!p0 $0x1082;
	s9 =	sld [smem:$0x3FAF]  }
0x2f: {  	lr =	sadd.s32 s0, s3;
	s0 =	sld [smem:$0x3FA6]  }
0x30: {  	s3 =	sld [smem:$0x3FA9]  }
0x31: {  	[smem:$0x3FB2] =	sst s10  }
0x32: {  	s10 =	sld [smem:$0x3FB0];
	_ =	sdelay $0x3  }
0x33: {  	p0 =	seq.s32 s10, $0x1;
	s10 =	sld [smem:$0x3FB2];
	_ =	sdelay $0x3  }
0x34: {  	[smem:$0x3FB2] =	sst s10  }
0x35: {  	s10 =	sld [smem:$0x3FB1];
	_ =	sdelay $0x3  }
0x36: {  	p1 =	seq.s32 s10, $0x1;
	s10 =	sld [smem:$0x3FB2];
	_ =	sdelay $0x3  }
0x37: {  	[smem:$0x3FB2] =	sst s10  }
0x38: {  	s10 =	sld [smem:$0x3FB3]  }
0x39: {  	_ = 	snop;
	(pc) =	sbr.ind lr, $3  }
0x3a: {  	_ = 	snop  }
0x3b: {  	_ = 	snop  }
0x3c: {  	p2 =	seq.s32 s10, $0x1;
	s10 =	sld [smem:$0x3FB2]  }
0x3d: {  	_ =	shalt  }
0x3e: {  	_ =	shalt  }
0x3f: {  	_ =	shalt  }
0x40: {  	_ =	shalt  }
0x41: {  	_ =	shalt  }
0x42: {  	_ =	shalt  }
0x43: {  	_ =	shalt  }
0x44: {  	_ =	shalt  }
0x45: {  	_ =	shalt  }
0x46: {  	_ =	shalt  }
0x47: {  	_ =	shalt  }
0x48: {  	_ =	shalt  }
0x49: {  	_ =	shalt  }
0x4a: {  	_ =	shalt  }
0x4b: {  	_ =	shalt  }
0x4c: {  	_ =	shalt  }
0x4d: {  	_ =	shalt  }
0x4e: {  	_ =	shalt  }
0x4f: {  	_ =	shalt  }
0x50: {  	_ =	shalt  }
0x51: {  	_ =	shalt  }
0x52: {  	_ =	shalt  }
0x53: {  	_ =	shalt  }
0x54: {  	_ =	shalt  }
0x55: {  	_ =	shalt  }
0x56: {  	_ =	shalt  }
0x57: {  	_ =	shalt  }
0x58: {  	_ =	shalt  }
0x59: {  	_ =	shalt  }
0x5a: {  	_ =	shalt  }
0x5b: {  	_ =	shalt  }
0x5c: {  	_ =	shalt  }
0x5d: {  	_ =	shalt  }
0x5e: {  	_ =	shalt  }
0x5f: {  	_ =	shalt  }
0x60: {  	_ =	shalt  }
0x61: {  	_ =	shalt  }
0x62: {  	_ =	shalt  }
0x63: {  	_ =	shalt  }
0x64: {  	_ =	shalt  }
0x65: {  	_ =	shalt  }
0x66: {  	_ =	shalt  }
0x67: {  	_ =	shalt  }
0x68: {  	_ =	shalt  }
0x69: {  	_ =	shalt  }
0x6a: {  	_ =	shalt  }
0x6b: {  	_ =	shalt  }
0x6c: {  	_ =	shalt  }
0x6d: {  	_ =	shalt  }
0x6e: {  	_ =	shalt  }
0x6f: {  	_ =	shalt  }
0x70: {  	_ =	shalt  }
0x71: {  	_ =	shalt  }
0x72: {  	_ =	shalt  }
0x73: {  	_ =	shalt  }
0x74: {  	_ =	shalt  }
0x75: {  	_ =	shalt  }
0x76: {  	_ =	shalt  }
0x77: {  	_ =	shalt  }
0x78: {  	_ =	shalt  }
0x79: {  	_ =	shalt  }
0x7a: {  	_ =	shalt  }
0x7b: {  	_ =	shalt  }
0x7c: {  	_ =	shalt  }
0x7d: {  	_ =	shalt  }
0x7e: {  	_ =	shalt  }
0x7f: {  	_ =	shalt  }
0x80: {  	_ =	shalt  }
0x81: {  	_ =	shalt  }
0x82: {  	_ =	shalt  }
0x83: {  	_ =	shalt  }
0x84: {  	_ =	shalt  }
0x85: {  	_ =	shalt  }
0x86: {  	_ =	shalt  }
0x87: {  	_ =	shalt  }
.Lfunc_end0:
.L_simem_size_0:
called_computation_lowered:
.L_overlay_start_0:
0x88: {  	s2 =	sld [smem:$0x3FD9]  }
0x89: {  	s3 =	sld [smem:$0x3FFE];
	_ =	sdelay $0x1  }
0x8a: {  	s1 =	srdreg.scid  }
0x8b: {  	s0 =	sand.u32 $0x1, s1  }
0x8c: {  	s16 =	sshll.u32 s0, $0xA;
	s2 =	sadd.s32 s3, s2  }
0x8d: {  	s2 =	sadd.s32 s2, s16  }
0x8e: {  	[smem:$0x3FBE] =	sst s2  }
0x8f: {  	_ = 	snop  }
0x90: {  	(tm) =	ssettm $0x1  }
0x91: {  	s17 =	sld [smem:$0x3FFB];
	_ =	sdelay $0x3  }
0x92: {  	_ =	strace s17  }
0x93: {  	s2 =	sld [smem:$0x3FFC];
	_ =	sdelay $0x3  }
0x94: {  	_ =	strace s2  }
0x95: {  	s2 =	sld [smem:$0x3FFD];
	_ =	sdelay $0x3  }
0x96: {  	_ =	strace s2  }
0x97: {  	_ =	strace $0x8FFFFFFF  }
0x98: {  	s18 =	sld [smem:$0x3FDB];
	_ =	sdelay $0x1  }
0x99: {  	s19 =	simm.s32 $_scs_section_size  }
0x9a: {  	s4 =	simm.s32 $_size__tile_overlayer_lowered;
	s5 =	simm.s32 $_tile_overlayer_lowered  }
0x9b: {  	s22 =	simm.s32 $0x1BFF;
	s21 =	sshll.u32 s5, $0x1;
	s2 =	sadd.s32 s19, s18  }
0x9c: {  	s6 =	simm.s32 $0x0;
	s20 =	sshll.u32 s4, $0x1;
	s4 =	sadd.s32 s21, s2  }
0x9d: {  	[timem:s6], [sflag:s22] =	dma.local [hbm:s4], s20  }
0x9e: {  	_ =	swait.ge [sflag:s22], s20  }
0x9f: {  	s3 =	ssub.s32 $0x0, s20;
	[sflag:s22] =	ssyncset.done $0x0  }
0xa0: {  	[sflag:s22] =	ssyncadd.s32 s3;
	_ =	sdelay $0x1  }
0xa1: {  	s23 =	simm.s32 $0x1B8B  }
0xa2: {  	_ =	swait.ge [sflag:s23], $0x1  }
0xa3: {  	[sflag:s23] =	ssyncset.done $0x0  }
0xa4: {  	s25 =	simm.s32 $0x1B8E;
	s24 =	sld [smem:$0x3FFE];
	[sflag:s23] =	ssyncadd.s32 $0xFFFFFFFF  }
0xa5: {  	s26 =	simm.s32 $execute0_lowered;
	[smem:$0x3FD2] =	sst s25  }
0xa6: {  	s4 =	sshll.u32 s26, $0x1;
	_ =	strace $0x80000046;
	[dreg:$0x1] =	wrdreg $0xFFFFFFFF  }
0xa7: {  	s28 =	simm.s32 $_size_execute0_lowered;
	s2 =	sadd.s32 s2, s4;
	[dreg:$0x0] =	wrdreg $0x0  }
0xa8: {  	s4 =	sshll.u32 s28, $0x1;
	[dreg:$0x2] =	wrdreg s2  }
0xa9: {  	[dreg:$0x3] =	wrdreg s4  }
0xaa: {  	[dreg:$0x4] =	wrdreg $0xC0  }
0xab: {  	_ =	task [dreg:s6], $0x5FFFF  }
0xac: {  	[dreg:$0x1] =	wrdreg $0xFFFFFFFF  }
0xad: {  	[dreg:$0x0] =	wrdreg $0x60  }
0xae: {  	[dreg:$0x2] =	wrdreg s24  }
0xaf: {  	[dreg:$0x3] =	wrdreg $0x0  }
0xb0: {  	[dreg:$0x4] =	wrdreg $0x9  }
0xb1: {  	_ =	task.clear_ibuf [dreg:s6], $0x5FFFF;
	_ =	strace $0x90000046  }
0xb2: {  	s29 =	simm.s32 $0x9;
	_ =	strace $0x80000048  }
0xb3: {  	_ =	swait.ge [sflag:s29], $0x1  }
0xb4: {  	[sflag:s29] =	ssyncadd.s32 $0xFFFFFFFF  }
0xb5: {  	_ =	strace $0x90000048  }
0xb6: {  	_ =	sfence  }
0xb7: {  	s30 =	sld [smem:$0x0];
	_ =	sdelay $0x2  }
0xb8: {  	s31 =	sshll.u32 s1, $0xD;
	s1 =	sshrl.u32 s1, $0x2  }
0xb9: {  	s3 =	sand.u32 $0x4000, s31;
	s1 =	sadd.s32 s1, s30  }
0xba: {  	s0 =	sor.u32 s3, s0;
	s1 =	sshll.u32 s1, $0x11  }
0xbb: {  	s0 =	sor.u32 s1, s0  }
0xbc: {  	s0 =	sadd.s32 $0x8F2B, s0  }
0xbd: {  	[sflag:s0] =	ssyncadd.remote.s32 $0x1  }
0xbe: {  	_ =	sfence.sel $0xFFFF  }
0xbf: {  	[dreg:$0x0] =	wrdreg $0xFFFFFFFF;
	(pc) =	sbr.abs _section_cstart, $3  }
0xc0: {  	[dreg:$0x1] =	wrdreg $0xFFFFFFFF  }
0xc1: {  	_ =	task.clear_ibuf [dreg:s6], $0x2FFFF;
	_ =	strace $0x9FFFFFFF  }
0xc2: {  	(tm) =	ssettm $0x7FFFFFFF  }
0xc3: {  	_ =	shalt  }
tec
execute0_lowered:
.L_overlay_start_1:
0x0: {  	(tag) =	ssettag $0x1  }
0x1: {  	s1 =	rddreg [dreg:$0x0]  }
0x2: {  	s2 =	rddreg [dreg:$0x1];
	s14 =	simm.s32 $0x0  }
0x3: {  	s26 =	simm.s32 $0x14080;
	[smem:$0x7FF] =	sst s14  }
0x4: {  	s5 =	simm.s32 $0x15080;
	_ =	strace $0x80000047;
	[dreg:$0x5] =	wrdreg s26  }
0x5: {  	s6 =	simm.s32 $0x14180;
	[dreg:$0x7] =	wrdreg s5  }
0x6: {  	s7 =	simm.s32 $0x15100;
	[dreg:$0x8] =	wrdreg s6  }
0x7: {  	s9 =	simm.s32 $0x14200;
	[dreg:$0x9] =	wrdreg s7  }
0x8: {  	s10 =	simm.s32 $0x15180;
	[dreg:$0xa] =	wrdreg s9  }
0x9: {  	s11 =	simm.s32 $0x14280;
	[dreg:$0xb] =	wrdreg s10  }
0xa: {  	s12 =	simm.s32 $0x15200;
	[dreg:$0xc] =	wrdreg s11  }
0xb: {  	s13 =	simm.s32 $0x14300;
	[dreg:$0xd] =	wrdreg s12  }
0xc: {  	s15 =	simm.s32 $0x15280;
	[dreg:$0xe] =	wrdreg s13  }
0xd: {  	s16 =	simm.s32 $0x14380;
	[dreg:$0xf] =	wrdreg s15  }
0xe: {  	s17 =	simm.s32 $0x15300;
	[dreg:$0x10] =	wrdreg s16  }
0xf: {  	s18 =	simm.s32 $0x14400;
	[dreg:$0x11] =	wrdreg s17  }
0x10: {  	s19 =	simm.s32 $0x15380;
	[dreg:$0x12] =	wrdreg s18  }
0x11: {  	s21 =	simm.s32 $0x14480;
	[dreg:$0x13] =	wrdreg s19  }
0x12: {  	s22 =	simm.s32 $0x15400;
	[dreg:$0x14] =	wrdreg s21  }
0x13: {  	s23 =	simm.s32 $0x14500;
	[dreg:$0x15] =	wrdreg s22  }
0x14: {  	s0 =	srdreg.scid;
	s24 =	simm.s32 $0x15480;
	[dreg:$0x16] =	wrdreg s23  }
0x15: {  	s8 =	stileid.u32;
	s5 =	sadd.s32 $0xA1200, s1;
	[dreg:$0x17] =	wrdreg s24  }
0x16: {  	s28 =	simm.s32 $0x4;
	s7 =	sadd.s32 $0xA1400, s1;
	[smem:$0x7E1] =	sst s5  }
0x17: {  	s29 =	simm.s32 $0x3;
	s9 =	simm.s32 $0x15500;
	[smem:$0x7E2] =	sst s7  }
0x18: {  	s30 =	simm.s32 $0x5;
	s11 =	simm.s32 $0x14600;
	[dreg:$0x19] =	wrdreg s9  }
0x19: {  	s31 =	simm.s32 $0x6;
	s12 =	simm.s32 $0x15580;
	[dreg:$0x1a] =	wrdreg s11  }
0x1a: {  	s0 =	sand.u32 $0x1, s0;
	s13 =	simm.s32 $0x14680;
	[dreg:$0x1b] =	wrdreg s12  }
0x1b: {  	s4 =	smul.u32 $0x5000, s8;
	s15 =	simm.s32 $0x15600;
	[dreg:$0x1c] =	wrdreg s13  }
0x1c: {  	s3 =	smul.u32 $0x50000, s0;
	s17 =	simm.s32 $0x14700;
	[dreg:$0x1d] =	wrdreg s15  }
0x1d: {  	s20 =	smul.u32 $0x140000, s0;
	s18 =	simm.s32 $0x15680;
	[dreg:$0x1e] =	wrdreg s17  }
0x1e: {  	s6 =	smul.u32 $0x14000, s8;
	s19 =	simm.s32 $0x14780;
	[dreg:$0x1f] =	wrdreg s18  }
0x1f: {  	s26 =	smul.u32 $0x28000, s0;
	s21 =	simm.s32 $0x14800;
	[smem:$0x7E3] =	sst s19  }
0x20: {  	s10 =	sshrl.u32 s8, $0x3;
	s22 =	simm.s32 $0x15780;
	[smem:$0x7E5] =	sst s21  }
0x21: {  	s16 =	sshll.u32 s8, $0x7;
	s24 =	simm.s32 $0x14880;
	[smem:$0x7E6] =	sst s22  }
0x22: {  	s0 =	ssub.s32 $0x2, s0;
	[smem:$0x7E7] =	sst s24;
	s9 =	simm.s32 $0x14980  }
0x23: {  	s7 =	smul.u32 $0x14000, s10;
	s10 =	simm.s32 $0x15900;
	[smem:$0x7EC] =	sst s9  }
0x24: {  	s23 =	sshrl.u32 s0, $0x1;
	s11 =	simm.s32 $0x14A00;
	[smem:$0x7EE] =	sst s10  }
0x25: {  	s12 =	simm.s32 $0x15980;
	s13 =	simm.s32 $0x14A80;
	[smem:$0x7EF] =	sst s11  }
0x26: {  	s17 =	simm.s32 $0x14B00;
	s18 =	simm.s32 $0x15A80;
	[smem:$0x7F0] =	sst s12  }
0x27: {  	s19 =	simm.s32 $0x14B80;
	s21 =	simm.s32 $0x14C00;
	[smem:$0x7F1] =	sst s13  }
0x28: {  	s22 =	simm.s32 $0x15B80;
	s24 =	simm.s32 $0x15C00;
	[smem:$0x7F3] =	sst s17  }
0x29: {  	s3 =	sadd.s32 s4, s3;
	s4 =	simm.s32 $0x14100;
	[smem:$0x7F4] =	sst s18  }
0x2a: {  	s5 =	sadd.s32 s6, s20;
	s20 =	simm.s32 $0x15700;
	[smem:$0x7F5] =	sst s19  }
0x2b: {  	s0 =	ssub.s32 s0, s23;
	s12 =	simm.s32 $0x1C000;
	[smem:$0x7F7] =	sst s21  }
0x2c: {  	s13 =	simm.s32 $0x7;
	s19 =	simm.s32 $0x14000;
	[smem:$0x7F8] =	sst s22  }
0x2d: {  	s23 =	simm.s32 $0x14C80;
	s21 =	simm.s32 $0x40;
	[smem:$0x7FA] =	sst s24  }
0x2e: {  	s22 =	simm.s32 $0x16000;
	s24 =	simm.s32 $0x1;
	s17 =	simm.s32 $0x14E00  }
0x2f: {  	s18 =	simm.s32 $0x15D80;
	s9 =	simm.s32 $0x14F00;
	s10 =	simm.s32 $0x14F80  }
0x30: {  	s3 =	sshrl.u32 s3, $0x3;
	[dreg:$0x6] =	wrdreg s4;
	s4 =	sadd.s32 $0x7A000, s1  }
0x31: {  	s5 =	sshrl.u32 s5, $0x3;
	s6 =	sadd.s32 s26, s7;
	[smem:$0x7E4] =	sst s20  }
0x32: {  	s7 =	sand.u32 $0x380, s16;
	s26 =	simm.s32 $0x15800;
	[smem:$0x7F9] =	sst s23  }
0x33: {  	s0 =	smax.u32 s0, $0x1;
	s16 =	simm.s32 $0x15A00;
	[smem:$0x7E8] =	sst s26  }
0x34: {  	s20 =	simm.s32 $0x15B00;
	s23 =	simm.s32 $0x18000;
	[smem:$0x7ED] =	sst s0  }
0x35: {  	s3 =	sadd.s32 s3, s1;
	s5 =	sadd.s32 s5, s1;
	[smem:$0x7F2] =	sst s16  }
0x36: {  	s6 =	sor.u32 s7, s6;
	[smem:$0x7F6] =	sst s20;
	s26 =	simm.s32 $0x15C80  }
0x37: {  	s20 =	simm.s32 $0x15000;
	s25 =	sadd.s32 $0x2000, s3;
	[smem:$0x7FC] =	sst s26  }
0x38: {  	s16 =	simm.s32 $0x15D00;
	s3 =	sadd.s32 $0x66000, s3;
	[dreg:$0x3] =	wrdreg s25  }
0x39: {  	s6 =	sshrl.u32 s6, $0x3;
	s15 =	sadd.s32 $0x16000, s5;
	[dreg:$0x4] =	wrdreg s3  }
0x3a: {  	s11 =	sadd.s32 $0xAB600, s5;
	s25 =	simm.s32 $0x14580;
	[smem:$0x7FD] =	sst s15  }
0x3b: {  	s1 =	sadd.s32 s6, s1;
	s6 =	simm.s32 $0x14900;
	[dreg:$0x18] =	wrdreg s25  }
0x3c: {  	s25 =	smul.u32 $0x50000, s8;
	[smem:$0x7E9] =	sst s6;
	s8 =	simm.s32 $0x15880  }
0x3d: {  	s26 =	simm.s32 $0x2;
	s1 =	sadd.s32 $0xA1600, s1;
	[smem:$0x7EA] =	sst s8  }
0x3e: {  	s6 =	simm.s32 $0x15E80;
	[smem:$0x7EB] =	sst s1;
	s1 =	simm.s32 $0x0  }
0x3f: {  	s8 =	simm.s32 $0x15E00;
	s7 =	sshrl.u32 s25, $0x2;
	s25 =	simm.s32 $0x14D00  }
0x40: {  	v0 =	vimm.f32 $1.000000000e+00;
	s7 =	sadd.s32 s7, s2;
	[smem:$0x7FB] =	sst s25;
	s25 =	simm.s32 $0x1A000  }
.LBB2_1:
0x41: {  	s0 =	sld [smem:$0x7E1];
	_ =	sdelay $0x1  }
0x42: {  	[smem:$0x7E0] =	sst s1  }
0x43: {  	[tilespmem:s12], [sflag:$0x7] =	stream.linear.gather [hbm4b:s0+s14], $0x800, $0x38;
	v63 =	vld [tilespmem:$0x0]  }
0x44: {  	_ =	swait.ge [sflag:s13], $0x800  }
0x45: {  	[sflag:s13] =	ssyncset.done $0x0  }
0x46: {  	s15 =	sadd.s32 $0x0, s7;
	[sflag:s13] =	ssyncadd.s32 $0xFFFFF800  }
0x47: {  	[spmem:s15] =	stream.linear.scatter [tilespmem:s12], [sflag:$0x7], $0x800, $0x38;
	v63 =	vld [tilespmem:$0x0]  }
0x48: {  	s1 =	simm.s32 $0x2000;
	_ =	swait.ge [sflag:s13], $0x800  }
.LBB2_2:
0x49: {  	s0 =	sshra.s32 s1, $0x2;
	[sflag:s13] =	ssyncset.done $0x0;
	p0 =	sne.s32 s1, $0x4E000  }
.Ltmp0:
0x4a: {  	s0 =	sadd.s32 s0, s7;
	[sflag:s13] =	ssyncadd.s32 $0xFFFFF800;
	(pc) =	sbr.rel @p0 .LBB2_2-.Ltmp0, $3  }
0x4b: {  	[spmem:s0] =	stream.linear.scatter [tilespmem:s12], [sflag:$0x7], $0x800, $0x38;
	v63 =	vld [tilespmem:$0x0]  }
0x4c: {  	s1 =	sadd.s32 $0x2000, s1;
	_ =	sdelay $0x1  }
0x4d: {  	_ =	swait.ge [sflag:s13], $0x800  }
0x4e: {  	s0 =	sld [smem:$0x7E2]  }
0x4f: {  	[sflag:s13] =	ssyncset.done $0x0  }
0x50: {  	s3 =	simm.s32 $0x0;
	s1 =	simm.s32 $0x1C800;
	[sflag:s13] =	ssyncadd.s32 $0xFFFFF800  }
0x51: {  	[tilespmem:s1], [sflag:$0x7] =	stream.linear.gather [hbm4b:s0+s3], $0x800, $0x38;
	v63 =	vld [tilespmem:$0x0]  }
0x52: {  	_ =	swait.ge [sflag:s13], $0x800  }
0x53: {  	[sflag:s13] =	ssyncset.done $0x0  }
0x54: {  	s15 =	simm.s32 $0x1D000;
	[sflag:s13] =	ssyncadd.s32 $0xFFFFF800  }
0x55: {  	[tilespmem:s15], [sflag:$0x7] =	stream.linear.gather [hbm4b:s0+s3], $0x800, $0x38;
	v63 =	vld [tilespmem:$0x0]  }
0x56: {  	_ =	swait.ge [sflag:s13], $0x800  }
0x57: {  	[sflag:s13] =	ssyncset.done $0x0  }
0x58: {  	s5 =	simm.s32 $0x1D800;
	[sflag:s13] =	ssyncadd.s32 $0xFFFFF800  }
0x59: {  	[tilespmem:s5], [sflag:$0x7] =	stream.linear.gather [hbm4b:s0+s3], $0x800, $0x38;
	v63 =	vld [tilespmem:$0x0]  }
0x5a: {  	_ =	swait.ge [sflag:s13], $0x800  }
0x5b: {  	[sflag:s13] =	ssyncset.done $0x0  }
0x5c: {  	s14 =	simm.s32 $0x1E000;
	[sflag:s13] =	ssyncadd.s32 $0xFFFFF800  }
0x5d: {  	[tilespmem:s14], [sflag:$0x7] =	stream.linear.gather [hbm4b:s0+s3], $0x800, $0x38;
	v63 =	vld [tilespmem:$0x0]  }
0x5e: {  	_ =	swait.ge [sflag:s13], $0x800  }
0x5f: {  	[sflag:s13] =	ssyncset.done $0x0  }
0x60: {  	s15 =	simm.s32 $0x1E800;
	[sflag:s13] =	ssyncadd.s32 $0xFFFFF800  }
0x61: {  	[tilespmem:s15], [sflag:$0x7] =	stream.linear.gather [hbm4b:s0+s3], $0x800, $0x38;
	v63 =	vld [tilespmem:$0x0]  }
0x62: {  	_ =	swait.ge [sflag:s13], $0x800  }
0x63: {  	[sflag:s13] =	ssyncset.done $0x0  }
0x64: {  	[sflag:s13] =	ssyncadd.s32 $0xFFFFF800  }
0x65: {  	[bflag:$0x0] =	sbarrier.arrive $0xFFFF  }
0x66: {  	s1 =	rddreg [dreg:$0x4]  }
0x67: {  	s0 =	sadd.s32 $0x0, s1  }
0x68: {  	[tilespmem:s19], [sflag:$0x7] =	stream.linear.gather [hbm4b:s0+s3], $0x1000, $0x38;
	v63 =	vld [tilespmem:$0x0]  }
0x69: {  	_ =	swait.ge [sflag:s13], $0x1000  }
0x6a: {  	s5 =	rddreg [dreg:$0x3];
	[sflag:s13] =	ssyncset.done $0x0  }
0x6b: {  	[sflag:s13] =	ssyncadd.s32 $0xFFFFF000;
	s0 =	sadd.s32 $0x0, s5  }
0x6c: {  	[tilespmem:s20], [sflag:$0x7] =	stream.linear.gather [hbm4b:s0+s3], $0x1000, $0x38;
	v63 =	vld [tilespmem:$0x0]  }
0x6d: {  	_ =	swait.ge [sflag:s13], $0x1000  }
0x6e: {  	[sflag:s13] =	ssyncset.done $0x0  }
0x6f: {  	[sflag:s13] =	ssyncadd.s32 $0xFFFFF000  }
0x70: {  	[tilespmem:s22], [sflag:$0x1] =	stream.indirect.gather [hbm4b:s4+s21], $0x80, s19, s21, $0xb8;
	v63 =	vld [tilespmem:$0x0]  }
0x71: {  	s14 =	rddreg [dreg:$0x5]  }
0x72: {  	[tilespmem:s23], [sflag:$0x2] =	stream.indirect.gather [hbm4b:s4+s21], $0x80, s14, s21, $0xb8;
	v63 =	vld [tilespmem:$0x0]  }
0x73: {  	_ =	swait.ge [sflag:s24], $0x2000  }
0x74: {  	[sflag:s24] =	ssyncset.done $0x0  }
0x75: {  	[sflag:s24] =	ssyncadd.s32 $0xFFFFE000  }
0x76: {  	[spmem:s2] =	stream.indirect.scatter.add.f32 [tilespmem:s22], [sflag:$0x4], $0x80, s20, s21, $0xb8;
	v63 =	vld [tilespmem:$0x0]  }
0x77: {  	s15 =	rddreg [dreg:$0x6]  }
0x78: {  	[tilespmem:s25], [sflag:$0x3] =	stream.indirect.gather [hbm4b:s4+s21], $0x80, s15, s21, $0xb8;
	v63 =	vld [tilespmem:$0x0]  }
0x79: {  	_ =	swait.ge [sflag:s26], $0x2000  }
0x7a: {  	[sflag:s26] =	ssyncset.done $0x0  }
0x7b: {  	s1 =	rddreg [dreg:$0x7];
	[sflag:s26] =	ssyncadd.s32 $0xFFFFE000  }
0x7c: {  	[spmem:s2] =	stream.indirect.scatter.add.f32 [tilespmem:s23], [sflag:$0x5], $0x80, s1, s21, $0xb8;
	v63 =	vld [tilespmem:$0x0]  }
0x7d: {  	_ =	swait.ge [sflag:s28], $0x2000  }
0x7e: {  	[sflag:s28] =	ssyncset.done $0x0  }
0x7f: {  	s5 =	rddreg [dreg:$0x8];
	[sflag:s28] =	ssyncadd.s32 $0xFFFFE000  }
0x80: {  	[tilespmem:s22], [sflag:$0x1] =	stream.indirect.gather [hbm4b:s4+s21], $0x80, s5, s21, $0xb8;
	v63 =	vld [tilespmem:$0x0]  }
0x81: {  	_ =	swait.ge [sflag:s29], $0x2000  }
0x82: {  	[sflag:s29] =	ssyncset.done $0x0  }
0x83: {  	s14 =	rddreg [dreg:$0x9];
	[sflag:s29] =	ssyncadd.s32 $0xFFFFE000  }
0x84: {  	[spmem:s2] =	stream.indirect.scatter.add.f32 [tilespmem:s25], [sflag:$0x6], $0x80, s14, s21, $0xb8;
	v63 =	vld [tilespmem:$0x0]  }
0x85: {  	_ =	swait.ge [sflag:s30], $0x2000  }
0x86: {  	[sflag:s30] =	ssyncset.done $0x0  }
0x87: {  	s15 =	rddreg [dreg:$0xa];
	[sflag:s30] =	ssyncadd.s32 $0xFFFFE000  }
0x88: {  	[tilespmem:s23], [sflag:$0x2] =	stream.indirect.gather [hbm4b:s4+s21], $0x80, s15, s21, $0xb8;
	v63 =	vld [tilespmem:$0x0]  }
0x89: {  	_ =	swait.ge [sflag:s24], $0x2000  }
0x8a: {  	[sflag:s24] =	ssyncset.done $0x0  }
0x8b: {  	s1 =	rddreg [dreg:$0xb];
	[sflag:s24] =	ssyncadd.s32 $0xFFFFE000  }
0x8c: {  	[spmem:s2] =	stream.indirect.scatter.add.f32 [tilespmem:s22], [sflag:$0x4], $0x80, s1, s21, $0xb8;
	v63 =	vld [tilespmem:$0x0]  }
0x8d: {  	_ =	swait.ge [sflag:s31], $0x2000  }
0x8e: {  	[sflag:s31] =	ssyncset.done $0x0  }
0x8f: {  	s5 =	rddreg [dreg:$0xc];
	[sflag:s31] =	ssyncadd.s32 $0xFFFFE000  }
0x90: {  	[tilespmem:s25], [sflag:$0x3] =	stream.indirect.gather [hbm4b:s4+s21], $0x80, s5, s21, $0xb8;
	v63 =	vld [tilespmem:$0x0]  }
0x91: {  	_ =	swait.ge [sflag:s26], $0x2000  }
0x92: {  	[sflag:s26] =	ssyncset.done $0x0  }
0x93: {  	s14 =	rddreg [dreg:$0xd];
	[sflag:s26] =	ssyncadd.s32 $0xFFFFE000  }
0x94: {  	[spmem:s2] =	stream.indirect.scatter.add.f32 [tilespmem:s23], [sflag:$0x5], $0x80, s14, s21, $0xb8;
	v63 =	vld [tilespmem:$0x0]  }
0x95: {  	_ =	swait.ge [sflag:s28], $0x2000  }
0x96: {  	[sflag:s28] =	ssyncset.done $0x0  }
0x97: {  	s15 =	rddreg [dreg:$0xe];
	[sflag:s28] =	ssyncadd.s32 $0xFFFFE000  }
0x98: {  	[tilespmem:s22], [sflag:$0x1] =	stream.indirect.gather [hbm4b:s4+s21], $0x80, s15, s21, $0xb8;
	v63 =	vld [tilespmem:$0x0]  }
0x99: {  	_ =	swait.ge [sflag:s29], $0x2000  }
0x9a: {  	[sflag:s29] =	ssyncset.done $0x0  }
0x9b: {  	s1 =	rddreg [dreg:$0xf];
	[sflag:s29] =	ssyncadd.s32 $0xFFFFE000  }
0x9c: {  	[spmem:s2] =	stream.indirect.scatter.add.f32 [tilespmem:s25], [sflag:$0x6], $0x80, s1, s21, $0xb8;
	v63 =	vld [tilespmem:$0x0]  }
0x9d: {  	_ =	swait.ge [sflag:s30], $0x2000  }
0x9e: {  	[sflag:s30] =	ssyncset.done $0x0  }
0x9f: {  	s5 =	rddreg [dreg:$0x10];
	[sflag:s30] =	ssyncadd.s32 $0xFFFFE000  }
0xa0: {  	[tilespmem:s23], [sflag:$0x2] =	stream.indirect.gather [hbm4b:s4+s21], $0x80, s5, s21, $0xb8;
	v63 =	vld [tilespmem:$0x0]  }
0xa1: {  	_ =	swait.ge [sflag:s24], $0x2000  }
0xa2: {  	[sflag:s24] =	ssyncset.done $0x0  }
0xa3: {  	s14 =	rddreg [dreg:$0x11];
	[sflag:s24] =	ssyncadd.s32 $0xFFFFE000  }
0xa4: {  	[spmem:s2] =	stream.indirect.scatter.add.f32 [tilespmem:s22], [sflag:$0x4], $0x80, s14, s21, $0xb8;
	v63 =	vld [tilespmem:$0x0]  }
0xa5: {  	_ =	swait.ge [sflag:s31], $0x2000  }
0xa6: {  	[sflag:s31] =	ssyncset.done $0x0  }
0xa7: {  	s15 =	rddreg [dreg:$0x12];
	[sflag:s31] =	ssyncadd.s32 $0xFFFFE000  }
0xa8: {  	[tilespmem:s25], [sflag:$0x3] =	stream.indirect.gather [hbm4b:s4+s21], $0x80, s15, s21, $0xb8;
	v63 =	vld [tilespmem:$0x0]  }
0xa9: {  	_ =	swait.ge [sflag:s26], $0x2000  }
0xaa: {  	[sflag:s26] =	ssyncset.done $0x0  }
0xab: {  	s1 =	rddreg [dreg:$0x13];
	[sflag:s26] =	ssyncadd.s32 $0xFFFFE000  }
0xac: {  	[spmem:s2] =	stream.indirect.scatter.add.f32 [tilespmem:s23], [sflag:$0x5], $0x80, s1, s21, $0xb8;
	v63 =	vld [tilespmem:$0x0]  }
0xad: {  	_ =	swait.ge [sflag:s28], $0x2000  }
0xae: {  	[sflag:s28] =	ssyncset.done $0x0  }
0xaf: {  	s5 =	rddreg [dreg:$0x14];
	[sflag:s28] =	ssyncadd.s32 $0xFFFFE000  }
0xb0: {  	[tilespmem:s22], [sflag:$0x1] =	stream.indirect.gather [hbm4b:s4+s21], $0x80, s5, s21, $0xb8;
	v63 =	vld [tilespmem:$0x0]  }
0xb1: {  	_ =	swait.ge [sflag:s29], $0x2000  }
0xb2: {  	[sflag:s29] =	ssyncset.done $0x0  }
0xb3: {  	s14 =	rddreg [dreg:$0x15];
	[sflag:s29] =	ssyncadd.s32 $0xFFFFE000  }
0xb4: {  	[spmem:s2] =	stream.indirect.scatter.add.f32 [tilespmem:s25], [sflag:$0x6], $0x80, s14, s21, $0xb8;
	v63 =	vld [tilespmem:$0x0]  }
0xb5: {  	_ =	swait.ge [sflag:s30], $0x2000  }
0xb6: {  	[sflag:s30] =	ssyncset.done $0x0  }
0xb7: {  	s15 =	rddreg [dreg:$0x16];
	[sflag:s30] =	ssyncadd.s32 $0xFFFFE000  }
0xb8: {  	[tilespmem:s23], [sflag:$0x2] =	stream.indirect.gather [hbm4b:s4+s21], $0x80, s15, s21, $0xb8;
	v63 =	vld [tilespmem:$0x0]  }
0xb9: {  	_ =	swait.ge [sflag:s24], $0x2000  }
0xba: {  	[sflag:s24] =	ssyncset.done $0x0  }
0xbb: {  	s1 =	rddreg [dreg:$0x17];
	[sflag:s24] =	ssyncadd.s32 $0xFFFFE000  }
0xbc: {  	[spmem:s2] =	stream.indirect.scatter.add.f32 [tilespmem:s22], [sflag:$0x4], $0x80, s1, s21, $0xb8;
	v63 =	vld [tilespmem:$0x0]  }
0xbd: {  	_ =	swait.ge [sflag:s31], $0x2000  }
0xbe: {  	[sflag:s31] =	ssyncset.done $0x0  }
0xbf: {  	s5 =	rddreg [dreg:$0x18];
	[sflag:s31] =	ssyncadd.s32 $0xFFFFE000  }
0xc0: {  	[tilespmem:s25], [sflag:$0x3] =	stream.indirect.gather [hbm4b:s4+s21], $0x80, s5, s21, $0xb8;
	v63 =	vld [tilespmem:$0x0]  }
0xc1: {  	_ =	swait.ge [sflag:s26], $0x2000  }
0xc2: {  	[sflag:s26] =	ssyncset.done $0x0  }
0xc3: {  	s14 =	rddreg [dreg:$0x19];
	[sflag:s26] =	ssyncadd.s32 $0xFFFFE000  }
0xc4: {  	[spmem:s2] =	stream.indirect.scatter.add.f32 [tilespmem:s23], [sflag:$0x5], $0x80, s14, s21, $0xb8;
	v63 =	vld [tilespmem:$0x0]  }
0xc5: {  	_ =	swait.ge [sflag:s28], $0x2000  }
0xc6: {  	[sflag:s28] =	ssyncset.done $0x0  }
0xc7: {  	s15 =	rddreg [dreg:$0x1a];
	[sflag:s28] =	ssyncadd.s32 $0xFFFFE000  }
0xc8: {  	[tilespmem:s22], [sflag:$0x1] =	stream.indirect.gather [hbm4b:s4+s21], $0x80, s15, s21, $0xb8;
	v63 =	vld [tilespmem:$0x0]  }
0xc9: {  	_ =	swait.ge [sflag:s29], $0x2000  }
0xca: {  	[sflag:s29] =	ssyncset.done $0x0  }
0xcb: {  	s1 =	rddreg [dreg:$0x1b];
	[sflag:s29] =	ssyncadd.s32 $0xFFFFE000  }
0xcc: {  	[spmem:s2] =	stream.indirect.scatter.add.f32 [tilespmem:s25], [sflag:$0x6], $0x80, s1, s21, $0xb8;
	v63 =	vld [tilespmem:$0x0]  }
0xcd: {  	_ =	swait.ge [sflag:s30], $0x2000  }
0xce: {  	[sflag:s30] =	ssyncset.done $0x0  }
0xcf: {  	s5 =	rddreg [dreg:$0x1c];
	[sflag:s30] =	ssyncadd.s32 $0xFFFFE000  }
0xd0: {  	[tilespmem:s23], [sflag:$0x2] =	stream.indirect.gather [hbm4b:s4+s21], $0x80, s5, s21, $0xb8;
	v63 =	vld [tilespmem:$0x0]  }
0xd1: {  	_ =	swait.ge [sflag:s24], $0x2000  }
0xd2: {  	[sflag:s24] =	ssyncset.done $0x0  }
0xd3: {  	s14 =	rddreg [dreg:$0x1d];
	[sflag:s24] =	ssyncadd.s32 $0xFFFFE000  }
0xd4: {  	[spmem:s2] =	stream.indirect.scatter.add.f32 [tilespmem:s22], [sflag:$0x4], $0x80, s14, s21, $0xb8;
	v63 =	vld [tilespmem:$0x0]  }
0xd5: {  	_ =	swait.ge [sflag:s31], $0x2000  }
0xd6: {  	[sflag:s31] =	ssyncset.done $0x0  }
0xd7: {  	s15 =	rddreg [dreg:$0x1e];
	[sflag:s31] =	ssyncadd.s32 $0xFFFFE000  }
0xd8: {  	[tilespmem:s25], [sflag:$0x3] =	stream.indirect.gather [hbm4b:s4+s21], $0x80, s15, s21, $0xb8;
	v63 =	vld [tilespmem:$0x0]  }
0xd9: {  	_ =	swait.ge [sflag:s26], $0x2000  }
0xda: {  	[sflag:s26] =	ssyncset.done $0x0  }
0xdb: {  	s1 =	rddreg [dreg:$0x1f];
	[sflag:s26] =	ssyncadd.s32 $0xFFFFE000  }
0xdc: {  	[spmem:s2] =	stream.indirect.scatter.add.f32 [tilespmem:s23], [sflag:$0x5], $0x80, s1, s21, $0xb8;
	v63 =	vld [tilespmem:$0x0]  }
0xdd: {  	_ =	swait.ge [sflag:s28], $0x2000  }
0xde: {  	s5 =	sld [smem:$0x7E3]  }
0xdf: {  	[sflag:s28] =	ssyncset.done $0x0  }
0xe0: {  	[sflag:s28] =	ssyncadd.s32 $0xFFFFE000  }
0xe1: {  	[tilespmem:s22], [sflag:$0x1] =	stream.indirect.gather [hbm4b:s4+s21], $0x80, s5, s21, $0xb8;
	v63 =	vld [tilespmem:$0x0]  }
0xe2: {  	_ =	swait.ge [sflag:s29], $0x2000  }
0xe3: {  	s14 =	sld [smem:$0x7E4]  }
0xe4: {  	[sflag:s29] =	ssyncset.done $0x0  }
0xe5: {  	[sflag:s29] =	ssyncadd.s32 $0xFFFFE000  }
0xe6: {  	[spmem:s2] =	stream.indirect.scatter.add.f32 [tilespmem:s25], [sflag:$0x6], $0x80, s14, s21, $0xb8;
	v63 =	vld [tilespmem:$0x0]  }
0xe7: {  	_ =	swait.ge [sflag:s30], $0x2000  }
0xe8: {  	s15 =	sld [smem:$0x7E5]  }
0xe9: {  	[sflag:s30] =	ssyncset.done $0x0  }
0xea: {  	[sflag:s30] =	ssyncadd.s32 $0xFFFFE000  }
0xeb: {  	[tilespmem:s23], [sflag:$0x2] =	stream.indirect.gather [hbm4b:s4+s21], $0x80, s15, s21, $0xb8;
	v63 =	vld [tilespmem:$0x0]  }
0xec: {  	_ =	swait.ge [sflag:s24], $0x2000  }
0xed: {  	s1 =	sld [smem:$0x7E6]  }
0xee: {  	[sflag:s24] =	ssyncset.done $0x0  }
0xef: {  	[sflag:s24] =	ssyncadd.s32 $0xFFFFE000  }
0xf0: {  	[spmem:s2] =	stream.indirect.scatter.add.f32 [tilespmem:s22], [sflag:$0x4], $0x80, s1, s21, $0xb8;
	v63 =	vld [tilespmem:$0x0]  }
0xf1: {  	_ =	swait.ge [sflag:s31], $0x2000  }
0xf2: {  	s5 =	sld [smem:$0x7E7]  }
0xf3: {  	[sflag:s31] =	ssyncset.done $0x0  }
0xf4: {  	[sflag:s31] =	ssyncadd.s32 $0xFFFFE000  }
0xf5: {  	[tilespmem:s25], [sflag:$0x3] =	stream.indirect.gather [hbm4b:s4+s21], $0x80, s5, s21, $0xb8;
	v63 =	vld [tilespmem:$0x0]  }
0xf6: {  	_ =	swait.ge [sflag:s26], $0x2000  }
0xf7: {  	s14 =	sld [smem:$0x7E8]  }
0xf8: {  	[sflag:s26] =	ssyncset.done $0x0  }
0xf9: {  	[sflag:s26] =	ssyncadd.s32 $0xFFFFE000  }
0xfa: {  	[spmem:s2] =	stream.indirect.scatter.add.f32 [tilespmem:s23], [sflag:$0x5], $0x80, s14, s21, $0xb8;
	v63 =	vld [tilespmem:$0x0]  }
0xfb: {  	_ =	swait.ge [sflag:s28], $0x2000  }
0xfc: {  	s15 =	sld [smem:$0x7E9]  }
0xfd: {  	[sflag:s28] =	ssyncset.done $0x0  }
0xfe: {  	[sflag:s28] =	ssyncadd.s32 $0xFFFFE000  }
0xff: {  	[tilespmem:s22], [sflag:$0x1] =	stream.indirect.gather [hbm4b:s4+s21], $0x80, s15, s21, $0xb8;
	v63 =	vld [tilespmem:$0x0]  }
0x100: {  	_ =	swait.ge [sflag:s29], $0x2000  }
0x101: {  	s1 =	sld [smem:$0x7EA]  }
0x102: {  	[sflag:s29] =	ssyncset.done $0x0  }
0x103: {  	[sflag:s29] =	ssyncadd.s32 $0xFFFFE000  }
0x104: {  	[spmem:s2] =	stream.indirect.scatter.add.f32 [tilespmem:s25], [sflag:$0x6], $0x80, s1, s21, $0xb8;
	v63 =	vld [tilespmem:$0x0]  }
0x105: {  	_ =	swait.ge [sflag:s30], $0x2000  }
0x106: {  	s5 =	sld [smem:$0x7EC]  }
0x107: {  	[sflag:s30] =	ssyncset.done $0x0  }
0x108: {  	[sflag:s30] =	ssyncadd.s32 $0xFFFFE000  }
0x109: {  	[tilespmem:s23], [sflag:$0x2] =	stream.indirect.gather [hbm4b:s4+s21], $0x80, s5, s21, $0xb8;
	v63 =	vld [tilespmem:$0x0]  }
0x10a: {  	_ =	swait.ge [sflag:s24], $0x2000  }
0x10b: {  	s14 =	sld [smem:$0x7EE]  }
0x10c: {  	[sflag:s24] =	ssyncset.done $0x0  }
0x10d: {  	[sflag:s24] =	ssyncadd.s32 $0xFFFFE000  }
0x10e: {  	[spmem:s2] =	stream.indirect.scatter.add.f32 [tilespmem:s22], [sflag:$0x4], $0x80, s14, s21, $0xb8;
	v63 =	vld [tilespmem:$0x0]  }
0x10f: {  	_ =	swait.ge [sflag:s31], $0x2000  }
0x110: {  	s15 =	sld [smem:$0x7EF]  }
0x111: {  	[sflag:s31] =	ssyncset.done $0x0  }
0x112: {  	[sflag:s31] =	ssyncadd.s32 $0xFFFFE000  }
0x113: {  	[tilespmem:s25], [sflag:$0x3] =	stream.indirect.gather [hbm4b:s4+s21], $0x80, s15, s21, $0xb8;
	v63 =	vld [tilespmem:$0x0]  }
0x114: {  	_ =	swait.ge [sflag:s26], $0x2000  }
0x115: {  	s1 =	sld [smem:$0x7F0]  }
0x116: {  	[sflag:s26] =	ssyncset.done $0x0  }
0x117: {  	[sflag:s26] =	ssyncadd.s32 $0xFFFFE000  }
0x118: {  	[spmem:s2] =	stream.indirect.scatter.add.f32 [tilespmem:s23], [sflag:$0x5], $0x80, s1, s21, $0xb8;
	v63 =	vld [tilespmem:$0x0]  }
0x119: {  	_ =	swait.ge [sflag:s28], $0x2000  }
0x11a: {  	s5 =	sld [smem:$0x7F1]  }
0x11b: {  	[sflag:s28] =	ssyncset.done $0x0  }
0x11c: {  	[sflag:s28] =	ssyncadd.s32 $0xFFFFE000  }
0x11d: {  	[tilespmem:s22], [sflag:$0x1] =	stream.indirect.gather [hbm4b:s4+s21], $0x80, s5, s21, $0xb8;
	v63 =	vld [tilespmem:$0x0]  }
0x11e: {  	_ =	swait.ge [sflag:s29], $0x2000  }
0x11f: {  	s14 =	sld [smem:$0x7F2]  }
0x120: {  	[sflag:s29] =	ssyncset.done $0x0  }
0x121: {  	[sflag:s29] =	ssyncadd.s32 $0xFFFFE000  }
0x122: {  	[spmem:s2] =	stream.indirect.scatter.add.f32 [tilespmem:s25], [sflag:$0x6], $0x80, s14, s21, $0xb8;
	v63 =	vld [tilespmem:$0x0]  }
0x123: {  	_ =	swait.ge [sflag:s30], $0x2000  }
0x124: {  	s15 =	sld [smem:$0x7F3]  }
0x125: {  	[sflag:s30] =	ssyncset.done $0x0  }
0x126: {  	[sflag:s30] =	ssyncadd.s32 $0xFFFFE000  }
0x127: {  	[tilespmem:s23], [sflag:$0x2] =	stream.indirect.gather [hbm4b:s4+s21], $0x80, s15, s21, $0xb8;
	v63 =	vld [tilespmem:$0x0]  }
0x128: {  	_ =	swait.ge [sflag:s24], $0x2000  }
0x129: {  	s1 =	sld [smem:$0x7F4]  }
0x12a: {  	[sflag:s24] =	ssyncset.done $0x0  }
0x12b: {  	[sflag:s24] =	ssyncadd.s32 $0xFFFFE000  }
0x12c: {  	[spmem:s2] =	stream.indirect.scatter.add.f32 [tilespmem:s22], [sflag:$0x4], $0x80, s1, s21, $0xb8;
	v63 =	vld [tilespmem:$0x0]  }
0x12d: {  	_ =	swait.ge [sflag:s31], $0x2000  }
0x12e: {  	s5 =	sld [smem:$0x7F5]  }
0x12f: {  	[sflag:s31] =	ssyncset.done $0x0  }
0x130: {  	[sflag:s31] =	ssyncadd.s32 $0xFFFFE000  }
0x131: {  	[tilespmem:s25], [sflag:$0x3] =	stream.indirect.gather [hbm4b:s4+s21], $0x80, s5, s21, $0xb8;
	v63 =	vld [tilespmem:$0x0]  }
0x132: {  	_ =	swait.ge [sflag:s26], $0x2000  }
0x133: {  	s14 =	sld [smem:$0x7F6]  }
0x134: {  	[sflag:s26] =	ssyncset.done $0x0  }
0x135: {  	[sflag:s26] =	ssyncadd.s32 $0xFFFFE000  }
0x136: {  	[spmem:s2] =	stream.indirect.scatter.add.f32 [tilespmem:s23], [sflag:$0x5], $0x80, s14, s21, $0xb8;
	v63 =	vld [tilespmem:$0x0]  }
0x137: {  	_ =	swait.ge [sflag:s28], $0x2000  }
0x138: {  	s15 =	sld [smem:$0x7F7]  }
0x139: {  	[sflag:s28] =	ssyncset.done $0x0  }
0x13a: {  	[sflag:s28] =	ssyncadd.s32 $0xFFFFE000  }
0x13b: {  	[tilespmem:s22], [sflag:$0x1] =	stream.indirect.gather [hbm4b:s4+s21], $0x80, s15, s21, $0xb8;
	v63 =	vld [tilespmem:$0x0]  }
0x13c: {  	_ =	swait.ge [sflag:s29], $0x2000  }
0x13d: {  	s1 =	sld [smem:$0x7F8]  }
0x13e: {  	[sflag:s29] =	ssyncset.done $0x0  }
0x13f: {  	[sflag:s29] =	ssyncadd.s32 $0xFFFFE000  }
0x140: {  	[spmem:s2] =	stream.indirect.scatter.add.f32 [tilespmem:s25], [sflag:$0x6], $0x80, s1, s21, $0xb8;
	v63 =	vld [tilespmem:$0x0]  }
0x141: {  	_ =	swait.ge [sflag:s30], $0x2000  }
0x142: {  	s5 =	sld [smem:$0x7F9]  }
0x143: {  	[sflag:s30] =	ssyncset.done $0x0  }
0x144: {  	[sflag:s30] =	ssyncadd.s32 $0xFFFFE000  }
0x145: {  	[tilespmem:s23], [sflag:$0x2] =	stream.indirect.gather [hbm4b:s4+s21], $0x80, s5, s21, $0xb8;
	v63 =	vld [tilespmem:$0x0]  }
0x146: {  	_ =	swait.ge [sflag:s24], $0x2000  }
0x147: {  	s14 =	sld [smem:$0x7FA]  }
0x148: {  	[sflag:s24] =	ssyncset.done $0x0  }
0x149: {  	[sflag:s24] =	ssyncadd.s32 $0xFFFFE000  }
0x14a: {  	[spmem:s2] =	stream.indirect.scatter.add.f32 [tilespmem:s22], [sflag:$0x4], $0x80, s14, s21, $0xb8;
	v63 =	vld [tilespmem:$0x0]  }
0x14b: {  	_ =	swait.ge [sflag:s31], $0x2000  }
0x14c: {  	s15 =	sld [smem:$0x7FB]  }
0x14d: {  	[sflag:s31] =	ssyncset.done $0x0  }
0x14e: {  	[sflag:s31] =	ssyncadd.s32 $0xFFFFE000  }
0x14f: {  	[tilespmem:s25], [sflag:$0x3] =	stream.indirect.gather [hbm4b:s4+s21], $0x80, s15, s21, $0xb8;
	v63 =	vld [tilespmem:$0x0]  }
0x150: {  	_ =	swait.ge [sflag:s26], $0x2000  }
0x151: {  	s1 =	sld [smem:$0x7FC]  }
0x152: {  	[sflag:s26] =	ssyncset.done $0x0  }
0x153: {  	[sflag:s26] =	ssyncadd.s32 $0xFFFFE000  }
0x154: {  	[spmem:s2] =	stream.indirect.scatter.add.f32 [tilespmem:s23], [sflag:$0x5], $0x80, s1, s21, $0xb8;
	v63 =	vld [tilespmem:$0x0]  }
0x155: {  	_ =	swait.ge [sflag:s28], $0x2000  }
0x156: {  	[sflag:s28] =	ssyncset.done $0x0  }
0x157: {  	s5 =	simm.s32 $0x14D80;
	[sflag:s28] =	ssyncadd.s32 $0xFFFFE000  }
0x158: {  	[tilespmem:s22], [sflag:$0x1] =	stream.indirect.gather [hbm4b:s4+s21], $0x80, s5, s21, $0xb8;
	v63 =	vld [tilespmem:$0x0]  }
0x159: {  	_ =	swait.ge [sflag:s29], $0x2000  }
0x15a: {  	[sflag:s29] =	ssyncset.done $0x0  }
0x15b: {  	[sflag:s29] =	ssyncadd.s32 $0xFFFFE000  }
0x15c: {  	[spmem:s2] =	stream.indirect.scatter.add.f32 [tilespmem:s25], [sflag:$0x6], $0x80, s16, s21, $0xb8;
	v63 =	vld [tilespmem:$0x0]  }
0x15d: {  	_ =	swait.ge [sflag:s30], $0x2000  }
0x15e: {  	[sflag:s30] =	ssyncset.done $0x0  }
0x15f: {  	[sflag:s30] =	ssyncadd.s32 $0xFFFFE000  }
0x160: {  	[tilespmem:s23], [sflag:$0x2] =	stream.indirect.gather [hbm4b:s4+s21], $0x80, s17, s21, $0xb8;
	v63 =	vld [tilespmem:$0x0]  }
0x161: {  	_ =	swait.ge [sflag:s24], $0x2000  }
0x162: {  	[sflag:s24] =	ssyncset.done $0x0  }
0x163: {  	[sflag:s24] =	ssyncadd.s32 $0xFFFFE000  }
0x164: {  	[spmem:s2] =	stream.indirect.scatter.add.f32 [tilespmem:s22], [sflag:$0x4], $0x80, s18, s21, $0xb8;
	v63 =	vld [tilespmem:$0x0]  }
0x165: {  	_ =	swait.ge [sflag:s31], $0x2000  }
0x166: {  	[sflag:s31] =	ssyncset.done $0x0  }
0x167: {  	s5 =	simm.s32 $0x14E80;
	[sflag:s31] =	ssyncadd.s32 $0xFFFFE000  }
0x168: {  	[tilespmem:s25], [sflag:$0x3] =	stream.indirect.gather [hbm4b:s4+s21], $0x80, s5, s21, $0xb8;
	v63 =	vld [tilespmem:$0x0]  }
0x169: {  	_ =	swait.ge [sflag:s26], $0x2000  }
0x16a: {  	[sflag:s26] =	ssyncset.done $0x0  }
0x16b: {  	[sflag:s26] =	ssyncadd.s32 $0xFFFFE000  }
0x16c: {  	[spmem:s2] =	stream.indirect.scatter.add.f32 [tilespmem:s23], [sflag:$0x5], $0x80, s8, s21, $0xb8;
	v63 =	vld [tilespmem:$0x0]  }
0x16d: {  	_ =	swait.ge [sflag:s28], $0x2000  }
0x16e: {  	[sflag:s28] =	ssyncset.done $0x0  }
0x16f: {  	[sflag:s28] =	ssyncadd.s32 $0xFFFFE000  }
0x170: {  	[tilespmem:s22], [sflag:$0x1] =	stream.indirect.gather [hbm4b:s4+s21], $0x80, s9, s21, $0xb8;
	v63 =	vld [tilespmem:$0x0]  }
0x171: {  	_ =	swait.ge [sflag:s29], $0x2000  }
0x172: {  	[sflag:s29] =	ssyncset.done $0x0  }
0x173: {  	[sflag:s29] =	ssyncadd.s32 $0xFFFFE000  }
0x174: {  	[spmem:s2] =	stream.indirect.scatter.add.f32 [tilespmem:s25], [sflag:$0x6], $0x80, s6, s21, $0xb8;
	v63 =	vld [tilespmem:$0x0]  }
0x175: {  	_ =	swait.ge [sflag:s30], $0x2000  }
0x176: {  	[sflag:s30] =	ssyncset.done $0x0  }
0x177: {  	[sflag:s30] =	ssyncadd.s32 $0xFFFFE000  }
0x178: {  	[tilespmem:s23], [sflag:$0x2] =	stream.indirect.gather [hbm4b:s4+s21], $0x80, s10, s21, $0xb8;
	v63 =	vld [tilespmem:$0x0]  }
0x179: {  	_ =	swait.ge [sflag:s24], $0x2000  }
0x17a: {  	[sflag:s24] =	ssyncset.done $0x0  }
0x17b: {  	s14 =	simm.s32 $0x15F00;
	[sflag:s24] =	ssyncadd.s32 $0xFFFFE000  }
0x17c: {  	[spmem:s2] =	stream.indirect.scatter.add.f32 [tilespmem:s22], [sflag:$0x4], $0x80, s14, s21, $0xb8;
	v63 =	vld [tilespmem:$0x0]  }
0x17d: {  	_ =	swait.ge [sflag:s26], $0x2000  }
0x17e: {  	[sflag:s26] =	ssyncset.done $0x0  }
0x17f: {  	s15 =	simm.s32 $0x15F80;
	[sflag:s26] =	ssyncadd.s32 $0xFFFFE000  }
0x180: {  	[spmem:s2] =	stream.indirect.scatter.add.f32 [tilespmem:s23], [sflag:$0x5], $0x80, s15, s21, $0xb8;
	v63 =	vld [tilespmem:$0x0]  }
0x181: {  	_ =	swait.ge [sflag:s28], $0x2000  }
0x182: {  	[sflag:s28] =	ssyncset.done $0x0  }
0x183: {  	[sflag:s28] =	ssyncadd.s32 $0xFFFFE000  }
0x184: {  	_ =	swait.ge [sflag:s30], $0x2000  }
0x185: {  	[sflag:s30] =	ssyncset.done $0x0  }
0x186: {  	[sflag:s30] =	ssyncadd.s32 $0xFFFFE000  }
0x187: {  	s1 =	simm.s32 $0x400;
	_ =	swait.ge [sflag:s31], $0x2000  }
0x188: {  	s14 =	simm.s32 $0x200;
	s0 =	rddreg [dreg:$0x4];
	[sflag:s31] =	ssyncset.done $0x0  }
.LBB2_4:
0x189: {  	[sflag:s31] =	ssyncadd.s32 $0xFFFFE000;
	s0 =	sadd.s32 s14, s0  }
0x18a: {  	[tilespmem:s19], [sflag:$0x7] =	stream.linear.gather [hbm4b:s0+s3], $0x1000, $0x38;
	v63 =	vld [tilespmem:$0x0]  }
0x18b: {  	_ =	swait.ge [sflag:s13], $0x1000  }
0x18c: {  	s0 =	rddreg [dreg:$0x3];
	[sflag:s13] =	ssyncset.done $0x0  }
0x18d: {  	[sflag:s13] =	ssyncadd.s32 $0xFFFFF000;
	s0 =	sadd.s32 s14, s0  }
0x18e: {  	[tilespmem:s20], [sflag:$0x7] =	stream.linear.gather [hbm4b:s0+s3], $0x1000, $0x38;
	v63 =	vld [tilespmem:$0x0]  }
0x18f: {  	_ =	swait.ge [sflag:s13], $0x1000  }
0x190: {  	[sflag:s13] =	ssyncset.done $0x0  }
0x191: {  	[sflag:s13] =	ssyncadd.s32 $0xFFFFF000  }
0x192: {  	[tilespmem:s22], [sflag:$0x1] =	stream.indirect.gather [hbm4b:s4+s21], $0x80, s19, s21, $0xb8;
	v63 =	vld [tilespmem:$0x0]  }
0x193: {  	s0 =	rddreg [dreg:$0x5]  }
0x194: {  	[tilespmem:s23], [sflag:$0x2] =	stream.indirect.gather [hbm4b:s4+s21], $0x80, s0, s21, $0xb8;
	v63 =	vld [tilespmem:$0x0]  }
0x195: {  	_ =	swait.ge [sflag:s24], $0x2000  }
0x196: {  	[sflag:s24] =	ssyncset.done $0x0  }
0x197: {  	[sflag:s24] =	ssyncadd.s32 $0xFFFFE000  }
0x198: {  	[spmem:s2] =	stream.indirect.scatter.add.f32 [tilespmem:s22], [sflag:$0x4], $0x80, s20, s21, $0xb8;
	v63 =	vld [tilespmem:$0x0]  }
0x199: {  	s0 =	rddreg [dreg:$0x6]  }
0x19a: {  	[tilespmem:s25], [sflag:$0x3] =	stream.indirect.gather [hbm4b:s4+s21], $0x80, s0, s21, $0xb8;
	v63 =	vld [tilespmem:$0x0]  }
0x19b: {  	_ =	swait.ge [sflag:s26], $0x2000  }
0x19c: {  	[sflag:s26] =	ssyncset.done $0x0  }
0x19d: {  	s0 =	rddreg [dreg:$0x7];
	[sflag:s26] =	ssyncadd.s32 $0xFFFFE000  }
0x19e: {  	[spmem:s2] =	stream.indirect.scatter.add.f32 [tilespmem:s23], [sflag:$0x5], $0x80, s0, s21, $0xb8;
	v63 =	vld [tilespmem:$0x0]  }
0x19f: {  	_ =	swait.ge [sflag:s28], $0x2000  }
0x1a0: {  	[sflag:s28] =	ssyncset.done $0x0  }
0x1a1: {  	s0 =	rddreg [dreg:$0x8];
	[sflag:s28] =	ssyncadd.s32 $0xFFFFE000  }
0x1a2: {  	[tilespmem:s22], [sflag:$0x1] =	stream.indirect.gather [hbm4b:s4+s21], $0x80, s0, s21, $0xb8;
	v63 =	vld [tilespmem:$0x0]  }
0x1a3: {  	_ =	swait.ge [sflag:s29], $0x2000  }
0x1a4: {  	[sflag:s29] =	ssyncset.done $0x0  }
0x1a5: {  	s0 =	rddreg [dreg:$0x9];
	[sflag:s29] =	ssyncadd.s32 $0xFFFFE000  }
0x1a6: {  	[spmem:s2] =	stream.indirect.scatter.add.f32 [tilespmem:s25], [sflag:$0x6], $0x80, s0, s21, $0xb8;
	v63 =	vld [tilespmem:$0x0]  }
0x1a7: {  	_ =	swait.ge [sflag:s30], $0x2000  }
0x1a8: {  	[sflag:s30] =	ssyncset.done $0x0  }
0x1a9: {  	s0 =	rddreg [dreg:$0xa];
	[sflag:s30] =	ssyncadd.s32 $0xFFFFE000  }
0x1aa: {  	[tilespmem:s23], [sflag:$0x2] =	stream.indirect.gather [hbm4b:s4+s21], $0x80, s0, s21, $0xb8;
	v63 =	vld [tilespmem:$0x0]  }
0x1ab: {  	_ =	swait.ge [sflag:s24], $0x2000  }
0x1ac: {  	[sflag:s24] =	ssyncset.done $0x0  }
0x1ad: {  	s0 =	rddreg [dreg:$0xb];
	[sflag:s24] =	ssyncadd.s32 $0xFFFFE000  }
0x1ae: {  	[spmem:s2] =	stream.indirect.scatter.add.f32 [tilespmem:s22], [sflag:$0x4], $0x80, s0, s21, $0xb8;
	v63 =	vld [tilespmem:$0x0]  }
0x1af: {  	_ =	swait.ge [sflag:s31], $0x2000  }
0x1b0: {  	[sflag:s31] =	ssyncset.done $0x0  }
0x1b1: {  	s0 =	rddreg [dreg:$0xc];
	[sflag:s31] =	ssyncadd.s32 $0xFFFFE000  }
0x1b2: {  	[tilespmem:s25], [sflag:$0x3] =	stream.indirect.gather [hbm4b:s4+s21], $0x80, s0, s21, $0xb8;
	v63 =	vld [tilespmem:$0x0]  }
0x1b3: {  	_ =	swait.ge [sflag:s26], $0x2000  }
0x1b4: {  	[sflag:s26] =	ssyncset.done $0x0  }
0x1b5: {  	s0 =	rddreg [dreg:$0xd];
	[sflag:s26] =	ssyncadd.s32 $0xFFFFE000  }
0x1b6: {  	[spmem:s2] =	stream.indirect.scatter.add.f32 [tilespmem:s23], [sflag:$0x5], $0x80, s0, s21, $0xb8;
	v63 =	vld [tilespmem:$0x0]  }
0x1b7: {  	_ =	swait.ge [sflag:s28], $0x2000  }
0x1b8: {  	[sflag:s28] =	ssyncset.done $0x0  }
0x1b9: {  	s0 =	rddreg [dreg:$0xe];
	[sflag:s28] =	ssyncadd.s32 $0xFFFFE000  }
0x1ba: {  	[tilespmem:s22], [sflag:$0x1] =	stream.indirect.gather [hbm4b:s4+s21], $0x80, s0, s21, $0xb8;
	v63 =	vld [tilespmem:$0x0]  }
0x1bb: {  	_ =	swait.ge [sflag:s29], $0x2000  }
0x1bc: {  	[sflag:s29] =	ssyncset.done $0x0  }
0x1bd: {  	s0 =	rddreg [dreg:$0xf];
	[sflag:s29] =	ssyncadd.s32 $0xFFFFE000  }
0x1be: {  	[spmem:s2] =	stream.indirect.scatter.add.f32 [tilespmem:s25], [sflag:$0x6], $0x80, s0, s21, $0xb8;
	v63 =	vld [tilespmem:$0x0]  }
0x1bf: {  	_ =	swait.ge [sflag:s30], $0x2000  }
0x1c0: {  	[sflag:s30] =	ssyncset.done $0x0  }
0x1c1: {  	s0 =	rddreg [dreg:$0x10];
	[sflag:s30] =	ssyncadd.s32 $0xFFFFE000  }
0x1c2: {  	[tilespmem:s23], [sflag:$0x2] =	stream.indirect.gather [hbm4b:s4+s21], $0x80, s0, s21, $0xb8;
	v63 =	vld [tilespmem:$0x0]  }
0x1c3: {  	_ =	swait.ge [sflag:s24], $0x2000  }
0x1c4: {  	[sflag:s24] =	ssyncset.done $0x0  }
0x1c5: {  	s0 =	rddreg [dreg:$0x11];
	[sflag:s24] =	ssyncadd.s32 $0xFFFFE000  }
0x1c6: {  	[spmem:s2] =	stream.indirect.scatter.add.f32 [tilespmem:s22], [sflag:$0x4], $0x80, s0, s21, $0xb8;
	v63 =	vld [tilespmem:$0x0]  }
0x1c7: {  	_ =	swait.ge [sflag:s31], $0x2000  }
0x1c8: {  	[sflag:s31] =	ssyncset.done $0x0  }
0x1c9: {  	s0 =	rddreg [dreg:$0x12];
	[sflag:s31] =	ssyncadd.s32 $0xFFFFE000  }
0x1ca: {  	[tilespmem:s25], [sflag:$0x3] =	stream.indirect.gather [hbm4b:s4+s21], $0x80, s0, s21, $0xb8;
	v63 =	vld [tilespmem:$0x0]  }
0x1cb: {  	_ =	swait.ge [sflag:s26], $0x2000  }
0x1cc: {  	[sflag:s26] =	ssyncset.done $0x0  }
0x1cd: {  	s0 =	rddreg [dreg:$0x13];
	[sflag:s26] =	ssyncadd.s32 $0xFFFFE000  }
0x1ce: {  	[spmem:s2] =	stream.indirect.scatter.add.f32 [tilespmem:s23], [sflag:$0x5], $0x80, s0, s21, $0xb8;
	v63 =	vld [tilespmem:$0x0]  }
0x1cf: {  	_ =	swait.ge [sflag:s28], $0x2000  }
0x1d0: {  	[sflag:s28] =	ssyncset.done $0x0  }
0x1d1: {  	s0 =	rddreg [dreg:$0x14];
	[sflag:s28] =	ssyncadd.s32 $0xFFFFE000  }
0x1d2: {  	[tilespmem:s22], [sflag:$0x1] =	stream.indirect.gather [hbm4b:s4+s21], $0x80, s0, s21, $0xb8;
	v63 =	vld [tilespmem:$0x0]  }
0x1d3: {  	_ =	swait.ge [sflag:s29], $0x2000  }
0x1d4: {  	[sflag:s29] =	ssyncset.done $0x0  }
0x1d5: {  	s0 =	rddreg [dreg:$0x15];
	[sflag:s29] =	ssyncadd.s32 $0xFFFFE000  }
0x1d6: {  	[spmem:s2] =	stream.indirect.scatter.add.f32 [tilespmem:s25], [sflag:$0x6], $0x80, s0, s21, $0xb8;
	v63 =	vld [tilespmem:$0x0]  }
0x1d7: {  	_ =	swait.ge [sflag:s30], $0x2000  }
0x1d8: {  	[sflag:s30] =	ssyncset.done $0x0  }
0x1d9: {  	s0 =	rddreg [dreg:$0x16];
	[sflag:s30] =	ssyncadd.s32 $0xFFFFE000  }
0x1da: {  	[tilespmem:s23], [sflag:$0x2] =	stream.indirect.gather [hbm4b:s4+s21], $0x80, s0, s21, $0xb8;
	v63 =	vld [tilespmem:$0x0]  }
0x1db: {  	_ =	swait.ge [sflag:s24], $0x2000  }
0x1dc: {  	[sflag:s24] =	ssyncset.done $0x0  }
0x1dd: {  	s0 =	rddreg [dreg:$0x17];
	[sflag:s24] =	ssyncadd.s32 $0xFFFFE000  }
0x1de: {  	[spmem:s2] =	stream.indirect.scatter.add.f32 [tilespmem:s22], [sflag:$0x4], $0x80, s0, s21, $0xb8;
	v63 =	vld [tilespmem:$0x0]  }
0x1df: {  	_ =	swait.ge [sflag:s31], $0x2000  }
0x1e0: {  	[sflag:s31] =	ssyncset.done $0x0  }
0x1e1: {  	s0 =	rddreg [dreg:$0x18];
	[sflag:s31] =	ssyncadd.s32 $0xFFFFE000  }
0x1e2: {  	[tilespmem:s25], [sflag:$0x3] =	stream.indirect.gather [hbm4b:s4+s21], $0x80, s0, s21, $0xb8;
	v63 =	vld [tilespmem:$0x0]  }
0x1e3: {  	_ =	swait.ge [sflag:s26], $0x2000  }
0x1e4: {  	[sflag:s26] =	ssyncset.done $0x0  }
0x1e5: {  	s0 =	rddreg [dreg:$0x19];
	[sflag:s26] =	ssyncadd.s32 $0xFFFFE000  }
0x1e6: {  	[spmem:s2] =	stream.indirect.scatter.add.f32 [tilespmem:s23], [sflag:$0x5], $0x80, s0, s21, $0xb8;
	v63 =	vld [tilespmem:$0x0]  }
0x1e7: {  	_ =	swait.ge [sflag:s28], $0x2000  }
0x1e8: {  	[sflag:s28] =	ssyncset.done $0x0  }
0x1e9: {  	s0 =	rddreg [dreg:$0x1a];
	[sflag:s28] =	ssyncadd.s32 $0xFFFFE000  }
0x1ea: {  	[tilespmem:s22], [sflag:$0x1] =	stream.indirect.gather [hbm4b:s4+s21], $0x80, s0, s21, $0xb8;
	v63 =	vld [tilespmem:$0x0]  }
0x1eb: {  	_ =	swait.ge [sflag:s29], $0x2000  }
0x1ec: {  	[sflag:s29] =	ssyncset.done $0x0  }
0x1ed: {  	s0 =	rddreg [dreg:$0x1b];
	[sflag:s29] =	ssyncadd.s32 $0xFFFFE000  }
0x1ee: {  	[spmem:s2] =	stream.indirect.scatter.add.f32 [tilespmem:s25], [sflag:$0x6], $0x80, s0, s21, $0xb8;
	v63 =	vld [tilespmem:$0x0]  }
0x1ef: {  	_ =	swait.ge [sflag:s30], $0x2000  }
0x1f0: {  	[sflag:s30] =	ssyncset.done $0x0  }
0x1f1: {  	s0 =	rddreg [dreg:$0x1c];
	[sflag:s30] =	ssyncadd.s32 $0xFFFFE000  }
0x1f2: {  	[tilespmem:s23], [sflag:$0x2] =	stream.indirect.gather [hbm4b:s4+s21], $0x80, s0, s21, $0xb8;
	v63 =	vld [tilespmem:$0x0]  }
0x1f3: {  	_ =	swait.ge [sflag:s24], $0x2000  }
0x1f4: {  	[sflag:s24] =	ssyncset.done $0x0  }
0x1f5: {  	s0 =	rddreg [dreg:$0x1d];
	[sflag:s24] =	ssyncadd.s32 $0xFFFFE000  }
0x1f6: {  	[spmem:s2] =	stream.indirect.scatter.add.f32 [tilespmem:s22], [sflag:$0x4], $0x80, s0, s21, $0xb8;
	v63 =	vld [tilespmem:$0x0]  }
0x1f7: {  	_ =	swait.ge [sflag:s31], $0x2000  }
0x1f8: {  	[sflag:s31] =	ssyncset.done $0x0  }
0x1f9: {  	s0 =	rddreg [dreg:$0x1e];
	[sflag:s31] =	ssyncadd.s32 $0xFFFFE000  }
0x1fa: {  	[tilespmem:s25], [sflag:$0x3] =	stream.indirect.gather [hbm4b:s4+s21], $0x80, s0, s21, $0xb8;
	v63 =	vld [tilespmem:$0x0]  }
0x1fb: {  	_ =	swait.ge [sflag:s26], $0x2000  }
0x1fc: {  	[sflag:s26] =	ssyncset.done $0x0  }
0x1fd: {  	s0 =	rddreg [dreg:$0x1f];
	[sflag:s26] =	ssyncadd.s32 $0xFFFFE000  }
0x1fe: {  	[spmem:s2] =	stream.indirect.scatter.add.f32 [tilespmem:s23], [sflag:$0x5], $0x80, s0, s21, $0xb8;
	v63 =	vld [tilespmem:$0x0]  }
0x1ff: {  	_ =	swait.ge [sflag:s28], $0x2000  }
0x200: {  	s0 =	sld [smem:$0x7E3]  }
0x201: {  	[sflag:s28] =	ssyncset.done $0x0  }
0x202: {  	[sflag:s28] =	ssyncadd.s32 $0xFFFFE000  }
0x203: {  	[tilespmem:s22], [sflag:$0x1] =	stream.indirect.gather [hbm4b:s4+s21], $0x80, s0, s21, $0xb8;
	v63 =	vld [tilespmem:$0x0]  }
0x204: {  	_ =	swait.ge [sflag:s29], $0x2000  }
0x205: {  	s0 =	sld [smem:$0x7E4]  }
0x206: {  	[sflag:s29] =	ssyncset.done $0x0  }
0x207: {  	[sflag:s29] =	ssyncadd.s32 $0xFFFFE000  }
0x208: {  	[spmem:s2] =	stream.indirect.scatter.add.f32 [tilespmem:s25], [sflag:$0x6], $0x80, s0, s21, $0xb8;
	v63 =	vld [tilespmem:$0x0]  }
0x209: {  	_ =	swait.ge [sflag:s30], $0x2000  }
0x20a: {  	s0 =	sld [smem:$0x7E5]  }
0x20b: {  	[sflag:s30] =	ssyncset.done $0x0  }
0x20c: {  	[sflag:s30] =	ssyncadd.s32 $0xFFFFE000  }
0x20d: {  	[tilespmem:s23], [sflag:$0x2] =	stream.indirect.gather [hbm4b:s4+s21], $0x80, s0, s21, $0xb8;
	v63 =	vld [tilespmem:$0x0]  }
0x20e: {  	_ =	swait.ge [sflag:s24], $0x2000  }
0x20f: {  	s0 =	sld [smem:$0x7E6]  }
0x210: {  	[sflag:s24] =	ssyncset.done $0x0  }
0x211: {  	[sflag:s24] =	ssyncadd.s32 $0xFFFFE000  }
0x212: {  	[spmem:s2] =	stream.indirect.scatter.add.f32 [tilespmem:s22], [sflag:$0x4], $0x80, s0, s21, $0xb8;
	v63 =	vld [tilespmem:$0x0]  }
0x213: {  	_ =	swait.ge [sflag:s31], $0x2000  }
0x214: {  	s0 =	sld [smem:$0x7E7]  }
0x215: {  	[sflag:s31] =	ssyncset.done $0x0  }
0x216: {  	[sflag:s31] =	ssyncadd.s32 $0xFFFFE000  }
0x217: {  	[tilespmem:s25], [sflag:$0x3] =	stream.indirect.gather [hbm4b:s4+s21], $0x80, s0, s21, $0xb8;
	v63 =	vld [tilespmem:$0x0]  }
0x218: {  	_ =	swait.ge [sflag:s26], $0x2000  }
0x219: {  	s0 =	sld [smem:$0x7E8]  }
0x21a: {  	[sflag:s26] =	ssyncset.done $0x0  }
0x21b: {  	[sflag:s26] =	ssyncadd.s32 $0xFFFFE000  }
0x21c: {  	[spmem:s2] =	stream.indirect.scatter.add.f32 [tilespmem:s23], [sflag:$0x5], $0x80, s0, s21, $0xb8;
	v63 =	vld [tilespmem:$0x0]  }
0x21d: {  	_ =	swait.ge [sflag:s28], $0x2000  }
0x21e: {  	s0 =	sld [smem:$0x7E9]  }
0x21f: {  	[sflag:s28] =	ssyncset.done $0x0  }
0x220: {  	[sflag:s28] =	ssyncadd.s32 $0xFFFFE000  }
0x221: {  	[tilespmem:s22], [sflag:$0x1] =	stream.indirect.gather [hbm4b:s4+s21], $0x80, s0, s21, $0xb8;
	v63 =	vld [tilespmem:$0x0]  }
0x222: {  	_ =	swait.ge [sflag:s29], $0x2000  }
0x223: {  	s0 =	sld [smem:$0x7EA]  }
0x224: {  	[sflag:s29] =	ssyncset.done $0x0  }
0x225: {  	[sflag:s29] =	ssyncadd.s32 $0xFFFFE000  }
0x226: {  	[spmem:s2] =	stream.indirect.scatter.add.f32 [tilespmem:s25], [sflag:$0x6], $0x80, s0, s21, $0xb8;
	v63 =	vld [tilespmem:$0x0]  }
0x227: {  	_ =	swait.ge [sflag:s30], $0x2000  }
0x228: {  	s0 =	sld [smem:$0x7EC]  }
0x229: {  	[sflag:s30] =	ssyncset.done $0x0  }
0x22a: {  	[sflag:s30] =	ssyncadd.s32 $0xFFFFE000  }
0x22b: {  	[tilespmem:s23], [sflag:$0x2] =	stream.indirect.gather [hbm4b:s4+s21], $0x80, s0, s21, $0xb8;
	v63 =	vld [tilespmem:$0x0]  }
0x22c: {  	_ =	swait.ge [sflag:s24], $0x2000  }
0x22d: {  	s0 =	sld [smem:$0x7EE]  }
0x22e: {  	[sflag:s24] =	ssyncset.done $0x0  }
0x22f: {  	[sflag:s24] =	ssyncadd.s32 $0xFFFFE000  }
0x230: {  	[spmem:s2] =	stream.indirect.scatter.add.f32 [tilespmem:s22], [sflag:$0x4], $0x80, s0, s21, $0xb8;
	v63 =	vld [tilespmem:$0x0]  }
0x231: {  	_ =	swait.ge [sflag:s31], $0x2000  }
0x232: {  	s0 =	sld [smem:$0x7EF]  }
0x233: {  	[sflag:s31] =	ssyncset.done $0x0  }
0x234: {  	[sflag:s31] =	ssyncadd.s32 $0xFFFFE000  }
0x235: {  	[tilespmem:s25], [sflag:$0x3] =	stream.indirect.gather [hbm4b:s4+s21], $0x80, s0, s21, $0xb8;
	v63 =	vld [tilespmem:$0x0]  }
0x236: {  	_ =	swait.ge [sflag:s26], $0x2000  }
0x237: {  	s0 =	sld [smem:$0x7F0]  }
0x238: {  	[sflag:s26] =	ssyncset.done $0x0  }
0x239: {  	[sflag:s26] =	ssyncadd.s32 $0xFFFFE000  }
0x23a: {  	[spmem:s2] =	stream.indirect.scatter.add.f32 [tilespmem:s23], [sflag:$0x5], $0x80, s0, s21, $0xb8;
	v63 =	vld [tilespmem:$0x0]  }
0x23b: {  	_ =	swait.ge [sflag:s28], $0x2000  }
0x23c: {  	s0 =	sld [smem:$0x7F1]  }
0x23d: {  	[sflag:s28] =	ssyncset.done $0x0  }
0x23e: {  	[sflag:s28] =	ssyncadd.s32 $0xFFFFE000  }
0x23f: {  	[tilespmem:s22], [sflag:$0x1] =	stream.indirect.gather [hbm4b:s4+s21], $0x80, s0, s21, $0xb8;
	v63 =	vld [tilespmem:$0x0]  }
0x240: {  	_ =	swait.ge [sflag:s29], $0x2000  }
0x241: {  	s0 =	sld [smem:$0x7F2]  }
0x242: {  	[sflag:s29] =	ssyncset.done $0x0  }
0x243: {  	[sflag:s29] =	ssyncadd.s32 $0xFFFFE000  }
0x244: {  	[spmem:s2] =	stream.indirect.scatter.add.f32 [tilespmem:s25], [sflag:$0x6], $0x80, s0, s21, $0xb8;
	v63 =	vld [tilespmem:$0x0]  }
0x245: {  	_ =	swait.ge [sflag:s30], $0x2000  }
0x246: {  	s0 =	sld [smem:$0x7F3]  }
0x247: {  	[sflag:s30] =	ssyncset.done $0x0  }
0x248: {  	[sflag:s30] =	ssyncadd.s32 $0xFFFFE000  }
0x249: {  	[tilespmem:s23], [sflag:$0x2] =	stream.indirect.gather [hbm4b:s4+s21], $0x80, s0, s21, $0xb8;
	v63 =	vld [tilespmem:$0x0]  }
0x24a: {  	_ =	swait.ge [sflag:s24], $0x2000  }
0x24b: {  	s0 =	sld [smem:$0x7F4]  }
0x24c: {  	[sflag:s24] =	ssyncset.done $0x0  }
0x24d: {  	[sflag:s24] =	ssyncadd.s32 $0xFFFFE000  }
0x24e: {  	[spmem:s2] =	stream.indirect.scatter.add.f32 [tilespmem:s22], [sflag:$0x4], $0x80, s0, s21, $0xb8;
	v63 =	vld [tilespmem:$0x0]  }
0x24f: {  	_ =	swait.ge [sflag:s31], $0x2000  }
0x250: {  	s0 =	sld [smem:$0x7F5]  }
0x251: {  	[sflag:s31] =	ssyncset.done $0x0  }
0x252: {  	[sflag:s31] =	ssyncadd.s32 $0xFFFFE000  }
0x253: {  	[tilespmem:s25], [sflag:$0x3] =	stream.indirect.gather [hbm4b:s4+s21], $0x80, s0, s21, $0xb8;
	v63 =	vld [tilespmem:$0x0]  }
0x254: {  	_ =	swait.ge [sflag:s26], $0x2000  }
0x255: {  	s0 =	sld [smem:$0x7F6]  }
0x256: {  	[sflag:s26] =	ssyncset.done $0x0  }
0x257: {  	[sflag:s26] =	ssyncadd.s32 $0xFFFFE000  }
0x258: {  	[spmem:s2] =	stream.indirect.scatter.add.f32 [tilespmem:s23], [sflag:$0x5], $0x80, s0, s21, $0xb8;
	v63 =	vld [tilespmem:$0x0]  }
0x259: {  	_ =	swait.ge [sflag:s28], $0x2000  }
0x25a: {  	s0 =	sld [smem:$0x7F7]  }
0x25b: {  	[sflag:s28] =	ssyncset.done $0x0  }
0x25c: {  	[sflag:s28] =	ssyncadd.s32 $0xFFFFE000  }
0x25d: {  	[tilespmem:s22], [sflag:$0x1] =	stream.indirect.gather [hbm4b:s4+s21], $0x80, s0, s21, $0xb8;
	v63 =	vld [tilespmem:$0x0]  }
0x25e: {  	_ =	swait.ge [sflag:s29], $0x2000  }
0x25f: {  	s0 =	sld [smem:$0x7F8]  }
0x260: {  	[sflag:s29] =	ssyncset.done $0x0  }
0x261: {  	[sflag:s29] =	ssyncadd.s32 $0xFFFFE000  }
0x262: {  	[spmem:s2] =	stream.indirect.scatter.add.f32 [tilespmem:s25], [sflag:$0x6], $0x80, s0, s21, $0xb8;
	v63 =	vld [tilespmem:$0x0]  }
0x263: {  	_ =	swait.ge [sflag:s30], $0x2000  }
0x264: {  	s0 =	sld [smem:$0x7F9]  }
0x265: {  	[sflag:s30] =	ssyncset.done $0x0  }
0x266: {  	[sflag:s30] =	ssyncadd.s32 $0xFFFFE000  }
0x267: {  	[tilespmem:s23], [sflag:$0x2] =	stream.indirect.gather [hbm4b:s4+s21], $0x80, s0, s21, $0xb8;
	v63 =	vld [tilespmem:$0x0]  }
0x268: {  	_ =	swait.ge [sflag:s24], $0x2000  }
0x269: {  	s0 =	sld [smem:$0x7FA]  }
0x26a: {  	[sflag:s24] =	ssyncset.done $0x0  }
0x26b: {  	[sflag:s24] =	ssyncadd.s32 $0xFFFFE000  }
0x26c: {  	[spmem:s2] =	stream.indirect.scatter.add.f32 [tilespmem:s22], [sflag:$0x4], $0x80, s0, s21, $0xb8;
	v63 =	vld [tilespmem:$0x0]  }
0x26d: {  	_ =	swait.ge [sflag:s31], $0x2000  }
0x26e: {  	s0 =	sld [smem:$0x7FB]  }
0x26f: {  	[sflag:s31] =	ssyncset.done $0x0  }
0x270: {  	[sflag:s31] =	ssyncadd.s32 $0xFFFFE000  }
0x271: {  	[tilespmem:s25], [sflag:$0x3] =	stream.indirect.gather [hbm4b:s4+s21], $0x80, s0, s21, $0xb8;
	v63 =	vld [tilespmem:$0x0]  }
0x272: {  	_ =	swait.ge [sflag:s26], $0x2000  }
0x273: {  	s0 =	sld [smem:$0x7FC]  }
0x274: {  	[sflag:s26] =	ssyncset.done $0x0  }
0x275: {  	[sflag:s26] =	ssyncadd.s32 $0xFFFFE000  }
0x276: {  	[spmem:s2] =	stream.indirect.scatter.add.f32 [tilespmem:s23], [sflag:$0x5], $0x80, s0, s21, $0xb8;
	v63 =	vld [tilespmem:$0x0]  }
0x277: {  	_ =	swait.ge [sflag:s28], $0x2000  }
0x278: {  	s15 =	smov.u32 s1;
	[sflag:s28] =	ssyncset.done $0x0  }
0x279: {  	s14 =	smov.u32 s15;
	s15 =	simm.s32 $0x14D80;
	[sflag:s28] =	ssyncadd.s32 $0xFFFFE000  }
0x27a: {  	[tilespmem:s22], [sflag:$0x1] =	stream.indirect.gather [hbm4b:s4+s21], $0x80, s15, s21, $0xb8;
	v63 =	vld [tilespmem:$0x0]  }
0x27b: {  	_ =	swait.ge [sflag:s29], $0x2000  }
0x27c: {  	[sflag:s29] =	ssyncset.done $0x0  }
0x27d: {  	[sflag:s29] =	ssyncadd.s32 $0xFFFFE000  }
0x27e: {  	[spmem:s2] =	stream.indirect.scatter.add.f32 [tilespmem:s25], [sflag:$0x6], $0x80, s16, s21, $0xb8;
	v63 =	vld [tilespmem:$0x0]  }
0x27f: {  	_ =	swait.ge [sflag:s30], $0x2000  }
0x280: {  	[sflag:s30] =	ssyncset.done $0x0  }
0x281: {  	[sflag:s30] =	ssyncadd.s32 $0xFFFFE000  }
0x282: {  	[tilespmem:s23], [sflag:$0x2] =	stream.indirect.gather [hbm4b:s4+s21], $0x80, s17, s21, $0xb8;
	v63 =	vld [tilespmem:$0x0]  }
0x283: {  	_ =	swait.ge [sflag:s24], $0x2000  }
0x284: {  	[sflag:s24] =	ssyncset.done $0x0  }
0x285: {  	[sflag:s24] =	ssyncadd.s32 $0xFFFFE000  }
0x286: {  	[spmem:s2] =	stream.indirect.scatter.add.f32 [tilespmem:s22], [sflag:$0x4], $0x80, s18, s21, $0xb8;
	v63 =	vld [tilespmem:$0x0]  }
0x287: {  	_ =	swait.ge [sflag:s31], $0x2000  }
0x288: {  	[sflag:s31] =	ssyncset.done $0x0  }
0x289: {  	[sflag:s31] =	ssyncadd.s32 $0xFFFFE000  }
0x28a: {  	[tilespmem:s25], [sflag:$0x3] =	stream.indirect.gather [hbm4b:s4+s21], $0x80, s5, s21, $0xb8;
	v63 =	vld [tilespmem:$0x0]  }
0x28b: {  	_ =	swait.ge [sflag:s26], $0x2000  }
0x28c: {  	[sflag:s26] =	ssyncset.done $0x0  }
0x28d: {  	[sflag:s26] =	ssyncadd.s32 $0xFFFFE000  }
0x28e: {  	[spmem:s2] =	stream.indirect.scatter.add.f32 [tilespmem:s23], [sflag:$0x5], $0x80, s8, s21, $0xb8;
	v63 =	vld [tilespmem:$0x0]  }
0x28f: {  	_ =	swait.ge [sflag:s28], $0x2000  }
0x290: {  	[sflag:s28] =	ssyncset.done $0x0  }
0x291: {  	[sflag:s28] =	ssyncadd.s32 $0xFFFFE000  }
0x292: {  	[tilespmem:s22], [sflag:$0x1] =	stream.indirect.gather [hbm4b:s4+s21], $0x80, s9, s21, $0xb8;
	v63 =	vld [tilespmem:$0x0]  }
0x293: {  	_ =	swait.ge [sflag:s29], $0x2000  }
0x294: {  	[sflag:s29] =	ssyncset.done $0x0  }
0x295: {  	[sflag:s29] =	ssyncadd.s32 $0xFFFFE000  }
0x296: {  	[spmem:s2] =	stream.indirect.scatter.add.f32 [tilespmem:s25], [sflag:$0x6], $0x80, s6, s21, $0xb8;
	v63 =	vld [tilespmem:$0x0]  }
0x297: {  	_ =	swait.ge [sflag:s30], $0x2000  }
0x298: {  	[sflag:s30] =	ssyncset.done $0x0  }
0x299: {  	[sflag:s30] =	ssyncadd.s32 $0xFFFFE000  }
0x29a: {  	[tilespmem:s23], [sflag:$0x2] =	stream.indirect.gather [hbm4b:s4+s21], $0x80, s10, s21, $0xb8;
	v63 =	vld [tilespmem:$0x0]  }
0x29b: {  	_ =	swait.ge [sflag:s24], $0x2000  }
0x29c: {  	[sflag:s24] =	ssyncset.done $0x0  }
0x29d: {  	s0 =	simm.s32 $0x15F00;
	[sflag:s24] =	ssyncadd.s32 $0xFFFFE000  }
0x29e: {  	[spmem:s2] =	stream.indirect.scatter.add.f32 [tilespmem:s22], [sflag:$0x4], $0x80, s0, s21, $0xb8;
	v63 =	vld [tilespmem:$0x0]  }
0x29f: {  	_ =	swait.ge [sflag:s26], $0x2000  }
0x2a0: {  	[sflag:s26] =	ssyncset.done $0x0  }
0x2a1: {  	s0 =	simm.s32 $0x15F80;
	[sflag:s26] =	ssyncadd.s32 $0xFFFFE000  }
0x2a2: {  	[spmem:s2] =	stream.indirect.scatter.add.f32 [tilespmem:s23], [sflag:$0x5], $0x80, s0, s21, $0xb8;
	v63 =	vld [tilespmem:$0x0]  }
0x2a3: {  	_ =	swait.ge [sflag:s28], $0x2000  }
0x2a4: {  	[sflag:s28] =	ssyncset.done $0x0  }
0x2a5: {  	p0 =	sne.s32 s1, $0x800;
	[sflag:s28] =	ssyncadd.s32 $0xFFFFE000  }
.Ltmp1:
0x2a6: {  	_ =	swait.ge [sflag:s30], $0x2000;
	(pc) =	sbr.rel @p0 .LBB2_4-.Ltmp1, $4  }
0x2a7: {  	[sflag:s30] =	ssyncset.done $0x0  }
0x2a8: {  	[sflag:s30] =	ssyncadd.s32 $0xFFFFE000  }
0x2a9: {  	_ =	swait.ge [sflag:s31], $0x2000  }
0x2aa: {  	s1 =	sadd.s32 $0x200, s1;
	s0 =	rddreg [dreg:$0x4];
	[sflag:s31] =	ssyncset.done $0x0  }
0x2ab: {  	[sflag:s31] =	ssyncadd.s32 $0xFFFFE000;
	s0 =	sadd.s32 s14, s0  }
0x2ac: {  	[tilespmem:s19], [sflag:$0x7] =	stream.linear.gather [hbm4b:s0+s3], $0x1000, $0x38;
	v63 =	vld [tilespmem:$0x0]  }
0x2ad: {  	_ =	swait.ge [sflag:s13], $0x1000  }
0x2ae: {  	s1 =	rddreg [dreg:$0x3];
	[sflag:s13] =	ssyncset.done $0x0  }
0x2af: {  	s0 =	sadd.s32 s14, s1;
	[sflag:s13] =	ssyncadd.s32 $0xFFFFF000  }
0x2b0: {  	[tilespmem:s20], [sflag:$0x7] =	stream.linear.gather [hbm4b:s0+s3], $0x1000, $0x38;
	v63 =	vld [tilespmem:$0x0]  }
0x2b1: {  	_ =	swait.ge [sflag:s13], $0x1000  }
0x2b2: {  	[sflag:s13] =	ssyncset.done $0x0  }
0x2b3: {  	[sflag:s13] =	ssyncadd.s32 $0xFFFFF000  }
0x2b4: {  	[tilespmem:s22], [sflag:$0x1] =	stream.indirect.gather [hbm4b:s4+s21], $0x80, s19, s21, $0xb8;
	v63 =	vld [tilespmem:$0x0]  }
0x2b5: {  	s1 =	rddreg [dreg:$0x5]  }
0x2b6: {  	[tilespmem:s23], [sflag:$0x2] =	stream.indirect.gather [hbm4b:s4+s21], $0x80, s1, s21, $0xb8;
	v63 =	vld [tilespmem:$0x0]  }
0x2b7: {  	_ =	swait.ge [sflag:s24], $0x2000  }
0x2b8: {  	[sflag:s24] =	ssyncset.done $0x0  }
0x2b9: {  	[sflag:s24] =	ssyncadd.s32 $0xFFFFE000  }
0x2ba: {  	[spmem:s2] =	stream.indirect.scatter.add.f32 [tilespmem:s22], [sflag:$0x4], $0x80, s20, s21, $0xb8;
	v63 =	vld [tilespmem:$0x0]  }
0x2bb: {  	s14 =	rddreg [dreg:$0x6]  }
0x2bc: {  	[tilespmem:s25], [sflag:$0x3] =	stream.indirect.gather [hbm4b:s4+s21], $0x80, s14, s21, $0xb8;
	v63 =	vld [tilespmem:$0x0]  }
0x2bd: {  	_ =	swait.ge [sflag:s26], $0x2000  }
0x2be: {  	[sflag:s26] =	ssyncset.done $0x0  }
0x2bf: {  	s1 =	rddreg [dreg:$0x7];
	[sflag:s26] =	ssyncadd.s32 $0xFFFFE000  }
0x2c0: {  	[spmem:s2] =	stream.indirect.scatter.add.f32 [tilespmem:s23], [sflag:$0x5], $0x80, s1, s21, $0xb8;
	v63 =	vld [tilespmem:$0x0]  }
0x2c1: {  	_ =	swait.ge [sflag:s28], $0x2000  }
0x2c2: {  	[sflag:s28] =	ssyncset.done $0x0  }
0x2c3: {  	s14 =	rddreg [dreg:$0x8];
	[sflag:s28] =	ssyncadd.s32 $0xFFFFE000  }
0x2c4: {  	[tilespmem:s22], [sflag:$0x1] =	stream.indirect.gather [hbm4b:s4+s21], $0x80, s14, s21, $0xb8;
	v63 =	vld [tilespmem:$0x0]  }
0x2c5: {  	_ =	swait.ge [sflag:s29], $0x2000  }
0x2c6: {  	[sflag:s29] =	ssyncset.done $0x0  }
0x2c7: {  	s1 =	rddreg [dreg:$0x9];
	[sflag:s29] =	ssyncadd.s32 $0xFFFFE000  }
0x2c8: {  	[spmem:s2] =	stream.indirect.scatter.add.f32 [tilespmem:s25], [sflag:$0x6], $0x80, s1, s21, $0xb8;
	v63 =	vld [tilespmem:$0x0]  }
0x2c9: {  	_ =	swait.ge [sflag:s30], $0x2000  }
0x2ca: {  	[sflag:s30] =	ssyncset.done $0x0  }
0x2cb: {  	s14 =	rddreg [dreg:$0xa];
	[sflag:s30] =	ssyncadd.s32 $0xFFFFE000  }
0x2cc: {  	[tilespmem:s23], [sflag:$0x2] =	stream.indirect.gather [hbm4b:s4+s21], $0x80, s14, s21, $0xb8;
	v63 =	vld [tilespmem:$0x0]  }
0x2cd: {  	_ =	swait.ge [sflag:s24], $0x2000  }
0x2ce: {  	[sflag:s24] =	ssyncset.done $0x0  }
0x2cf: {  	s1 =	rddreg [dreg:$0xb];
	[sflag:s24] =	ssyncadd.s32 $0xFFFFE000  }
0x2d0: {  	[spmem:s2] =	stream.indirect.scatter.add.f32 [tilespmem:s22], [sflag:$0x4], $0x80, s1, s21, $0xb8;
	v63 =	vld [tilespmem:$0x0]  }
0x2d1: {  	_ =	swait.ge [sflag:s31], $0x2000  }
0x2d2: {  	[sflag:s31] =	ssyncset.done $0x0  }
0x2d3: {  	s14 =	rddreg [dreg:$0xc];
	[sflag:s31] =	ssyncadd.s32 $0xFFFFE000  }
0x2d4: {  	[tilespmem:s25], [sflag:$0x3] =	stream.indirect.gather [hbm4b:s4+s21], $0x80, s14, s21, $0xb8;
	v63 =	vld [tilespmem:$0x0]  }
0x2d5: {  	_ =	swait.ge [sflag:s26], $0x2000  }
0x2d6: {  	[sflag:s26] =	ssyncset.done $0x0  }
0x2d7: {  	s1 =	rddreg [dreg:$0xd];
	[sflag:s26] =	ssyncadd.s32 $0xFFFFE000  }
0x2d8: {  	[spmem:s2] =	stream.indirect.scatter.add.f32 [tilespmem:s23], [sflag:$0x5], $0x80, s1, s21, $0xb8;
	v63 =	vld [tilespmem:$0x0]  }
0x2d9: {  	_ =	swait.ge [sflag:s28], $0x2000  }
0x2da: {  	[sflag:s28] =	ssyncset.done $0x0  }
0x2db: {  	s14 =	rddreg [dreg:$0xe];
	[sflag:s28] =	ssyncadd.s32 $0xFFFFE000  }
0x2dc: {  	[tilespmem:s22], [sflag:$0x1] =	stream.indirect.gather [hbm4b:s4+s21], $0x80, s14, s21, $0xb8;
	v63 =	vld [tilespmem:$0x0]  }
0x2dd: {  	_ =	swait.ge [sflag:s29], $0x2000  }
0x2de: {  	[sflag:s29] =	ssyncset.done $0x0  }
0x2df: {  	s1 =	rddreg [dreg:$0xf];
	[sflag:s29] =	ssyncadd.s32 $0xFFFFE000  }
0x2e0: {  	[spmem:s2] =	stream.indirect.scatter.add.f32 [tilespmem:s25], [sflag:$0x6], $0x80, s1, s21, $0xb8;
	v63 =	vld [tilespmem:$0x0]  }
0x2e1: {  	_ =	swait.ge [sflag:s30], $0x2000  }
0x2e2: {  	[sflag:s30] =	ssyncset.done $0x0  }
0x2e3: {  	s14 =	rddreg [dreg:$0x10];
	[sflag:s30] =	ssyncadd.s32 $0xFFFFE000  }
0x2e4: {  	[tilespmem:s23], [sflag:$0x2] =	stream.indirect.gather [hbm4b:s4+s21], $0x80, s14, s21, $0xb8;
	v63 =	vld [tilespmem:$0x0]  }
0x2e5: {  	_ =	swait.ge [sflag:s24], $0x2000  }
0x2e6: {  	[sflag:s24] =	ssyncset.done $0x0  }
0x2e7: {  	s1 =	rddreg [dreg:$0x11];
	[sflag:s24] =	ssyncadd.s32 $0xFFFFE000  }
0x2e8: {  	[spmem:s2] =	stream.indirect.scatter.add.f32 [tilespmem:s22], [sflag:$0x4], $0x80, s1, s21, $0xb8;
	v63 =	vld [tilespmem:$0x0]  }
0x2e9: {  	_ =	swait.ge [sflag:s31], $0x2000  }
0x2ea: {  	[sflag:s31] =	ssyncset.done $0x0  }
0x2eb: {  	s14 =	rddreg [dreg:$0x12];
	[sflag:s31] =	ssyncadd.s32 $0xFFFFE000  }
0x2ec: {  	[tilespmem:s25], [sflag:$0x3] =	stream.indirect.gather [hbm4b:s4+s21], $0x80, s14, s21, $0xb8;
	v63 =	vld [tilespmem:$0x0]  }
0x2ed: {  	_ =	swait.ge [sflag:s26], $0x2000  }
0x2ee: {  	[sflag:s26] =	ssyncset.done $0x0  }
0x2ef: {  	s1 =	rddreg [dreg:$0x13];
	[sflag:s26] =	ssyncadd.s32 $0xFFFFE000  }
0x2f0: {  	[spmem:s2] =	stream.indirect.scatter.add.f32 [tilespmem:s23], [sflag:$0x5], $0x80, s1, s21, $0xb8;
	v63 =	vld [tilespmem:$0x0]  }
0x2f1: {  	_ =	swait.ge [sflag:s28], $0x2000  }
0x2f2: {  	[sflag:s28] =	ssyncset.done $0x0  }
0x2f3: {  	s14 =	rddreg [dreg:$0x14];
	[sflag:s28] =	ssyncadd.s32 $0xFFFFE000  }
0x2f4: {  	[tilespmem:s22], [sflag:$0x1] =	stream.indirect.gather [hbm4b:s4+s21], $0x80, s14, s21, $0xb8;
	v63 =	vld [tilespmem:$0x0]  }
0x2f5: {  	_ =	swait.ge [sflag:s29], $0x2000  }
0x2f6: {  	[sflag:s29] =	ssyncset.done $0x0  }
0x2f7: {  	s1 =	rddreg [dreg:$0x15];
	[sflag:s29] =	ssyncadd.s32 $0xFFFFE000  }
0x2f8: {  	[spmem:s2] =	stream.indirect.scatter.add.f32 [tilespmem:s25], [sflag:$0x6], $0x80, s1, s21, $0xb8;
	v63 =	vld [tilespmem:$0x0]  }
0x2f9: {  	_ =	swait.ge [sflag:s30], $0x2000  }
0x2fa: {  	[sflag:s30] =	ssyncset.done $0x0  }
0x2fb: {  	s14 =	rddreg [dreg:$0x16];
	[sflag:s30] =	ssyncadd.s32 $0xFFFFE000  }
0x2fc: {  	[tilespmem:s23], [sflag:$0x2] =	stream.indirect.gather [hbm4b:s4+s21], $0x80, s14, s21, $0xb8;
	v63 =	vld [tilespmem:$0x0]  }
0x2fd: {  	_ =	swait.ge [sflag:s24], $0x2000  }
0x2fe: {  	[sflag:s24] =	ssyncset.done $0x0  }
0x2ff: {  	s1 =	rddreg [dreg:$0x17];
	[sflag:s24] =	ssyncadd.s32 $0xFFFFE000  }
0x300: {  	[spmem:s2] =	stream.indirect.scatter.add.f32 [tilespmem:s22], [sflag:$0x4], $0x80, s1, s21, $0xb8;
	v63 =	vld [tilespmem:$0x0]  }
0x301: {  	_ =	swait.ge [sflag:s31], $0x2000  }
0x302: {  	[sflag:s31] =	ssyncset.done $0x0  }
0x303: {  	s14 =	rddreg [dreg:$0x18];
	[sflag:s31] =	ssyncadd.s32 $0xFFFFE000  }
0x304: {  	[tilespmem:s25], [sflag:$0x3] =	stream.indirect.gather [hbm4b:s4+s21], $0x80, s14, s21, $0xb8;
	v63 =	vld [tilespmem:$0x0]  }
0x305: {  	_ =	swait.ge [sflag:s26], $0x2000  }
0x306: {  	[sflag:s26] =	ssyncset.done $0x0  }
0x307: {  	s1 =	rddreg [dreg:$0x19];
	[sflag:s26] =	ssyncadd.s32 $0xFFFFE000  }
0x308: {  	[spmem:s2] =	stream.indirect.scatter.add.f32 [tilespmem:s23], [sflag:$0x5], $0x80, s1, s21, $0xb8;
	v63 =	vld [tilespmem:$0x0]  }
0x309: {  	_ =	swait.ge [sflag:s28], $0x2000  }
0x30a: {  	[sflag:s28] =	ssyncset.done $0x0  }
0x30b: {  	s14 =	rddreg [dreg:$0x1a];
	[sflag:s28] =	ssyncadd.s32 $0xFFFFE000  }
0x30c: {  	[tilespmem:s22], [sflag:$0x1] =	stream.indirect.gather [hbm4b:s4+s21], $0x80, s14, s21, $0xb8;
	v63 =	vld [tilespmem:$0x0]  }
0x30d: {  	_ =	swait.ge [sflag:s29], $0x2000  }
0x30e: {  	[sflag:s29] =	ssyncset.done $0x0  }
0x30f: {  	s1 =	rddreg [dreg:$0x1b];
	[sflag:s29] =	ssyncadd.s32 $0xFFFFE000  }
0x310: {  	[spmem:s2] =	stream.indirect.scatter.add.f32 [tilespmem:s25], [sflag:$0x6], $0x80, s1, s21, $0xb8;
	v63 =	vld [tilespmem:$0x0]  }
0x311: {  	_ =	swait.ge [sflag:s30], $0x2000  }
0x312: {  	[sflag:s30] =	ssyncset.done $0x0  }
0x313: {  	s14 =	rddreg [dreg:$0x1c];
	[sflag:s30] =	ssyncadd.s32 $0xFFFFE000  }
0x314: {  	[tilespmem:s23], [sflag:$0x2] =	stream.indirect.gather [hbm4b:s4+s21], $0x80, s14, s21, $0xb8;
	v63 =	vld [tilespmem:$0x0]  }
0x315: {  	_ =	swait.ge [sflag:s24], $0x2000  }
0x316: {  	[sflag:s24] =	ssyncset.done $0x0  }
0x317: {  	s1 =	rddreg [dreg:$0x1d];
	[sflag:s24] =	ssyncadd.s32 $0xFFFFE000  }
0x318: {  	[spmem:s2] =	stream.indirect.scatter.add.f32 [tilespmem:s22], [sflag:$0x4], $0x80, s1, s21, $0xb8;
	v63 =	vld [tilespmem:$0x0]  }
0x319: {  	_ =	swait.ge [sflag:s31], $0x2000  }
0x31a: {  	[sflag:s31] =	ssyncset.done $0x0  }
0x31b: {  	s14 =	rddreg [dreg:$0x1e];
	[sflag:s31] =	ssyncadd.s32 $0xFFFFE000  }
0x31c: {  	[tilespmem:s25], [sflag:$0x3] =	stream.indirect.gather [hbm4b:s4+s21], $0x80, s14, s21, $0xb8;
	v63 =	vld [tilespmem:$0x0]  }
0x31d: {  	_ =	swait.ge [sflag:s26], $0x2000  }
0x31e: {  	[sflag:s26] =	ssyncset.done $0x0  }
0x31f: {  	s1 =	rddreg [dreg:$0x1f];
	[sflag:s26] =	ssyncadd.s32 $0xFFFFE000  }
0x320: {  	[spmem:s2] =	stream.indirect.scatter.add.f32 [tilespmem:s23], [sflag:$0x5], $0x80, s1, s21, $0xb8;
	v63 =	vld [tilespmem:$0x0]  }
0x321: {  	_ =	swait.ge [sflag:s28], $0x2000  }
0x322: {  	s14 =	sld [smem:$0x7E3]  }
0x323: {  	[sflag:s28] =	ssyncset.done $0x0  }
0x324: {  	[sflag:s28] =	ssyncadd.s32 $0xFFFFE000  }
0x325: {  	[tilespmem:s22], [sflag:$0x1] =	stream.indirect.gather [hbm4b:s4+s21], $0x80, s14, s21, $0xb8;
	v63 =	vld [tilespmem:$0x0]  }
0x326: {  	_ =	swait.ge [sflag:s29], $0x2000  }
0x327: {  	s1 =	sld [smem:$0x7E4]  }
0x328: {  	[sflag:s29] =	ssyncset.done $0x0  }
0x329: {  	[sflag:s29] =	ssyncadd.s32 $0xFFFFE000  }
0x32a: {  	[spmem:s2] =	stream.indirect.scatter.add.f32 [tilespmem:s25], [sflag:$0x6], $0x80, s1, s21, $0xb8;
	v63 =	vld [tilespmem:$0x0]  }
0x32b: {  	_ =	swait.ge [sflag:s30], $0x2000  }
0x32c: {  	s14 =	sld [smem:$0x7E5]  }
0x32d: {  	[sflag:s30] =	ssyncset.done $0x0  }
0x32e: {  	[sflag:s30] =	ssyncadd.s32 $0xFFFFE000  }
0x32f: {  	[tilespmem:s23], [sflag:$0x2] =	stream.indirect.gather [hbm4b:s4+s21], $0x80, s14, s21, $0xb8;
	v63 =	vld [tilespmem:$0x0]  }
0x330: {  	_ =	swait.ge [sflag:s24], $0x2000  }
0x331: {  	s1 =	sld [smem:$0x7E6]  }
0x332: {  	[sflag:s24] =	ssyncset.done $0x0  }
0x333: {  	[sflag:s24] =	ssyncadd.s32 $0xFFFFE000  }
0x334: {  	[spmem:s2] =	stream.indirect.scatter.add.f32 [tilespmem:s22], [sflag:$0x4], $0x80, s1, s21, $0xb8;
	v63 =	vld [tilespmem:$0x0]  }
0x335: {  	_ =	swait.ge [sflag:s31], $0x2000  }
0x336: {  	s14 =	sld [smem:$0x7E7]  }
0x337: {  	[sflag:s31] =	ssyncset.done $0x0  }
0x338: {  	[sflag:s31] =	ssyncadd.s32 $0xFFFFE000  }
0x339: {  	[tilespmem:s25], [sflag:$0x3] =	stream.indirect.gather [hbm4b:s4+s21], $0x80, s14, s21, $0xb8;
	v63 =	vld [tilespmem:$0x0]  }
0x33a: {  	_ =	swait.ge [sflag:s26], $0x2000  }
0x33b: {  	s1 =	sld [smem:$0x7E8]  }
0x33c: {  	[sflag:s26] =	ssyncset.done $0x0  }
0x33d: {  	[sflag:s26] =	ssyncadd.s32 $0xFFFFE000  }
0x33e: {  	[spmem:s2] =	stream.indirect.scatter.add.f32 [tilespmem:s23], [sflag:$0x5], $0x80, s1, s21, $0xb8;
	v63 =	vld [tilespmem:$0x0]  }
0x33f: {  	_ =	swait.ge [sflag:s28], $0x2000  }
0x340: {  	s14 =	sld [smem:$0x7E9]  }
0x341: {  	[sflag:s28] =	ssyncset.done $0x0  }
0x342: {  	[sflag:s28] =	ssyncadd.s32 $0xFFFFE000  }
0x343: {  	[tilespmem:s22], [sflag:$0x1] =	stream.indirect.gather [hbm4b:s4+s21], $0x80, s14, s21, $0xb8;
	v63 =	vld [tilespmem:$0x0]  }
0x344: {  	_ =	swait.ge [sflag:s29], $0x2000  }
0x345: {  	s1 =	sld [smem:$0x7EA]  }
0x346: {  	[sflag:s29] =	ssyncset.done $0x0  }
0x347: {  	[sflag:s29] =	ssyncadd.s32 $0xFFFFE000  }
0x348: {  	[spmem:s2] =	stream.indirect.scatter.add.f32 [tilespmem:s25], [sflag:$0x6], $0x80, s1, s21, $0xb8;
	v63 =	vld [tilespmem:$0x0]  }
0x349: {  	_ =	swait.ge [sflag:s30], $0x2000  }
0x34a: {  	s14 =	sld [smem:$0x7EC]  }
0x34b: {  	[sflag:s30] =	ssyncset.done $0x0  }
0x34c: {  	[sflag:s30] =	ssyncadd.s32 $0xFFFFE000  }
0x34d: {  	[tilespmem:s23], [sflag:$0x2] =	stream.indirect.gather [hbm4b:s4+s21], $0x80, s14, s21, $0xb8;
	v63 =	vld [tilespmem:$0x0]  }
0x34e: {  	_ =	swait.ge [sflag:s24], $0x2000  }
0x34f: {  	s1 =	sld [smem:$0x7EE]  }
0x350: {  	[sflag:s24] =	ssyncset.done $0x0  }
0x351: {  	[sflag:s24] =	ssyncadd.s32 $0xFFFFE000  }
0x352: {  	[spmem:s2] =	stream.indirect.scatter.add.f32 [tilespmem:s22], [sflag:$0x4], $0x80, s1, s21, $0xb8;
	v63 =	vld [tilespmem:$0x0]  }
0x353: {  	_ =	swait.ge [sflag:s31], $0x2000  }
0x354: {  	s14 =	sld [smem:$0x7EF]  }
0x355: {  	[sflag:s31] =	ssyncset.done $0x0  }
0x356: {  	[sflag:s31] =	ssyncadd.s32 $0xFFFFE000  }
0x357: {  	[tilespmem:s25], [sflag:$0x3] =	stream.indirect.gather [hbm4b:s4+s21], $0x80, s14, s21, $0xb8;
	v63 =	vld [tilespmem:$0x0]  }
0x358: {  	_ =	swait.ge [sflag:s26], $0x2000  }
0x359: {  	s1 =	sld [smem:$0x7F0]  }
0x35a: {  	[sflag:s26] =	ssyncset.done $0x0  }
0x35b: {  	[sflag:s26] =	ssyncadd.s32 $0xFFFFE000  }
0x35c: {  	[spmem:s2] =	stream.indirect.scatter.add.f32 [tilespmem:s23], [sflag:$0x5], $0x80, s1, s21, $0xb8;
	v63 =	vld [tilespmem:$0x0]  }
0x35d: {  	_ =	swait.ge [sflag:s28], $0x2000  }
0x35e: {  	s14 =	sld [smem:$0x7F1]  }
0x35f: {  	[sflag:s28] =	ssyncset.done $0x0  }
0x360: {  	[sflag:s28] =	ssyncadd.s32 $0xFFFFE000  }
0x361: {  	[tilespmem:s22], [sflag:$0x1] =	stream.indirect.gather [hbm4b:s4+s21], $0x80, s14, s21, $0xb8;
	v63 =	vld [tilespmem:$0x0]  }
0x362: {  	_ =	swait.ge [sflag:s29], $0x2000  }
0x363: {  	s1 =	sld [smem:$0x7F2]  }
0x364: {  	[sflag:s29] =	ssyncset.done $0x0  }
0x365: {  	[sflag:s29] =	ssyncadd.s32 $0xFFFFE000  }
0x366: {  	[spmem:s2] =	stream.indirect.scatter.add.f32 [tilespmem:s25], [sflag:$0x6], $0x80, s1, s21, $0xb8;
	v63 =	vld [tilespmem:$0x0]  }
0x367: {  	_ =	swait.ge [sflag:s30], $0x2000  }
0x368: {  	s14 =	sld [smem:$0x7F3]  }
0x369: {  	[sflag:s30] =	ssyncset.done $0x0  }
0x36a: {  	[sflag:s30] =	ssyncadd.s32 $0xFFFFE000  }
0x36b: {  	[tilespmem:s23], [sflag:$0x2] =	stream.indirect.gather [hbm4b:s4+s21], $0x80, s14, s21, $0xb8;
	v63 =	vld [tilespmem:$0x0]  }
0x36c: {  	_ =	swait.ge [sflag:s24], $0x2000  }
0x36d: {  	s1 =	sld [smem:$0x7F4]  }
0x36e: {  	[sflag:s24] =	ssyncset.done $0x0  }
0x36f: {  	[sflag:s24] =	ssyncadd.s32 $0xFFFFE000  }
0x370: {  	[spmem:s2] =	stream.indirect.scatter.add.f32 [tilespmem:s22], [sflag:$0x4], $0x80, s1, s21, $0xb8;
	v63 =	vld [tilespmem:$0x0]  }
0x371: {  	_ =	swait.ge [sflag:s31], $0x2000  }
0x372: {  	s14 =	sld [smem:$0x7F5]  }
0x373: {  	[sflag:s31] =	ssyncset.done $0x0  }
0x374: {  	[sflag:s31] =	ssyncadd.s32 $0xFFFFE000  }
0x375: {  	[tilespmem:s25], [sflag:$0x3] =	stream.indirect.gather [hbm4b:s4+s21], $0x80, s14, s21, $0xb8;
	v63 =	vld [tilespmem:$0x0]  }
0x376: {  	_ =	swait.ge [sflag:s26], $0x2000  }
0x377: {  	s1 =	sld [smem:$0x7F6]  }
0x378: {  	[sflag:s26] =	ssyncset.done $0x0  }
0x379: {  	[sflag:s26] =	ssyncadd.s32 $0xFFFFE000  }
0x37a: {  	[spmem:s2] =	stream.indirect.scatter.add.f32 [tilespmem:s23], [sflag:$0x5], $0x80, s1, s21, $0xb8;
	v63 =	vld [tilespmem:$0x0]  }
0x37b: {  	_ =	swait.ge [sflag:s28], $0x2000  }
0x37c: {  	s14 =	sld [smem:$0x7F7]  }
0x37d: {  	[sflag:s28] =	ssyncset.done $0x0  }
0x37e: {  	[sflag:s28] =	ssyncadd.s32 $0xFFFFE000  }
0x37f: {  	[tilespmem:s22], [sflag:$0x1] =	stream.indirect.gather [hbm4b:s4+s21], $0x80, s14, s21, $0xb8;
	v63 =	vld [tilespmem:$0x0]  }
0x380: {  	_ =	swait.ge [sflag:s29], $0x2000  }
0x381: {  	s1 =	sld [smem:$0x7F8]  }
0x382: {  	[sflag:s29] =	ssyncset.done $0x0  }
0x383: {  	[sflag:s29] =	ssyncadd.s32 $0xFFFFE000  }
0x384: {  	[spmem:s2] =	stream.indirect.scatter.add.f32 [tilespmem:s25], [sflag:$0x6], $0x80, s1, s21, $0xb8;
	v63 =	vld [tilespmem:$0x0]  }
0x385: {  	_ =	swait.ge [sflag:s30], $0x2000  }
0x386: {  	s14 =	sld [smem:$0x7F9]  }
0x387: {  	[sflag:s30] =	ssyncset.done $0x0  }
0x388: {  	[sflag:s30] =	ssyncadd.s32 $0xFFFFE000  }
0x389: {  	[tilespmem:s23], [sflag:$0x2] =	stream.indirect.gather [hbm4b:s4+s21], $0x80, s14, s21, $0xb8;
	v63 =	vld [tilespmem:$0x0]  }
0x38a: {  	_ =	swait.ge [sflag:s24], $0x2000  }
0x38b: {  	s1 =	sld [smem:$0x7FA]  }
0x38c: {  	[sflag:s24] =	ssyncset.done $0x0  }
0x38d: {  	[sflag:s24] =	ssyncadd.s32 $0xFFFFE000  }
0x38e: {  	[spmem:s2] =	stream.indirect.scatter.add.f32 [tilespmem:s22], [sflag:$0x4], $0x80, s1, s21, $0xb8;
	v63 =	vld [tilespmem:$0x0]  }
0x38f: {  	_ =	swait.ge [sflag:s31], $0x2000  }
0x390: {  	s14 =	sld [smem:$0x7FB]  }
0x391: {  	[sflag:s31] =	ssyncset.done $0x0  }
0x392: {  	[sflag:s31] =	ssyncadd.s32 $0xFFFFE000  }
0x393: {  	[tilespmem:s25], [sflag:$0x3] =	stream.indirect.gather [hbm4b:s4+s21], $0x80, s14, s21, $0xb8;
	v63 =	vld [tilespmem:$0x0]  }
0x394: {  	_ =	swait.ge [sflag:s26], $0x2000  }
0x395: {  	s1 =	sld [smem:$0x7FC]  }
0x396: {  	[sflag:s26] =	ssyncset.done $0x0  }
0x397: {  	[sflag:s26] =	ssyncadd.s32 $0xFFFFE000  }
0x398: {  	[spmem:s2] =	stream.indirect.scatter.add.f32 [tilespmem:s23], [sflag:$0x5], $0x80, s1, s21, $0xb8;
	v63 =	vld [tilespmem:$0x0]  }
0x399: {  	_ =	swait.ge [sflag:s28], $0x2000  }
0x39a: {  	[sflag:s28] =	ssyncset.done $0x0  }
0x39b: {  	[sflag:s28] =	ssyncadd.s32 $0xFFFFE000  }
0x39c: {  	[tilespmem:s22], [sflag:$0x1] =	stream.indirect.gather [hbm4b:s4+s21], $0x80, s15, s21, $0xb8;
	v63 =	vld [tilespmem:$0x0]  }
0x39d: {  	_ =	swait.ge [sflag:s29], $0x2000  }
0x39e: {  	[sflag:s29] =	ssyncset.done $0x0  }
0x39f: {  	[sflag:s29] =	ssyncadd.s32 $0xFFFFE000  }
0x3a0: {  	[spmem:s2] =	stream.indirect.scatter.add.f32 [tilespmem:s25], [sflag:$0x6], $0x80, s16, s21, $0xb8;
	v63 =	vld [tilespmem:$0x0]  }
0x3a1: {  	_ =	swait.ge [sflag:s30], $0x2000  }
0x3a2: {  	[sflag:s30] =	ssyncset.done $0x0  }
0x3a3: {  	[sflag:s30] =	ssyncadd.s32 $0xFFFFE000  }
0x3a4: {  	[tilespmem:s23], [sflag:$0x2] =	stream.indirect.gather [hbm4b:s4+s21], $0x80, s17, s21, $0xb8;
	v63 =	vld [tilespmem:$0x0]  }
0x3a5: {  	_ =	swait.ge [sflag:s24], $0x2000  }
0x3a6: {  	[sflag:s24] =	ssyncset.done $0x0  }
0x3a7: {  	[sflag:s24] =	ssyncadd.s32 $0xFFFFE000  }
0x3a8: {  	[spmem:s2] =	stream.indirect.scatter.add.f32 [tilespmem:s22], [sflag:$0x4], $0x80, s18, s21, $0xb8;
	v63 =	vld [tilespmem:$0x0]  }
0x3a9: {  	_ =	swait.ge [sflag:s31], $0x2000  }
0x3aa: {  	[sflag:s31] =	ssyncset.done $0x0  }
0x3ab: {  	[sflag:s31] =	ssyncadd.s32 $0xFFFFE000  }
0x3ac: {  	[tilespmem:s25], [sflag:$0x3] =	stream.indirect.gather [hbm4b:s4+s21], $0x80, s5, s21, $0xb8;
	v63 =	vld [tilespmem:$0x0]  }
0x3ad: {  	_ =	swait.ge [sflag:s26], $0x2000  }
0x3ae: {  	[sflag:s26] =	ssyncset.done $0x0  }
0x3af: {  	[sflag:s26] =	ssyncadd.s32 $0xFFFFE000  }
0x3b0: {  	[spmem:s2] =	stream.indirect.scatter.add.f32 [tilespmem:s23], [sflag:$0x5], $0x80, s8, s21, $0xb8;
	v63 =	vld [tilespmem:$0x0]  }
0x3b1: {  	_ =	swait.ge [sflag:s28], $0x2000  }
0x3b2: {  	[sflag:s28] =	ssyncset.done $0x0  }
0x3b3: {  	[sflag:s28] =	ssyncadd.s32 $0xFFFFE000  }
0x3b4: {  	[tilespmem:s22], [sflag:$0x1] =	stream.indirect.gather [hbm4b:s4+s21], $0x80, s9, s21, $0xb8;
	v63 =	vld [tilespmem:$0x0]  }
0x3b5: {  	_ =	swait.ge [sflag:s29], $0x2000  }
0x3b6: {  	[sflag:s29] =	ssyncset.done $0x0  }
0x3b7: {  	[sflag:s29] =	ssyncadd.s32 $0xFFFFE000  }
0x3b8: {  	[spmem:s2] =	stream.indirect.scatter.add.f32 [tilespmem:s25], [sflag:$0x6], $0x80, s6, s21, $0xb8;
	v63 =	vld [tilespmem:$0x0]  }
0x3b9: {  	_ =	swait.ge [sflag:s30], $0x2000  }
0x3ba: {  	[sflag:s30] =	ssyncset.done $0x0  }
0x3bb: {  	[sflag:s30] =	ssyncadd.s32 $0xFFFFE000  }
0x3bc: {  	[tilespmem:s23], [sflag:$0x2] =	stream.indirect.gather [hbm4b:s4+s21], $0x80, s10, s21, $0xb8;
	v63 =	vld [tilespmem:$0x0]  }
0x3bd: {  	_ =	swait.ge [sflag:s24], $0x2000  }
0x3be: {  	[sflag:s24] =	ssyncset.done $0x0  }
0x3bf: {  	s14 =	simm.s32 $0x15F00;
	[sflag:s24] =	ssyncadd.s32 $0xFFFFE000  }
0x3c0: {  	[spmem:s2] =	stream.indirect.scatter.add.f32 [tilespmem:s22], [sflag:$0x4], $0x80, s14, s21, $0xb8;
	v63 =	vld [tilespmem:$0x0]  }
0x3c1: {  	_ =	swait.ge [sflag:s26], $0x2000  }
0x3c2: {  	[sflag:s26] =	ssyncset.done $0x0  }
0x3c3: {  	s15 =	simm.s32 $0x15F80;
	[sflag:s26] =	ssyncadd.s32 $0xFFFFE000  }
0x3c4: {  	[spmem:s2] =	stream.indirect.scatter.add.f32 [tilespmem:s23], [sflag:$0x5], $0x80, s15, s21, $0xb8;
	v63 =	vld [tilespmem:$0x0]  }
0x3c5: {  	_ =	swait.ge [sflag:s28], $0x2000  }
0x3c6: {  	[sflag:s28] =	ssyncset.done $0x0  }
0x3c7: {  	[sflag:s28] =	ssyncadd.s32 $0xFFFFE000  }
0x3c8: {  	_ =	swait.ge [sflag:s30], $0x2000  }
0x3c9: {  	[sflag:s30] =	ssyncset.done $0x0  }
0x3ca: {  	[sflag:s30] =	ssyncadd.s32 $0xFFFFE000  }
0x3cb: {  	_ =	swait.ge [sflag:s31], $0x2000  }
0x3cc: {  	s15 =	sld [smem:$0x7FD]  }
0x3cd: {  	s1 =	simm.s32 $0x1C800;
	[sflag:s31] =	ssyncset.done $0x0  }
0x3ce: {  	s5 =	simm.s32 $0x1F000;
	s14 =	simm.s32 $0x0;
	[sflag:s31] =	ssyncadd.s32 $0xFFFFE000  }
.LBB2_6:
0x3cf: {  	s0 =	sadd.s32 s3, s15  }
0x3d0: {  	[tilespmem:s5], [sflag:$0x7] =	stream.linear.gather [hbm4b:s0+s14], $0x1000, $0x38;
	v63 =	vld [tilespmem:$0x0]  }
0x3d1: {  	_ =	swait.ge [sflag:s13], $0x1000  }
0x3d2: {  	[sflag:s13] =	ssyncset.done $0x0  }
0x3d3: {  	[sflag:s13] =	ssyncadd.s32 $0xFFFFF000  }
0x3d4: {  	v1 =	vld [tilespmem:$0x1F000];
	_ =	sdelay $0x7  }
0x3d5: {  	[tilespmem:v1+s1+$0x0] =	vst.idx.add.f32.msk $0xffff, v0  }
0x3d6: {  	v1 =	vld [tilespmem:$0x1F080];
	_ =	sdelay $0x7  }
0x3d7: {  	[tilespmem:v1+s1+$0x0] =	vst.idx.add.f32.msk $0xffff, v0  }
0x3d8: {  	v1 =	vld [tilespmem:$0x1F100];
	_ =	sdelay $0x7  }
0x3d9: {  	[tilespmem:v1+s1+$0x0] =	vst.idx.add.f32.msk $0xffff, v0  }
0x3da: {  	v1 =	vld [tilespmem:$0x1F180];
	_ =	sdelay $0x7  }
0x3db: {  	[tilespmem:v1+s1+$0x0] =	vst.idx.add.f32.msk $0xffff, v0  }
0x3dc: {  	v1 =	vld [tilespmem:$0x1F200];
	_ =	sdelay $0x7  }
0x3dd: {  	[tilespmem:v1+s1+$0x0] =	vst.idx.add.f32.msk $0xffff, v0  }
0x3de: {  	v1 =	vld [tilespmem:$0x1F280];
	_ =	sdelay $0x7  }
0x3df: {  	[tilespmem:v1+s1+$0x0] =	vst.idx.add.f32.msk $0xffff, v0  }
0x3e0: {  	v1 =	vld [tilespmem:$0x1F300];
	_ =	sdelay $0x7  }
0x3e1: {  	[tilespmem:v1+s1+$0x0] =	vst.idx.add.f32.msk $0xffff, v0  }
0x3e2: {  	v1 =	vld [tilespmem:$0x1F380];
	_ =	sdelay $0x7  }
0x3e3: {  	[tilespmem:v1+s1+$0x0] =	vst.idx.add.f32.msk $0xffff, v0  }
0x3e4: {  	v1 =	vld [tilespmem:$0x1F400];
	_ =	sdelay $0x7  }
0x3e5: {  	[tilespmem:v1+s1+$0x0] =	vst.idx.add.f32.msk $0xffff, v0  }
0x3e6: {  	v1 =	vld [tilespmem:$0x1F480];
	_ =	sdelay $0x7  }
0x3e7: {  	[tilespmem:v1+s1+$0x0] =	vst.idx.add.f32.msk $0xffff, v0  }
0x3e8: {  	v1 =	vld [tilespmem:$0x1F500];
	_ =	sdelay $0x7  }
0x3e9: {  	[tilespmem:v1+s1+$0x0] =	vst.idx.add.f32.msk $0xffff, v0  }
0x3ea: {  	v1 =	vld [tilespmem:$0x1F580];
	_ =	sdelay $0x7  }
0x3eb: {  	[tilespmem:v1+s1+$0x0] =	vst.idx.add.f32.msk $0xffff, v0  }
0x3ec: {  	v1 =	vld [tilespmem:$0x1F600];
	_ =	sdelay $0x7  }
0x3ed: {  	[tilespmem:v1+s1+$0x0] =	vst.idx.add.f32.msk $0xffff, v0  }
0x3ee: {  	v1 =	vld [tilespmem:$0x1F680];
	_ =	sdelay $0x7  }
0x3ef: {  	[tilespmem:v1+s1+$0x0] =	vst.idx.add.f32.msk $0xffff, v0  }
0x3f0: {  	v1 =	vld [tilespmem:$0x1F700];
	_ =	sdelay $0x7  }
0x3f1: {  	[tilespmem:v1+s1+$0x0] =	vst.idx.add.f32.msk $0xffff, v0  }
0x3f2: {  	v1 =	vld [tilespmem:$0x1F780];
	_ =	sdelay $0x7  }
0x3f3: {  	[tilespmem:v1+s1+$0x0] =	vst.idx.add.f32.msk $0xffff, v0  }
0x3f4: {  	v1 =	vld [tilespmem:$0x1F800];
	_ =	sdelay $0x7  }
0x3f5: {  	[tilespmem:v1+s1+$0x0] =	vst.idx.add.f32.msk $0xffff, v0  }
0x3f6: {  	v1 =	vld [tilespmem:$0x1F880];
	_ =	sdelay $0x7  }
0x3f7: {  	[tilespmem:v1+s1+$0x0] =	vst.idx.add.f32.msk $0xffff, v0  }
0x3f8: {  	v1 =	vld [tilespmem:$0x1F900];
	_ =	sdelay $0x7  }
0x3f9: {  	[tilespmem:v1+s1+$0x0] =	vst.idx.add.f32.msk $0xffff, v0  }
0x3fa: {  	v1 =	vld [tilespmem:$0x1F980];
	_ =	sdelay $0x7  }
0x3fb: {  	[tilespmem:v1+s1+$0x0] =	vst.idx.add.f32.msk $0xffff, v0  }
0x3fc: {  	v1 =	vld [tilespmem:$0x1FA00];
	_ =	sdelay $0x7  }
0x3fd: {  	[tilespmem:v1+s1+$0x0] =	vst.idx.add.f32.msk $0xffff, v0  }
0x3fe: {  	v1 =	vld [tilespmem:$0x1FA80];
	_ =	sdelay $0x7  }
0x3ff: {  	[tilespmem:v1+s1+$0x0] =	vst.idx.add.f32.msk $0xffff, v0  }
0x400: {  	v1 =	vld [tilespmem:$0x1FB00];
	_ =	sdelay $0x7  }
0x401: {  	[tilespmem:v1+s1+$0x0] =	vst.idx.add.f32.msk $0xffff, v0  }
0x402: {  	v1 =	vld [tilespmem:$0x1FB80];
	_ =	sdelay $0x7  }
0x403: {  	[tilespmem:v1+s1+$0x0] =	vst.idx.add.f32.msk $0xffff, v0  }
0x404: {  	v1 =	vld [tilespmem:$0x1FC00];
	_ =	sdelay $0x7  }
0x405: {  	[tilespmem:v1+s1+$0x0] =	vst.idx.add.f32.msk $0xffff, v0  }
0x406: {  	v1 =	vld [tilespmem:$0x1FC80];
	_ =	sdelay $0x7  }
0x407: {  	[tilespmem:v1+s1+$0x0] =	vst.idx.add.f32.msk $0xffff, v0  }
0x408: {  	v1 =	vld [tilespmem:$0x1FD00];
	_ =	sdelay $0x7  }
0x409: {  	[tilespmem:v1+s1+$0x0] =	vst.idx.add.f32.msk $0xffff, v0  }
0x40a: {  	v1 =	vld [tilespmem:$0x1FD80];
	_ =	sdelay $0x7  }
0x40b: {  	[tilespmem:v1+s1+$0x0] =	vst.idx.add.f32.msk $0xffff, v0  }
0x40c: {  	v1 =	vld [tilespmem:$0x1FE00];
	_ =	sdelay $0x7  }
0x40d: {  	[tilespmem:v1+s1+$0x0] =	vst.idx.add.f32.msk $0xffff, v0  }
0x40e: {  	v1 =	vld [tilespmem:$0x1FE80];
	_ =	sdelay $0x7  }
0x40f: {  	[tilespmem:v1+s1+$0x0] =	vst.idx.add.f32.msk $0xffff, v0  }
0x410: {  	v1 =	vld [tilespmem:$0x1FF00];
	_ =	sdelay $0x7  }
0x411: {  	[tilespmem:v1+s1+$0x0] =	vst.idx.add.f32.msk $0xffff, v0  }
0x412: {  	v1 =	vld [tilespmem:$0x1FF80];
	_ =	sdelay $0x2  }
0x413: {  	p0 =	sne.s32 s3, $0x2600  }
.Ltmp2:
0x414: {  	_ = 	snop;
	(pc) =	sbr.rel @p0 .LBB2_6-.Ltmp2, $2  }
0x415: {  	_ =	sdelay $0x2  }
0x416: {  	s3 =	sadd.s32 $0x200, s3;
	[tilespmem:v1+s1+$0x0] =	vst.idx.add.f32.msk $0xffff, v0  }
0x417: {  	[bflag:$0x0] =	sbarrier.arrive $0xFFFF  }
0x418: {  	[tilespmem:s12], [sflag:$0x7] =	stream.linear.gather [spmem:s7], $0x800, $0x38;
	v63 =	vld [tilespmem:$0x0]  }
0x419: {  	_ =	swait.ge [sflag:s13], $0x800  }
0x41a: {  	[sflag:s13] =	ssyncset.done $0x0  }
0x41b: {  	s0 =	sadd.s32 $0x0, s11;
	[sflag:s13] =	ssyncadd.s32 $0xFFFFF800  }
0x41c: {  	[hbm4b:s0+s14] =	stream.linear.scatter [tilespmem:s12], [sflag:$0x7], $0x800, $0x38;
	v63 =	vld [tilespmem:$0x0]  }
0x41d: {  	_ =	swait.ge [sflag:s13], $0x800  }
0x41e: {  	s1 =	simm.s32 $0x100;
	s3 =	smov.u32 s7;
	[sflag:s13] =	ssyncset.done $0x0  }
.LBB2_8:
0x41f: {  	p0 =	sne.s32 s1, $0x2700;
	[sflag:s13] =	ssyncadd.s32 $0xFFFFF800;
	s3 =	sadd.s32 $0x800, s3  }
0x420: {  	[tilespmem:s12], [sflag:$0x7] =	stream.linear.gather [spmem:s3], $0x800, $0x38;
	v63 =	vld [tilespmem:$0x0]  }
0x421: {  	s0 =	smov.u32 s1;
	s1 =	sadd.s32 $0x100, s1;
	_ =	swait.ge [sflag:s13], $0x800  }
.Ltmp3:
0x422: {  	[sflag:s13] =	ssyncset.done $0x0;
	(pc) =	sbr.rel @p0 .LBB2_8-.Ltmp3, $4  }
0x423: {  	s0 =	sadd.s32 s0, s11;
	[sflag:s13] =	ssyncadd.s32 $0xFFFFF800  }
0x424: {  	[hbm4b:s0+s14] =	stream.linear.scatter [tilespmem:s12], [sflag:$0x7], $0x800, $0x38;
	v63 =	vld [tilespmem:$0x0]  }
0x425: {  	_ =	swait.ge [sflag:s13], $0x800  }
0x426: {  	[sflag:s13] =	ssyncset.done $0x0  }
0x427: {  	s0 =	sld [smem:$0x7EB]  }
0x428: {  	[sflag:s13] =	ssyncadd.s32 $0xFFFFF800  }
0x429: {  	s1 =	simm.s32 $0x1C800;
	s3 =	simm.s32 $0x80;
	s5 =	simm.s32 $0x400  }
0x42a: {  	[hbm4b:s0+s3] =	stream.strided.scatter [tilespmem:s1], [sflag:$0x7], $0x2800, s5, s3, $0x38;
	v63 =	vld [tilespmem:$0x0]  }
0x42b: {  	_ =	swait.ge [sflag:s13], $0x2800  }
0x42c: {  	s5 =	sld [smem:$0x7E0]  }
0x42d: {  	s15 =	sld [smem:$0x7ED];
	_ =	sdelay $0x1  }
0x42e: {  	s1 =	sadd.s32 $0x1, s5  }
0x42f: {  	p0 =	sne.s32 s1, s15  }
.Ltmp4:
0x430: {  	_ = 	snop;
	(pc) =	sbr.rel @p0 .LBB2_1-.Ltmp4, $3  }
0x431: {  	_ =	sdelay $0x1  }
0x432: {  	[sflag:s13] =	ssyncset.done $0x0  }
0x433: {  	[sflag:s13] =	ssyncadd.s32 $0xFFFFD800  }
0x434: {  	_ =	sfence.sel $0x180000  }
0x435: {  	[bflag:$0x0] =	sbarrier.arrive $0xFFFF  }
0x436: {  	_ =	strace $0x90000047  }
0x437: {  	s0 =	stileid.u32;
	[bflag:$0x2] =	sbarrier.arrive $0xFFFF  }
0x438: {  	p0 =	sne.s32 s0, $0x0;
	s0 =	rddreg [dreg:$0x2]  }
0x439: {  	s0 =	sadd.s32 @!p0 $0x100000, s0  }
0x43a: {  	[sflag:s0] =	ssyncadd.tile.s32 @!p0 $0x1;
	_ =	shalt  }
.Lfunc_end2:
_tile_overlayer_lowered:
.L_overlay_start_2:
0x43b: {  	(tag) =	ssettag $0x2  }
0x43c: {  	s0 =	rddreg [dreg:$0x0];
	s2 =	stileid.u32  }
0x43d: {  	s1 =	rddreg [dreg:$0x1];
	p0 =	sne.s32 s2, $0x0  }
0x43e: {  	s3 =	rddreg [dreg:$0x2];
	[bflag:$0x3] =	sbarrier.arrive $0xFFFF;
	s2 =	simm.s32 @!p0 $0x1C07  }
0x43f: {  	[timem:s3], [sflag:s2] =	dma.local @!p0 [hbm:s0], s1  }
0x440: {  	s0 =	simm.s32 @!p0 $0x7  }
0x441: {  	_ =	swait.ge @!p0 [sflag:s0], s1  }
0x442: {  	s1 =	ssub.s32 @!p0 $0x0, s1;
	[sflag:s0] =	ssyncset.done @!p0 $0x0  }
0x443: {  	[sflag:s0] =	ssyncadd.s32 @!p0 s1  }
0x444: {  	[bflag:$0x3] =	sbarrier.arrive $0xFFFF  }
0x445: {  	_ =	shalt  }

</sc_bundles>
